<compile_context>
chip_gen: v7x
topology: tpu7x:2x2x1
jax: 0.10.2.dev20260603
libtpu: 0.0.44.dev20260713+nightly
codegen_flags: <defaults>
</compile_context>

<pallas_src>
import functools

import jax
import jax.numpy as jnp
from jax import lax
from jax.experimental import pallas as pl
from jax.experimental.pallas import tpu as pltpu
from jax.experimental.pallas import tpu_sc as plsc

_D = 64
_P = 50
_H = 2
_BATCH = 4096
_NC = 2
_NS = 16
_NW = _NC * _NS
_NB = _BATCH // _NW
_PJ = _P * _H

_NE = 1000000
_NEB = _NE // 128
_NTAIL = _NE - _NEB * 128
_ATRIPS = (_NEB + _NW - 1) // _NW


def _transpose_body(tabt_hbm, tail_hbm, pad_hbm, in_v, out_v, tail_v, gsem, wsem):
    wid = lax.axis_index("s") * _NC + lax.axis_index("c")
    iota = lax.iota(jnp.int32, 16)
    perms = [(iota + k) & 15 for k in range(16)]

    def blk(c):
        return c * _NW + wid

    def e0_of(c):
        return pl.multiple_of(blk(c) * 128, 128)

    def start_gather(c, s):
        return pltpu.async_copy(
            tabt_hbm.at[:, pl.ds(e0_of(c), 128)], in_v.at[s], gsem.at[s]
        )

    def start_write(c, s):
        return pltpu.async_copy(
            out_v.at[s], pad_hbm.at[pl.ds(e0_of(c), 128)], wsem.at[s]
        )

    start_gather(0, 0)

    def step(c, carry):
        s = c & 1
        valid = blk(c) < _NEB

        @pl.when(jnp.logical_and(c >= 2, blk(c - 2) < _NEB))
        def _():
            pltpu.make_async_copy(
                out_v.at[s], pad_hbm.at[pl.ds(0, 128)], wsem.at[s]
            ).wait()

        @pl.when(jnp.logical_and(c + 1 < _ATRIPS, blk(c + 1) < _NEB))
        def _():
            start_gather(c + 1, 1 - s)

        @pl.when(valid)
        def _():
            pltpu.make_async_copy(
                tabt_hbm.at[:, pl.ds(0, 128)], in_v.at[s], gsem.at[s]
            ).wait()

            @plsc.parallel_loop(0, 8, unroll=2)
            def _eblock(t):
                ev = iota + t * 16
                for k in range(16):
                    pk = perms[k]
                    for dd in range(4):
                        dv = pk + (dd * 16)
                        vals = plsc.load_gather(in_v.at[s], [dv, ev])
                        plsc.store_scatter(out_v.at[s], [ev, dv], vals)

            start_write(c, s)

        return carry

    lax.fori_loop(0, _ATRIPS, step, 0)

    for cl in (_ATRIPS - 2, _ATRIPS - 1):
        @pl.when(blk(cl) < _NEB)
        def _():
            pltpu.make_async_copy(
                out_v.at[cl & 1], pad_hbm.at[pl.ds(0, 128)], wsem.at[cl & 1]
            ).wait()

    @pl.when(wid == 0)
    def _():
        pltpu.sync_copy(tail_hbm, tail_v)

        @plsc.parallel_loop(0, _NTAIL // 16)
        def _tailblock(t):
            ev = iota + t * 16
            for k in range(16):
                pk = perms[k]
                for dd in range(4):
                    dv = pk + (dd * 16)
                    vals = plsc.load_gather(tail_v, [dv, ev])
                    plsc.store_scatter(out_v.at[0], [ev, dv], vals)

        pltpu.sync_copy(
            out_v.at[0].at[pl.ds(0, _NTAIL)],
            pad_hbm.at[pl.ds(_NEB * 128, _NTAIL)],
        )


@jax.jit
def _table_transpose(tabt, tail):
    mesh = plsc.VectorSubcoreMesh(core_axis_name="c", subcore_axis_name="s")
    run = pl.kernel(
        _transpose_body,
        out_type=jax.ShapeDtypeStruct((_NE, 128), jnp.float32),
        mesh=mesh,
        scratch_types=[
            pltpu.VMEM((2, _D, 128), jnp.float32),
            pltpu.VMEM((2, 128, 128), jnp.float32),
            pltpu.VMEM((_D, _NTAIL), jnp.float32),
            pltpu.SemaphoreType.DMA((2,)),
            pltpu.SemaphoreType.DMA((2,)),
        ],
        compiler_params=pltpu.CompilerParams(
            use_tc_tiling_on_sc=True,
            needs_layout_passes=False,
            disable_bounds_checks=True,
        ),
    )
    return run(tabt, tail)


def _gather_body(idx_hbm, table_hbm, out_hbm, idx_v, rows_v, outb_v, gsem, wsem):
    wid = lax.axis_index("s") * _NC + lax.axis_index("c")
    pltpu.sync_copy(idx_hbm.at[:, wid], idx_v)

    iota = lax.iota(jnp.int32, 16)
    perms = [(iota + k) & 15 for k in range(16)]

    def start_gather(c, s):
        p = c // _H
        j = c - p * _H
        return pltpu.async_copy(
            table_hbm.at[idx_v.at[p, j]], rows_v.at[s], gsem.at[s]
        )

    def start_write(c, s):
        p = c // _H
        j = c - p * _H
        return pltpu.async_copy(
            outb_v.at[s], out_hbm.at[p, j, :, wid], wsem.at[s]
        )

    start_gather(0, 0)

    def chunk(c, carry):
        s = c & 1

        @pl.when(c >= 2)
        def _():
            pltpu.make_async_copy(
                outb_v.at[s], out_hbm.at[0, 0, :, wid], wsem.at[s]
            ).wait()

        @pl.when(c + 1 < _PJ)
        def _():
            start_gather(c + 1, 1 - s)

        pltpu.make_async_copy(
            table_hbm.at[idx_v.at[0, 0]], rows_v.at[s], gsem.at[s]
        ).wait()

        @plsc.parallel_loop(0, _D // 16, unroll=2)
        def _dblock(t):
            d0 = t * 16
            dt0 = t * 2
            for k in range(16):
                pk = perms[k]
                dv = pk + d0
                dtv = (pk >> 3) + dt0
                dlv = pk & 7
                for bb in range(_NB // 16):
                    bv = iota + (bb * 16)
                    vals = plsc.load_gather(rows_v.at[s], [bv, dv])
                    plsc.store_scatter(outb_v.at[s], [dtv, dlv, bv], vals)

        start_write(c, s)
        return carry

    lax.fori_loop(0, _PJ, chunk, 0)

    for s in (0, 1):
        pltpu.make_async_copy(
            outb_v.at[s], out_hbm.at[0, 0, :, wid], wsem.at[s]
        ).wait()


@jax.jit
def _embed_lookup(idx_r, table):
    mesh = plsc.VectorSubcoreMesh(core_axis_name="c", subcore_axis_name="s")
    run = pl.kernel(
        _gather_body,
        out_type=jax.ShapeDtypeStruct(
            (_P, _H, _D // 8, _NW, 8, _NB), jnp.float32
        ),
        mesh=mesh,
        scratch_types=[
            pltpu.VMEM((_P, _H, _NB), jnp.int32),
            pltpu.VMEM((2, _NB, 2 * _D), jnp.float32),
            pltpu.VMEM((2, _D // 8, 8, _NB), jnp.float32),
            pltpu.SemaphoreType.DMA((2,)),
            pltpu.SemaphoreType.DMA((2,)),
        ],
        compiler_params=pltpu.CompilerParams(
            use_tc_tiling_on_sc=False,
            needs_layout_passes=False,
            disable_bounds_checks=True,
        ),
    )
    return run(idx_r, table)


def kernel(idx, embedding_weight):
    tabt = jnp.transpose(embedding_weight)
    tab_p = _table_transpose(tabt, lax.slice(tabt, (0, _NEB * 128), (_D, _NE)))
    idx_r = (
        jnp.transpose(idx, (1, 2, 0))
        .reshape(_P, _H, _NW, _NB)
        .transpose(0, 2, 1, 3)
    )
    out_r = _embed_lookup(idx_r, tab_p)
    out = jnp.transpose(out_r, (3, 5, 0, 1, 2, 4)).reshape(
        _BATCH, _P, _H, _D
    )
    return out

# --- scband reference (transcript-rebuilt; emitter-appended) ---
"""Pipeline reference for scband-embedding-17282948399308 (READ-ONLY COPY).

The authoritative reference and input builder live on the scoring server;
editing this copy changes nothing except your own understanding.
"""

import jax, jax.numpy as jnp
import numpy as np

NUM_ENT = 1000000
EMBED_DIM = 64
BATCH = 4096
PAIRS = 50


def setup_inputs(seed: int = 0) -> dict:
    key = jax.random.key(seed)
    k_idx, k_emb = jax.random.split(key)
    # idx corresponds to the LongTensor built from ent2id-mapped triples:
    # shape [batch, few, 2] holding (head_id, tail_id) pairs.
    idx = jax.random.randint(k_idx, (BATCH, PAIRS, 2), 0, NUM_ENT, dtype=jnp.int32)
    # Embedding table, xavier_uniform init (data_form in ['In-Train', 'Discard']).
    bound = float(np.sqrt(6.0 / (NUM_ENT + EMBED_DIM)))
    embedding_weight = jax.random.uniform(
        k_emb, (NUM_ENT, EMBED_DIM), dtype=jnp.float32, minval=-bound, maxval=bound
    )
    return {"idx": idx, "embedding_weight": embedding_weight}


def reference(idx, embedding_weight):
    # self.embedding(idx): gather rows of the embedding table.
    # Output shape: [batch, few, 2, embed_dim].
    return jnp.take(embedding_weight, idx, axis=0)

if __name__ == "__main__":
    import jax
    _d = setup_inputs()
    print(jax.jit(kernel)(*tuple(_d.values())))

</pallas_src>

<mosaic_0001>
#map = affine_map<(d0, d1) -> (0, 0)>
module attributes {stable_mosaic.version = 14 : i64} {
  func.func @_transpose_body(%arg0: i32, %arg1: i32, %arg2: memref<64x1000000xf32, #tpu.memory_space<hbm>>, %arg3: memref<64x64xf32, #tpu.memory_space<hbm>>, %arg4: memref<1000000x128xf32, #tpu.memory_space<hbm>>, %arg5: memref<2x64x128xf32, #tpu.memory_space<vmem>>, %arg6: memref<2x128x128xf32, #tpu.memory_space<vmem>>, %arg7: memref<64x64xf32, #tpu.memory_space<vmem>>, %arg8: memref<2x!tpu.dma_semaphore, #tpu.memory_space<semaphore_mem>>, %arg9: memref<2x!tpu.dma_semaphore, #tpu.memory_space<semaphore_mem>>) attributes {dimension_semantics = [#tpu.dimension_semantics<core_parallel>, #tpu.dimension_semantics<subcore_parallel>], iteration_bounds = array<i64: 2, 16>, scalar_prefetch = 0 : i64, scratch_operands = 5 : i64, tpu.core_type = #tpu.core_type<sc_vector_subcore>, window_params = [{transform_indices = #map}, {transform_indices = #map}, {transform_indices = #map}]} {
    %mul3A = arith.constant 2 : i32
    %mul3A_0 = arith.muli %arg1, %mul3A : i32
    %add3A = arith.addi %mul3A_0, %arg0 : i32
    %iota3A = tpu.iota {dimensions = array<i32: 0>} : vector<16xi32>
    %add3A_1 = arith.constant 0 : i32
    %add3A_2 = vector.broadcast %add3A_1 : i32 to vector<16xi32>
    %add3A_3 = arith.addi %iota3A, %add3A_2 : vector<16xi32>
    %and3A = arith.constant 15 : i32
    %and3A_4 = vector.broadcast %and3A : i32 to vector<16xi32>
    %and3A_5 = arith.andi %add3A_3, %and3A_4 : vector<16xi32>
    %add3A_6 = arith.constant 1 : i32
    %add3A_7 = vector.broadcast %add3A_6 : i32 to vector<16xi32>
    %add3A_8 = arith.addi %iota3A, %add3A_7 : vector<16xi32>
    %and3A_9 = arith.constant 15 : i32
    %and3A_10 = vector.broadcast %and3A_9 : i32 to vector<16xi32>
    %and3A_11 = arith.andi %add3A_8, %and3A_10 : vector<16xi32>
    %add3A_12 = arith.constant 2 : i32
    %add3A_13 = vector.broadcast %add3A_12 : i32 to vector<16xi32>
    %add3A_14 = arith.addi %iota3A, %add3A_13 : vector<16xi32>
    %and3A_15 = arith.constant 15 : i32
    %and3A_16 = vector.broadcast %and3A_15 : i32 to vector<16xi32>
    %and3A_17 = arith.andi %add3A_14, %and3A_16 : vector<16xi32>
    %add3A_18 = arith.constant 3 : i32
    %add3A_19 = vector.broadcast %add3A_18 : i32 to vector<16xi32>
    %add3A_20 = arith.addi %iota3A, %add3A_19 : vector<16xi32>
    %and3A_21 = arith.constant 15 : i32
    %and3A_22 = vector.broadcast %and3A_21 : i32 to vector<16xi32>
    %and3A_23 = arith.andi %add3A_20, %and3A_22 : vector<16xi32>
    %add3A_24 = arith.constant 4 : i32
    %add3A_25 = vector.broadcast %add3A_24 : i32 to vector<16xi32>
    %add3A_26 = arith.addi %iota3A, %add3A_25 : vector<16xi32>
    %and3A_27 = arith.constant 15 : i32
    %and3A_28 = vector.broadcast %and3A_27 : i32 to vector<16xi32>
    %and3A_29 = arith.andi %add3A_26, %and3A_28 : vector<16xi32>
    %add3A_30 = arith.constant 5 : i32
    %add3A_31 = vector.broadcast %add3A_30 : i32 to vector<16xi32>
    %add3A_32 = arith.addi %iota3A, %add3A_31 : vector<16xi32>
    %and3A_33 = arith.constant 15 : i32
    %and3A_34 = vector.broadcast %and3A_33 : i32 to vector<16xi32>
    %and3A_35 = arith.andi %add3A_32, %and3A_34 : vector<16xi32>
    %add3A_36 = arith.constant 6 : i32
    %add3A_37 = vector.broadcast %add3A_36 : i32 to vector<16xi32>
    %add3A_38 = arith.addi %iota3A, %add3A_37 : vector<16xi32>
    %and3A_39 = arith.constant 15 : i32
    %and3A_40 = vector.broadcast %and3A_39 : i32 to vector<16xi32>
    %and3A_41 = arith.andi %add3A_38, %and3A_40 : vector<16xi32>
    %add3A_42 = arith.constant 7 : i32
    %add3A_43 = vector.broadcast %add3A_42 : i32 to vector<16xi32>
    %add3A_44 = arith.addi %iota3A, %add3A_43 : vector<16xi32>
    %and3A_45 = arith.constant 15 : i32
    %and3A_46 = vector.broadcast %and3A_45 : i32 to vector<16xi32>
    %and3A_47 = arith.andi %add3A_44, %and3A_46 : vector<16xi32>
    %add3A_48 = arith.constant 8 : i32
    %add3A_49 = vector.broadcast %add3A_48 : i32 to vector<16xi32>
    %add3A_50 = arith.addi %iota3A, %add3A_49 : vector<16xi32>
    %and3A_51 = arith.constant 15 : i32
    %and3A_52 = vector.broadcast %and3A_51 : i32 to vector<16xi32>
    %and3A_53 = arith.andi %add3A_50, %and3A_52 : vector<16xi32>
    %add3A_54 = arith.constant 9 : i32
    %add3A_55 = vector.broadcast %add3A_54 : i32 to vector<16xi32>
    %add3A_56 = arith.addi %iota3A, %add3A_55 : vector<16xi32>
    %and3A_57 = arith.constant 15 : i32
    %and3A_58 = vector.broadcast %and3A_57 : i32 to vector<16xi32>
    %and3A_59 = arith.andi %add3A_56, %and3A_58 : vector<16xi32>
    %add3A_60 = arith.constant 10 : i32
    %add3A_61 = vector.broadcast %add3A_60 : i32 to vector<16xi32>
    %add3A_62 = arith.addi %iota3A, %add3A_61 : vector<16xi32>
    %and3A_63 = arith.constant 15 : i32
    %and3A_64 = vector.broadcast %and3A_63 : i32 to vector<16xi32>
    %and3A_65 = arith.andi %add3A_62, %and3A_64 : vector<16xi32>
    %add3A_66 = arith.constant 11 : i32
    %add3A_67 = vector.broadcast %add3A_66 : i32 to vector<16xi32>
    %add3A_68 = arith.addi %iota3A, %add3A_67 : vector<16xi32>
    %and3A_69 = arith.constant 15 : i32
    %and3A_70 = vector.broadcast %and3A_69 : i32 to vector<16xi32>
    %and3A_71 = arith.andi %add3A_68, %and3A_70 : vector<16xi32>
    %add3A_72 = arith.constant 12 : i32
    %add3A_73 = vector.broadcast %add3A_72 : i32 to vector<16xi32>
    %add3A_74 = arith.addi %iota3A, %add3A_73 : vector<16xi32>
    %and3A_75 = arith.constant 15 : i32
    %and3A_76 = vector.broadcast %and3A_75 : i32 to vector<16xi32>
    %and3A_77 = arith.andi %add3A_74, %and3A_76 : vector<16xi32>
    %add3A_78 = arith.constant 13 : i32
    %add3A_79 = vector.broadcast %add3A_78 : i32 to vector<16xi32>
    %add3A_80 = arith.addi %iota3A, %add3A_79 : vector<16xi32>
    %and3A_81 = arith.constant 15 : i32
    %and3A_82 = vector.broadcast %and3A_81 : i32 to vector<16xi32>
    %and3A_83 = arith.andi %add3A_80, %and3A_82 : vector<16xi32>
    %add3A_84 = arith.constant 14 : i32
    %add3A_85 = vector.broadcast %add3A_84 : i32 to vector<16xi32>
    %add3A_86 = arith.addi %iota3A, %add3A_85 : vector<16xi32>
    %and3A_87 = arith.constant 15 : i32
    %and3A_88 = vector.broadcast %and3A_87 : i32 to vector<16xi32>
    %and3A_89 = arith.andi %add3A_86, %and3A_88 : vector<16xi32>
    %add3A_90 = arith.constant 15 : i32
    %add3A_91 = vector.broadcast %add3A_90 : i32 to vector<16xi32>
    %add3A_92 = arith.addi %iota3A, %add3A_91 : vector<16xi32>
    %and3A_93 = arith.constant 15 : i32
    %and3A_94 = vector.broadcast %and3A_93 : i32 to vector<16xi32>
    %and3A_95 = arith.andi %add3A_92, %and3A_94 : vector<16xi32>
    %add3A_96 = arith.constant 0 : i32
    %add3A_97 = arith.addi %add3A_96, %add3A : i32
    %mul3A_98 = arith.constant 128 : i32
    %mul3A_99 = arith.muli %add3A_97, %mul3A_98 : i32
    %multiple_of3A = tpu.assume_multiple %mul3A_99, 128 : i32
    %dma_start3A = arith.constant 0 : i32
    %dma_start3A_100 = arith.constant 0 : i32
    %dma_start3A_101 = arith.constant 0 : i32
    %dma_start3A_102 = arith.constant 0 : i32
    %dma_start3A_103 = tpu.memref_slice %arg5[%dma_start3A, %dma_start3A_101, %dma_start3A_102] : memref<2x64x128xf32, #tpu.memory_space<vmem>> -> memref<1x64x128xf32, #tpu.memory_space<vmem>>
    %dma_start3A_104 = tpu.memref_squeeze %dma_start3A_103 : memref<1x64x128xf32, #tpu.memory_space<vmem>> -> memref<64x128xf32, #tpu.memory_space<vmem>>
    %dma_start3A_105 = arith.constant 0 : i32
    %dma_start3A_106 = tpu.memref_slice %arg2[%dma_start3A_105, %multiple_of3A] : memref<64x1000000xf32, #tpu.memory_space<hbm>> -> memref<64x128xf32, #tpu.memory_space<hbm>>
    %dma_start3A_107 = tpu.memref_slice %arg8[%dma_start3A_100] : memref<2x!tpu.dma_semaphore, #tpu.memory_space<semaphore_mem>> -> memref<1x!tpu.dma_semaphore, #tpu.memory_space<semaphore_mem>>
    %dma_start3A_108 = tpu.memref_squeeze %dma_start3A_107 : memref<1x!tpu.dma_semaphore, #tpu.memory_space<semaphore_mem>> -> memref<!tpu.dma_semaphore, #tpu.memory_space<semaphore_mem>>
    %dma_start3A_109 = arith.constant 0 : i32
    %dma_start3A_110 = arith.constant 0 : i32
    %dma_start3A_111 = tpu.memref_slice %arg5[%dma_start3A, %dma_start3A_109, %dma_start3A_110] : memref<2x64x128xf32, #tpu.memory_space<vmem>> -> memref<1x64x128xf32, #tpu.memory_space<vmem>>
    %dma_start3A_112 = tpu.memref_squeeze %dma_start3A_111 : memref<1x64x128xf32, #tpu.memory_space<vmem>> -> memref<64x128xf32, #tpu.memory_space<vmem>>
    %dma_start3A_113 = arith.constant 0 : i32
    %dma_start3A_114 = tpu.memref_slice %arg2[%dma_start3A_113, %multiple_of3A] : memref<64x1000000xf32, #tpu.memory_space<hbm>> -> memref<64x128xf32, #tpu.memory_space<hbm>>
    tpu.enqueue_dma source(%dma_start3A_114 : memref<64x128xf32, #tpu.memory_space<hbm>>) target(%dma_start3A_112 : memref<64x128xf32, #tpu.memory_space<vmem>>) target_semaphore(%dma_start3A_108 : memref<!tpu.dma_semaphore, #tpu.memory_space<semaphore_mem>>)
    %scan3A = arith.constant 0 : i32
    %scan3A_115 = arith.constant 0 : i32
    %scan3A_116 = arith.constant 245 : i32
    %scan3A_117 = arith.addi %scan3A_115, %scan3A_116 : i32
    %scan3A_118 = arith.constant 1 : i32
    scf.for %scan3A_135 = %scan3A_115 to %scan3A_117 step %scan3A_118  : i32 {
      %and3A_136 = arith.constant 1 : i32
      %and3A_137 = arith.andi %scan3A_135, %and3A_136 : i32
      %mul3A_138 = arith.constant 32 : i32
      %mul3A_139 = arith.muli %scan3A_135, %mul3A_138 : i32
      %add3A_140 = arith.addi %mul3A_139, %add3A : i32
      %lt3A_141 = arith.constant 7812 : i32
      %lt3A_142 = arith.cmpi slt, %add3A_140, %lt3A_141 : i32
      %ge3A = arith.constant 2 : i32
      %ge3A_143 = arith.cmpi sge, %scan3A_135, %ge3A : i32
      %sub3A = arith.constant 2 : i32
      %sub3A_144 = arith.subi %scan3A_135, %sub3A : i32
      %mul3A_145 = arith.constant 32 : i32
      %mul3A_146 = arith.muli %sub3A_144, %mul3A_145 : i32
      %add3A_147 = arith.addi %mul3A_146, %add3A : i32
      %lt3A_148 = arith.constant 7812 : i32
      %lt3A_149 = arith.cmpi slt, %add3A_147, %lt3A_148 : i32
      %and3A_150 = arith.andi %ge3A_143, %lt3A_149 : i1
      %convert_element_type3A_151 = arith.extui %and3A_150 : i1 to i32
      %cond3A_152 = arith.constant 0 : i32
      %cond3A_153 = arith.cmpi ne, %convert_element_type3A_151, %cond3A_152 : i32
      scf.if %cond3A_153 {
        %dma_wait3A = arith.constant 0 : i32
        %dma_wait3A_172 = arith.constant 0 : i32
        %dma_wait3A_173 = tpu.memref_slice %arg6[%and3A_137, %dma_wait3A, %dma_wait3A_172] : memref<2x128x128xf32, #tpu.memory_space<vmem>> -> memref<1x128x128xf32, #tpu.memory_space<vmem>>
        %dma_wait3A_174 = tpu.memref_squeeze %dma_wait3A_173 : memref<1x128x128xf32, #tpu.memory_space<vmem>> -> memref<128x128xf32, #tpu.memory_space<vmem>>
        %dma_wait3A_175 = arith.constant 0 : i32
        %dma_wait3A_176 = arith.constant 0 : i32
        %dma_wait3A_177 = tpu.memref_slice %arg4[%dma_wait3A_175, %dma_wait3A_176] : memref<1000000x128xf32, #tpu.memory_space<hbm>> -> memref<128x128xf32, #tpu.memory_space<hbm>>
        %dma_wait3A_178 = tpu.memref_slice %arg9[%and3A_137] : memref<2x!tpu.dma_semaphore, #tpu.memory_space<semaphore_mem>> -> memref<1x!tpu.dma_semaphore, #tpu.memory_space<semaphore_mem>>
        %dma_wait3A_179 = tpu.memref_squeeze %dma_wait3A_178 : memref<1x!tpu.dma_semaphore, #tpu.memory_space<semaphore_mem>> -> memref<!tpu.dma_semaphore, #tpu.memory_space<semaphore_mem>>
        %dma_wait3A_180 = arith.constant 0 : i32
        %dma_wait3A_181 = arith.constant 0 : i32
        %dma_wait3A_182 = tpu.memref_slice %arg4[%dma_wait3A_180, %dma_wait3A_181] : memref<1000000x128xf32, #tpu.memory_space<hbm>> -> memref<128x128xf32, #tpu.memory_space<hbm>>
        %dma_wait3A_183 = arith.constant 0 : i32
        %dma_wait3A_184 = arith.constant 0 : i32
        %dma_wait3A_185 = tpu.memref_slice %arg6[%and3A_137, %dma_wait3A_183, %dma_wait3A_184] : memref<2x128x128xf32, #tpu.memory_space<vmem>> -> memref<1x128x128xf32, #tpu.memory_space<vmem>>
        %dma_wait3A_186 = tpu.memref_squeeze %dma_wait3A_185 : memref<1x128x128xf32, #tpu.memory_space<vmem>> -> memref<128x128xf32, #tpu.memory_space<vmem>>
        tpu.wait_dma2 semaphore(%dma_wait3A_179 : memref<!tpu.dma_semaphore, #tpu.memory_space<semaphore_mem>>) src(%dma_wait3A_186 : memref<128x128xf32, #tpu.memory_space<vmem>>) dst(%dma_wait3A_182 : memref<128x128xf32, #tpu.memory_space<hbm>>)
      } else {
      }
      %add3A_154 = arith.constant 1 : i32
      %add3A_155 = arith.addi %scan3A_135, %add3A_154 : i32
      %lt3A_156 = arith.constant 245 : i32
      %lt3A_157 = arith.cmpi slt, %add3A_155, %lt3A_156 : i32
      %add3A_158 = arith.constant 1 : i32
      %add3A_159 = arith.addi %scan3A_135, %add3A_158 : i32
      %mul3A_160 = arith.constant 32 : i32
      %mul3A_161 = arith.muli %add3A_159, %mul3A_160 : i32
      %add3A_162 = arith.addi %mul3A_161, %add3A : i32
      %lt3A_163 = arith.constant 7812 : i32
      %lt3A_164 = arith.cmpi slt, %add3A_162, %lt3A_163 : i32
      %and3A_165 = arith.andi %lt3A_157, %lt3A_164 : i1
      %convert_element_type3A_166 = arith.extui %and3A_165 : i1 to i32
      %cond3A_167 = arith.constant 0 : i32
      %cond3A_168 = arith.cmpi ne, %convert_element_type3A_166, %cond3A_167 : i32
      scf.if %cond3A_168 {
        %add3A_172 = arith.constant 1 : i32
        %add3A_173 = arith.addi %scan3A_135, %add3A_172 : i32
        %sub3A_174 = arith.constant 1 : i32
        %sub3A_175 = arith.subi %sub3A_174, %and3A_137 : i32
        %mul3A_176 = arith.constant 32 : i32
        %mul3A_177 = arith.muli %add3A_173, %mul3A_176 : i32
        %add3A_178 = arith.addi %mul3A_177, %add3A : i32
        %mul3A_179 = arith.constant 128 : i32
        %mul3A_180 = arith.muli %add3A_178, %mul3A_179 : i32
        %multiple_of3A_181 = tpu.assume_multiple %mul3A_180, 128 : i32
        %dma_start3A_182 = arith.constant 0 : i32
        %dma_start3A_183 = arith.constant 0 : i32
        %dma_start3A_184 = tpu.memref_slice %arg5[%sub3A_175, %dma_start3A_182, %dma_start3A_183] : memref<2x64x128xf32, #tpu.memory_space<vmem>> -> memref<1x64x128xf32, #tpu.memory_space<vmem>>
        %dma_start3A_185 = tpu.memref_squeeze %dma_start3A_184 : memref<1x64x128xf32, #tpu.memory_space<vmem>> -> memref<64x128xf32, #tpu.memory_space<vmem>>
        %dma_start3A_186 = arith.constant 0 : i32
        %dma_start3A_187 = tpu.memref_slice %arg2[%dma_start3A_186, %multiple_of3A_181] : memref<64x1000000xf32, #tpu.memory_space<hbm>> -> memref<64x128xf32, #tpu.memory_space<hbm>>
        %dma_start3A_188 = tpu.memref_slice %arg8[%sub3A_175] : memref<2x!tpu.dma_semaphore, #tpu.memory_space<semaphore_mem>> -> memref<1x!tpu.dma_semaphore, #tpu.memory_space<semaphore_mem>>
        %dma_start3A_189 = tpu.memref_squeeze %dma_start3A_188 : memref<1x!tpu.dma_semaphore, #tpu.memory_space<semaphore_mem>> -> memref<!tpu.dma_semaphore, #tpu.memory_space<semaphore_mem>>
        %dma_start3A_190 = arith.constant 0 : i32
        %dma_start3A_191 = arith.constant 0 : i32
        %dma_start3A_192 = tpu.memref_slice %arg5[%sub3A_175, %dma_start3A_190, %dma_start3A_191] : memref<2x64x128xf32, #tpu.memory_space<vmem>> -> memref<1x64x128xf32, #tpu.memory_space<vmem>>
        %dma_start3A_193 = tpu.memref_squeeze %dma_start3A_192 : memref<1x64x128xf32, #tpu.memory_space<vmem>> -> memref<64x128xf32, #tpu.memory_space<vmem>>
        %dma_start3A_194 = arith.constant 0 : i32
        %dma_start3A_195 = tpu.memref_slice %arg2[%dma_start3A_194, %multiple_of3A_181] : memref<64x1000000xf32, #tpu.memory_space<hbm>> -> memref<64x128xf32, #tpu.memory_space<hbm>>
        tpu.enqueue_dma source(%dma_start3A_195 : memref<64x128xf32, #tpu.memory_space<hbm>>) target(%dma_start3A_193 : memref<64x128xf32, #tpu.memory_space<vmem>>) target_semaphore(%dma_start3A_189 : memref<!tpu.dma_semaphore, #tpu.memory_space<semaphore_mem>>)
      } else {
      }
      %convert_element_type3A_169 = arith.extui %lt3A_142 : i1 to i32
      %cond3A_170 = arith.constant 0 : i32
      %cond3A_171 = arith.cmpi ne, %convert_element_type3A_169, %cond3A_170 : i32
      scf.if %cond3A_171 {
        %dma_wait3A = arith.constant 0 : i32
        %dma_wait3A_172 = arith.constant 0 : i32
        %dma_wait3A_173 = tpu.memref_slice %arg5[%and3A_137, %dma_wait3A, %dma_wait3A_172] : memref<2x64x128xf32, #tpu.memory_space<vmem>> -> memref<1x64x128xf32, #tpu.memory_space<vmem>>
        %dma_wait3A_174 = tpu.memref_squeeze %dma_wait3A_173 : memref<1x64x128xf32, #tpu.memory_space<vmem>> -> memref<64x128xf32, #tpu.memory_space<vmem>>
        %dma_wait3A_175 = arith.constant 0 : i32
        %dma_wait3A_176 = arith.constant 0 : i32
        %dma_wait3A_177 = tpu.memref_slice %arg2[%dma_wait3A_175, %dma_wait3A_176] : memref<64x1000000xf32, #tpu.memory_space<hbm>> -> memref<64x128xf32, #tpu.memory_space<hbm>>
        %dma_wait3A_178 = tpu.memref_slice %arg8[%and3A_137] : memref<2x!tpu.dma_semaphore, #tpu.memory_space<semaphore_mem>> -> memref<1x!tpu.dma_semaphore, #tpu.memory_space<semaphore_mem>>
        %dma_wait3A_179 = tpu.memref_squeeze %dma_wait3A_178 : memref<1x!tpu.dma_semaphore, #tpu.memory_space<semaphore_mem>> -> memref<!tpu.dma_semaphore, #tpu.memory_space<semaphore_mem>>
        %dma_wait3A_180 = arith.constant 0 : i32
        %dma_wait3A_181 = arith.constant 0 : i32
        %dma_wait3A_182 = tpu.memref_slice %arg5[%and3A_137, %dma_wait3A_180, %dma_wait3A_181] : memref<2x64x128xf32, #tpu.memory_space<vmem>> -> memref<1x64x128xf32, #tpu.memory_space<vmem>>
        %dma_wait3A_183 = tpu.memref_squeeze %dma_wait3A_182 : memref<1x64x128xf32, #tpu.memory_space<vmem>> -> memref<64x128xf32, #tpu.memory_space<vmem>>
        %dma_wait3A_184 = arith.constant 0 : i32
        %dma_wait3A_185 = arith.constant 0 : i32
        %dma_wait3A_186 = tpu.memref_slice %arg2[%dma_wait3A_184, %dma_wait3A_185] : memref<64x1000000xf32, #tpu.memory_space<hbm>> -> memref<64x128xf32, #tpu.memory_space<hbm>>
        tpu.wait_dma2 semaphore(%dma_wait3A_179 : memref<!tpu.dma_semaphore, #tpu.memory_space<semaphore_mem>>) src(%dma_wait3A_186 : memref<64x128xf32, #tpu.memory_space<hbm>>) dst(%dma_wait3A_183 : memref<64x128xf32, #tpu.memory_space<vmem>>)
        %parallel_loop3A = arith.constant 0 : i32
        %parallel_loop3A_187 = arith.constant 8 : i32
        %parallel_loop3A_188 = arith.constant 1 : i32
        scf.for %parallel_loop3A_209 = %parallel_loop3A to %parallel_loop3A_187 step %parallel_loop3A_188  : i32 {
          %parallel_loop3A_210 = arith.constant 16 : i32
          %parallel_loop3A_211 = arith.muli %parallel_loop3A_209, %parallel_loop3A_210 : i32
          %parallel_loop3A_212 = vector.broadcast %parallel_loop3A_211 : i32 to vector<16xi32>
          %parallel_loop3A_213 = arith.addi %iota3A, %parallel_loop3A_212 : vector<16xi32>
          %parallel_loop3A_214 = arith.constant 0 : i32
          %parallel_loop3A_215 = vector.broadcast %parallel_loop3A_214 : i32 to vector<16xi32>
          %parallel_loop3A_216 = arith.addi %and3A_5, %parallel_loop3A_215 : vector<16xi32>
          %parallel_loop3A_217 = arith.constant 0 : i32
          %parallel_loop3A_218 = arith.constant 0 : i32
          %parallel_loop3A_219 = tpu.memref_slice %arg5[%and3A_137, %parallel_loop3A_217, %parallel_loop3A_218] : memref<2x64x128xf32, #tpu.memory_space<vmem>> -> memref<1x64x128xf32, #tpu.memory_space<vmem>>
          %parallel_loop3A_220 = tpu.memref_squeeze %parallel_loop3A_219 : memref<1x64x128xf32, #tpu.memory_space<vmem>> -> memref<64x128xf32, #tpu.memory_space<vmem>>
          %parallel_loop3A_221 = tpu.vector_load_idx %parallel_loop3A_220[%parallel_loop3A_216, %parallel_loop3A_213] : memref<64x128xf32, #tpu.memory_space<vmem>>[vector<16xi32>, vector<16xi32>], vector<16xf32>,
          %parallel_loop3A_222 = arith.constant 0 : i32
          %parallel_loop3A_223 = arith.constant 0 : i32
          %parallel_loop3A_224 = tpu.memref_slice %arg6[%and3A_137, %parallel_loop3A_222, %parallel_loop3A_223] : memref<2x128x128xf32, #tpu.memory_space<vmem>> -> memref<1x128x128xf32, #tpu.memory_space<vmem>>
          %parallel_loop3A_225 = tpu.memref_squeeze %parallel_loop3A_224 : memref<1x128x128xf32, #tpu.memory_space<vmem>> -> memref<128x128xf32, #tpu.memory_space<vmem>>
          tpu.vector_store_idx %parallel_loop3A_225[%parallel_loop3A_213, %parallel_loop3A_216], %parallel_loop3A_221 : memref<128x128xf32, #tpu.memory_space<vmem>>[vector<16xi32>, vector<16xi32>], vector<16xf32>,
          %parallel_loop3A_226 = arith.constant 16 : i32
          %parallel_loop3A_227 = vector.broadcast %parallel_loop3A_226 : i32 to vector<16xi32>
          %parallel_loop3A_228 = arith.addi %and3A_5, %parallel_loop3A_227 : vector<16xi32>
          %parallel_loop3A_229 = arith.constant 0 : i32
          %parallel_loop3A_230 = arith.constant 0 : i32
          %parallel_loop3A_231 = tpu.memref_slice %arg5[%and3A_137, %parallel_loop3A_229, %parallel_loop3A_230] : memref<2x64x128xf32, #tpu.memory_space<vmem>> -> memref<1x64x128xf32, #tpu.memory_space<vmem>>
          %parallel_loop3A_232 = tpu.memref_squeeze %parallel_loop3A_231 : memref<1x64x128xf32, #tpu.memory_space<vmem>> -> memref<64x128xf32, #tpu.memory_space<vmem>>
          %parallel_loop3A_233 = tpu.vector_load_idx %parallel_loop3A_232[%parallel_loop3A_228, %parallel_loop3A_213] : memref<64x128xf32, #tpu.memory_space<vmem>>[vector<16xi32>, vector<16xi32>], vector<16xf32>,
          %parallel_loop3A_234 = arith.constant 0 : i32
          %parallel_loop3A_235 = arith.constant 0 : i32
          %parallel_loop3A_236 = tpu.memref_slice %arg6[%and3A_137, %parallel_loop3A_234, %parallel_loop3A_235] : memref<2x128x128xf32, #tpu.memory_space<vmem>> -> memref<1x128x128xf32, #tpu.memory_space<vmem>>
          %parallel_loop3A_237 = tpu.memref_squeeze %parallel_loop3A_236 : memref<1x128x128xf32, #tpu.memory_space<vmem>> -> memref<128x128xf32, #tpu.memory_space<vmem>>
          tpu.vector_store_idx %parallel_loop3A_237[%parallel_loop3A_213, %parallel_loop3A_228], %parallel_loop3A_233 : memref<128x128xf32, #tpu.memory_space<vmem>>[vector<16xi32>, vector<16xi32>], vector<16xf32>,
          %parallel_loop3A_238 = arith.constant 32 : i32
          %parallel_loop3A_239 = vector.broadcast %parallel_loop3A_238 : i32 to vector<16xi32>
          %parallel_loop3A_240 = arith.addi %and3A_5, %parallel_loop3A_239 : vector<16xi32>
          %parallel_loop3A_241 = arith.constant 0 : i32
          %parallel_loop3A_242 = arith.constant 0 : i32
          %parallel_loop3A_243 = tpu.memref_slice %arg5[%and3A_137, %parallel_loop3A_241, %parallel_loop3A_242] : memref<2x64x128xf32, #tpu.memory_space<vmem>> -> memref<1x64x128xf32, #tpu.memory_space<vmem>>
          %parallel_loop3A_244 = tpu.memref_squeeze %parallel_loop3A_243 : memref<1x64x128xf32, #tpu.memory_space<vmem>> -> memref<64x128xf32, #tpu.memory_space<vmem>>
          %parallel_loop3A_245 = tpu.vector_load_idx %parallel_loop3A_244[%parallel_loop3A_240, %parallel_loop3A_213] : memref<64x128xf32, #tpu.memory_space<vmem>>[vector<16xi32>, vector<16xi32>], vector<16xf32>,
          %parallel_loop3A_246 = arith.constant 0 : i32
          %parallel_loop3A_247 = arith.constant 0 : i32
          %parallel_loop3A_248 = tpu.memref_slice %arg6[%and3A_137, %parallel_loop3A_246, %parallel_loop3A_247] : memref<2x128x128xf32, #tpu.memory_space<vmem>> -> memref<1x128x128xf32, #tpu.memory_space<vmem>>
          %parallel_loop3A_249 = tpu.memref_squeeze %parallel_loop3A_248 : memref<1x128x128xf32, #tpu.memory_space<vmem>> -> memref<128x128xf32, #tpu.memory_space<vmem>>
          tpu.vector_store_idx %parallel_loop3A_249[%parallel_loop3A_213, %parallel_loop3A_240], %parallel_loop3A_245 : memref<128x128xf32, #tpu.memory_space<vmem>>[vector<16xi32>, vector<16xi32>], vector<16xf32>,
          %parallel_loop3A_250 = arith.constant 48 : i32
          %parallel_loop3A_251 = vector.broadcast %parallel_loop3A_250 : i32 to vector<16xi32>
          %parallel_loop3A_252 = arith.addi %and3A_5, %parallel_loop3A_251 : vector<16xi32>
          %parallel_loop3A_253 = arith.constant 0 : i32
          %parallel_loop3A_254 = arith.constant 0 : i32
          %parallel_loop3A_255 = tpu.memref_slice %arg5[%and3A_137, %parallel_loop3A_253, %parallel_loop3A_254] : memref<2x64x128xf32, #tpu.memory_space<vmem>> -> memref<1x64x128xf32, #tpu.memory_space<vmem>>
          %parallel_loop3A_256 = tpu.memref_squeeze %parallel_loop3A_255 : memref<1x64x128xf32, #tpu.memory_space<vmem>> -> memref<64x128xf32, #tpu.memory_space<vmem>>
          %parallel_loop3A_257 = tpu.vector_load_idx %parallel_loop3A_256[%parallel_loop3A_252, %parallel_loop3A_213] : memref<64x128xf32, #tpu.memory_space<vmem>>[vector<16xi32>, vector<16xi32>], vector<16xf32>,
          %parallel_loop3A_258 = arith.constant 0 : i32
          %parallel_loop3A_259 = arith.constant 0 : i32
          %parallel_loop3A_260 = tpu.memref_slice %arg6[%and3A_137, %parallel_loop3A_258, %parallel_loop3A_259] : memref<2x128x128xf32, #tpu.memory_space<vmem>> -> memref<1x128x128xf32, #tpu.memory_space<vmem>>
          %parallel_loop3A_261 = tpu.memref_squeeze %parallel_loop3A_260 : memref<1x128x128xf32, #tpu.memory_space<vmem>> -> memref<128x128xf32, #tpu.memory_space<vmem>>
          tpu.vector_store_idx %parallel_loop3A_261[%parallel_loop3A_213, %parallel_loop3A_252], %parallel_loop3A_257 : memref<128x128xf32, #tpu.memory_space<vmem>>[vector<16xi32>, vector<16xi32>], vector<16xf32>,
          %parallel_loop3A_262 = arith.constant 0 : i32
          %parallel_loop3A_263 = vector.broadcast %parallel_loop3A_262 : i32 to vector<16xi32>
          %parallel_loop3A_264 = arith.addi %and3A_11, %parallel_loop3A_263 : vector<16xi32>
          %parallel_loop3A_265 = arith.constant 0 : i32
          %parallel_loop3A_266 = arith.constant 0 : i32
          %parallel_loop3A_267 = tpu.memref_slice %arg5[%and3A_137, %parallel_loop3A_265, %parallel_loop3A_266] : memref<2x64x128xf32, #tpu.memory_space<vmem>> -> memref<1x64x128xf32, #tpu.memory_space<vmem>>
          %parallel_loop3A_268 = tpu.memref_squeeze %parallel_loop3A_267 : memref<1x64x128xf32, #tpu.memory_space<vmem>> -> memref<64x128xf32, #tpu.memory_space<vmem>>
          %parallel_loop3A_269 = tpu.vector_load_idx %parallel_loop3A_268[%parallel_loop3A_264, %parallel_loop3A_213] : memref<64x128xf32, #tpu.memory_space<vmem>>[vector<16xi32>, vector<16xi32>], vector<16xf32>,
          %parallel_loop3A_270 = arith.constant 0 : i32
          %parallel_loop3A_271 = arith.constant 0 : i32
          %parallel_loop3A_272 = tpu.memref_slice %arg6[%and3A_137, %parallel_loop3A_270, %parallel_loop3A_271] : memref<2x128x128xf32, #tpu.memory_space<vmem>> -> memref<1x128x128xf32, #tpu.memory_space<vmem>>
          %parallel_loop3A_273 = tpu.memref_squeeze %parallel_loop3A_272 : memref<1x128x128xf32, #tpu.memory_space<vmem>> -> memref<128x128xf32, #tpu.memory_space<vmem>>
          tpu.vector_store_idx %parallel_loop3A_273[%parallel_loop3A_213, %parallel_loop3A_264], %parallel_loop3A_269 : memref<128x128xf32, #tpu.memory_space<vmem>>[vector<16xi32>, vector<16xi32>], vector<16xf32>,
          %parallel_loop3A_274 = arith.constant 16 : i32
          %parallel_loop3A_275 = vector.broadcast %parallel_loop3A_274 : i32 to vector<16xi32>
          %parallel_loop3A_276 = arith.addi %and3A_11, %parallel_loop3A_275 : vector<16xi32>
          %parallel_loop3A_277 = arith.constant 0 : i32
          %parallel_loop3A_278 = arith.constant 0 : i32
          %parallel_loop3A_279 = tpu.memref_slice %arg5[%and3A_137, %parallel_loop3A_277, %parallel_loop3A_278] : memref<2x64x128xf32, #tpu.memory_space<vmem>> -> memref<1x64x128xf32, #tpu.memory_space<vmem>>
          %parallel_loop3A_280 = tpu.memref_squeeze %parallel_loop3A_279 : memref<1x64x128xf32, #tpu.memory_space<vmem>> -> memref<64x128xf32, #tpu.memory_space<vmem>>
          %parallel_loop3A_281 = tpu.vector_load_idx %parallel_loop3A_280[%parallel_loop3A_276, %parallel_loop3A_213] : memref<64x128xf32, #tpu.memory_space<vmem>>[vector<16xi32>, vector<16xi32>], vector<16xf32>,
          %parallel_loop3A_282 = arith.constant 0 : i32
          %parallel_loop3A_283 = arith.constant 0 : i32
          %parallel_loop3A_284 = tpu.memref_slice %arg6[%and3A_137, %parallel_loop3A_282, %parallel_loop3A_283] : memref<2x128x128xf32, #tpu.memory_space<vmem>> -> memref<1x128x128xf32, #tpu.memory_space<vmem>>
          %parallel_loop3A_285 = tpu.memref_squeeze %parallel_loop3A_284 : memref<1x128x128xf32, #tpu.memory_space<vmem>> -> memref<128x128xf32, #tpu.memory_space<vmem>>
          tpu.vector_store_idx %parallel_loop3A_285[%parallel_loop3A_213, %parallel_loop3A_276], %parallel_loop3A_281 : memref<128x128xf32, #tpu.memory_space<vmem>>[vector<16xi32>, vector<16xi32>], vector<16xf32>,
          %parallel_loop3A_286 = arith.constant 32 : i32
          %parallel_loop3A_287 = vector.broadcast %parallel_loop3A_286 : i32 to vector<16xi32>
          %parallel_loop3A_288 = arith.addi %and3A_11, %parallel_loop3A_287 : vector<16xi32>
          %parallel_loop3A_289 = arith.constant 0 : i32
          %parallel_loop3A_290 = arith.constant 0 : i32
          %parallel_loop3A_291 = tpu.memref_slice %arg5[%and3A_137, %parallel_loop3A_289, %parallel_loop3A_290] : memref<2x64x128xf32, #tpu.memory_space<vmem>> -> memref<1x64x128xf32, #tpu.memory_space<vmem>>
          %parallel_loop3A_292 = tpu.memref_squeeze %parallel_loop3A_291 : memref<1x64x128xf32, #tpu.memory_space<vmem>> -> memref<64x128xf32, #tpu.memory_space<vmem>>
          %parallel_loop3A_293 = tpu.vector_load_idx %parallel_loop3A_292[%parallel_loop3A_288, %parallel_loop3A_213] : memref<64x128xf32, #tpu.memory_space<vmem>>[vector<16xi32>, vector<16xi32>], vector<16xf32>,
          %parallel_loop3A_294 = arith.constant 0 : i32
          %parallel_loop3A_295 = arith.constant 0 : i32
          %parallel_loop3A_296 = tpu.memref_slice %arg6[%and3A_137, %parallel_loop3A_294, %parallel_loop3A_295] : memref<2x128x128xf32, #tpu.memory_space<vmem>> -> memref<1x128x128xf32, #tpu.memory_space<vmem>>
          %parallel_loop3A_297 = tpu.memref_squeeze %parallel_loop3A_296 : memref<1x128x128xf32, #tpu.memory_space<vmem>> -> memref<128x128xf32, #tpu.memory_space<vmem>>
          tpu.vector_store_idx %parallel_loop3A_297[%parallel_loop3A_213, %parallel_loop3A_288], %parallel_loop3A_293 : memref<128x128xf32, #tpu.memory_space<vmem>>[vector<16xi32>, vector<16xi32>], vector<16xf32>,
          %parallel_loop3A_298 = arith.constant 48 : i32
          %parallel_loop3A_299 = vector.broadcast %parallel_loop3A_298 : i32 to vector<16xi32>
          %parallel_loop3A_300 = arith.addi %and3A_11, %parallel_loop3A_299 : vector<16xi32>
          %parallel_loop3A_301 = arith.constant 0 : i32
          %parallel_loop3A_302 = arith.constant 0 : i32
          %parallel_loop3A_303 = tpu.memref_slice %arg5[%and3A_137, %parallel_loop3A_301, %parallel_loop3A_302] : memref<2x64x128xf32, #tpu.memory_space<vmem>> -> memref<1x64x128xf32, #tpu.memory_space<vmem>>
          %parallel_loop3A_304 = tpu.memref_squeeze %parallel_loop3A_303 : memref<1x64x128xf32, #tpu.memory_space<vmem>> -> memref<64x128xf32, #tpu.memory_space<vmem>>
          %parallel_loop3A_305 = tpu.vector_load_idx %parallel_loop3A_304[%parallel_loop3A_300, %parallel_loop3A_213] : memref<64x128xf32, #tpu.memory_space<vmem>>[vector<16xi32>, vector<16xi32>], vector<16xf32>,
          %parallel_loop3A_306 = arith.constant 0 : i32
          %parallel_loop3A_307 = arith.constant 0 : i32
          %parallel_loop3A_308 = tpu.memref_slice %arg6[%and3A_137, %parallel_loop3A_306, %parallel_loop3A_307] : memref<2x128x128xf32, #tpu.memory_space<vmem>> -> memref<1x128x128xf32, #tpu.memory_space<vmem>>
          %parallel_loop3A_309 = tpu.memref_squeeze %parallel_loop3A_308 : memref<1x128x128xf32, #tpu.memory_space<vmem>> -> memref<128x128xf32, #tpu.memory_space<vmem>>
          tpu.vector_store_idx %parallel_loop3A_309[%parallel_loop3A_213, %parallel_loop3A_300], %parallel_loop3A_305 : memref<128x128xf32, #tpu.memory_space<vmem>>[vector<16xi32>, vector<16xi32>], vector<16xf32>,
          %parallel_loop3A_310 = arith.constant 0 : i32
          %parallel_loop3A_311 = vector.broadcast %parallel_loop3A_310 : i32 to vector<16xi32>
          %parallel_loop3A_312 = arith.addi %and3A_17, %parallel_loop3A_311 : vector<16xi32>
          %parallel_loop3A_313 = arith.constant 0 : i32
          %parallel_loop3A_314 = arith.constant 0 : i32
          %parallel_loop3A_315 = tpu.memref_slice %arg5[%and3A_137, %parallel_loop3A_313, %parallel_loop3A_314] : memref<2x64x128xf32, #tpu.memory_space<vmem>> -> memref<1x64x128xf32, #tpu.memory_space<vmem>>
          %parallel_loop3A_316 = tpu.memref_squeeze %parallel_loop3A_315 : memref<1x64x128xf32, #tpu.memory_space<vmem>> -> memref<64x128xf32, #tpu.memory_space<vmem>>
          %parallel_loop3A_317 = tpu.vector_load_idx %parallel_loop3A_316[%parallel_loop3A_312, %parallel_loop3A_213] : memref<64x128xf32, #tpu.memory_space<vmem>>[vector<16xi32>, vector<16xi32>], vector<16xf32>,
          %parallel_loop3A_318 = arith.constant 0 : i32
          %parallel_loop3A_319 = arith.constant 0 : i32
          %parallel_loop3A_320 = tpu.memref_slice %arg6[%and3A_137, %parallel_loop3A_318, %parallel_loop3A_319] : memref<2x128x128xf32, #tpu.memory_space<vmem>> -> memref<1x128x128xf32, #tpu.memory_space<vmem>>
          %parallel_loop3A_321 = tpu.memref_squeeze %parallel_loop3A_320 : memref<1x128x128xf32, #tpu.memory_space<vmem>> -> memref<128x128xf32, #tpu.memory_space<vmem>>
          tpu.vector_store_idx %parallel_loop3A_321[%parallel_loop3A_213, %parallel_loop3A_312], %parallel_loop3A_317 : memref<128x128xf32, #tpu.memory_space<vmem>>[vector<16xi32>, vector<16xi32>], vector<16xf32>,
          %parallel_loop3A_322 = arith.constant 16 : i32
          %parallel_loop3A_323 = vector.broadcast %parallel_loop3A_322 : i32 to vector<16xi32>
          %parallel_loop3A_324 = arith.addi %and3A_17, %parallel_loop3A_323 : vector<16xi32>
          %parallel_loop3A_325 = arith.constant 0 : i32
          %parallel_loop3A_326 = arith.constant 0 : i32
          %parallel_loop3A_327 = tpu.memref_slice %arg5[%and3A_137, %parallel_loop3A_325, %parallel_loop3A_326] : memref<2x64x128xf32, #tpu.memory_space<vmem>> -> memref<1x64x128xf32, #tpu.memory_space<vmem>>
          %parallel_loop3A_328 = tpu.memref_squeeze %parallel_loop3A_327 : memref<1x64x128xf32, #tpu.memory_space<vmem>> -> memref<64x128xf32, #tpu.memory_space<vmem>>
          %parallel_loop3A_329 = tpu.vector_load_idx %parallel_loop3A_328[%parallel_loop3A_324, %parallel_loop3A_213] : memref<64x128xf32, #tpu.memory_space<vmem>>[vector<16xi32>, vector<16xi32>], vector<16xf32>,
          %parallel_loop3A_330 = arith.constant 0 : i32
          %parallel_loop3A_331 = arith.constant 0 : i32
          %parallel_loop3A_332 = tpu.memref_slice %arg6[%and3A_137, %parallel_loop3A_330, %parallel_loop3A_331] : memref<2x128x128xf32, #tpu.memory_space<vmem>> -> memref<1x128x128xf32, #tpu.memory_space<vmem>>
          %parallel_loop3A_333 = tpu.memref_squeeze %parallel_loop3A_332 : memref<1x128x128xf32, #tpu.memory_space<vmem>> -> memref<128x128xf32, #tpu.memory_space<vmem>>
          tpu.vector_store_idx %parallel_loop3A_333[%parallel_loop3A_213, %parallel_loop3A_324], %parallel_loop3A_329 : memref<128x128xf32, #tpu.memory_space<vmem>>[vector<16xi32>, vector<16xi32>], vector<16xf32>,
          %parallel_loop3A_334 = arith.constant 32 : i32
          %parallel_loop3A_335 = vector.broadcast %parallel_loop3A_334 : i32 to vector<16xi32>
          %parallel_loop3A_336 = arith.addi %and3A_17, %parallel_loop3A_335 : vector<16xi32>
          %parallel_loop3A_337 = arith.constant 0 : i32
          %parallel_loop3A_338 = arith.constant 0 : i32
          %parallel_loop3A_339 = tpu.memref_slice %arg5[%and3A_137, %parallel_loop3A_337, %parallel_loop3A_338] : memref<2x64x128xf32, #tpu.memory_space<vmem>> -> memref<1x64x128xf32, #tpu.memory_space<vmem>>
          %parallel_loop3A_340 = tpu.memref_squeeze %parallel_loop3A_339 : memref<1x64x128xf32, #tpu.memory_space<vmem>> -> memref<64x128xf32, #tpu.memory_space<vmem>>
          %parallel_loop3A_341 = tpu.vector_load_idx %parallel_loop3A_340[%parallel_loop3A_336, %parallel_loop3A_213] : memref<64x128xf32, #tpu.memory_space<vmem>>[vector<16xi32>, vector<16xi32>], vector<16xf32>,
          %parallel_loop3A_342 = arith.constant 0 : i32
          %parallel_loop3A_343 = arith.constant 0 : i32
          %parallel_loop3A_344 = tpu.memref_slice %arg6[%and3A_137, %parallel_loop3A_342, %parallel_loop3A_343] : memref<2x128x128xf32, #tpu.memory_space<vmem>> -> memref<1x128x128xf32, #tpu.memory_space<vmem>>
          %parallel_loop3A_345 = tpu.memref_squeeze %parallel_loop3A_344 : memref<1x128x128xf32, #tpu.memory_space<vmem>> -> memref<128x128xf32, #tpu.memory_space<vmem>>
          tpu.vector_store_idx %parallel_loop3A_345[%parallel_loop3A_213, %parallel_loop3A_336], %parallel_loop3A_341 : memref<128x128xf32, #tpu.memory_space<vmem>>[vector<16xi32>, vector<16xi32>], vector<16xf32>,
          %parallel_loop3A_346 = arith.constant 48 : i32
          %parallel_loop3A_347 = vector.broadcast %parallel_loop3A_346 : i32 to vector<16xi32>
          %parallel_loop3A_348 = arith.addi %and3A_17, %parallel_loop3A_347 : vector<16xi32>
          %parallel_loop3A_349 = arith.constant 0 : i32
          %parallel_loop3A_350 = arith.constant 0 : i32
          %parallel_loop3A_351 = tpu.memref_slice %arg5[%and3A_137, %parallel_loop3A_349, %parallel_loop3A_350] : memref<2x64x128xf32, #tpu.memory_space<vmem>> -> memref<1x64x128xf32, #tpu.memory_space<vmem>>
          %parallel_loop3A_352 = tpu.memref_squeeze %parallel_loop3A_351 : memref<1x64x128xf32, #tpu.memory_space<vmem>> -> memref<64x128xf32, #tpu.memory_space<vmem>>
          %parallel_loop3A_353 = tpu.vector_load_idx %parallel_loop3A_352[%parallel_loop3A_348, %parallel_loop3A_213] : memref<64x128xf32, #tpu.memory_space<vmem>>[vector<16xi32>, vector<16xi32>], vector<16xf32>,
          %parallel_loop3A_354 = arith.constant 0 : i32
          %parallel_loop3A_355 = arith.constant 0 : i32
          %parallel_loop3A_356 = tpu.memref_slice %arg6[%and3A_137, %parallel_loop3A_354, %parallel_loop3A_355] : memref<2x128x128xf32, #tpu.memory_space<vmem>> -> memref<1x128x128xf32, #tpu.memory_space<vmem>>
          %parallel_loop3A_357 = tpu.memref_squeeze %parallel_loop3A_356 : memref<1x128x128xf32, #tpu.memory_space<vmem>> -> memref<128x128xf32, #tpu.memory_space<vmem>>
          tpu.vector_store_idx %parallel_loop3A_357[%parallel_loop3A_213, %parallel_loop3A_348], %parallel_loop3A_353 : memref<128x128xf32, #tpu.memory_space<vmem>>[vector<16xi32>, vector<16xi32>], vector<16xf32>,
          %parallel_loop3A_358 = arith.constant 0 : i32
          %parallel_loop3A_359 = vector.broadcast %parallel_loop3A_358 : i32 to vector<16xi32>
          %parallel_loop3A_360 = arith.addi %and3A_23, %parallel_loop3A_359 : vector<16xi32>
          %parallel_loop3A_361 = arith.constant 0 : i32
          %parallel_loop3A_362 = arith.constant 0 : i32
          %parallel_loop3A_363 = tpu.memref_slice %arg5[%and3A_137, %parallel_loop3A_361, %parallel_loop3A_362] : memref<2x64x128xf32, #tpu.memory_space<vmem>> -> memref<1x64x128xf32, #tpu.memory_space<vmem>>
          %parallel_loop3A_364 = tpu.memref_squeeze %parallel_loop3A_363 : memref<1x64x128xf32, #tpu.memory_space<vmem>> -> memref<64x128xf32, #tpu.memory_space<vmem>>
          %parallel_loop3A_365 = tpu.vector_load_idx %parallel_loop3A_364[%parallel_loop3A_360, %parallel_loop3A_213] : memref<64x128xf32, #tpu.memory_space<vmem>>[vector<16xi32>, vector<16xi32>], vector<16xf32>,
          %parallel_loop3A_366 = arith.constant 0 : i32
          %parallel_loop3A_367 = arith.constant 0 : i32
          %parallel_loop3A_368 = tpu.memref_slice %arg6[%and3A_137, %parallel_loop3A_366, %parallel_loop3A_367] : memref<2x128x128xf32, #tpu.memory_space<vmem>> -> memref<1x128x128xf32, #tpu.memory_space<vmem>>
          %parallel_loop3A_369 = tpu.memref_squeeze %parallel_loop3A_368 : memref<1x128x128xf32, #tpu.memory_space<vmem>> -> memref<128x128xf32, #tpu.memory_space<vmem>>
          tpu.vector_store_idx %parallel_loop3A_369[%parallel_loop3A_213, %parallel_loop3A_360], %parallel_loop3A_365 : memref<128x128xf32, #tpu.memory_space<vmem>>[vector<16xi32>, vector<16xi32>], vector<16xf32>,
          %parallel_loop3A_370 = arith.constant 16 : i32
          %parallel_loop3A_371 = vector.broadcast %parallel_loop3A_370 : i32 to vector<16xi32>
          %parallel_loop3A_372 = arith.addi %and3A_23, %parallel_loop3A_371 : vector<16xi32>
          %parallel_loop3A_373 = arith.constant 0 : i32
          %parallel_loop3A_374 = arith.constant 0 : i32
          %parallel_loop3A_375 = tpu.memref_slice %arg5[%and3A_137, %parallel_loop3A_373, %parallel_loop3A_374] : memref<2x64x128xf32, #tpu.memory_space<vmem>> -> memref<1x64x128xf32, #tpu.memory_space<vmem>>
          %parallel_loop3A_376 = tpu.memref_squeeze %parallel_loop3A_375 : memref<1x64x128xf32, #tpu.memory_space<vmem>> -> memref<64x128xf32, #tpu.memory_space<vmem>>
          %parallel_loop3A_377 = tpu.vector_load_idx %parallel_loop3A_376[%parallel_loop3A_372, %parallel_loop3A_213] : memref<64x128xf32, #tpu.memory_space<vmem>>[vector<16xi32>, vector<16xi32>], vector<16xf32>,
          %parallel_loop3A_378 = arith.constant 0 : i32
          %parallel_loop3A_379 = arith.constant 0 : i32
          %parallel_loop3A_380 = tpu.memref_slice %arg6[%and3A_137, %parallel_loop3A_378, %parallel_loop3A_379] : memref<2x128x128xf32, #tpu.memory_space<vmem>> -> memref<1x128x128xf32, #tpu.memory_space<vmem>>
          %parallel_loop3A_381 = tpu.memref_squeeze %parallel_loop3A_380 : memref<1x128x128xf32, #tpu.memory_space<vmem>> -> memref<128x128xf32, #tpu.memory_space<vmem>>
          tpu.vector_store_idx %parallel_loop3A_381[%parallel_loop3A_213, %parallel_loop3A_372], %parallel_loop3A_377 : memref<128x128xf32, #tpu.memory_space<vmem>>[vector<16xi32>, vector<16xi32>], vector<16xf32>,
          %parallel_loop3A_382 = arith.constant 32 : i32
          %parallel_loop3A_383 = vector.broadcast %parallel_loop3A_382 : i32 to vector<16xi32>
          %parallel_loop3A_384 = arith.addi %and3A_23, %parallel_loop3A_383 : vector<16xi32>
          %parallel_loop3A_385 = arith.constant 0 : i32
          %parallel_loop3A_386 = arith.constant 0 : i32
          %parallel_loop3A_387 = tpu.memref_slice %arg5[%and3A_137, %parallel_loop3A_385, %parallel_loop3A_386] : memref<2x64x128xf32, #tpu.memory_space<vmem>> -> memref<1x64x128xf32, #tpu.memory_space<vmem>>
          %parallel_loop3A_388 = tpu.memref_squeeze %parallel_loop3A_387 : memref<1x64x128xf32, #tpu.memory_space<vmem>> -> memref<64x128xf32, #tpu.memory_space<vmem>>
          %parallel_loop3A_389 = tpu.vector_load_idx %parallel_loop3A_388[%parallel_loop3A_384, %parallel_loop3A_213] : memref<64x128xf32, #tpu.memory_space<vmem>>[vector<16xi32>, vector<16xi32>], vector<16xf32>,
          %parallel_loop3A_390 = arith.constant 0 : i32
          %parallel_loop3A_391 = arith.constant 0 : i32
          %parallel_loop3A_392 = tpu.memref_slice %arg6[%and3A_137, %parallel_loop3A_390, %parallel_loop3A_391] : memref<2x128x128xf32, #tpu.memory_space<vmem>> -> memref<1x128x128xf32, #tpu.memory_space<vmem>>
          %parallel_loop3A_393 = tpu.memref_squeeze %parallel_loop3A_392 : memref<1x128x128xf32, #tpu.memory_space<vmem>> -> memref<128x128xf32, #tpu.memory_space<vmem>>
          tpu.vector_store_idx %parallel_loop3A_393[%parallel_loop3A_213, %parallel_loop3A_384], %parallel_loop3A_389 : memref<128x128xf32, #tpu.memory_space<vmem>>[vector<16xi32>, vector<16xi32>], vector<16xf32>,
          %parallel_loop3A_394 = arith.constant 48 : i32
          %parallel_loop3A_395 = vector.broadcast %parallel_loop3A_394 : i32 to vector<16xi32>
          %parallel_loop3A_396 = arith.addi %and3A_23, %parallel_loop3A_395 : vector<16xi32>
          %parallel_loop3A_397 = arith.constant 0 : i32
          %parallel_loop3A_398 = arith.constant 0 : i32
          %parallel_loop3A_399 = tpu.memref_slice %arg5[%and3A_137, %parallel_loop3A_397, %parallel_loop3A_398] : memref<2x64x128xf32, #tpu.memory_space<vmem>> -> memref<1x64x128xf32, #tpu.memory_space<vmem>>
          %parallel_loop3A_400 = tpu.memref_squeeze %parallel_loop3A_399 : memref<1x64x128xf32, #tpu.memory_space<vmem>> -> memref<64x128xf32, #tpu.memory_space<vmem>>
          %parallel_loop3A_401 = tpu.vector_load_idx %parallel_loop3A_400[%parallel_loop3A_396, %parallel_loop3A_213] : memref<64x128xf32, #tpu.memory_space<vmem>>[vector<16xi32>, vector<16xi32>], vector<16xf32>,
          %parallel_loop3A_402 = arith.constant 0 : i32
          %parallel_loop3A_403 = arith.constant 0 : i32
          %parallel_loop3A_404 = tpu.memref_slice %arg6[%and3A_137, %parallel_loop3A_402, %parallel_loop3A_403] : memref<2x128x128xf32, #tpu.memory_space<vmem>> -> memref<1x128x128xf32, #tpu.memory_space<vmem>>
          %parallel_loop3A_405 = tpu.memref_squeeze %parallel_loop3A_404 : memref<1x128x128xf32, #tpu.memory_space<vmem>> -> memref<128x128xf32, #tpu.memory_space<vmem>>
          tpu.vector_store_idx %parallel_loop3A_405[%parallel_loop3A_213, %parallel_loop3A_396], %parallel_loop3A_401 : memref<128x128xf32, #tpu.memory_space<vmem>>[vector<16xi32>, vector<16xi32>], vector<16xf32>,
          %parallel_loop3A_406 = arith.constant 0 : i32
          %parallel_loop3A_407 = vector.broadcast %parallel_loop3A_406 : i32 to vector<16xi32>
          %parallel_loop3A_408 = arith.addi %and3A_29, %parallel_loop3A_407 : vector<16xi32>
          %parallel_loop3A_409 = arith.constant 0 : i32
          %parallel_loop3A_410 = arith.constant 0 : i32
          %parallel_loop3A_411 = tpu.memref_slice %arg5[%and3A_137, %parallel_loop3A_409, %parallel_loop3A_410] : memref<2x64x128xf32, #tpu.memory_space<vmem>> -> memref<1x64x128xf32, #tpu.memory_space<vmem>>
          %parallel_loop3A_412 = tpu.memref_squeeze %parallel_loop3A_411 : memref<1x64x128xf32, #tpu.memory_space<vmem>> -> memref<64x128xf32, #tpu.memory_space<vmem>>
          %parallel_loop3A_413 = tpu.vector_load_idx %parallel_loop3A_412[%parallel_loop3A_408, %parallel_loop3A_213] : memref<64x128xf32, #tpu.memory_space<vmem>>[vector<16xi32>, vector<16xi32>], vector<16xf32>,
          %parallel_loop3A_414 = arith.constant 0 : i32
          %parallel_loop3A_415 = arith.constant 0 : i32
          %parallel_loop3A_416 = tpu.memref_slice %arg6[%and3A_137, %parallel_loop3A_414, %parallel_loop3A_415] : memref<2x128x128xf32, #tpu.memory_space<vmem>> -> memref<1x128x128xf32, #tpu.memory_space<vmem>>
          %parallel_loop3A_417 = tpu.memref_squeeze %parallel_loop3A_416 : memref<1x128x128xf32, #tpu.memory_space<vmem>> -> memref<128x128xf32, #tpu.memory_space<vmem>>
          tpu.vector_store_idx %parallel_loop3A_417[%parallel_loop3A_213, %parallel_loop3A_408], %parallel_loop3A_413 : memref<128x128xf32, #tpu.memory_space<vmem>>[vector<16xi32>, vector<16xi32>], vector<16xf32>,
          %parallel_loop3A_418 = arith.constant 16 : i32
          %parallel_loop3A_419 = vector.broadcast %parallel_loop3A_418 : i32 to vector<16xi32>
          %parallel_loop3A_420 = arith.addi %and3A_29, %parallel_loop3A_419 : vector<16xi32>
          %parallel_loop3A_421 = arith.constant 0 : i32
          %parallel_loop3A_422 = arith.constant 0 : i32
          %parallel_loop3A_423 = tpu.memref_slice %arg5[%and3A_137, %parallel_loop3A_421, %parallel_loop3A_422] : memref<2x64x128xf32, #tpu.memory_space<vmem>> -> memref<1x64x128xf32, #tpu.memory_space<vmem>>
          %parallel_loop3A_424 = tpu.memref_squeeze %parallel_loop3A_423 : memref<1x64x128xf32, #tpu.memory_space<vmem>> -> memref<64x128xf32, #tpu.memory_space<vmem>>
          %parallel_loop3A_425 = tpu.vector_load_idx %parallel_loop3A_424[%parallel_loop3A_420, %parallel_loop3A_213] : memref<64x128xf32, #tpu.memory_space<vmem>>[vector<16xi32>, vector<16xi32>], vector<16xf32>,
          %parallel_loop3A_426 = arith.constant 0 : i32
          %parallel_loop3A_427 = arith.constant 0 : i32
          %parallel_loop3A_428 = tpu.memref_slice %arg6[%and3A_137, %parallel_loop3A_426, %parallel_loop3A_427] : memref<2x128x128xf32, #tpu.memory_space<vmem>> -> memref<1x128x128xf32, #tpu.memory_space<vmem>>
          %parallel_loop3A_429 = tpu.memref_squeeze %parallel_loop3A_428 : memref<1x128x128xf32, #tpu.memory_space<vmem>> -> memref<128x128xf32, #tpu.memory_space<vmem>>
          tpu.vector_store_idx %parallel_loop3A_429[%parallel_loop3A_213, %parallel_loop3A_420], %parallel_loop3A_425 : memref<128x128xf32, #tpu.memory_space<vmem>>[vector<16xi32>, vector<16xi32>], vector<16xf32>,
          %parallel_loop3A_430 = arith.constant 32 : i32
          %parallel_loop3A_431 = vector.broadcast %parallel_loop3A_430 : i32 to vector<16xi32>
          %parallel_loop3A_432 = arith.addi %and3A_29, %parallel_loop3A_431 : vector<16xi32>
          %parallel_loop3A_433 = arith.constant 0 : i32
          %parallel_loop3A_434 = arith.constant 0 : i32
          %parallel_loop3A_435 = tpu.memref_slice %arg5[%and3A_137, %parallel_loop3A_433, %parallel_loop3A_434] : memref<2x64x128xf32, #tpu.memory_space<vmem>> -> memref<1x64x128xf32, #tpu.memory_space<vmem>>
          %parallel_loop3A_436 = tpu.memref_squeeze %parallel_loop3A_435 : memref<1x64x128xf32, #tpu.memory_space<vmem>> -> memref<64x128xf32, #tpu.memory_space<vmem>>
          %parallel_loop3A_437 = tpu.vector_load_idx %parallel_loop3A_436[%parallel_loop3A_432, %parallel_loop3A_213] : memref<64x128xf32, #tpu.memory_space<vmem>>[vector<16xi32>, vector<16xi32>], vector<16xf32>,
          %parallel_loop3A_438 = arith.constant 0 : i32
          %parallel_loop3A_439 = arith.constant 0 : i32
          %parallel_loop3A_440 = tpu.memref_slice %arg6[%and3A_137, %parallel_loop3A_438, %parallel_loop3A_439] : memref<2x128x128xf32, #tpu.memory_space<vmem>> -> memref<1x128x128xf32, #tpu.memory_space<vmem>>
          %parallel_loop3A_441 = tpu.memref_squeeze %parallel_loop3A_440 : memref<1x128x128xf32, #tpu.memory_space<vmem>> -> memref<128x128xf32, #tpu.memory_space<vmem>>
          tpu.vector_store_idx %parallel_loop3A_441[%parallel_loop3A_213, %parallel_loop3A_432], %parallel_loop3A_437 : memref<128x128xf32, #tpu.memory_space<vmem>>[vector<16xi32>, vector<16xi32>], vector<16xf32>,
          %parallel_loop3A_442 = arith.constant 48 : i32
          %parallel_loop3A_443 = vector.broadcast %parallel_loop3A_442 : i32 to vector<16xi32>
          %parallel_loop3A_444 = arith.addi %and3A_29, %parallel_loop3A_443 : vector<16xi32>
          %parallel_loop3A_445 = arith.constant 0 : i32
          %parallel_loop3A_446 = arith.constant 0 : i32
          %parallel_loop3A_447 = tpu.memref_slice %arg5[%and3A_137, %parallel_loop3A_445, %parallel_loop3A_446] : memref<2x64x128xf32, #tpu.memory_space<vmem>> -> memref<1x64x128xf32, #tpu.memory_space<vmem>>
          %parallel_loop3A_448 = tpu.memref_squeeze %parallel_loop3A_447 : memref<1x64x128xf32, #tpu.memory_space<vmem>> -> memref<64x128xf32, #tpu.memory_space<vmem>>
          %parallel_loop3A_449 = tpu.vector_load_idx %parallel_loop3A_448[%parallel_loop3A_444, %parallel_loop3A_213] : memref<64x128xf32, #tpu.memory_space<vmem>>[vector<16xi32>, vector<16xi32>], vector<16xf32>,
          %parallel_loop3A_450 = arith.constant 0 : i32
          %parallel_loop3A_451 = arith.constant 0 : i32
          %parallel_loop3A_452 = tpu.memref_slice %arg6[%and3A_137, %parallel_loop3A_450, %parallel_loop3A_451] : memref<2x128x128xf32, #tpu.memory_space<vmem>> -> memref<1x128x128xf32, #tpu.memory_space<vmem>>
          %parallel_loop3A_453 = tpu.memref_squeeze %parallel_loop3A_452 : memref<1x128x128xf32, #tpu.memory_space<vmem>> -> memref<128x128xf32, #tpu.memory_space<vmem>>
          tpu.vector_store_idx %parallel_loop3A_453[%parallel_loop3A_213, %parallel_loop3A_444], %parallel_loop3A_449 : memref<128x128xf32, #tpu.memory_space<vmem>>[vector<16xi32>, vector<16xi32>], vector<16xf32>,
          %parallel_loop3A_454 = arith.constant 0 : i32
          %parallel_loop3A_455 = vector.broadcast %parallel_loop3A_454 : i32 to vector<16xi32>
          %parallel_loop3A_456 = arith.addi %and3A_35, %parallel_loop3A_455 : vector<16xi32>
          %parallel_loop3A_457 = arith.constant 0 : i32
          %parallel_loop3A_458 = arith.constant 0 : i32
          %parallel_loop3A_459 = tpu.memref_slice %arg5[%and3A_137, %parallel_loop3A_457, %parallel_loop3A_458] : memref<2x64x128xf32, #tpu.memory_space<vmem>> -> memref<1x64x128xf32, #tpu.memory_space<vmem>>
          %parallel_loop3A_460 = tpu.memref_squeeze %parallel_loop3A_459 : memref<1x64x128xf32, #tpu.memory_space<vmem>> -> memref<64x128xf32, #tpu.memory_space<vmem>>
          %parallel_loop3A_461 = tpu.vector_load_idx %parallel_loop3A_460[%parallel_loop3A_456, %parallel_loop3A_213] : memref<64x128xf32, #tpu.memory_space<vmem>>[vector<16xi32>, vector<16xi32>], vector<16xf32>,
          %parallel_loop3A_462 = arith.constant 0 : i32
          %parallel_loop3A_463 = arith.constant 0 : i32
          %parallel_loop3A_464 = tpu.memref_slice %arg6[%and3A_137, %parallel_loop3A_462, %parallel_loop3A_463] : memref<2x128x128xf32, #tpu.memory_space<vmem>> -> memref<1x128x128xf32, #tpu.memory_space<vmem>>
          %parallel_loop3A_465 = tpu.memref_squeeze %parallel_loop3A_464 : memref<1x128x128xf32, #tpu.memory_space<vmem>> -> memref<128x128xf32, #tpu.memory_space<vmem>>
          tpu.vector_store_idx %parallel_loop3A_465[%parallel_loop3A_213, %parallel_loop3A_456], %parallel_loop3A_461 : memref<128x128xf32, #tpu.memory_space<vmem>>[vector<16xi32>, vector<16xi32>], vector<16xf32>,
          %parallel_loop3A_466 = arith.constant 16 : i32
          %parallel_loop3A_467 = vector.broadcast %parallel_loop3A_466 : i32 to vector<16xi32>
          %parallel_loop3A_468 = arith.addi %and3A_35, %parallel_loop3A_467 : vector<16xi32>
          %parallel_loop3A_469 = arith.constant 0 : i32
          %parallel_loop3A_470 = arith.constant 0 : i32
          %parallel_loop3A_471 = tpu.memref_slice %arg5[%and3A_137, %parallel_loop3A_469, %parallel_loop3A_470] : memref<2x64x128xf32, #tpu.memory_space<vmem>> -> memref<1x64x128xf32, #tpu.memory_space<vmem>>
          %parallel_loop3A_472 = tpu.memref_squeeze %parallel_loop3A_471 : memref<1x64x128xf32, #tpu.memory_space<vmem>> -> memref<64x128xf32, #tpu.memory_space<vmem>>
          %parallel_loop3A_473 = tpu.vector_load_idx %parallel_loop3A_472[%parallel_loop3A_468, %parallel_loop3A_213] : memref<64x128xf32, #tpu.memory_space<vmem>>[vector<16xi32>, vector<16xi32>], vector<16xf32>,
          %parallel_loop3A_474 = arith.constant 0 : i32
          %parallel_loop3A_475 = arith.constant 0 : i32
          %parallel_loop3A_476 = tpu.memref_slice %arg6[%and3A_137, %parallel_loop3A_474, %parallel_loop3A_475] : memref<2x128x128xf32, #tpu.memory_space<vmem>> -> memref<1x128x128xf32, #tpu.memory_space<vmem>>
          %parallel_loop3A_477 = tpu.memref_squeeze %parallel_loop3A_476 : memref<1x128x128xf32, #tpu.memory_space<vmem>> -> memref<128x128xf32, #tpu.memory_space<vmem>>
          tpu.vector_store_idx %parallel_loop3A_477[%parallel_loop3A_213, %parallel_loop3A_468], %parallel_loop3A_473 : memref<128x128xf32, #tpu.memory_space<vmem>>[vector<16xi32>, vector<16xi32>], vector<16xf32>,
          %parallel_loop3A_478 = arith.constant 32 : i32
          %parallel_loop3A_479 = vector.broadcast %parallel_loop3A_478 : i32 to vector<16xi32>
          %parallel_loop3A_480 = arith.addi %and3A_35, %parallel_loop3A_479 : vector<16xi32>
          %parallel_loop3A_481 = arith.constant 0 : i32
          %parallel_loop3A_482 = arith.constant 0 : i32
          %parallel_loop3A_483 = tpu.memref_slice %arg5[%and3A_137, %parallel_loop3A_481, %parallel_loop3A_482] : memref<2x64x128xf32, #tpu.memory_space<vmem>> -> memref<1x64x128xf32, #tpu.memory_space<vmem>>
          %parallel_loop3A_484 = tpu.memref_squeeze %parallel_loop3A_483 : memref<1x64x128xf32, #tpu.memory_space<vmem>> -> memref<64x128xf32, #tpu.memory_space<vmem>>
          %parallel_loop3A_485 = tpu.vector_load_idx %parallel_loop3A_484[%parallel_loop3A_480, %parallel_loop3A_213] : memref<64x128xf32, #tpu.memory_space<vmem>>[vector<16xi32>, vector<16xi32>], vector<16xf32>,
          %parallel_loop3A_486 = arith.constant 0 : i32
          %parallel_loop3A_487 = arith.constant 0 : i32
          %parallel_loop3A_488 = tpu.memref_slice %arg6[%and3A_137, %parallel_loop3A_486, %parallel_loop3A_487] : memref<2x128x128xf32, #tpu.memory_space<vmem>> -> memref<1x128x128xf32, #tpu.memory_space<vmem>>
          %parallel_loop3A_489 = tpu.memref_squeeze %parallel_loop3A_488 : memref<1x128x128xf32, #tpu.memory_space<vmem>> -> memref<128x128xf32, #tpu.memory_space<vmem>>
          tpu.vector_store_idx %parallel_loop3A_489[%parallel_loop3A_213, %parallel_loop3A_480], %parallel_loop3A_485 : memref<128x128xf32, #tpu.memory_space<vmem>>[vector<16xi32>, vector<16xi32>], vector<16xf32>,
          %parallel_loop3A_490 = arith.constant 48 : i32
          %parallel_loop3A_491 = vector.broadcast %parallel_loop3A_490 : i32 to vector<16xi32>
          %parallel_loop3A_492 = arith.addi %and3A_35, %parallel_loop3A_491 : vector<16xi32>
          %parallel_loop3A_493 = arith.constant 0 : i32
          %parallel_loop3A_494 = arith.constant 0 : i32
          %parallel_loop3A_495 = tpu.memref_slice %arg5[%and3A_137, %parallel_loop3A_493, %parallel_loop3A_494] : memref<2x64x128xf32, #tpu.memory_space<vmem>> -> memref<1x64x128xf32, #tpu.memory_space<vmem>>
          %parallel_loop3A_496 = tpu.memref_squeeze %parallel_loop3A_495 : memref<1x64x128xf32, #tpu.memory_space<vmem>> -> memref<64x128xf32, #tpu.memory_space<vmem>>
          %parallel_loop3A_497 = tpu.vector_load_idx %parallel_loop3A_496[%parallel_loop3A_492, %parallel_loop3A_213] : memref<64x128xf32, #tpu.memory_space<vmem>>[vector<16xi32>, vector<16xi32>], vector<16xf32>,
          %parallel_loop3A_498 = arith.constant 0 : i32
          %parallel_loop3A_499 = arith.constant 0 : i32
          %parallel_loop3A_500 = tpu.memref_slice %arg6[%and3A_137, %parallel_loop3A_498, %parallel_loop3A_499] : memref<2x128x128xf32, #tpu.memory_space<vmem>> -> memref<1x128x128xf32, #tpu.memory_space<vmem>>
          %parallel_loop3A_501 = tpu.memref_squeeze %parallel_loop3A_500 : memref<1x128x128xf32, #tpu.memory_space<vmem>> -> memref<128x128xf32, #tpu.memory_space<vmem>>
          tpu.vector_store_idx %parallel_loop3A_501[%parallel_loop3A_213, %parallel_loop3A_492], %parallel_loop3A_497 : memref<128x128xf32, #tpu.memory_space<vmem>>[vector<16xi32>, vector<16xi32>], vector<16xf32>,
          %parallel_loop3A_502 = arith.constant 0 : i32
          %parallel_loop3A_503 = vector.broadcast %parallel_loop3A_502 : i32 to vector<16xi32>
          %parallel_loop3A_504 = arith.addi %and3A_41, %parallel_loop3A_503 : vector<16xi32>
          %parallel_loop3A_505 = arith.constant 0 : i32
          %parallel_loop3A_506 = arith.constant 0 : i32
          %parallel_loop3A_507 = tpu.memref_slice %arg5[%and3A_137, %parallel_loop3A_505, %parallel_loop3A_506] : memref<2x64x128xf32, #tpu.memory_space<vmem>> -> memref<1x64x128xf32, #tpu.memory_space<vmem>>
          %parallel_loop3A_508 = tpu.memref_squeeze %parallel_loop3A_507 : memref<1x64x128xf32, #tpu.memory_space<vmem>> -> memref<64x128xf32, #tpu.memory_space<vmem>>
          %parallel_loop3A_509 = tpu.vector_load_idx %parallel_loop3A_508[%parallel_loop3A_504, %parallel_loop3A_213] : memref<64x128xf32, #tpu.memory_space<vmem>>[vector<16xi32>, vector<16xi32>], vector<16xf32>,
          %parallel_loop3A_510 = arith.constant 0 : i32
          %parallel_loop3A_511 = arith.constant 0 : i32
          %parallel_loop3A_512 = tpu.memref_slice %arg6[%and3A_137, %parallel_loop3A_510, %parallel_loop3A_511] : memref<2x128x128xf32, #tpu.memory_space<vmem>> -> memref<1x128x128xf32, #tpu.memory_space<vmem>>
          %parallel_loop3A_513 = tpu.memref_squeeze %parallel_loop3A_512 : memref<1x128x128xf32, #tpu.memory_space<vmem>> -> memref<128x128xf32, #tpu.memory_space<vmem>>
          tpu.vector_store_idx %parallel_loop3A_513[%parallel_loop3A_213, %parallel_loop3A_504], %parallel_loop3A_509 : memref<128x128xf32, #tpu.memory_space<vmem>>[vector<16xi32>, vector<16xi32>], vector<16xf32>,
          %parallel_loop3A_514 = arith.constant 16 : i32
          %parallel_loop3A_515 = vector.broadcast %parallel_loop3A_514 : i32 to vector<16xi32>
          %parallel_loop3A_516 = arith.addi %and3A_41, %parallel_loop3A_515 : vector<16xi32>
          %parallel_loop3A_517 = arith.constant 0 : i32
          %parallel_loop3A_518 = arith.constant 0 : i32
          %parallel_loop3A_519 = tpu.memref_slice %arg5[%and3A_137, %parallel_loop3A_517, %parallel_loop3A_518] : memref<2x64x128xf32, #tpu.memory_space<vmem>> -> memref<1x64x128xf32, #tpu.memory_space<vmem>>
          %parallel_loop3A_520 = tpu.memref_squeeze %parallel_loop3A_519 : memref<1x64x128xf32, #tpu.memory_space<vmem>> -> memref<64x128xf32, #tpu.memory_space<vmem>>
          %parallel_loop3A_521 = tpu.vector_load_idx %parallel_loop3A_520[%parallel_loop3A_516, %parallel_loop3A_213] : memref<64x128xf32, #tpu.memory_space<vmem>>[vector<16xi32>, vector<16xi32>], vector<16xf32>,
          %parallel_loop3A_522 = arith.constant 0 : i32
          %parallel_loop3A_523 = arith.constant 0 : i32
          %parallel_loop3A_524 = tpu.memref_slice %arg6[%and3A_137, %parallel_loop3A_522, %parallel_loop3A_523] : memref<2x128x128xf32, #tpu.memory_space<vmem>> -> memref<1x128x128xf32, #tpu.memory_space<vmem>>
          %parallel_loop3A_525 = tpu.memref_squeeze %parallel_loop3A_524 : memref<1x128x128xf32, #tpu.memory_space<vmem>> -> memref<128x128xf32, #tpu.memory_space<vmem>>
          tpu.vector_store_idx %parallel_loop3A_525[%parallel_loop3A_213, %parallel_loop3A_516], %parallel_loop3A_521 : memref<128x128xf32, #tpu.memory_space<vmem>>[vector<16xi32>, vector<16xi32>], vector<16xf32>,
          %parallel_loop3A_526 = arith.constant 32 : i32
          %parallel_loop3A_527 = vector.broadcast %parallel_loop3A_526 : i32 to vector<16xi32>
          %parallel_loop3A_528 = arith.addi %and3A_41, %parallel_loop3A_527 : vector<16xi32>
          %parallel_loop3A_529 = arith.constant 0 : i32
          %parallel_loop3A_530 = arith.constant 0 : i32
          %parallel_loop3A_531 = tpu.memref_slice %arg5[%and3A_137, %parallel_loop3A_529, %parallel_loop3A_530] : memref<2x64x128xf32, #tpu.memory_space<vmem>> -> memref<1x64x128xf32, #tpu.memory_space<vmem>>
          %parallel_loop3A_532 = tpu.memref_squeeze %parallel_loop3A_531 : memref<1x64x128xf32, #tpu.memory_space<vmem>> -> memref<64x128xf32, #tpu.memory_space<vmem>>
          %parallel_loop3A_533 = tpu.vector_load_idx %parallel_loop3A_532[%parallel_loop3A_528, %parallel_loop3A_213] : memref<64x128xf32, #tpu.memory_space<vmem>>[vector<16xi32>, vector<16xi32>], vector<16xf32>,
          %parallel_loop3A_534 = arith.constant 0 : i32
          %parallel_loop3A_535 = arith.constant 0 : i32
          %parallel_loop3A_536 = tpu.memref_slice %arg6[%and3A_137, %parallel_loop3A_534, %parallel_loop3A_535] : memref<2x128x128xf32, #tpu.memory_space<vmem>> -> memref<1x128x128xf32, #tpu.memory_space<vmem>>
          %parallel_loop3A_537 = tpu.memref_squeeze %parallel_loop3A_536 : memref<1x128x128xf32, #tpu.memory_space<vmem>> -> memref<128x128xf32, #tpu.memory_space<vmem>>
          tpu.vector_store_idx %parallel_loop3A_537[%parallel_loop3A_213, %parallel_loop3A_528], %parallel_loop3A_533 : memref<128x128xf32, #tpu.memory_space<vmem>>[vector<16xi32>, vector<16xi32>], vector<16xf32>,
          %parallel_loop3A_538 = arith.constant 48 : i32
          %parallel_loop3A_539 = vector.broadcast %parallel_loop3A_538 : i32 to vector<16xi32>
          %parallel_loop3A_540 = arith.addi %and3A_41, %parallel_loop3A_539 : vector<16xi32>
          %parallel_loop3A_541 = arith.constant 0 : i32
          %parallel_loop3A_542 = arith.constant 0 : i32
          %parallel_loop3A_543 = tpu.memref_slice %arg5[%and3A_137, %parallel_loop3A_541, %parallel_loop3A_542] : memref<2x64x128xf32, #tpu.memory_space<vmem>> -> memref<1x64x128xf32, #tpu.memory_space<vmem>>
          %parallel_loop3A_544 = tpu.memref_squeeze %parallel_loop3A_543 : memref<1x64x128xf32, #tpu.memory_space<vmem>> -> memref<64x128xf32, #tpu.memory_space<vmem>>
          %parallel_loop3A_545 = tpu.vector_load_idx %parallel_loop3A_544[%parallel_loop3A_540, %parallel_loop3A_213] : memref<64x128xf32, #tpu.memory_space<vmem>>[vector<16xi32>, vector<16xi32>], vector<16xf32>,
          %parallel_loop3A_546 = arith.constant 0 : i32
          %parallel_loop3A_547 = arith.constant 0 : i32
          %parallel_loop3A_548 = tpu.memref_slice %arg6[%and3A_137, %parallel_loop3A_546, %parallel_loop3A_547] : memref<2x128x128xf32, #tpu.memory_space<vmem>> -> memref<1x128x128xf32, #tpu.memory_space<vmem>>
          %parallel_loop3A_549 = tpu.memref_squeeze %parallel_loop3A_548 : memref<1x128x128xf32, #tpu.memory_space<vmem>> -> memref<128x128xf32, #tpu.memory_space<vmem>>
          tpu.vector_store_idx %parallel_loop3A_549[%parallel_loop3A_213, %parallel_loop3A_540], %parallel_loop3A_545 : memref<128x128xf32, #tpu.memory_space<vmem>>[vector<16xi32>, vector<16xi32>], vector<16xf32>,
          %parallel_loop3A_550 = arith.constant 0 : i32
          %parallel_loop3A_551 = vector.broadcast %parallel_loop3A_550 : i32 to vector<16xi32>
          %parallel_loop3A_552 = arith.addi %and3A_47, %parallel_loop3A_551 : vector<16xi32>
          %parallel_loop3A_553 = arith.constant 0 : i32
          %parallel_loop3A_554 = arith.constant 0 : i32
          %parallel_loop3A_555 = tpu.memref_slice %arg5[%and3A_137, %parallel_loop3A_553, %parallel_loop3A_554] : memref<2x64x128xf32, #tpu.memory_space<vmem>> -> memref<1x64x128xf32, #tpu.memory_space<vmem>>
          %parallel_loop3A_556 = tpu.memref_squeeze %parallel_loop3A_555 : memref<1x64x128xf32, #tpu.memory_space<vmem>> -> memref<64x128xf32, #tpu.memory_space<vmem>>
          %parallel_loop3A_557 = tpu.vector_load_idx %parallel_loop3A_556[%parallel_loop3A_552, %parallel_loop3A_213] : memref<64x128xf32, #tpu.memory_space<vmem>>[vector<16xi32>, vector<16xi32>], vector<16xf32>,
          %parallel_loop3A_558 = arith.constant 0 : i32
          %parallel_loop3A_559 = arith.constant 0 : i32
          %parallel_loop3A_560 = tpu.memref_slice %arg6[%and3A_137, %parallel_loop3A_558, %parallel_loop3A_559] : memref<2x128x128xf32, #tpu.memory_space<vmem>> -> memref<1x128x128xf32, #tpu.memory_space<vmem>>
          %parallel_loop3A_561 = tpu.memref_squeeze %parallel_loop3A_560 : memref<1x128x128xf32, #tpu.memory_space<vmem>> -> memref<128x128xf32, #tpu.memory_space<vmem>>
          tpu.vector_store_idx %parallel_loop3A_561[%parallel_loop3A_213, %parallel_loop3A_552], %parallel_loop3A_557 : memref<128x128xf32, #tpu.memory_space<vmem>>[vector<16xi32>, vector<16xi32>], vector<16xf32>,
          %parallel_loop3A_562 = arith.constant 16 : i32
          %parallel_loop3A_563 = vector.broadcast %parallel_loop3A_562 : i32 to vector<16xi32>
          %parallel_loop3A_564 = arith.addi %and3A_47, %parallel_loop3A_563 : vector<16xi32>
          %parallel_loop3A_565 = arith.constant 0 : i32
          %parallel_loop3A_566 = arith.constant 0 : i32
          %parallel_loop3A_567 = tpu.memref_slice %arg5[%and3A_137, %parallel_loop3A_565, %parallel_loop3A_566] : memref<2x64x128xf32, #tpu.memory_space<vmem>> -> memref<1x64x128xf32, #tpu.memory_space<vmem>>
          %parallel_loop3A_568 = tpu.memref_squeeze %parallel_loop3A_567 : memref<1x64x128xf32, #tpu.memory_space<vmem>> -> memref<64x128xf32, #tpu.memory_space<vmem>>
          %parallel_loop3A_569 = tpu.vector_load_idx %parallel_loop3A_568[%parallel_loop3A_564, %parallel_loop3A_213] : memref<64x128xf32, #tpu.memory_space<vmem>>[vector<16xi32>, vector<16xi32>], vector<16xf32>,
          %parallel_loop3A_570 = arith.constant 0 : i32
          %parallel_loop3A_571 = arith.constant 0 : i32
          %parallel_loop3A_572 = tpu.memref_slice %arg6[%and3A_137, %parallel_loop3A_570, %parallel_loop3A_571] : memref<2x128x128xf32, #tpu.memory_space<vmem>> -> memref<1x128x128xf32, #tpu.memory_space<vmem>>
          %parallel_loop3A_573 = tpu.memref_squeeze %parallel_loop3A_572 : memref<1x128x128xf32, #tpu.memory_space<vmem>> -> memref<128x128xf32, #tpu.memory_space<vmem>>
          tpu.vector_store_idx %parallel_loop3A_573[%parallel_loop3A_213, %parallel_loop3A_564], %parallel_loop3A_569 : memref<128x128xf32, #tpu.memory_space<vmem>>[vector<16xi32>, vector<16xi32>], vector<16xf32>,
          %parallel_loop3A_574 = arith.constant 32 : i32
          %parallel_loop3A_575 = vector.broadcast %parallel_loop3A_574 : i32 to vector<16xi32>
          %parallel_loop3A_576 = arith.addi %and3A_47, %parallel_loop3A_575 : vector<16xi32>
          %parallel_loop3A_577 = arith.constant 0 : i32
          %parallel_loop3A_578 = arith.constant 0 : i32
          %parallel_loop3A_579 = tpu.memref_slice %arg5[%and3A_137, %parallel_loop3A_577, %parallel_loop3A_578] : memref<2x64x128xf32, #tpu.memory_space<vmem>> -> memref<1x64x128xf32, #tpu.memory_space<vmem>>
          %parallel_loop3A_580 = tpu.memref_squeeze %parallel_loop3A_579 : memref<1x64x128xf32, #tpu.memory_space<vmem>> -> memref<64x128xf32, #tpu.memory_space<vmem>>
          %parallel_loop3A_581 = tpu.vector_load_idx %parallel_loop3A_580[%parallel_loop3A_576, %parallel_loop3A_213] : memref<64x128xf32, #tpu.memory_space<vmem>>[vector<16xi32>, vector<16xi32>], vector<16xf32>,
          %parallel_loop3A_582 = arith.constant 0 : i32
          %parallel_loop3A_583 = arith.constant 0 : i32
          %parallel_loop3A_584 = tpu.memref_slice %arg6[%and3A_137, %parallel_loop3A_582, %parallel_loop3A_583] : memref<2x128x128xf32, #tpu.memory_space<vmem>> -> memref<1x128x128xf32, #tpu.memory_space<vmem>>
          %parallel_loop3A_585 = tpu.memref_squeeze %parallel_loop3A_584 : memref<1x128x128xf32, #tpu.memory_space<vmem>> -> memref<128x128xf32, #tpu.memory_space<vmem>>
          tpu.vector_store_idx %parallel_loop3A_585[%parallel_loop3A_213, %parallel_loop3A_576], %parallel_loop3A_581 : memref<128x128xf32, #tpu.memory_space<vmem>>[vector<16xi32>, vector<16xi32>], vector<16xf32>,
          %parallel_loop3A_586 = arith.constant 48 : i32
          %parallel_loop3A_587 = vector.broadcast %parallel_loop3A_586 : i32 to vector<16xi32>
          %parallel_loop3A_588 = arith.addi %and3A_47, %parallel_loop3A_587 : vector<16xi32>
          %parallel_loop3A_589 = arith.constant 0 : i32
          %parallel_loop3A_590 = arith.constant 0 : i32
          %parallel_loop3A_591 = tpu.memref_slice %arg5[%and3A_137, %parallel_loop3A_589, %parallel_loop3A_590] : memref<2x64x128xf32, #tpu.memory_space<vmem>> -> memref<1x64x128xf32, #tpu.memory_space<vmem>>
          %parallel_loop3A_592 = tpu.memref_squeeze %parallel_loop3A_591 : memref<1x64x128xf32, #tpu.memory_space<vmem>> -> memref<64x128xf32, #tpu.memory_space<vmem>>
          %parallel_loop3A_593 = tpu.vector_load_idx %parallel_loop3A_592[%parallel_loop3A_588, %parallel_loop3A_213] : memref<64x128xf32, #tpu.memory_space<vmem>>[vector<16xi32>, vector<16xi32>], vector<16xf32>,
          %parallel_loop3A_594 = arith.constant 0 : i32
          %parallel_loop3A_595 = arith.constant 0 : i32
          %parallel_loop3A_596 = tpu.memref_slice %arg6[%and3A_137, %parallel_loop3A_594, %parallel_loop3A_595] : memref<2x128x128xf32, #tpu.memory_space<vmem>> -> memref<1x128x128xf32, #tpu.memory_space<vmem>>
          %parallel_loop3A_597 = tpu.memref_squeeze %parallel_loop3A_596 : memref<1x128x128xf32, #tpu.memory_space<vmem>> -> memref<128x128xf32, #tpu.memory_space<vmem>>
          tpu.vector_store_idx %parallel_loop3A_597[%parallel_loop3A_213, %parallel_loop3A_588], %parallel_loop3A_593 : memref<128x128xf32, #tpu.memory_space<vmem>>[vector<16xi32>, vector<16xi32>], vector<16xf32>,
          %parallel_loop3A_598 = arith.constant 0 : i32
          %parallel_loop3A_599 = vector.broadcast %parallel_loop3A_598 : i32 to vector<16xi32>
          %parallel_loop3A_600 = arith.addi %and3A_53, %parallel_loop3A_599 : vector<16xi32>
          %parallel_loop3A_601 = arith.constant 0 : i32
          %parallel_loop3A_602 = arith.constant 0 : i32
          %parallel_loop3A_603 = tpu.memref_slice %arg5[%and3A_137, %parallel_loop3A_601, %parallel_loop3A_602] : memref<2x64x128xf32, #tpu.memory_space<vmem>> -> memref<1x64x128xf32, #tpu.memory_space<vmem>>
          %parallel_loop3A_604 = tpu.memref_squeeze %parallel_loop3A_603 : memref<1x64x128xf32, #tpu.memory_space<vmem>> -> memref<64x128xf32, #tpu.memory_space<vmem>>
          %parallel_loop3A_605 = tpu.vector_load_idx %parallel_loop3A_604[%parallel_loop3A_600, %parallel_loop3A_213] : memref<64x128xf32, #tpu.memory_space<vmem>>[vector<16xi32>, vector<16xi32>], vector<16xf32>,
          %parallel_loop3A_606 = arith.constant 0 : i32
          %parallel_loop3A_607 = arith.constant 0 : i32
          %parallel_loop3A_608 = tpu.memref_slice %arg6[%and3A_137, %parallel_loop3A_606, %parallel_loop3A_607] : memref<2x128x128xf32, #tpu.memory_space<vmem>> -> memref<1x128x128xf32, #tpu.memory_space<vmem>>
          %parallel_loop3A_609 = tpu.memref_squeeze %parallel_loop3A_608 : memref<1x128x128xf32, #tpu.memory_space<vmem>> -> memref<128x128xf32, #tpu.memory_space<vmem>>
          tpu.vector_store_idx %parallel_loop3A_609[%parallel_loop3A_213, %parallel_loop3A_600], %parallel_loop3A_605 : memref<128x128xf32, #tpu.memory_space<vmem>>[vector<16xi32>, vector<16xi32>], vector<16xf32>,
          %parallel_loop3A_610 = arith.constant 16 : i32
          %parallel_loop3A_611 = vector.broadcast %parallel_loop3A_610 : i32 to vector<16xi32>
          %parallel_loop3A_612 = arith.addi %and3A_53, %parallel_loop3A_611 : vector<16xi32>
          %parallel_loop3A_613 = arith.constant 0 : i32
          %parallel_loop3A_614 = arith.constant 0 : i32
          %parallel_loop3A_615 = tpu.memref_slice %arg5[%and3A_137, %parallel_loop3A_613, %parallel_loop3A_614] : memref<2x64x128xf32, #tpu.memory_space<vmem>> -> memref<1x64x128xf32, #tpu.memory_space<vmem>>
          %parallel_loop3A_616 = tpu.memref_squeeze %parallel_loop3A_615 : memref<1x64x128xf32, #tpu.memory_space<vmem>> -> memref<64x128xf32, #tpu.memory_space<vmem>>
          %parallel_loop3A_617 = tpu.vector_load_idx %parallel_loop3A_616[%parallel_loop3A_612, %parallel_loop3A_213] : memref<64x128xf32, #tpu.memory_space<vmem>>[vector<16xi32>, vector<16xi32>], vector<16xf32>,
          %parallel_loop3A_618 = arith.constant 0 : i32
          %parallel_loop3A_619 = arith.constant 0 : i32
          %parallel_loop3A_620 = tpu.memref_slice %arg6[%and3A_137, %parallel_loop3A_618, %parallel_loop3A_619] : memref<2x128x128xf32, #tpu.memory_space<vmem>> -> memref<1x128x128xf32, #tpu.memory_space<vmem>>
          %parallel_loop3A_621 = tpu.memref_squeeze %parallel_loop3A_620 : memref<1x128x128xf32, #tpu.memory_space<vmem>> -> memref<128x128xf32, #tpu.memory_space<vmem>>
          tpu.vector_store_idx %parallel_loop3A_621[%parallel_loop3A_213, %parallel_loop3A_612], %parallel_loop3A_617 : memref<128x128xf32, #tpu.memory_space<vmem>>[vector<16xi32>, vector<16xi32>], vector<16xf32>,
          %parallel_loop3A_622 = arith.constant 32 : i32
          %parallel_loop3A_623 = vector.broadcast %parallel_loop3A_622 : i32 to vector<16xi32>
          %parallel_loop3A_624 = arith.addi %and3A_53, %parallel_loop3A_623 : vector<16xi32>
          %parallel_loop3A_625 = arith.constant 0 : i32
          %parallel_loop3A_626 = arith.constant 0 : i32
          %parallel_loop3A_627 = tpu.memref_slice %arg5[%and3A_137, %parallel_loop3A_625, %parallel_loop3A_626] : memref<2x64x128xf32, #tpu.memory_space<vmem>> -> memref<1x64x128xf32, #tpu.memory_space<vmem>>
          %parallel_loop3A_628 = tpu.memref_squeeze %parallel_loop3A_627 : memref<1x64x128xf32, #tpu.memory_space<vmem>> -> memref<64x128xf32, #tpu.memory_space<vmem>>
          %parallel_loop3A_629 = tpu.vector_load_idx %parallel_loop3A_628[%parallel_loop3A_624, %parallel_loop3A_213] : memref<64x128xf32, #tpu.memory_space<vmem>>[vector<16xi32>, vector<16xi32>], vector<16xf32>,
          %parallel_loop3A_630 = arith.constant 0 : i32
          %parallel_loop3A_631 = arith.constant 0 : i32
          %parallel_loop3A_632 = tpu.memref_slice %arg6[%and3A_137, %parallel_loop3A_630, %parallel_loop3A_631] : memref<2x128x128xf32, #tpu.memory_space<vmem>> -> memref<1x128x128xf32, #tpu.memory_space<vmem>>
          %parallel_loop3A_633 = tpu.memref_squeeze %parallel_loop3A_632 : memref<1x128x128xf32, #tpu.memory_space<vmem>> -> memref<128x128xf32, #tpu.memory_space<vmem>>
          tpu.vector_store_idx %parallel_loop3A_633[%parallel_loop3A_213, %parallel_loop3A_624], %parallel_loop3A_629 : memref<128x128xf32, #tpu.memory_space<vmem>>[vector<16xi32>, vector<16xi32>], vector<16xf32>,
          %parallel_loop3A_634 = arith.constant 48 : i32
          %parallel_loop3A_635 = vector.broadcast %parallel_loop3A_634 : i32 to vector<16xi32>
          %parallel_loop3A_636 = arith.addi %and3A_53, %parallel_loop3A_635 : vector<16xi32>
          %parallel_loop3A_637 = arith.constant 0 : i32
          %parallel_loop3A_638 = arith.constant 0 : i32
          %parallel_loop3A_639 = tpu.memref_slice %arg5[%and3A_137, %parallel_loop3A_637, %parallel_loop3A_638] : memref<2x64x128xf32, #tpu.memory_space<vmem>> -> memref<1x64x128xf32, #tpu.memory_space<vmem>>
          %parallel_loop3A_640 = tpu.memref_squeeze %parallel_loop3A_639 : memref<1x64x128xf32, #tpu.memory_space<vmem>> -> memref<64x128xf32, #tpu.memory_space<vmem>>
          %parallel_loop3A_641 = tpu.vector_load_idx %parallel_loop3A_640[%parallel_loop3A_636, %parallel_loop3A_213] : memref<64x128xf32, #tpu.memory_space<vmem>>[vector<16xi32>, vector<16xi32>], vector<16xf32>,
          %parallel_loop3A_642 = arith.constant 0 : i32
          %parallel_loop3A_643 = arith.constant 0 : i32
          %parallel_loop3A_644 = tpu.memref_slice %arg6[%and3A_137, %parallel_loop3A_642, %parallel_loop3A_643] : memref<2x128x128xf32, #tpu.memory_space<vmem>> -> memref<1x128x128xf32, #tpu.memory_space<vmem>>
          %parallel_loop3A_645 = tpu.memref_squeeze %parallel_loop3A_644 : memref<1x128x128xf32, #tpu.memory_space<vmem>> -> memref<128x128xf32, #tpu.memory_space<vmem>>
          tpu.vector_store_idx %parallel_loop3A_645[%parallel_loop3A_213, %parallel_loop3A_636], %parallel_loop3A_641 : memref<128x128xf32, #tpu.memory_space<vmem>>[vector<16xi32>, vector<16xi32>], vector<16xf32>,
          %parallel_loop3A_646 = arith.constant 0 : i32
          %parallel_loop3A_647 = vector.broadcast %parallel_loop3A_646 : i32 to vector<16xi32>
          %parallel_loop3A_648 = arith.addi %and3A_59, %parallel_loop3A_647 : vector<16xi32>
          %parallel_loop3A_649 = arith.constant 0 : i32
          %parallel_loop3A_650 = arith.constant 0 : i32
          %parallel_loop3A_651 = tpu.memref_slice %arg5[%and3A_137, %parallel_loop3A_649, %parallel_loop3A_650] : memref<2x64x128xf32, #tpu.memory_space<vmem>> -> memref<1x64x128xf32, #tpu.memory_space<vmem>>
          %parallel_loop3A_652 = tpu.memref_squeeze %parallel_loop3A_651 : memref<1x64x128xf32, #tpu.memory_space<vmem>> -> memref<64x128xf32, #tpu.memory_space<vmem>>
          %parallel_loop3A_653 = tpu.vector_load_idx %parallel_loop3A_652[%parallel_loop3A_648, %parallel_loop3A_213] : memref<64x128xf32, #tpu.memory_space<vmem>>[vector<16xi32>, vector<16xi32>], vector<16xf32>,
          %parallel_loop3A_654 = arith.constant 0 : i32
          %parallel_loop3A_655 = arith.constant 0 : i32
          %parallel_loop3A_656 = tpu.memref_slice %arg6[%and3A_137, %parallel_loop3A_654, %parallel_loop3A_655] : memref<2x128x128xf32, #tpu.memory_space<vmem>> -> memref<1x128x128xf32, #tpu.memory_space<vmem>>
          %parallel_loop3A_657 = tpu.memref_squeeze %parallel_loop3A_656 : memref<1x128x128xf32, #tpu.memory_space<vmem>> -> memref<128x128xf32, #tpu.memory_space<vmem>>
          tpu.vector_store_idx %parallel_loop3A_657[%parallel_loop3A_213, %parallel_loop3A_648], %parallel_loop3A_653 : memref<128x128xf32, #tpu.memory_space<vmem>>[vector<16xi32>, vector<16xi32>], vector<16xf32>,
          %parallel_loop3A_658 = arith.constant 16 : i32
          %parallel_loop3A_659 = vector.broadcast %parallel_loop3A_658 : i32 to vector<16xi32>
          %parallel_loop3A_660 = arith.addi %and3A_59, %parallel_loop3A_659 : vector<16xi32>
          %parallel_loop3A_661 = arith.constant 0 : i32
          %parallel_loop3A_662 = arith.constant 0 : i32
          %parallel_loop3A_663 = tpu.memref_slice %arg5[%and3A_137, %parallel_loop3A_661, %parallel_loop3A_662] : memref<2x64x128xf32, #tpu.memory_space<vmem>> -> memref<1x64x128xf32, #tpu.memory_space<vmem>>
          %parallel_loop3A_664 = tpu.memref_squeeze %parallel_loop3A_663 : memref<1x64x128xf32, #tpu.memory_space<vmem>> -> memref<64x128xf32, #tpu.memory_space<vmem>>
          %parallel_loop3A_665 = tpu.vector_load_idx %parallel_loop3A_664[%parallel_loop3A_660, %parallel_loop3A_213] : memref<64x128xf32, #tpu.memory_space<vmem>>[vector<16xi32>, vector<16xi32>], vector<16xf32>,
          %parallel_loop3A_666 = arith.constant 0 : i32
          %parallel_loop3A_667 = arith.constant 0 : i32
          %parallel_loop3A_668 = tpu.memref_slice %arg6[%and3A_137, %parallel_loop3A_666, %parallel_loop3A_667] : memref<2x128x128xf32, #tpu.memory_space<vmem>> -> memref<1x128x128xf32, #tpu.memory_space<vmem>>
          %parallel_loop3A_669 = tpu.memref_squeeze %parallel_loop3A_668 : memref<1x128x128xf32, #tpu.memory_space<vmem>> -> memref<128x128xf32, #tpu.memory_space<vmem>>
          tpu.vector_store_idx %parallel_loop3A_669[%parallel_loop3A_213, %parallel_loop3A_660], %parallel_loop3A_665 : memref<128x128xf32, #tpu.memory_space<vmem>>[vector<16xi32>, vector<16xi32>], vector<16xf32>,
          %parallel_loop3A_670 = arith.constant 32 : i32
          %parallel_loop3A_671 = vector.broadcast %parallel_loop3A_670 : i32 to vector<16xi32>
          %parallel_loop3A_672 = arith.addi %and3A_59, %parallel_loop3A_671 : vector<16xi32>
          %parallel_loop3A_673 = arith.constant 0 : i32
          %parallel_loop3A_674 = arith.constant 0 : i32
          %parallel_loop3A_675 = tpu.memref_slice %arg5[%and3A_137, %parallel_loop3A_673, %parallel_loop3A_674] : memref<2x64x128xf32, #tpu.memory_space<vmem>> -> memref<1x64x128xf32, #tpu.memory_space<vmem>>
          %parallel_loop3A_676 = tpu.memref_squeeze %parallel_loop3A_675 : memref<1x64x128xf32, #tpu.memory_space<vmem>> -> memref<64x128xf32, #tpu.memory_space<vmem>>
          %parallel_loop3A_677 = tpu.vector_load_idx %parallel_loop3A_676[%parallel_loop3A_672, %parallel_loop3A_213] : memref<64x128xf32, #tpu.memory_space<vmem>>[vector<16xi32>, vector<16xi32>], vector<16xf32>,
          %parallel_loop3A_678 = arith.constant 0 : i32
          %parallel_loop3A_679 = arith.constant 0 : i32
          %parallel_loop3A_680 = tpu.memref_slice %arg6[%and3A_137, %parallel_loop3A_678, %parallel_loop3A_679] : memref<2x128x128xf32, #tpu.memory_space<vmem>> -> memref<1x128x128xf32, #tpu.memory_space<vmem>>
          %parallel_loop3A_681 = tpu.memref_squeeze %parallel_loop3A_680 : memref<1x128x128xf32, #tpu.memory_space<vmem>> -> memref<128x128xf32, #tpu.memory_space<vmem>>
          tpu.vector_store_idx %parallel_loop3A_681[%parallel_loop3A_213, %parallel_loop3A_672], %parallel_loop3A_677 : memref<128x128xf32, #tpu.memory_space<vmem>>[vector<16xi32>, vector<16xi32>], vector<16xf32>,
          %parallel_loop3A_682 = arith.constant 48 : i32
          %parallel_loop3A_683 = vector.broadcast %parallel_loop3A_682 : i32 to vector<16xi32>
          %parallel_loop3A_684 = arith.addi %and3A_59, %parallel_loop3A_683 : vector<16xi32>
          %parallel_loop3A_685 = arith.constant 0 : i32
          %parallel_loop3A_686 = arith.constant 0 : i32
          %parallel_loop3A_687 = tpu.memref_slice %arg5[%and3A_137, %parallel_loop3A_685, %parallel_loop3A_686] : memref<2x64x128xf32, #tpu.memory_space<vmem>> -> memref<1x64x128xf32, #tpu.memory_space<vmem>>
          %parallel_loop3A_688 = tpu.memref_squeeze %parallel_loop3A_687 : memref<1x64x128xf32, #tpu.memory_space<vmem>> -> memref<64x128xf32, #tpu.memory_space<vmem>>
          %parallel_loop3A_689 = tpu.vector_load_idx %parallel_loop3A_688[%parallel_loop3A_684, %parallel_loop3A_213] : memref<64x128xf32, #tpu.memory_space<vmem>>[vector<16xi32>, vector<16xi32>], vector<16xf32>,
          %parallel_loop3A_690 = arith.constant 0 : i32
          %parallel_loop3A_691 = arith.constant 0 : i32
          %parallel_loop3A_692 = tpu.memref_slice %arg6[%and3A_137, %parallel_loop3A_690, %parallel_loop3A_691] : memref<2x128x128xf32, #tpu.memory_space<vmem>> -> memref<1x128x128xf32, #tpu.memory_space<vmem>>
          %parallel_loop3A_693 = tpu.memref_squeeze %parallel_loop3A_692 : memref<1x128x128xf32, #tpu.memory_space<vmem>> -> memref<128x128xf32, #tpu.memory_space<vmem>>
          tpu.vector_store_idx %parallel_loop3A_693[%parallel_loop3A_213, %parallel_loop3A_684], %parallel_loop3A_689 : memref<128x128xf32, #tpu.memory_space<vmem>>[vector<16xi32>, vector<16xi32>], vector<16xf32>,
          %parallel_loop3A_694 = arith.constant 0 : i32
          %parallel_loop3A_695 = vector.broadcast %parallel_loop3A_694 : i32 to vector<16xi32>
          %parallel_loop3A_696 = arith.addi %and3A_65, %parallel_loop3A_695 : vector<16xi32>
          %parallel_loop3A_697 = arith.constant 0 : i32
          %parallel_loop3A_698 = arith.constant 0 : i32
          %parallel_loop3A_699 = tpu.memref_slice %arg5[%and3A_137, %parallel_loop3A_697, %parallel_loop3A_698] : memref<2x64x128xf32, #tpu.memory_space<vmem>> -> memref<1x64x128xf32, #tpu.memory_space<vmem>>
          %parallel_loop3A_700 = tpu.memref_squeeze %parallel_loop3A_699 : memref<1x64x128xf32, #tpu.memory_space<vmem>> -> memref<64x128xf32, #tpu.memory_space<vmem>>
          %parallel_loop3A_701 = tpu.vector_load_idx %parallel_loop3A_700[%parallel_loop3A_696, %parallel_loop3A_213] : memref<64x128xf32, #tpu.memory_space<vmem>>[vector<16xi32>, vector<16xi32>], vector<16xf32>,
          %parallel_loop3A_702 = arith.constant 0 : i32
          %parallel_loop3A_703 = arith.constant 0 : i32
          %parallel_loop3A_704 = tpu.memref_slice %arg6[%and3A_137, %parallel_loop3A_702, %parallel_loop3A_703] : memref<2x128x128xf32, #tpu.memory_space<vmem>> -> memref<1x128x128xf32, #tpu.memory_space<vmem>>
          %parallel_loop3A_705 = tpu.memref_squeeze %parallel_loop3A_704 : memref<1x128x128xf32, #tpu.memory_space<vmem>> -> memref<128x128xf32, #tpu.memory_space<vmem>>
          tpu.vector_store_idx %parallel_loop3A_705[%parallel_loop3A_213, %parallel_loop3A_696], %parallel_loop3A_701 : memref<128x128xf32, #tpu.memory_space<vmem>>[vector<16xi32>, vector<16xi32>], vector<16xf32>,
          %parallel_loop3A_706 = arith.constant 16 : i32
          %parallel_loop3A_707 = vector.broadcast %parallel_loop3A_706 : i32 to vector<16xi32>
          %parallel_loop3A_708 = arith.addi %and3A_65, %parallel_loop3A_707 : vector<16xi32>
          %parallel_loop3A_709 = arith.constant 0 : i32
          %parallel_loop3A_710 = arith.constant 0 : i32
          %parallel_loop3A_711 = tpu.memref_slice %arg5[%and3A_137, %parallel_loop3A_709, %parallel_loop3A_710] : memref<2x64x128xf32, #tpu.memory_space<vmem>> -> memref<1x64x128xf32, #tpu.memory_space<vmem>>
          %parallel_loop3A_712 = tpu.memref_squeeze %parallel_loop3A_711 : memref<1x64x128xf32, #tpu.memory_space<vmem>> -> memref<64x128xf32, #tpu.memory_space<vmem>>
          %parallel_loop3A_713 = tpu.vector_load_idx %parallel_loop3A_712[%parallel_loop3A_708, %parallel_loop3A_213] : memref<64x128xf32, #tpu.memory_space<vmem>>[vector<16xi32>, vector<16xi32>], vector<16xf32>,
          %parallel_loop3A_714 = arith.constant 0 : i32
          %parallel_loop3A_715 = arith.constant 0 : i32
          %parallel_loop3A_716 = tpu.memref_slice %arg6[%and3A_137, %parallel_loop3A_714, %parallel_loop3A_715] : memref<2x128x128xf32, #tpu.memory_space<vmem>> -> memref<1x128x128xf32, #tpu.memory_space<vmem>>
          %parallel_loop3A_717 = tpu.memref_squeeze %parallel_loop3A_716 : memref<1x128x128xf32, #tpu.memory_space<vmem>> -> memref<128x128xf32, #tpu.memory_space<vmem>>
          tpu.vector_store_idx %parallel_loop3A_717[%parallel_loop3A_213, %parallel_loop3A_708], %parallel_loop3A_713 : memref<128x128xf32, #tpu.memory_space<vmem>>[vector<16xi32>, vector<16xi32>], vector<16xf32>,
          %parallel_loop3A_718 = arith.constant 32 : i32
          %parallel_loop3A_719 = vector.broadcast %parallel_loop3A_718 : i32 to vector<16xi32>
          %parallel_loop3A_720 = arith.addi %and3A_65, %parallel_loop3A_719 : vector<16xi32>
          %parallel_loop3A_721 = arith.constant 0 : i32
          %parallel_loop3A_722 = arith.constant 0 : i32
          %parallel_loop3A_723 = tpu.memref_slice %arg5[%and3A_137, %parallel_loop3A_721, %parallel_loop3A_722] : memref<2x64x128xf32, #tpu.memory_space<vmem>> -> memref<1x64x128xf32, #tpu.memory_space<vmem>>
          %parallel_loop3A_724 = tpu.memref_squeeze %parallel_loop3A_723 : memref<1x64x128xf32, #tpu.memory_space<vmem>> -> memref<64x128xf32, #tpu.memory_space<vmem>>
          %parallel_loop3A_725 = tpu.vector_load_idx %parallel_loop3A_724[%parallel_loop3A_720, %parallel_loop3A_213] : memref<64x128xf32, #tpu.memory_space<vmem>>[vector<16xi32>, vector<16xi32>], vector<16xf32>,
          %parallel_loop3A_726 = arith.constant 0 : i32
          %parallel_loop3A_727 = arith.constant 0 : i32
          %parallel_loop3A_728 = tpu.memref_slice %arg6[%and3A_137, %parallel_loop3A_726, %parallel_loop3A_727] : memref<2x128x128xf32, #tpu.memory_space<vmem>> -> memref<1x128x128xf32, #tpu.memory_space<vmem>>
          %parallel_loop3A_729 = tpu.memref_squeeze %parallel_loop3A_728 : memref<1x128x128xf32, #tpu.memory_space<vmem>> -> memref<128x128xf32, #tpu.memory_space<vmem>>
          tpu.vector_store_idx %parallel_loop3A_729[%parallel_loop3A_213, %parallel_loop3A_720], %parallel_loop3A_725 : memref<128x128xf32, #tpu.memory_space<vmem>>[vector<16xi32>, vector<16xi32>], vector<16xf32>,
          %parallel_loop3A_730 = arith.constant 48 : i32
          %parallel_loop3A_731 = vector.broadcast %parallel_loop3A_730 : i32 to vector<16xi32>
          %parallel_loop3A_732 = arith.addi %and3A_65, %parallel_loop3A_731 : vector<16xi32>
          %parallel_loop3A_733 = arith.constant 0 : i32
          %parallel_loop3A_734 = arith.constant 0 : i32
          %parallel_loop3A_735 = tpu.memref_slice %arg5[%and3A_137, %parallel_loop3A_733, %parallel_loop3A_734] : memref<2x64x128xf32, #tpu.memory_space<vmem>> -> memref<1x64x128xf32, #tpu.memory_space<vmem>>
          %parallel_loop3A_736 = tpu.memref_squeeze %parallel_loop3A_735 : memref<1x64x128xf32, #tpu.memory_space<vmem>> -> memref<64x128xf32, #tpu.memory_space<vmem>>
          %parallel_loop3A_737 = tpu.vector_load_idx %parallel_loop3A_736[%parallel_loop3A_732, %parallel_loop3A_213] : memref<64x128xf32, #tpu.memory_space<vmem>>[vector<16xi32>, vector<16xi32>], vector<16xf32>,
          %parallel_loop3A_738 = arith.constant 0 : i32
          %parallel_loop3A_739 = arith.constant 0 : i32
          %parallel_loop3A_740 = tpu.memref_slice %arg6[%and3A_137, %parallel_loop3A_738, %parallel_loop3A_739] : memref<2x128x128xf32, #tpu.memory_space<vmem>> -> memref<1x128x128xf32, #tpu.memory_space<vmem>>
          %parallel_loop3A_741 = tpu.memref_squeeze %parallel_loop3A_740 : memref<1x128x128xf32, #tpu.memory_space<vmem>> -> memref<128x128xf32, #tpu.memory_space<vmem>>
          tpu.vector_store_idx %parallel_loop3A_741[%parallel_loop3A_213, %parallel_loop3A_732], %parallel_loop3A_737 : memref<128x128xf32, #tpu.memory_space<vmem>>[vector<16xi32>, vector<16xi32>], vector<16xf32>,
          %parallel_loop3A_742 = arith.constant 0 : i32
          %parallel_loop3A_743 = vector.broadcast %parallel_loop3A_742 : i32 to vector<16xi32>
          %parallel_loop3A_744 = arith.addi %and3A_71, %parallel_loop3A_743 : vector<16xi32>
          %parallel_loop3A_745 = arith.constant 0 : i32
          %parallel_loop3A_746 = arith.constant 0 : i32
          %parallel_loop3A_747 = tpu.memref_slice %arg5[%and3A_137, %parallel_loop3A_745, %parallel_loop3A_746] : memref<2x64x128xf32, #tpu.memory_space<vmem>> -> memref<1x64x128xf32, #tpu.memory_space<vmem>>
          %parallel_loop3A_748 = tpu.memref_squeeze %parallel_loop3A_747 : memref<1x64x128xf32, #tpu.memory_space<vmem>> -> memref<64x128xf32, #tpu.memory_space<vmem>>
          %parallel_loop3A_749 = tpu.vector_load_idx %parallel_loop3A_748[%parallel_loop3A_744, %parallel_loop3A_213] : memref<64x128xf32, #tpu.memory_space<vmem>>[vector<16xi32>, vector<16xi32>], vector<16xf32>,
          %parallel_loop3A_750 = arith.constant 0 : i32
          %parallel_loop3A_751 = arith.constant 0 : i32
          %parallel_loop3A_752 = tpu.memref_slice %arg6[%and3A_137, %parallel_loop3A_750, %parallel_loop3A_751] : memref<2x128x128xf32, #tpu.memory_space<vmem>> -> memref<1x128x128xf32, #tpu.memory_space<vmem>>
          %parallel_loop3A_753 = tpu.memref_squeeze %parallel_loop3A_752 : memref<1x128x128xf32, #tpu.memory_space<vmem>> -> memref<128x128xf32, #tpu.memory_space<vmem>>
          tpu.vector_store_idx %parallel_loop3A_753[%parallel_loop3A_213, %parallel_loop3A_744], %parallel_loop3A_749 : memref<128x128xf32, #tpu.memory_space<vmem>>[vector<16xi32>, vector<16xi32>], vector<16xf32>,
          %parallel_loop3A_754 = arith.constant 16 : i32
          %parallel_loop3A_755 = vector.broadcast %parallel_loop3A_754 : i32 to vector<16xi32>
          %parallel_loop3A_756 = arith.addi %and3A_71, %parallel_loop3A_755 : vector<16xi32>
          %parallel_loop3A_757 = arith.constant 0 : i32
          %parallel_loop3A_758 = arith.constant 0 : i32
          %parallel_loop3A_759 = tpu.memref_slice %arg5[%and3A_137, %parallel_loop3A_757, %parallel_loop3A_758] : memref<2x64x128xf32, #tpu.memory_space<vmem>> -> memref<1x64x128xf32, #tpu.memory_space<vmem>>
          %parallel_loop3A_760 = tpu.memref_squeeze %parallel_loop3A_759 : memref<1x64x128xf32, #tpu.memory_space<vmem>> -> memref<64x128xf32, #tpu.memory_space<vmem>>
          %parallel_loop3A_761 = tpu.vector_load_idx %parallel_loop3A_760[%parallel_loop3A_756, %parallel_loop3A_213] : memref<64x128xf32, #tpu.memory_space<vmem>>[vector<16xi32>, vector<16xi32>], vector<16xf32>,
          %parallel_loop3A_762 = arith.constant 0 : i32
          %parallel_loop3A_763 = arith.constant 0 : i32
          %parallel_loop3A_764 = tpu.memref_slice %arg6[%and3A_137, %parallel_loop3A_762, %parallel_loop3A_763] : memref<2x128x128xf32, #tpu.memory_space<vmem>> -> memref<1x128x128xf32, #tpu.memory_space<vmem>>
          %parallel_loop3A_765 = tpu.memref_squeeze %parallel_loop3A_764 : memref<1x128x128xf32, #tpu.memory_space<vmem>> -> memref<128x128xf32, #tpu.memory_space<vmem>>
          tpu.vector_store_idx %parallel_loop3A_765[%parallel_loop3A_213, %parallel_loop3A_756], %parallel_loop3A_761 : memref<128x128xf32, #tpu.memory_space<vmem>>[vector<16xi32>, vector<16xi32>], vector<16xf32>,
          %parallel_loop3A_766 = arith.constant 32 : i32
          %parallel_loop3A_767 = vector.broadcast %parallel_loop3A_766 : i32 to vector<16xi32>
          %parallel_loop3A_768 = arith.addi %and3A_71, %parallel_loop3A_767 : vector<16xi32>
          %parallel_loop3A_769 = arith.constant 0 : i32
          %parallel_loop3A_770 = arith.constant 0 : i32
          %parallel_loop3A_771 = tpu.memref_slice %arg5[%and3A_137, %parallel_loop3A_769, %parallel_loop3A_770] : memref<2x64x128xf32, #tpu.memory_space<vmem>> -> memref<1x64x128xf32, #tpu.memory_space<vmem>>
          %parallel_loop3A_772 = tpu.memref_squeeze %parallel_loop3A_771 : memref<1x64x128xf32, #tpu.memory_space<vmem>> -> memref<64x128xf32, #tpu.memory_space<vmem>>
          %parallel_loop3A_773 = tpu.vector_load_idx %parallel_loop3A_772[%parallel_loop3A_768, %parallel_loop3A_213] : memref<64x128xf32, #tpu.memory_space<vmem>>[vector<16xi32>, vector<16xi32>], vector<16xf32>,
          %parallel_loop3A_774 = arith.constant 0 : i32
          %parallel_loop3A_775 = arith.constant 0 : i32
          %parallel_loop3A_776 = tpu.memref_slice %arg6[%and3A_137, %parallel_loop3A_774, %parallel_loop3A_775] : memref<2x128x128xf32, #tpu.memory_space<vmem>> -> memref<1x128x128xf32, #tpu.memory_space<vmem>>
          %parallel_loop3A_777 = tpu.memref_squeeze %parallel_loop3A_776 : memref<1x128x128xf32, #tpu.memory_space<vmem>> -> memref<128x128xf32, #tpu.memory_space<vmem>>
          tpu.vector_store_idx %parallel_loop3A_777[%parallel_loop3A_213, %parallel_loop3A_768], %parallel_loop3A_773 : memref<128x128xf32, #tpu.memory_space<vmem>>[vector<16xi32>, vector<16xi32>], vector<16xf32>,
          %parallel_loop3A_778 = arith.constant 48 : i32
          %parallel_loop3A_779 = vector.broadcast %parallel_loop3A_778 : i32 to vector<16xi32>
          %parallel_loop3A_780 = arith.addi %and3A_71, %parallel_loop3A_779 : vector<16xi32>
          %parallel_loop3A_781 = arith.constant 0 : i32
          %parallel_loop3A_782 = arith.constant 0 : i32
          %parallel_loop3A_783 = tpu.memref_slice %arg5[%and3A_137, %parallel_loop3A_781, %parallel_loop3A_782] : memref<2x64x128xf32, #tpu.memory_space<vmem>> -> memref<1x64x128xf32, #tpu.memory_space<vmem>>
          %parallel_loop3A_784 = tpu.memref_squeeze %parallel_loop3A_783 : memref<1x64x128xf32, #tpu.memory_space<vmem>> -> memref<64x128xf32, #tpu.memory_space<vmem>>
          %parallel_loop3A_785 = tpu.vector_load_idx %parallel_loop3A_784[%parallel_loop3A_780, %parallel_loop3A_213] : memref<64x128xf32, #tpu.memory_space<vmem>>[vector<16xi32>, vector<16xi32>], vector<16xf32>,
          %parallel_loop3A_786 = arith.constant 0 : i32
          %parallel_loop3A_787 = arith.constant 0 : i32
          %parallel_loop3A_788 = tpu.memref_slice %arg6[%and3A_137, %parallel_loop3A_786, %parallel_loop3A_787] : memref<2x128x128xf32, #tpu.memory_space<vmem>> -> memref<1x128x128xf32, #tpu.memory_space<vmem>>
          %parallel_loop3A_789 = tpu.memref_squeeze %parallel_loop3A_788 : memref<1x128x128xf32, #tpu.memory_space<vmem>> -> memref<128x128xf32, #tpu.memory_space<vmem>>
          tpu.vector_store_idx %parallel_loop3A_789[%parallel_loop3A_213, %parallel_loop3A_780], %parallel_loop3A_785 : memref<128x128xf32, #tpu.memory_space<vmem>>[vector<16xi32>, vector<16xi32>], vector<16xf32>,
          %parallel_loop3A_790 = arith.constant 0 : i32
          %parallel_loop3A_791 = vector.broadcast %parallel_loop3A_790 : i32 to vector<16xi32>
          %parallel_loop3A_792 = arith.addi %and3A_77, %parallel_loop3A_791 : vector<16xi32>
          %parallel_loop3A_793 = arith.constant 0 : i32
          %parallel_loop3A_794 = arith.constant 0 : i32
          %parallel_loop3A_795 = tpu.memref_slice %arg5[%and3A_137, %parallel_loop3A_793, %parallel_loop3A_794] : memref<2x64x128xf32, #tpu.memory_space<vmem>> -> memref<1x64x128xf32, #tpu.memory_space<vmem>>
          %parallel_loop3A_796 = tpu.memref_squeeze %parallel_loop3A_795 : memref<1x64x128xf32, #tpu.memory_space<vmem>> -> memref<64x128xf32, #tpu.memory_space<vmem>>
          %parallel_loop3A_797 = tpu.vector_load_idx %parallel_loop3A_796[%parallel_loop3A_792, %parallel_loop3A_213] : memref<64x128xf32, #tpu.memory_space<vmem>>[vector<16xi32>, vector<16xi32>], vector<16xf32>,
          %parallel_loop3A_798 = arith.constant 0 : i32
          %parallel_loop3A_799 = arith.constant 0 : i32
          %parallel_loop3A_800 = tpu.memref_slice %arg6[%and3A_137, %parallel_loop3A_798, %parallel_loop3A_799] : memref<2x128x128xf32, #tpu.memory_space<vmem>> -> memref<1x128x128xf32, #tpu.memory_space<vmem>>
          %parallel_loop3A_801 = tpu.memref_squeeze %parallel_loop3A_800 : memref<1x128x128xf32, #tpu.memory_space<vmem>> -> memref<128x128xf32, #tpu.memory_space<vmem>>
          tpu.vector_store_idx %parallel_loop3A_801[%parallel_loop3A_213, %parallel_loop3A_792], %parallel_loop3A_797 : memref<128x128xf32, #tpu.memory_space<vmem>>[vector<16xi32>, vector<16xi32>], vector<16xf32>,
          %parallel_loop3A_802 = arith.constant 16 : i32
          %parallel_loop3A_803 = vector.broadcast %parallel_loop3A_802 : i32 to vector<16xi32>
          %parallel_loop3A_804 = arith.addi %and3A_77, %parallel_loop3A_803 : vector<16xi32>
          %parallel_loop3A_805 = arith.constant 0 : i32
          %parallel_loop3A_806 = arith.constant 0 : i32
          %parallel_loop3A_807 = tpu.memref_slice %arg5[%and3A_137, %parallel_loop3A_805, %parallel_loop3A_806] : memref<2x64x128xf32, #tpu.memory_space<vmem>> -> memref<1x64x128xf32, #tpu.memory_space<vmem>>
          %parallel_loop3A_808 = tpu.memref_squeeze %parallel_loop3A_807 : memref<1x64x128xf32, #tpu.memory_space<vmem>> -> memref<64x128xf32, #tpu.memory_space<vmem>>
          %parallel_loop3A_809 = tpu.vector_load_idx %parallel_loop3A_808[%parallel_loop3A_804, %parallel_loop3A_213] : memref<64x128xf32, #tpu.memory_space<vmem>>[vector<16xi32>, vector<16xi32>], vector<16xf32>,
          %parallel_loop3A_810 = arith.constant 0 : i32
          %parallel_loop3A_811 = arith.constant 0 : i32
          %parallel_loop3A_812 = tpu.memref_slice %arg6[%and3A_137, %parallel_loop3A_810, %parallel_loop3A_811] : memref<2x128x128xf32, #tpu.memory_space<vmem>> -> memref<1x128x128xf32, #tpu.memory_space<vmem>>
          %parallel_loop3A_813 = tpu.memref_squeeze %parallel_loop3A_812 : memref<1x128x128xf32, #tpu.memory_space<vmem>> -> memref<128x128xf32, #tpu.memory_space<vmem>>
          tpu.vector_store_idx %parallel_loop3A_813[%parallel_loop3A_213, %parallel_loop3A_804], %parallel_loop3A_809 : memref<128x128xf32, #tpu.memory_space<vmem>>[vector<16xi32>, vector<16xi32>], vector<16xf32>,
          %parallel_loop3A_814 = arith.constant 32 : i32
          %parallel_loop3A_815 = vector.broadcast %parallel_loop3A_814 : i32 to vector<16xi32>
          %parallel_loop3A_816 = arith.addi %and3A_77, %parallel_loop3A_815 : vector<16xi32>
          %parallel_loop3A_817 = arith.constant 0 : i32
          %parallel_loop3A_818 = arith.constant 0 : i32
          %parallel_loop3A_819 = tpu.memref_slice %arg5[%and3A_137, %parallel_loop3A_817, %parallel_loop3A_818] : memref<2x64x128xf32, #tpu.memory_space<vmem>> -> memref<1x64x128xf32, #tpu.memory_space<vmem>>
          %parallel_loop3A_820 = tpu.memref_squeeze %parallel_loop3A_819 : memref<1x64x128xf32, #tpu.memory_space<vmem>> -> memref<64x128xf32, #tpu.memory_space<vmem>>
          %parallel_loop3A_821 = tpu.vector_load_idx %parallel_loop3A_820[%parallel_loop3A_816, %parallel_loop3A_213] : memref<64x128xf32, #tpu.memory_space<vmem>>[vector<16xi32>, vector<16xi32>], vector<16xf32>,
          %parallel_loop3A_822 = arith.constant 0 : i32
          %parallel_loop3A_823 = arith.constant 0 : i32
          %parallel_loop3A_824 = tpu.memref_slice %arg6[%and3A_137, %parallel_loop3A_822, %parallel_loop3A_823] : memref<2x128x128xf32, #tpu.memory_space<vmem>> -> memref<1x128x128xf32, #tpu.memory_space<vmem>>
          %parallel_loop3A_825 = tpu.memref_squeeze %parallel_loop3A_824 : memref<1x128x128xf32, #tpu.memory_space<vmem>> -> memref<128x128xf32, #tpu.memory_space<vmem>>
          tpu.vector_store_idx %parallel_loop3A_825[%parallel_loop3A_213, %parallel_loop3A_816], %parallel_loop3A_821 : memref<128x128xf32, #tpu.memory_space<vmem>>[vector<16xi32>, vector<16xi32>], vector<16xf32>,
          %parallel_loop3A_826 = arith.constant 48 : i32
          %parallel_loop3A_827 = vector.broadcast %parallel_loop3A_826 : i32 to vector<16xi32>
          %parallel_loop3A_828 = arith.addi %and3A_77, %parallel_loop3A_827 : vector<16xi32>
          %parallel_loop3A_829 = arith.constant 0 : i32
          %parallel_loop3A_830 = arith.constant 0 : i32
          %parallel_loop3A_831 = tpu.memref_slice %arg5[%and3A_137, %parallel_loop3A_829, %parallel_loop3A_830] : memref<2x64x128xf32, #tpu.memory_space<vmem>> -> memref<1x64x128xf32, #tpu.memory_space<vmem>>
          %parallel_loop3A_832 = tpu.memref_squeeze %parallel_loop3A_831 : memref<1x64x128xf32, #tpu.memory_space<vmem>> -> memref<64x128xf32, #tpu.memory_space<vmem>>
          %parallel_loop3A_833 = tpu.vector_load_idx %parallel_loop3A_832[%parallel_loop3A_828, %parallel_loop3A_213] : memref<64x128xf32, #tpu.memory_space<vmem>>[vector<16xi32>, vector<16xi32>], vector<16xf32>,
          %parallel_loop3A_834 = arith.constant 0 : i32
          %parallel_loop3A_835 = arith.constant 0 : i32
          %parallel_loop3A_836 = tpu.memref_slice %arg6[%and3A_137, %parallel_loop3A_834, %parallel_loop3A_835] : memref<2x128x128xf32, #tpu.memory_space<vmem>> -> memref<1x128x128xf32, #tpu.memory_space<vmem>>
          %parallel_loop3A_837 = tpu.memref_squeeze %parallel_loop3A_836 : memref<1x128x128xf32, #tpu.memory_space<vmem>> -> memref<128x128xf32, #tpu.memory_space<vmem>>
          tpu.vector_store_idx %parallel_loop3A_837[%parallel_loop3A_213, %parallel_loop3A_828], %parallel_loop3A_833 : memref<128x128xf32, #tpu.memory_space<vmem>>[vector<16xi32>, vector<16xi32>], vector<16xf32>,
          %parallel_loop3A_838 = arith.constant 0 : i32
          %parallel_loop3A_839 = vector.broadcast %parallel_loop3A_838 : i32 to vector<16xi32>
          %parallel_loop3A_840 = arith.addi %and3A_83, %parallel_loop3A_839 : vector<16xi32>
          %parallel_loop3A_841 = arith.constant 0 : i32
          %parallel_loop3A_842 = arith.constant 0 : i32
          %parallel_loop3A_843 = tpu.memref_slice %arg5[%and3A_137, %parallel_loop3A_841, %parallel_loop3A_842] : memref<2x64x128xf32, #tpu.memory_space<vmem>> -> memref<1x64x128xf32, #tpu.memory_space<vmem>>
          %parallel_loop3A_844 = tpu.memref_squeeze %parallel_loop3A_843 : memref<1x64x128xf32, #tpu.memory_space<vmem>> -> memref<64x128xf32, #tpu.memory_space<vmem>>
          %parallel_loop3A_845 = tpu.vector_load_idx %parallel_loop3A_844[%parallel_loop3A_840, %parallel_loop3A_213] : memref<64x128xf32, #tpu.memory_space<vmem>>[vector<16xi32>, vector<16xi32>], vector<16xf32>,
          %parallel_loop3A_846 = arith.constant 0 : i32
          %parallel_loop3A_847 = arith.constant 0 : i32
          %parallel_loop3A_848 = tpu.memref_slice %arg6[%and3A_137, %parallel_loop3A_846, %parallel_loop3A_847] : memref<2x128x128xf32, #tpu.memory_space<vmem>> -> memref<1x128x128xf32, #tpu.memory_space<vmem>>
          %parallel_loop3A_849 = tpu.memref_squeeze %parallel_loop3A_848 : memref<1x128x128xf32, #tpu.memory_space<vmem>> -> memref<128x128xf32, #tpu.memory_space<vmem>>
          tpu.vector_store_idx %parallel_loop3A_849[%parallel_loop3A_213, %parallel_loop3A_840], %parallel_loop3A_845 : memref<128x128xf32, #tpu.memory_space<vmem>>[vector<16xi32>, vector<16xi32>], vector<16xf32>,
          %parallel_loop3A_850 = arith.constant 16 : i32
          %parallel_loop3A_851 = vector.broadcast %parallel_loop3A_850 : i32 to vector<16xi32>
          %parallel_loop3A_852 = arith.addi %and3A_83, %parallel_loop3A_851 : vector<16xi32>
          %parallel_loop3A_853 = arith.constant 0 : i32
          %parallel_loop3A_854 = arith.constant 0 : i32
          %parallel_loop3A_855 = tpu.memref_slice %arg5[%and3A_137, %parallel_loop3A_853, %parallel_loop3A_854] : memref<2x64x128xf32, #tpu.memory_space<vmem>> -> memref<1x64x128xf32, #tpu.memory_space<vmem>>
          %parallel_loop3A_856 = tpu.memref_squeeze %parallel_loop3A_855 : memref<1x64x128xf32, #tpu.memory_space<vmem>> -> memref<64x128xf32, #tpu.memory_space<vmem>>
          %parallel_loop3A_857 = tpu.vector_load_idx %parallel_loop3A_856[%parallel_loop3A_852, %parallel_loop3A_213] : memref<64x128xf32, #tpu.memory_space<vmem>>[vector<16xi32>, vector<16xi32>], vector<16xf32>,
          %parallel_loop3A_858 = arith.constant 0 : i32
          %parallel_loop3A_859 = arith.constant 0 : i32
          %parallel_loop3A_860 = tpu.memref_slice %arg6[%and3A_137, %parallel_loop3A_858, %parallel_loop3A_859] : memref<2x128x128xf32, #tpu.memory_space<vmem>> -> memref<1x128x128xf32, #tpu.memory_space<vmem>>
          %parallel_loop3A_861 = tpu.memref_squeeze %parallel_loop3A_860 : memref<1x128x128xf32, #tpu.memory_space<vmem>> -> memref<128x128xf32, #tpu.memory_space<vmem>>
          tpu.vector_store_idx %parallel_loop3A_861[%parallel_loop3A_213, %parallel_loop3A_852], %parallel_loop3A_857 : memref<128x128xf32, #tpu.memory_space<vmem>>[vector<16xi32>, vector<16xi32>], vector<16xf32>,
          %parallel_loop3A_862 = arith.constant 32 : i32
          %parallel_loop3A_863 = vector.broadcast %parallel_loop3A_862 : i32 to vector<16xi32>
          %parallel_loop3A_864 = arith.addi %and3A_83, %parallel_loop3A_863 : vector<16xi32>
          %parallel_loop3A_865 = arith.constant 0 : i32
          %parallel_loop3A_866 = arith.constant 0 : i32
          %parallel_loop3A_867 = tpu.memref_slice %arg5[%and3A_137, %parallel_loop3A_865, %parallel_loop3A_866] : memref<2x64x128xf32, #tpu.memory_space<vmem>> -> memref<1x64x128xf32, #tpu.memory_space<vmem>>
          %parallel_loop3A_868 = tpu.memref_squeeze %parallel_loop3A_867 : memref<1x64x128xf32, #tpu.memory_space<vmem>> -> memref<64x128xf32, #tpu.memory_space<vmem>>
          %parallel_loop3A_869 = tpu.vector_load_idx %parallel_loop3A_868[%parallel_loop3A_864, %parallel_loop3A_213] : memref<64x128xf32, #tpu.memory_space<vmem>>[vector<16xi32>, vector<16xi32>], vector<16xf32>,
          %parallel_loop3A_870 = arith.constant 0 : i32
          %parallel_loop3A_871 = arith.constant 0 : i32
          %parallel_loop3A_872 = tpu.memref_slice %arg6[%and3A_137, %parallel_loop3A_870, %parallel_loop3A_871] : memref<2x128x128xf32, #tpu.memory_space<vmem>> -> memref<1x128x128xf32, #tpu.memory_space<vmem>>
          %parallel_loop3A_873 = tpu.memref_squeeze %parallel_loop3A_872 : memref<1x128x128xf32, #tpu.memory_space<vmem>> -> memref<128x128xf32, #tpu.memory_space<vmem>>
          tpu.vector_store_idx %parallel_loop3A_873[%parallel_loop3A_213, %parallel_loop3A_864], %parallel_loop3A_869 : memref<128x128xf32, #tpu.memory_space<vmem>>[vector<16xi32>, vector<16xi32>], vector<16xf32>,
          %parallel_loop3A_874 = arith.constant 48 : i32
          %parallel_loop3A_875 = vector.broadcast %parallel_loop3A_874 : i32 to vector<16xi32>
          %parallel_loop3A_876 = arith.addi %and3A_83, %parallel_loop3A_875 : vector<16xi32>
          %parallel_loop3A_877 = arith.constant 0 : i32
          %parallel_loop3A_878 = arith.constant 0 : i32
          %parallel_loop3A_879 = tpu.memref_slice %arg5[%and3A_137, %parallel_loop3A_877, %parallel_loop3A_878] : memref<2x64x128xf32, #tpu.memory_space<vmem>> -> memref<1x64x128xf32, #tpu.memory_space<vmem>>
          %parallel_loop3A_880 = tpu.memref_squeeze %parallel_loop3A_879 : memref<1x64x128xf32, #tpu.memory_space<vmem>> -> memref<64x128xf32, #tpu.memory_space<vmem>>
          %parallel_loop3A_881 = tpu.vector_load_idx %parallel_loop3A_880[%parallel_loop3A_876, %parallel_loop3A_213] : memref<64x128xf32, #tpu.memory_space<vmem>>[vector<16xi32>, vector<16xi32>], vector<16xf32>,
          %parallel_loop3A_882 = arith.constant 0 : i32
          %parallel_loop3A_883 = arith.constant 0 : i32
          %parallel_loop3A_884 = tpu.memref_slice %arg6[%and3A_137, %parallel_loop3A_882, %parallel_loop3A_883] : memref<2x128x128xf32, #tpu.memory_space<vmem>> -> memref<1x128x128xf32, #tpu.memory_space<vmem>>
          %parallel_loop3A_885 = tpu.memref_squeeze %parallel_loop3A_884 : memref<1x128x128xf32, #tpu.memory_space<vmem>> -> memref<128x128xf32, #tpu.memory_space<vmem>>
          tpu.vector_store_idx %parallel_loop3A_885[%parallel_loop3A_213, %parallel_loop3A_876], %parallel_loop3A_881 : memref<128x128xf32, #tpu.memory_space<vmem>>[vector<16xi32>, vector<16xi32>], vector<16xf32>,
          %parallel_loop3A_886 = arith.constant 0 : i32
          %parallel_loop3A_887 = vector.broadcast %parallel_loop3A_886 : i32 to vector<16xi32>
          %parallel_loop3A_888 = arith.addi %and3A_89, %parallel_loop3A_887 : vector<16xi32>
          %parallel_loop3A_889 = arith.constant 0 : i32
          %parallel_loop3A_890 = arith.constant 0 : i32
          %parallel_loop3A_891 = tpu.memref_slice %arg5[%and3A_137, %parallel_loop3A_889, %parallel_loop3A_890] : memref<2x64x128xf32, #tpu.memory_space<vmem>> -> memref<1x64x128xf32, #tpu.memory_space<vmem>>
          %parallel_loop3A_892 = tpu.memref_squeeze %parallel_loop3A_891 : memref<1x64x128xf32, #tpu.memory_space<vmem>> -> memref<64x128xf32, #tpu.memory_space<vmem>>
          %parallel_loop3A_893 = tpu.vector_load_idx %parallel_loop3A_892[%parallel_loop3A_888, %parallel_loop3A_213] : memref<64x128xf32, #tpu.memory_space<vmem>>[vector<16xi32>, vector<16xi32>], vector<16xf32>,
          %parallel_loop3A_894 = arith.constant 0 : i32
          %parallel_loop3A_895 = arith.constant 0 : i32
          %parallel_loop3A_896 = tpu.memref_slice %arg6[%and3A_137, %parallel_loop3A_894, %parallel_loop3A_895] : memref<2x128x128xf32, #tpu.memory_space<vmem>> -> memref<1x128x128xf32, #tpu.memory_space<vmem>>
          %parallel_loop3A_897 = tpu.memref_squeeze %parallel_loop3A_896 : memref<1x128x128xf32, #tpu.memory_space<vmem>> -> memref<128x128xf32, #tpu.memory_space<vmem>>
          tpu.vector_store_idx %parallel_loop3A_897[%parallel_loop3A_213, %parallel_loop3A_888], %parallel_loop3A_893 : memref<128x128xf32, #tpu.memory_space<vmem>>[vector<16xi32>, vector<16xi32>], vector<16xf32>,
          %parallel_loop3A_898 = arith.constant 16 : i32
          %parallel_loop3A_899 = vector.broadcast %parallel_loop3A_898 : i32 to vector<16xi32>
          %parallel_loop3A_900 = arith.addi %and3A_89, %parallel_loop3A_899 : vector<16xi32>
          %parallel_loop3A_901 = arith.constant 0 : i32
          %parallel_loop3A_902 = arith.constant 0 : i32
          %parallel_loop3A_903 = tpu.memref_slice %arg5[%and3A_137, %parallel_loop3A_901, %parallel_loop3A_902] : memref<2x64x128xf32, #tpu.memory_space<vmem>> -> memref<1x64x128xf32, #tpu.memory_space<vmem>>
          %parallel_loop3A_904 = tpu.memref_squeeze %parallel_loop3A_903 : memref<1x64x128xf32, #tpu.memory_space<vmem>> -> memref<64x128xf32, #tpu.memory_space<vmem>>
          %parallel_loop3A_905 = tpu.vector_load_idx %parallel_loop3A_904[%parallel_loop3A_900, %parallel_loop3A_213] : memref<64x128xf32, #tpu.memory_space<vmem>>[vector<16xi32>, vector<16xi32>], vector<16xf32>,
          %parallel_loop3A_906 = arith.constant 0 : i32
          %parallel_loop3A_907 = arith.constant 0 : i32
          %parallel_loop3A_908 = tpu.memref_slice %arg6[%and3A_137, %parallel_loop3A_906, %parallel_loop3A_907] : memref<2x128x128xf32, #tpu.memory_space<vmem>> -> memref<1x128x128xf32, #tpu.memory_space<vmem>>
          %parallel_loop3A_909 = tpu.memref_squeeze %parallel_loop3A_908 : memref<1x128x128xf32, #tpu.memory_space<vmem>> -> memref<128x128xf32, #tpu.memory_space<vmem>>
          tpu.vector_store_idx %parallel_loop3A_909[%parallel_loop3A_213, %parallel_loop3A_900], %parallel_loop3A_905 : memref<128x128xf32, #tpu.memory_space<vmem>>[vector<16xi32>, vector<16xi32>], vector<16xf32>,
          %parallel_loop3A_910 = arith.constant 32 : i32
          %parallel_loop3A_911 = vector.broadcast %parallel_loop3A_910 : i32 to vector<16xi32>
          %parallel_loop3A_912 = arith.addi %and3A_89, %parallel_loop3A_911 : vector<16xi32>
          %parallel_loop3A_913 = arith.constant 0 : i32
          %parallel_loop3A_914 = arith.constant 0 : i32
          %parallel_loop3A_915 = tpu.memref_slice %arg5[%and3A_137, %parallel_loop3A_913, %parallel_loop3A_914] : memref<2x64x128xf32, #tpu.memory_space<vmem>> -> memref<1x64x128xf32, #tpu.memory_space<vmem>>
          %parallel_loop3A_916 = tpu.memref_squeeze %parallel_loop3A_915 : memref<1x64x128xf32, #tpu.memory_space<vmem>> -> memref<64x128xf32, #tpu.memory_space<vmem>>
          %parallel_loop3A_917 = tpu.vector_load_idx %parallel_loop3A_916[%parallel_loop3A_912, %parallel_loop3A_213] : memref<64x128xf32, #tpu.memory_space<vmem>>[vector<16xi32>, vector<16xi32>], vector<16xf32>,
          %parallel_loop3A_918 = arith.constant 0 : i32
          %parallel_loop3A_919 = arith.constant 0 : i32
          %parallel_loop3A_920 = tpu.memref_slice %arg6[%and3A_137, %parallel_loop3A_918, %parallel_loop3A_919] : memref<2x128x128xf32, #tpu.memory_space<vmem>> -> memref<1x128x128xf32, #tpu.memory_space<vmem>>
          %parallel_loop3A_921 = tpu.memref_squeeze %parallel_loop3A_920 : memref<1x128x128xf32, #tpu.memory_space<vmem>> -> memref<128x128xf32, #tpu.memory_space<vmem>>
          tpu.vector_store_idx %parallel_loop3A_921[%parallel_loop3A_213, %parallel_loop3A_912], %parallel_loop3A_917 : memref<128x128xf32, #tpu.memory_space<vmem>>[vector<16xi32>, vector<16xi32>], vector<16xf32>,
          %parallel_loop3A_922 = arith.constant 48 : i32
          %parallel_loop3A_923 = vector.broadcast %parallel_loop3A_922 : i32 to vector<16xi32>
          %parallel_loop3A_924 = arith.addi %and3A_89, %parallel_loop3A_923 : vector<16xi32>
          %parallel_loop3A_925 = arith.constant 0 : i32
          %parallel_loop3A_926 = arith.constant 0 : i32
          %parallel_loop3A_927 = tpu.memref_slice %arg5[%and3A_137, %parallel_loop3A_925, %parallel_loop3A_926] : memref<2x64x128xf32, #tpu.memory_space<vmem>> -> memref<1x64x128xf32, #tpu.memory_space<vmem>>
          %parallel_loop3A_928 = tpu.memref_squeeze %parallel_loop3A_927 : memref<1x64x128xf32, #tpu.memory_space<vmem>> -> memref<64x128xf32, #tpu.memory_space<vmem>>
          %parallel_loop3A_929 = tpu.vector_load_idx %parallel_loop3A_928[%parallel_loop3A_924, %parallel_loop3A_213] : memref<64x128xf32, #tpu.memory_space<vmem>>[vector<16xi32>, vector<16xi32>], vector<16xf32>,
          %parallel_loop3A_930 = arith.constant 0 : i32
          %parallel_loop3A_931 = arith.constant 0 : i32
          %parallel_loop3A_932 = tpu.memref_slice %arg6[%and3A_137, %parallel_loop3A_930, %parallel_loop3A_931] : memref<2x128x128xf32, #tpu.memory_space<vmem>> -> memref<1x128x128xf32, #tpu.memory_space<vmem>>
          %parallel_loop3A_933 = tpu.memref_squeeze %parallel_loop3A_932 : memref<1x128x128xf32, #tpu.memory_space<vmem>> -> memref<128x128xf32, #tpu.memory_space<vmem>>
          tpu.vector_store_idx %parallel_loop3A_933[%parallel_loop3A_213, %parallel_loop3A_924], %parallel_loop3A_929 : memref<128x128xf32, #tpu.memory_space<vmem>>[vector<16xi32>, vector<16xi32>], vector<16xf32>,
          %parallel_loop3A_934 = arith.constant 0 : i32
          %parallel_loop3A_935 = vector.broadcast %parallel_loop3A_934 : i32 to vector<16xi32>
          %parallel_loop3A_936 = arith.addi %and3A_95, %parallel_loop3A_935 : vector<16xi32>
          %parallel_loop3A_937 = arith.constant 0 : i32
          %parallel_loop3A_938 = arith.constant 0 : i32
          %parallel_loop3A_939 = tpu.memref_slice %arg5[%and3A_137, %parallel_loop3A_937, %parallel_loop3A_938] : memref<2x64x128xf32, #tpu.memory_space<vmem>> -> memref<1x64x128xf32, #tpu.memory_space<vmem>>
          %parallel_loop3A_940 = tpu.memref_squeeze %parallel_loop3A_939 : memref<1x64x128xf32, #tpu.memory_space<vmem>> -> memref<64x128xf32, #tpu.memory_space<vmem>>
          %parallel_loop3A_941 = tpu.vector_load_idx %parallel_loop3A_940[%parallel_loop3A_936, %parallel_loop3A_213] : memref<64x128xf32, #tpu.memory_space<vmem>>[vector<16xi32>, vector<16xi32>], vector<16xf32>,
          %parallel_loop3A_942 = arith.constant 0 : i32
          %parallel_loop3A_943 = arith.constant 0 : i32
          %parallel_loop3A_944 = tpu.memref_slice %arg6[%and3A_137, %parallel_loop3A_942, %parallel_loop3A_943] : memref<2x128x128xf32, #tpu.memory_space<vmem>> -> memref<1x128x128xf32, #tpu.memory_space<vmem>>
          %parallel_loop3A_945 = tpu.memref_squeeze %parallel_loop3A_944 : memref<1x128x128xf32, #tpu.memory_space<vmem>> -> memref<128x128xf32, #tpu.memory_space<vmem>>
          tpu.vector_store_idx %parallel_loop3A_945[%parallel_loop3A_213, %parallel_loop3A_936], %parallel_loop3A_941 : memref<128x128xf32, #tpu.memory_space<vmem>>[vector<16xi32>, vector<16xi32>], vector<16xf32>,
          %parallel_loop3A_946 = arith.constant 16 : i32
          %parallel_loop3A_947 = vector.broadcast %parallel_loop3A_946 : i32 to vector<16xi32>
          %parallel_loop3A_948 = arith.addi %and3A_95, %parallel_loop3A_947 : vector<16xi32>
          %parallel_loop3A_949 = arith.constant 0 : i32
          %parallel_loop3A_950 = arith.constant 0 : i32
          %parallel_loop3A_951 = tpu.memref_slice %arg5[%and3A_137, %parallel_loop3A_949, %parallel_loop3A_950] : memref<2x64x128xf32, #tpu.memory_space<vmem>> -> memref<1x64x128xf32, #tpu.memory_space<vmem>>
          %parallel_loop3A_952 = tpu.memref_squeeze %parallel_loop3A_951 : memref<1x64x128xf32, #tpu.memory_space<vmem>> -> memref<64x128xf32, #tpu.memory_space<vmem>>
          %parallel_loop3A_953 = tpu.vector_load_idx %parallel_loop3A_952[%parallel_loop3A_948, %parallel_loop3A_213] : memref<64x128xf32, #tpu.memory_space<vmem>>[vector<16xi32>, vector<16xi32>], vector<16xf32>,
          %parallel_loop3A_954 = arith.constant 0 : i32
          %parallel_loop3A_955 = arith.constant 0 : i32
          %parallel_loop3A_956 = tpu.memref_slice %arg6[%and3A_137, %parallel_loop3A_954, %parallel_loop3A_955] : memref<2x128x128xf32, #tpu.memory_space<vmem>> -> memref<1x128x128xf32, #tpu.memory_space<vmem>>
          %parallel_loop3A_957 = tpu.memref_squeeze %parallel_loop3A_956 : memref<1x128x128xf32, #tpu.memory_space<vmem>> -> memref<128x128xf32, #tpu.memory_space<vmem>>
          tpu.vector_store_idx %parallel_loop3A_957[%parallel_loop3A_213, %parallel_loop3A_948], %parallel_loop3A_953 : memref<128x128xf32, #tpu.memory_space<vmem>>[vector<16xi32>, vector<16xi32>], vector<16xf32>,
          %parallel_loop3A_958 = arith.constant 32 : i32
          %parallel_loop3A_959 = vector.broadcast %parallel_loop3A_958 : i32 to vector<16xi32>
          %parallel_loop3A_960 = arith.addi %and3A_95, %parallel_loop3A_959 : vector<16xi32>
          %parallel_loop3A_961 = arith.constant 0 : i32
          %parallel_loop3A_962 = arith.constant 0 : i32
          %parallel_loop3A_963 = tpu.memref_slice %arg5[%and3A_137, %parallel_loop3A_961, %parallel_loop3A_962] : memref<2x64x128xf32, #tpu.memory_space<vmem>> -> memref<1x64x128xf32, #tpu.memory_space<vmem>>
          %parallel_loop3A_964 = tpu.memref_squeeze %parallel_loop3A_963 : memref<1x64x128xf32, #tpu.memory_space<vmem>> -> memref<64x128xf32, #tpu.memory_space<vmem>>
          %parallel_loop3A_965 = tpu.vector_load_idx %parallel_loop3A_964[%parallel_loop3A_960, %parallel_loop3A_213] : memref<64x128xf32, #tpu.memory_space<vmem>>[vector<16xi32>, vector<16xi32>], vector<16xf32>,
          %parallel_loop3A_966 = arith.constant 0 : i32
          %parallel_loop3A_967 = arith.constant 0 : i32
          %parallel_loop3A_968 = tpu.memref_slice %arg6[%and3A_137, %parallel_loop3A_966, %parallel_loop3A_967] : memref<2x128x128xf32, #tpu.memory_space<vmem>> -> memref<1x128x128xf32, #tpu.memory_space<vmem>>
          %parallel_loop3A_969 = tpu.memref_squeeze %parallel_loop3A_968 : memref<1x128x128xf32, #tpu.memory_space<vmem>> -> memref<128x128xf32, #tpu.memory_space<vmem>>
          tpu.vector_store_idx %parallel_loop3A_969[%parallel_loop3A_213, %parallel_loop3A_960], %parallel_loop3A_965 : memref<128x128xf32, #tpu.memory_space<vmem>>[vector<16xi32>, vector<16xi32>], vector<16xf32>,
          %parallel_loop3A_970 = arith.constant 48 : i32
          %parallel_loop3A_971 = vector.broadcast %parallel_loop3A_970 : i32 to vector<16xi32>
          %parallel_loop3A_972 = arith.addi %and3A_95, %parallel_loop3A_971 : vector<16xi32>
          %parallel_loop3A_973 = arith.constant 0 : i32
          %parallel_loop3A_974 = arith.constant 0 : i32
          %parallel_loop3A_975 = tpu.memref_slice %arg5[%and3A_137, %parallel_loop3A_973, %parallel_loop3A_974] : memref<2x64x128xf32, #tpu.memory_space<vmem>> -> memref<1x64x128xf32, #tpu.memory_space<vmem>>
          %parallel_loop3A_976 = tpu.memref_squeeze %parallel_loop3A_975 : memref<1x64x128xf32, #tpu.memory_space<vmem>> -> memref<64x128xf32, #tpu.memory_space<vmem>>
          %parallel_loop3A_977 = tpu.vector_load_idx %parallel_loop3A_976[%parallel_loop3A_972, %parallel_loop3A_213] : memref<64x128xf32, #tpu.memory_space<vmem>>[vector<16xi32>, vector<16xi32>], vector<16xf32>,
          %parallel_loop3A_978 = arith.constant 0 : i32
          %parallel_loop3A_979 = arith.constant 0 : i32
          %parallel_loop3A_980 = tpu.memref_slice %arg6[%and3A_137, %parallel_loop3A_978, %parallel_loop3A_979] : memref<2x128x128xf32, #tpu.memory_space<vmem>> -> memref<1x128x128xf32, #tpu.memory_space<vmem>>
          %parallel_loop3A_981 = tpu.memref_squeeze %parallel_loop3A_980 : memref<1x128x128xf32, #tpu.memory_space<vmem>> -> memref<128x128xf32, #tpu.memory_space<vmem>>
          tpu.vector_store_idx %parallel_loop3A_981[%parallel_loop3A_213, %parallel_loop3A_972], %parallel_loop3A_977 : memref<128x128xf32, #tpu.memory_space<vmem>>[vector<16xi32>, vector<16xi32>], vector<16xf32>,
        } {sc.loop_unroll_factor = 2 : i64, sc.parallel_access}
        %mul3A_189 = arith.constant 32 : i32
        %mul3A_190 = arith.muli %scan3A_135, %mul3A_189 : i32
        %add3A_191 = arith.addi %mul3A_190, %add3A : i32
        %mul3A_192 = arith.constant 128 : i32
        %mul3A_193 = arith.muli %add3A_191, %mul3A_192 : i32
        %multiple_of3A_194 = tpu.assume_multiple %mul3A_193, 128 : i32
        %dma_start3A_195 = arith.constant 0 : i32
        %dma_start3A_196 = arith.constant 0 : i32
        %dma_start3A_197 = tpu.memref_slice %arg6[%and3A_137, %dma_start3A_195, %dma_start3A_196] : memref<2x128x128xf32, #tpu.memory_space<vmem>> -> memref<1x128x128xf32, #tpu.memory_space<vmem>>
        %dma_start3A_198 = tpu.memref_squeeze %dma_start3A_197 : memref<1x128x128xf32, #tpu.memory_space<vmem>> -> memref<128x128xf32, #tpu.memory_space<vmem>>
        %dma_start3A_199 = arith.constant 0 : i32
        %dma_start3A_200 = tpu.memref_slice %arg4[%multiple_of3A_194, %dma_start3A_199] : memref<1000000x128xf32, #tpu.memory_space<hbm>> -> memref<128x128xf32, #tpu.memory_space<hbm>>
        %dma_start3A_201 = tpu.memref_slice %arg9[%and3A_137] : memref<2x!tpu.dma_semaphore, #tpu.memory_space<semaphore_mem>> -> memref<1x!tpu.dma_semaphore, #tpu.memory_space<semaphore_mem>>
        %dma_start3A_202 = tpu.memref_squeeze %dma_start3A_201 : memref<1x!tpu.dma_semaphore, #tpu.memory_space<semaphore_mem>> -> memref<!tpu.dma_semaphore, #tpu.memory_space<semaphore_mem>>
        %dma_start3A_203 = arith.constant 0 : i32
        %dma_start3A_204 = tpu.memref_slice %arg4[%multiple_of3A_194, %dma_start3A_203] : memref<1000000x128xf32, #tpu.memory_space<hbm>> -> memref<128x128xf32, #tpu.memory_space<hbm>>
        %dma_start3A_205 = arith.constant 0 : i32
        %dma_start3A_206 = arith.constant 0 : i32
        %dma_start3A_207 = tpu.memref_slice %arg6[%and3A_137, %dma_start3A_205, %dma_start3A_206] : memref<2x128x128xf32, #tpu.memory_space<vmem>> -> memref<1x128x128xf32, #tpu.memory_space<vmem>>
        %dma_start3A_208 = tpu.memref_squeeze %dma_start3A_207 : memref<1x128x128xf32, #tpu.memory_space<vmem>> -> memref<128x128xf32, #tpu.memory_space<vmem>>
        tpu.enqueue_dma source(%dma_start3A_208 : memref<128x128xf32, #tpu.memory_space<vmem>>) target(%dma_start3A_204 : memref<128x128xf32, #tpu.memory_space<hbm>>) target_semaphore(%dma_start3A_202 : memref<!tpu.dma_semaphore, #tpu.memory_space<semaphore_mem>>)
      } else {
      }
    }
    %scan3A_119 = arith.constant 245 : i32
    %add3A_120 = arith.constant 7776 : i32
    %add3A_121 = arith.addi %add3A_120, %add3A : i32
    %lt3A = arith.constant 7812 : i32
    %lt3A_122 = arith.cmpi slt, %add3A_121, %lt3A : i32
    %convert_element_type3A = arith.extui %lt3A_122 : i1 to i32
    %cond3A = arith.constant 0 : i32
    %cond3A_123 = arith.cmpi ne, %convert_element_type3A, %cond3A : i32
    scf.if %cond3A_123 {
      %dma_wait3A = arith.constant 1 : i32
      %dma_wait3A_135 = arith.constant 1 : i32
      %dma_wait3A_136 = arith.constant 0 : i32
      %dma_wait3A_137 = arith.constant 0 : i32
      %dma_wait3A_138 = tpu.memref_slice %arg6[%dma_wait3A, %dma_wait3A_136, %dma_wait3A_137] : memref<2x128x128xf32, #tpu.memory_space<vmem>> -> memref<1x128x128xf32, #tpu.memory_space<vmem>>
      %dma_wait3A_139 = tpu.memref_squeeze %dma_wait3A_138 : memref<1x128x128xf32, #tpu.memory_space<vmem>> -> memref<128x128xf32, #tpu.memory_space<vmem>>
      %dma_wait3A_140 = arith.constant 0 : i32
      %dma_wait3A_141 = arith.constant 0 : i32
      %dma_wait3A_142 = tpu.memref_slice %arg4[%dma_wait3A_140, %dma_wait3A_141] : memref<1000000x128xf32, #tpu.memory_space<hbm>> -> memref<128x128xf32, #tpu.memory_space<hbm>>
      %dma_wait3A_143 = tpu.memref_slice %arg9[%dma_wait3A_135] : memref<2x!tpu.dma_semaphore, #tpu.memory_space<semaphore_mem>> -> memref<1x!tpu.dma_semaphore, #tpu.memory_space<semaphore_mem>>
      %dma_wait3A_144 = tpu.memref_squeeze %dma_wait3A_143 : memref<1x!tpu.dma_semaphore, #tpu.memory_space<semaphore_mem>> -> memref<!tpu.dma_semaphore, #tpu.memory_space<semaphore_mem>>
      %dma_wait3A_145 = arith.constant 0 : i32
      %dma_wait3A_146 = arith.constant 0 : i32
      %dma_wait3A_147 = tpu.memref_slice %arg4[%dma_wait3A_145, %dma_wait3A_146] : memref<1000000x128xf32, #tpu.memory_space<hbm>> -> memref<128x128xf32, #tpu.memory_space<hbm>>
      %dma_wait3A_148 = arith.constant 0 : i32
      %dma_wait3A_149 = arith.constant 0 : i32
      %dma_wait3A_150 = tpu.memref_slice %arg6[%dma_wait3A, %dma_wait3A_148, %dma_wait3A_149] : memref<2x128x128xf32, #tpu.memory_space<vmem>> -> memref<1x128x128xf32, #tpu.memory_space<vmem>>
      %dma_wait3A_151 = tpu.memref_squeeze %dma_wait3A_150 : memref<1x128x128xf32, #tpu.memory_space<vmem>> -> memref<128x128xf32, #tpu.memory_space<vmem>>
      tpu.wait_dma2 semaphore(%dma_wait3A_144 : memref<!tpu.dma_semaphore, #tpu.memory_space<semaphore_mem>>) src(%dma_wait3A_151 : memref<128x128xf32, #tpu.memory_space<vmem>>) dst(%dma_wait3A_147 : memref<128x128xf32, #tpu.memory_space<hbm>>)
    } else {
    }
    %add3A_124 = arith.constant 7808 : i32
    %add3A_125 = arith.addi %add3A_124, %add3A : i32
    %lt3A_126 = arith.constant 7812 : i32
    %lt3A_127 = arith.cmpi slt, %add3A_125, %lt3A_126 : i32
    %convert_element_type3A_128 = arith.extui %lt3A_127 : i1 to i32
    %cond3A_129 = arith.constant 0 : i32
    %cond3A_130 = arith.cmpi ne, %convert_element_type3A_128, %cond3A_129 : i32
    scf.if %cond3A_130 {
      %dma_wait3A = arith.constant 0 : i32
      %dma_wait3A_135 = arith.constant 0 : i32
      %dma_wait3A_136 = arith.constant 0 : i32
      %dma_wait3A_137 = arith.constant 0 : i32
      %dma_wait3A_138 = tpu.memref_slice %arg6[%dma_wait3A, %dma_wait3A_136, %dma_wait3A_137] : memref<2x128x128xf32, #tpu.memory_space<vmem>> -> memref<1x128x128xf32, #tpu.memory_space<vmem>>
      %dma_wait3A_139 = tpu.memref_squeeze %dma_wait3A_138 : memref<1x128x128xf32, #tpu.memory_space<vmem>> -> memref<128x128xf32, #tpu.memory_space<vmem>>
      %dma_wait3A_140 = arith.constant 0 : i32
      %dma_wait3A_141 = arith.constant 0 : i32
      %dma_wait3A_142 = tpu.memref_slice %arg4[%dma_wait3A_140, %dma_wait3A_141] : memref<1000000x128xf32, #tpu.memory_space<hbm>> -> memref<128x128xf32, #tpu.memory_space<hbm>>
      %dma_wait3A_143 = tpu.memref_slice %arg9[%dma_wait3A_135] : memref<2x!tpu.dma_semaphore, #tpu.memory_space<semaphore_mem>> -> memref<1x!tpu.dma_semaphore, #tpu.memory_space<semaphore_mem>>
      %dma_wait3A_144 = tpu.memref_squeeze %dma_wait3A_143 : memref<1x!tpu.dma_semaphore, #tpu.memory_space<semaphore_mem>> -> memref<!tpu.dma_semaphore, #tpu.memory_space<semaphore_mem>>
      %dma_wait3A_145 = arith.constant 0 : i32
      %dma_wait3A_146 = arith.constant 0 : i32
      %dma_wait3A_147 = tpu.memref_slice %arg4[%dma_wait3A_145, %dma_wait3A_146] : memref<1000000x128xf32, #tpu.memory_space<hbm>> -> memref<128x128xf32, #tpu.memory_space<hbm>>
      %dma_wait3A_148 = arith.constant 0 : i32
      %dma_wait3A_149 = arith.constant 0 : i32
      %dma_wait3A_150 = tpu.memref_slice %arg6[%dma_wait3A, %dma_wait3A_148, %dma_wait3A_149] : memref<2x128x128xf32, #tpu.memory_space<vmem>> -> memref<1x128x128xf32, #tpu.memory_space<vmem>>
      %dma_wait3A_151 = tpu.memref_squeeze %dma_wait3A_150 : memref<1x128x128xf32, #tpu.memory_space<vmem>> -> memref<128x128xf32, #tpu.memory_space<vmem>>
      tpu.wait_dma2 semaphore(%dma_wait3A_144 : memref<!tpu.dma_semaphore, #tpu.memory_space<semaphore_mem>>) src(%dma_wait3A_151 : memref<128x128xf32, #tpu.memory_space<vmem>>) dst(%dma_wait3A_147 : memref<128x128xf32, #tpu.memory_space<hbm>>)
    } else {
    }
    %eq3A = arith.constant 0 : i32
    %eq3A_131 = arith.cmpi eq, %add3A, %eq3A : i32
    %convert_element_type3A_132 = arith.extui %eq3A_131 : i1 to i32
    %cond3A_133 = arith.constant 0 : i32
    %cond3A_134 = arith.cmpi ne, %convert_element_type3A_132, %cond3A_133 : i32
    scf.if %cond3A_134 {
      "tpu.region"() ({
        %run_scoped3A_137 = tpu.sem_alloc : memref<!tpu.dma_semaphore, #tpu.memory_space<semaphore_mem>>
        tpu.enqueue_dma source(%arg3 : memref<64x64xf32, #tpu.memory_space<hbm>>) target(%arg7 : memref<64x64xf32, #tpu.memory_space<vmem>>) target_semaphore(%run_scoped3A_137 : memref<!tpu.dma_semaphore, #tpu.memory_space<semaphore_mem>>)
        tpu.wait_dma2 semaphore(%run_scoped3A_137 : memref<!tpu.dma_semaphore, #tpu.memory_space<semaphore_mem>>) src(%arg3 : memref<64x64xf32, #tpu.memory_space<hbm>>) dst(%arg7 : memref<64x64xf32, #tpu.memory_space<vmem>>)
        tpu.yield
      }) : () -> ()
      %parallel_loop3A = arith.constant 0 : i32
      %parallel_loop3A_135 = arith.constant 4 : i32
      %parallel_loop3A_136 = arith.constant 1 : i32
      scf.for %parallel_loop3A_137 = %parallel_loop3A to %parallel_loop3A_135 step %parallel_loop3A_136  : i32 {
        %parallel_loop3A_138 = arith.constant 16 : i32
        %parallel_loop3A_139 = arith.muli %parallel_loop3A_137, %parallel_loop3A_138 : i32
        %parallel_loop3A_140 = vector.broadcast %parallel_loop3A_139 : i32 to vector<16xi32>
        %parallel_loop3A_141 = arith.addi %iota3A, %parallel_loop3A_140 : vector<16xi32>
        %parallel_loop3A_142 = arith.constant 0 : i32
        %parallel_loop3A_143 = vector.broadcast %parallel_loop3A_142 : i32 to vector<16xi32>
        %parallel_loop3A_144 = arith.addi %and3A_5, %parallel_loop3A_143 : vector<16xi32>
        %parallel_loop3A_145 = tpu.vector_load_idx %arg7[%parallel_loop3A_144, %parallel_loop3A_141] : memref<64x64xf32, #tpu.memory_space<vmem>>[vector<16xi32>, vector<16xi32>], vector<16xf32>,
        %parallel_loop3A_146 = arith.constant 0 : i32
        %parallel_loop3A_147 = arith.constant 0 : i32
        %parallel_loop3A_148 = arith.constant 0 : i32
        %parallel_loop3A_149 = tpu.memref_slice %arg6[%parallel_loop3A_146, %parallel_loop3A_147, %parallel_loop3A_148] : memref<2x128x128xf32, #tpu.memory_space<vmem>> -> memref<1x128x128xf32, #tpu.memory_space<vmem>>
        %parallel_loop3A_150 = tpu.memref_squeeze %parallel_loop3A_149 : memref<1x128x128xf32, #tpu.memory_space<vmem>> -> memref<128x128xf32, #tpu.memory_space<vmem>>
        tpu.vector_store_idx %parallel_loop3A_150[%parallel_loop3A_141, %parallel_loop3A_144], %parallel_loop3A_145 : memref<128x128xf32, #tpu.memory_space<vmem>>[vector<16xi32>, vector<16xi32>], vector<16xf32>,
        %parallel_loop3A_151 = arith.constant 16 : i32
        %parallel_loop3A_152 = vector.broadcast %parallel_loop3A_151 : i32 to vector<16xi32>
        %parallel_loop3A_153 = arith.addi %and3A_5, %parallel_loop3A_152 : vector<16xi32>
        %parallel_loop3A_154 = tpu.vector_load_idx %arg7[%parallel_loop3A_153, %parallel_loop3A_141] : memref<64x64xf32, #tpu.memory_space<vmem>>[vector<16xi32>, vector<16xi32>], vector<16xf32>,
        %parallel_loop3A_155 = arith.constant 0 : i32
        %parallel_loop3A_156 = arith.constant 0 : i32
        %parallel_loop3A_157 = arith.constant 0 : i32
        %parallel_loop3A_158 = tpu.memref_slice %arg6[%parallel_loop3A_155, %parallel_loop3A_156, %parallel_loop3A_157] : memref<2x128x128xf32, #tpu.memory_space<vmem>> -> memref<1x128x128xf32, #tpu.memory_space<vmem>>
        %parallel_loop3A_159 = tpu.memref_squeeze %parallel_loop3A_158 : memref<1x128x128xf32, #tpu.memory_space<vmem>> -> memref<128x128xf32, #tpu.memory_space<vmem>>
        tpu.vector_store_idx %parallel_loop3A_159[%parallel_loop3A_141, %parallel_loop3A_153], %parallel_loop3A_154 : memref<128x128xf32, #tpu.memory_space<vmem>>[vector<16xi32>, vector<16xi32>], vector<16xf32>,
        %parallel_loop3A_160 = arith.constant 32 : i32
        %parallel_loop3A_161 = vector.broadcast %parallel_loop3A_160 : i32 to vector<16xi32>
        %parallel_loop3A_162 = arith.addi %and3A_5, %parallel_loop3A_161 : vector<16xi32>
        %parallel_loop3A_163 = tpu.vector_load_idx %arg7[%parallel_loop3A_162, %parallel_loop3A_141] : memref<64x64xf32, #tpu.memory_space<vmem>>[vector<16xi32>, vector<16xi32>], vector<16xf32>,
        %parallel_loop3A_164 = arith.constant 0 : i32
        %parallel_loop3A_165 = arith.constant 0 : i32
        %parallel_loop3A_166 = arith.constant 0 : i32
        %parallel_loop3A_167 = tpu.memref_slice %arg6[%parallel_loop3A_164, %parallel_loop3A_165, %parallel_loop3A_166] : memref<2x128x128xf32, #tpu.memory_space<vmem>> -> memref<1x128x128xf32, #tpu.memory_space<vmem>>
        %parallel_loop3A_168 = tpu.memref_squeeze %parallel_loop3A_167 : memref<1x128x128xf32, #tpu.memory_space<vmem>> -> memref<128x128xf32, #tpu.memory_space<vmem>>
        tpu.vector_store_idx %parallel_loop3A_168[%parallel_loop3A_141, %parallel_loop3A_162], %parallel_loop3A_163 : memref<128x128xf32, #tpu.memory_space<vmem>>[vector<16xi32>, vector<16xi32>], vector<16xf32>,
        %parallel_loop3A_169 = arith.constant 48 : i32
        %parallel_loop3A_170 = vector.broadcast %parallel_loop3A_169 : i32 to vector<16xi32>
        %parallel_loop3A_171 = arith.addi %and3A_5, %parallel_loop3A_170 : vector<16xi32>
        %parallel_loop3A_172 = tpu.vector_load_idx %arg7[%parallel_loop3A_171, %parallel_loop3A_141] : memref<64x64xf32, #tpu.memory_space<vmem>>[vector<16xi32>, vector<16xi32>], vector<16xf32>,
        %parallel_loop3A_173 = arith.constant 0 : i32
        %parallel_loop3A_174 = arith.constant 0 : i32
        %parallel_loop3A_175 = arith.constant 0 : i32
        %parallel_loop3A_176 = tpu.memref_slice %arg6[%parallel_loop3A_173, %parallel_loop3A_174, %parallel_loop3A_175] : memref<2x128x128xf32, #tpu.memory_space<vmem>> -> memref<1x128x128xf32, #tpu.memory_space<vmem>>
        %parallel_loop3A_177 = tpu.memref_squeeze %parallel_loop3A_176 : memref<1x128x128xf32, #tpu.memory_space<vmem>> -> memref<128x128xf32, #tpu.memory_space<vmem>>
        tpu.vector_store_idx %parallel_loop3A_177[%parallel_loop3A_141, %parallel_loop3A_171], %parallel_loop3A_172 : memref<128x128xf32, #tpu.memory_space<vmem>>[vector<16xi32>, vector<16xi32>], vector<16xf32>,
        %parallel_loop3A_178 = arith.constant 0 : i32
        %parallel_loop3A_179 = vector.broadcast %parallel_loop3A_178 : i32 to vector<16xi32>
        %parallel_loop3A_180 = arith.addi %and3A_11, %parallel_loop3A_179 : vector<16xi32>
        %parallel_loop3A_181 = tpu.vector_load_idx %arg7[%parallel_loop3A_180, %parallel_loop3A_141] : memref<64x64xf32, #tpu.memory_space<vmem>>[vector<16xi32>, vector<16xi32>], vector<16xf32>,
        %parallel_loop3A_182 = arith.constant 0 : i32
        %parallel_loop3A_183 = arith.constant 0 : i32
        %parallel_loop3A_184 = arith.constant 0 : i32
        %parallel_loop3A_185 = tpu.memref_slice %arg6[%parallel_loop3A_182, %parallel_loop3A_183, %parallel_loop3A_184] : memref<2x128x128xf32, #tpu.memory_space<vmem>> -> memref<1x128x128xf32, #tpu.memory_space<vmem>>
        %parallel_loop3A_186 = tpu.memref_squeeze %parallel_loop3A_185 : memref<1x128x128xf32, #tpu.memory_space<vmem>> -> memref<128x128xf32, #tpu.memory_space<vmem>>
        tpu.vector_store_idx %parallel_loop3A_186[%parallel_loop3A_141, %parallel_loop3A_180], %parallel_loop3A_181 : memref<128x128xf32, #tpu.memory_space<vmem>>[vector<16xi32>, vector<16xi32>], vector<16xf32>,
        %parallel_loop3A_187 = arith.constant 16 : i32
        %parallel_loop3A_188 = vector.broadcast %parallel_loop3A_187 : i32 to vector<16xi32>
        %parallel_loop3A_189 = arith.addi %and3A_11, %parallel_loop3A_188 : vector<16xi32>
        %parallel_loop3A_190 = tpu.vector_load_idx %arg7[%parallel_loop3A_189, %parallel_loop3A_141] : memref<64x64xf32, #tpu.memory_space<vmem>>[vector<16xi32>, vector<16xi32>], vector<16xf32>,
        %parallel_loop3A_191 = arith.constant 0 : i32
        %parallel_loop3A_192 = arith.constant 0 : i32
        %parallel_loop3A_193 = arith.constant 0 : i32
        %parallel_loop3A_194 = tpu.memref_slice %arg6[%parallel_loop3A_191, %parallel_loop3A_192, %parallel_loop3A_193] : memref<2x128x128xf32, #tpu.memory_space<vmem>> -> memref<1x128x128xf32, #tpu.memory_space<vmem>>
        %parallel_loop3A_195 = tpu.memref_squeeze %parallel_loop3A_194 : memref<1x128x128xf32, #tpu.memory_space<vmem>> -> memref<128x128xf32, #tpu.memory_space<vmem>>
        tpu.vector_store_idx %parallel_loop3A_195[%parallel_loop3A_141, %parallel_loop3A_189], %parallel_loop3A_190 : memref<128x128xf32, #tpu.memory_space<vmem>>[vector<16xi32>, vector<16xi32>], vector<16xf32>,
        %parallel_loop3A_196 = arith.constant 32 : i32
        %parallel_loop3A_197 = vector.broadcast %parallel_loop3A_196 : i32 to vector<16xi32>
        %parallel_loop3A_198 = arith.addi %and3A_11, %parallel_loop3A_197 : vector<16xi32>
        %parallel_loop3A_199 = tpu.vector_load_idx %arg7[%parallel_loop3A_198, %parallel_loop3A_141] : memref<64x64xf32, #tpu.memory_space<vmem>>[vector<16xi32>, vector<16xi32>], vector<16xf32>,
        %parallel_loop3A_200 = arith.constant 0 : i32
        %parallel_loop3A_201 = arith.constant 0 : i32
        %parallel_loop3A_202 = arith.constant 0 : i32
        %parallel_loop3A_203 = tpu.memref_slice %arg6[%parallel_loop3A_200, %parallel_loop3A_201, %parallel_loop3A_202] : memref<2x128x128xf32, #tpu.memory_space<vmem>> -> memref<1x128x128xf32, #tpu.memory_space<vmem>>
        %parallel_loop3A_204 = tpu.memref_squeeze %parallel_loop3A_203 : memref<1x128x128xf32, #tpu.memory_space<vmem>> -> memref<128x128xf32, #tpu.memory_space<vmem>>
        tpu.vector_store_idx %parallel_loop3A_204[%parallel_loop3A_141, %parallel_loop3A_198], %parallel_loop3A_199 : memref<128x128xf32, #tpu.memory_space<vmem>>[vector<16xi32>, vector<16xi32>], vector<16xf32>,
        %parallel_loop3A_205 = arith.constant 48 : i32
        %parallel_loop3A_206 = vector.broadcast %parallel_loop3A_205 : i32 to vector<16xi32>
        %parallel_loop3A_207 = arith.addi %and3A_11, %parallel_loop3A_206 : vector<16xi32>
        %parallel_loop3A_208 = tpu.vector_load_idx %arg7[%parallel_loop3A_207, %parallel_loop3A_141] : memref<64x64xf32, #tpu.memory_space<vmem>>[vector<16xi32>, vector<16xi32>], vector<16xf32>,
        %parallel_loop3A_209 = arith.constant 0 : i32
        %parallel_loop3A_210 = arith.constant 0 : i32
        %parallel_loop3A_211 = arith.constant 0 : i32
        %parallel_loop3A_212 = tpu.memref_slice %arg6[%parallel_loop3A_209, %parallel_loop3A_210, %parallel_loop3A_211] : memref<2x128x128xf32, #tpu.memory_space<vmem>> -> memref<1x128x128xf32, #tpu.memory_space<vmem>>
        %parallel_loop3A_213 = tpu.memref_squeeze %parallel_loop3A_212 : memref<1x128x128xf32, #tpu.memory_space<vmem>> -> memref<128x128xf32, #tpu.memory_space<vmem>>
        tpu.vector_store_idx %parallel_loop3A_213[%parallel_loop3A_141, %parallel_loop3A_207], %parallel_loop3A_208 : memref<128x128xf32, #tpu.memory_space<vmem>>[vector<16xi32>, vector<16xi32>], vector<16xf32>,
        %parallel_loop3A_214 = arith.constant 0 : i32
        %parallel_loop3A_215 = vector.broadcast %parallel_loop3A_214 : i32 to vector<16xi32>
        %parallel_loop3A_216 = arith.addi %and3A_17, %parallel_loop3A_215 : vector<16xi32>
        %parallel_loop3A_217 = tpu.vector_load_idx %arg7[%parallel_loop3A_216, %parallel_loop3A_141] : memref<64x64xf32, #tpu.memory_space<vmem>>[vector<16xi32>, vector<16xi32>], vector<16xf32>,
        %parallel_loop3A_218 = arith.constant 0 : i32
        %parallel_loop3A_219 = arith.constant 0 : i32
        %parallel_loop3A_220 = arith.constant 0 : i32
        %parallel_loop3A_221 = tpu.memref_slice %arg6[%parallel_loop3A_218, %parallel_loop3A_219, %parallel_loop3A_220] : memref<2x128x128xf32, #tpu.memory_space<vmem>> -> memref<1x128x128xf32, #tpu.memory_space<vmem>>
        %parallel_loop3A_222 = tpu.memref_squeeze %parallel_loop3A_221 : memref<1x128x128xf32, #tpu.memory_space<vmem>> -> memref<128x128xf32, #tpu.memory_space<vmem>>
        tpu.vector_store_idx %parallel_loop3A_222[%parallel_loop3A_141, %parallel_loop3A_216], %parallel_loop3A_217 : memref<128x128xf32, #tpu.memory_space<vmem>>[vector<16xi32>, vector<16xi32>], vector<16xf32>,
        %parallel_loop3A_223 = arith.constant 16 : i32
        %parallel_loop3A_224 = vector.broadcast %parallel_loop3A_223 : i32 to vector<16xi32>
        %parallel_loop3A_225 = arith.addi %and3A_17, %parallel_loop3A_224 : vector<16xi32>
        %parallel_loop3A_226 = tpu.vector_load_idx %arg7[%parallel_loop3A_225, %parallel_loop3A_141] : memref<64x64xf32, #tpu.memory_space<vmem>>[vector<16xi32>, vector<16xi32>], vector<16xf32>,
        %parallel_loop3A_227 = arith.constant 0 : i32
        %parallel_loop3A_228 = arith.constant 0 : i32
        %parallel_loop3A_229 = arith.constant 0 : i32
        %parallel_loop3A_230 = tpu.memref_slice %arg6[%parallel_loop3A_227, %parallel_loop3A_228, %parallel_loop3A_229] : memref<2x128x128xf32, #tpu.memory_space<vmem>> -> memref<1x128x128xf32, #tpu.memory_space<vmem>>
        %parallel_loop3A_231 = tpu.memref_squeeze %parallel_loop3A_230 : memref<1x128x128xf32, #tpu.memory_space<vmem>> -> memref<128x128xf32, #tpu.memory_space<vmem>>
        tpu.vector_store_idx %parallel_loop3A_231[%parallel_loop3A_141, %parallel_loop3A_225], %parallel_loop3A_226 : memref<128x128xf32, #tpu.memory_space<vmem>>[vector<16xi32>, vector<16xi32>], vector<16xf32>,
        %parallel_loop3A_232 = arith.constant 32 : i32
        %parallel_loop3A_233 = vector.broadcast %parallel_loop3A_232 : i32 to vector<16xi32>
        %parallel_loop3A_234 = arith.addi %and3A_17, %parallel_loop3A_233 : vector<16xi32>
        %parallel_loop3A_235 = tpu.vector_load_idx %arg7[%parallel_loop3A_234, %parallel_loop3A_141] : memref<64x64xf32, #tpu.memory_space<vmem>>[vector<16xi32>, vector<16xi32>], vector<16xf32>,
        %parallel_loop3A_236 = arith.constant 0 : i32
        %parallel_loop3A_237 = arith.constant 0 : i32
        %parallel_loop3A_238 = arith.constant 0 : i32
        %parallel_loop3A_239 = tpu.memref_slice %arg6[%parallel_loop3A_236, %parallel_loop3A_237, %parallel_loop3A_238] : memref<2x128x128xf32, #tpu.memory_space<vmem>> -> memref<1x128x128xf32, #tpu.memory_space<vmem>>
        %parallel_loop3A_240 = tpu.memref_squeeze %parallel_loop3A_239 : memref<1x128x128xf32, #tpu.memory_space<vmem>> -> memref<128x128xf32, #tpu.memory_space<vmem>>
        tpu.vector_store_idx %parallel_loop3A_240[%parallel_loop3A_141, %parallel_loop3A_234], %parallel_loop3A_235 : memref<128x128xf32, #tpu.memory_space<vmem>>[vector<16xi32>, vector<16xi32>], vector<16xf32>,
        %parallel_loop3A_241 = arith.constant 48 : i32
        %parallel_loop3A_242 = vector.broadcast %parallel_loop3A_241 : i32 to vector<16xi32>
        %parallel_loop3A_243 = arith.addi %and3A_17, %parallel_loop3A_242 : vector<16xi32>
        %parallel_loop3A_244 = tpu.vector_load_idx %arg7[%parallel_loop3A_243, %parallel_loop3A_141] : memref<64x64xf32, #tpu.memory_space<vmem>>[vector<16xi32>, vector<16xi32>], vector<16xf32>,
        %parallel_loop3A_245 = arith.constant 0 : i32
        %parallel_loop3A_246 = arith.constant 0 : i32
        %parallel_loop3A_247 = arith.constant 0 : i32
        %parallel_loop3A_248 = tpu.memref_slice %arg6[%parallel_loop3A_245, %parallel_loop3A_246, %parallel_loop3A_247] : memref<2x128x128xf32, #tpu.memory_space<vmem>> -> memref<1x128x128xf32, #tpu.memory_space<vmem>>
        %parallel_loop3A_249 = tpu.memref_squeeze %parallel_loop3A_248 : memref<1x128x128xf32, #tpu.memory_space<vmem>> -> memref<128x128xf32, #tpu.memory_space<vmem>>
        tpu.vector_store_idx %parallel_loop3A_249[%parallel_loop3A_141, %parallel_loop3A_243], %parallel_loop3A_244 : memref<128x128xf32, #tpu.memory_space<vmem>>[vector<16xi32>, vector<16xi32>], vector<16xf32>,
        %parallel_loop3A_250 = arith.constant 0 : i32
        %parallel_loop3A_251 = vector.broadcast %parallel_loop3A_250 : i32 to vector<16xi32>
        %parallel_loop3A_252 = arith.addi %and3A_23, %parallel_loop3A_251 : vector<16xi32>
        %parallel_loop3A_253 = tpu.vector_load_idx %arg7[%parallel_loop3A_252, %parallel_loop3A_141] : memref<64x64xf32, #tpu.memory_space<vmem>>[vector<16xi32>, vector<16xi32>], vector<16xf32>,
        %parallel_loop3A_254 = arith.constant 0 : i32
        %parallel_loop3A_255 = arith.constant 0 : i32
        %parallel_loop3A_256 = arith.constant 0 : i32
        %parallel_loop3A_257 = tpu.memref_slice %arg6[%parallel_loop3A_254, %parallel_loop3A_255, %parallel_loop3A_256] : memref<2x128x128xf32, #tpu.memory_space<vmem>> -> memref<1x128x128xf32, #tpu.memory_space<vmem>>
        %parallel_loop3A_258 = tpu.memref_squeeze %parallel_loop3A_257 : memref<1x128x128xf32, #tpu.memory_space<vmem>> -> memref<128x128xf32, #tpu.memory_space<vmem>>
        tpu.vector_store_idx %parallel_loop3A_258[%parallel_loop3A_141, %parallel_loop3A_252], %parallel_loop3A_253 : memref<128x128xf32, #tpu.memory_space<vmem>>[vector<16xi32>, vector<16xi32>], vector<16xf32>,
        %parallel_loop3A_259 = arith.constant 16 : i32
        %parallel_loop3A_260 = vector.broadcast %parallel_loop3A_259 : i32 to vector<16xi32>
        %parallel_loop3A_261 = arith.addi %and3A_23, %parallel_loop3A_260 : vector<16xi32>
        %parallel_loop3A_262 = tpu.vector_load_idx %arg7[%parallel_loop3A_261, %parallel_loop3A_141] : memref<64x64xf32, #tpu.memory_space<vmem>>[vector<16xi32>, vector<16xi32>], vector<16xf32>,
        %parallel_loop3A_263 = arith.constant 0 : i32
        %parallel_loop3A_264 = arith.constant 0 : i32
        %parallel_loop3A_265 = arith.constant 0 : i32
        %parallel_loop3A_266 = tpu.memref_slice %arg6[%parallel_loop3A_263, %parallel_loop3A_264, %parallel_loop3A_265] : memref<2x128x128xf32, #tpu.memory_space<vmem>> -> memref<1x128x128xf32, #tpu.memory_space<vmem>>
        %parallel_loop3A_267 = tpu.memref_squeeze %parallel_loop3A_266 : memref<1x128x128xf32, #tpu.memory_space<vmem>> -> memref<128x128xf32, #tpu.memory_space<vmem>>
        tpu.vector_store_idx %parallel_loop3A_267[%parallel_loop3A_141, %parallel_loop3A_261], %parallel_loop3A_262 : memref<128x128xf32, #tpu.memory_space<vmem>>[vector<16xi32>, vector<16xi32>], vector<16xf32>,
        %parallel_loop3A_268 = arith.constant 32 : i32
        %parallel_loop3A_269 = vector.broadcast %parallel_loop3A_268 : i32 to vector<16xi32>
        %parallel_loop3A_270 = arith.addi %and3A_23, %parallel_loop3A_269 : vector<16xi32>
        %parallel_loop3A_271 = tpu.vector_load_idx %arg7[%parallel_loop3A_270, %parallel_loop3A_141] : memref<64x64xf32, #tpu.memory_space<vmem>>[vector<16xi32>, vector<16xi32>], vector<16xf32>,
        %parallel_loop3A_272 = arith.constant 0 : i32
        %parallel_loop3A_273 = arith.constant 0 : i32
        %parallel_loop3A_274 = arith.constant 0 : i32
        %parallel_loop3A_275 = tpu.memref_slice %arg6[%parallel_loop3A_272, %parallel_loop3A_273, %parallel_loop3A_274] : memref<2x128x128xf32, #tpu.memory_space<vmem>> -> memref<1x128x128xf32, #tpu.memory_space<vmem>>
        %parallel_loop3A_276 = tpu.memref_squeeze %parallel_loop3A_275 : memref<1x128x128xf32, #tpu.memory_space<vmem>> -> memref<128x128xf32, #tpu.memory_space<vmem>>
        tpu.vector_store_idx %parallel_loop3A_276[%parallel_loop3A_141, %parallel_loop3A_270], %parallel_loop3A_271 : memref<128x128xf32, #tpu.memory_space<vmem>>[vector<16xi32>, vector<16xi32>], vector<16xf32>,
        %parallel_loop3A_277 = arith.constant 48 : i32
        %parallel_loop3A_278 = vector.broadcast %parallel_loop3A_277 : i32 to vector<16xi32>
        %parallel_loop3A_279 = arith.addi %and3A_23, %parallel_loop3A_278 : vector<16xi32>
        %parallel_loop3A_280 = tpu.vector_load_idx %arg7[%parallel_loop3A_279, %parallel_loop3A_141] : memref<64x64xf32, #tpu.memory_space<vmem>>[vector<16xi32>, vector<16xi32>], vector<16xf32>,
        %parallel_loop3A_281 = arith.constant 0 : i32
        %parallel_loop3A_282 = arith.constant 0 : i32
        %parallel_loop3A_283 = arith.constant 0 : i32
        %parallel_loop3A_284 = tpu.memref_slice %arg6[%parallel_loop3A_281, %parallel_loop3A_282, %parallel_loop3A_283] : memref<2x128x128xf32, #tpu.memory_space<vmem>> -> memref<1x128x128xf32, #tpu.memory_space<vmem>>
        %parallel_loop3A_285 = tpu.memref_squeeze %parallel_loop3A_284 : memref<1x128x128xf32, #tpu.memory_space<vmem>> -> memref<128x128xf32, #tpu.memory_space<vmem>>
        tpu.vector_store_idx %parallel_loop3A_285[%parallel_loop3A_141, %parallel_loop3A_279], %parallel_loop3A_280 : memref<128x128xf32, #tpu.memory_space<vmem>>[vector<16xi32>, vector<16xi32>], vector<16xf32>,
        %parallel_loop3A_286 = arith.constant 0 : i32
        %parallel_loop3A_287 = vector.broadcast %parallel_loop3A_286 : i32 to vector<16xi32>
        %parallel_loop3A_288 = arith.addi %and3A_29, %parallel_loop3A_287 : vector<16xi32>
        %parallel_loop3A_289 = tpu.vector_load_idx %arg7[%parallel_loop3A_288, %parallel_loop3A_141] : memref<64x64xf32, #tpu.memory_space<vmem>>[vector<16xi32>, vector<16xi32>], vector<16xf32>,
        %parallel_loop3A_290 = arith.constant 0 : i32
        %parallel_loop3A_291 = arith.constant 0 : i32
        %parallel_loop3A_292 = arith.constant 0 : i32
        %parallel_loop3A_293 = tpu.memref_slice %arg6[%parallel_loop3A_290, %parallel_loop3A_291, %parallel_loop3A_292] : memref<2x128x128xf32, #tpu.memory_space<vmem>> -> memref<1x128x128xf32, #tpu.memory_space<vmem>>
        %parallel_loop3A_294 = tpu.memref_squeeze %parallel_loop3A_293 : memref<1x128x128xf32, #tpu.memory_space<vmem>> -> memref<128x128xf32, #tpu.memory_space<vmem>>
        tpu.vector_store_idx %parallel_loop3A_294[%parallel_loop3A_141, %parallel_loop3A_288], %parallel_loop3A_289 : memref<128x128xf32, #tpu.memory_space<vmem>>[vector<16xi32>, vector<16xi32>], vector<16xf32>,
        %parallel_loop3A_295 = arith.constant 16 : i32
        %parallel_loop3A_296 = vector.broadcast %parallel_loop3A_295 : i32 to vector<16xi32>
        %parallel_loop3A_297 = arith.addi %and3A_29, %parallel_loop3A_296 : vector<16xi32>
        %parallel_loop3A_298 = tpu.vector_load_idx %arg7[%parallel_loop3A_297, %parallel_loop3A_141] : memref<64x64xf32, #tpu.memory_space<vmem>>[vector<16xi32>, vector<16xi32>], vector<16xf32>,
        %parallel_loop3A_299 = arith.constant 0 : i32
        %parallel_loop3A_300 = arith.constant 0 : i32
        %parallel_loop3A_301 = arith.constant 0 : i32
        %parallel_loop3A_302 = tpu.memref_slice %arg6[%parallel_loop3A_299, %parallel_loop3A_300, %parallel_loop3A_301] : memref<2x128x128xf32, #tpu.memory_space<vmem>> -> memref<1x128x128xf32, #tpu.memory_space<vmem>>
        %parallel_loop3A_303 = tpu.memref_squeeze %parallel_loop3A_302 : memref<1x128x128xf32, #tpu.memory_space<vmem>> -> memref<128x128xf32, #tpu.memory_space<vmem>>
        tpu.vector_store_idx %parallel_loop3A_303[%parallel_loop3A_141, %parallel_loop3A_297], %parallel_loop3A_298 : memref<128x128xf32, #tpu.memory_space<vmem>>[vector<16xi32>, vector<16xi32>], vector<16xf32>,
        %parallel_loop3A_304 = arith.constant 32 : i32
        %parallel_loop3A_305 = vector.broadcast %parallel_loop3A_304 : i32 to vector<16xi32>
        %parallel_loop3A_306 = arith.addi %and3A_29, %parallel_loop3A_305 : vector<16xi32>
        %parallel_loop3A_307 = tpu.vector_load_idx %arg7[%parallel_loop3A_306, %parallel_loop3A_141] : memref<64x64xf32, #tpu.memory_space<vmem>>[vector<16xi32>, vector<16xi32>], vector<16xf32>,
        %parallel_loop3A_308 = arith.constant 0 : i32
        %parallel_loop3A_309 = arith.constant 0 : i32
        %parallel_loop3A_310 = arith.constant 0 : i32
        %parallel_loop3A_311 = tpu.memref_slice %arg6[%parallel_loop3A_308, %parallel_loop3A_309, %parallel_loop3A_310] : memref<2x128x128xf32, #tpu.memory_space<vmem>> -> memref<1x128x128xf32, #tpu.memory_space<vmem>>
        %parallel_loop3A_312 = tpu.memref_squeeze %parallel_loop3A_311 : memref<1x128x128xf32, #tpu.memory_space<vmem>> -> memref<128x128xf32, #tpu.memory_space<vmem>>
        tpu.vector_store_idx %parallel_loop3A_312[%parallel_loop3A_141, %parallel_loop3A_306], %parallel_loop3A_307 : memref<128x128xf32, #tpu.memory_space<vmem>>[vector<16xi32>, vector<16xi32>], vector<16xf32>,
        %parallel_loop3A_313 = arith.constant 48 : i32
        %parallel_loop3A_314 = vector.broadcast %parallel_loop3A_313 : i32 to vector<16xi32>
        %parallel_loop3A_315 = arith.addi %and3A_29, %parallel_loop3A_314 : vector<16xi32>
        %parallel_loop3A_316 = tpu.vector_load_idx %arg7[%parallel_loop3A_315, %parallel_loop3A_141] : memref<64x64xf32, #tpu.memory_space<vmem>>[vector<16xi32>, vector<16xi32>], vector<16xf32>,
        %parallel_loop3A_317 = arith.constant 0 : i32
        %parallel_loop3A_318 = arith.constant 0 : i32
        %parallel_loop3A_319 = arith.constant 0 : i32
        %parallel_loop3A_320 = tpu.memref_slice %arg6[%parallel_loop3A_317, %parallel_loop3A_318, %parallel_loop3A_319] : memref<2x128x128xf32, #tpu.memory_space<vmem>> -> memref<1x128x128xf32, #tpu.memory_space<vmem>>
        %parallel_loop3A_321 = tpu.memref_squeeze %parallel_loop3A_320 : memref<1x128x128xf32, #tpu.memory_space<vmem>> -> memref<128x128xf32, #tpu.memory_space<vmem>>
        tpu.vector_store_idx %parallel_loop3A_321[%parallel_loop3A_141, %parallel_loop3A_315], %parallel_loop3A_316 : memref<128x128xf32, #tpu.memory_space<vmem>>[vector<16xi32>, vector<16xi32>], vector<16xf32>,
        %parallel_loop3A_322 = arith.constant 0 : i32
        %parallel_loop3A_323 = vector.broadcast %parallel_loop3A_322 : i32 to vector<16xi32>
        %parallel_loop3A_324 = arith.addi %and3A_35, %parallel_loop3A_323 : vector<16xi32>
        %parallel_loop3A_325 = tpu.vector_load_idx %arg7[%parallel_loop3A_324, %parallel_loop3A_141] : memref<64x64xf32, #tpu.memory_space<vmem>>[vector<16xi32>, vector<16xi32>], vector<16xf32>,
        %parallel_loop3A_326 = arith.constant 0 : i32
        %parallel_loop3A_327 = arith.constant 0 : i32
        %parallel_loop3A_328 = arith.constant 0 : i32
        %parallel_loop3A_329 = tpu.memref_slice %arg6[%parallel_loop3A_326, %parallel_loop3A_327, %parallel_loop3A_328] : memref<2x128x128xf32, #tpu.memory_space<vmem>> -> memref<1x128x128xf32, #tpu.memory_space<vmem>>
        %parallel_loop3A_330 = tpu.memref_squeeze %parallel_loop3A_329 : memref<1x128x128xf32, #tpu.memory_space<vmem>> -> memref<128x128xf32, #tpu.memory_space<vmem>>
        tpu.vector_store_idx %parallel_loop3A_330[%parallel_loop3A_141, %parallel_loop3A_324], %parallel_loop3A_325 : memref<128x128xf32, #tpu.memory_space<vmem>>[vector<16xi32>, vector<16xi32>], vector<16xf32>,
        %parallel_loop3A_331 = arith.constant 16 : i32
        %parallel_loop3A_332 = vector.broadcast %parallel_loop3A_331 : i32 to vector<16xi32>
        %parallel_loop3A_333 = arith.addi %and3A_35, %parallel_loop3A_332 : vector<16xi32>
        %parallel_loop3A_334 = tpu.vector_load_idx %arg7[%parallel_loop3A_333, %parallel_loop3A_141] : memref<64x64xf32, #tpu.memory_space<vmem>>[vector<16xi32>, vector<16xi32>], vector<16xf32>,
        %parallel_loop3A_335 = arith.constant 0 : i32
        %parallel_loop3A_336 = arith.constant 0 : i32
        %parallel_loop3A_337 = arith.constant 0 : i32
        %parallel_loop3A_338 = tpu.memref_slice %arg6[%parallel_loop3A_335, %parallel_loop3A_336, %parallel_loop3A_337] : memref<2x128x128xf32, #tpu.memory_space<vmem>> -> memref<1x128x128xf32, #tpu.memory_space<vmem>>
        %parallel_loop3A_339 = tpu.memref_squeeze %parallel_loop3A_338 : memref<1x128x128xf32, #tpu.memory_space<vmem>> -> memref<128x128xf32, #tpu.memory_space<vmem>>
        tpu.vector_store_idx %parallel_loop3A_339[%parallel_loop3A_141, %parallel_loop3A_333], %parallel_loop3A_334 : memref<128x128xf32, #tpu.memory_space<vmem>>[vector<16xi32>, vector<16xi32>], vector<16xf32>,
        %parallel_loop3A_340 = arith.constant 32 : i32
        %parallel_loop3A_341 = vector.broadcast %parallel_loop3A_340 : i32 to vector<16xi32>
        %parallel_loop3A_342 = arith.addi %and3A_35, %parallel_loop3A_341 : vector<16xi32>
        %parallel_loop3A_343 = tpu.vector_load_idx %arg7[%parallel_loop3A_342, %parallel_loop3A_141] : memref<64x64xf32, #tpu.memory_space<vmem>>[vector<16xi32>, vector<16xi32>], vector<16xf32>,
        %parallel_loop3A_344 = arith.constant 0 : i32
        %parallel_loop3A_345 = arith.constant 0 : i32
        %parallel_loop3A_346 = arith.constant 0 : i32
        %parallel_loop3A_347 = tpu.memref_slice %arg6[%parallel_loop3A_344, %parallel_loop3A_345, %parallel_loop3A_346] : memref<2x128x128xf32, #tpu.memory_space<vmem>> -> memref<1x128x128xf32, #tpu.memory_space<vmem>>
        %parallel_loop3A_348 = tpu.memref_squeeze %parallel_loop3A_347 : memref<1x128x128xf32, #tpu.memory_space<vmem>> -> memref<128x128xf32, #tpu.memory_space<vmem>>
        tpu.vector_store_idx %parallel_loop3A_348[%parallel_loop3A_141, %parallel_loop3A_342], %parallel_loop3A_343 : memref<128x128xf32, #tpu.memory_space<vmem>>[vector<16xi32>, vector<16xi32>], vector<16xf32>,
        %parallel_loop3A_349 = arith.constant 48 : i32
        %parallel_loop3A_350 = vector.broadcast %parallel_loop3A_349 : i32 to vector<16xi32>
        %parallel_loop3A_351 = arith.addi %and3A_35, %parallel_loop3A_350 : vector<16xi32>
        %parallel_loop3A_352 = tpu.vector_load_idx %arg7[%parallel_loop3A_351, %parallel_loop3A_141] : memref<64x64xf32, #tpu.memory_space<vmem>>[vector<16xi32>, vector<16xi32>], vector<16xf32>,
        %parallel_loop3A_353 = arith.constant 0 : i32
        %parallel_loop3A_354 = arith.constant 0 : i32
        %parallel_loop3A_355 = arith.constant 0 : i32
        %parallel_loop3A_356 = tpu.memref_slice %arg6[%parallel_loop3A_353, %parallel_loop3A_354, %parallel_loop3A_355] : memref<2x128x128xf32, #tpu.memory_space<vmem>> -> memref<1x128x128xf32, #tpu.memory_space<vmem>>
        %parallel_loop3A_357 = tpu.memref_squeeze %parallel_loop3A_356 : memref<1x128x128xf32, #tpu.memory_space<vmem>> -> memref<128x128xf32, #tpu.memory_space<vmem>>
        tpu.vector_store_idx %parallel_loop3A_357[%parallel_loop3A_141, %parallel_loop3A_351], %parallel_loop3A_352 : memref<128x128xf32, #tpu.memory_space<vmem>>[vector<16xi32>, vector<16xi32>], vector<16xf32>,
        %parallel_loop3A_358 = arith.constant 0 : i32
        %parallel_loop3A_359 = vector.broadcast %parallel_loop3A_358 : i32 to vector<16xi32>
        %parallel_loop3A_360 = arith.addi %and3A_41, %parallel_loop3A_359 : vector<16xi32>
        %parallel_loop3A_361 = tpu.vector_load_idx %arg7[%parallel_loop3A_360, %parallel_loop3A_141] : memref<64x64xf32, #tpu.memory_space<vmem>>[vector<16xi32>, vector<16xi32>], vector<16xf32>,
        %parallel_loop3A_362 = arith.constant 0 : i32
        %parallel_loop3A_363 = arith.constant 0 : i32
        %parallel_loop3A_364 = arith.constant 0 : i32
        %parallel_loop3A_365 = tpu.memref_slice %arg6[%parallel_loop3A_362, %parallel_loop3A_363, %parallel_loop3A_364] : memref<2x128x128xf32, #tpu.memory_space<vmem>> -> memref<1x128x128xf32, #tpu.memory_space<vmem>>
        %parallel_loop3A_366 = tpu.memref_squeeze %parallel_loop3A_365 : memref<1x128x128xf32, #tpu.memory_space<vmem>> -> memref<128x128xf32, #tpu.memory_space<vmem>>
        tpu.vector_store_idx %parallel_loop3A_366[%parallel_loop3A_141, %parallel_loop3A_360], %parallel_loop3A_361 : memref<128x128xf32, #tpu.memory_space<vmem>>[vector<16xi32>, vector<16xi32>], vector<16xf32>,
        %parallel_loop3A_367 = arith.constant 16 : i32
        %parallel_loop3A_368 = vector.broadcast %parallel_loop3A_367 : i32 to vector<16xi32>
        %parallel_loop3A_369 = arith.addi %and3A_41, %parallel_loop3A_368 : vector<16xi32>
        %parallel_loop3A_370 = tpu.vector_load_idx %arg7[%parallel_loop3A_369, %parallel_loop3A_141] : memref<64x64xf32, #tpu.memory_space<vmem>>[vector<16xi32>, vector<16xi32>], vector<16xf32>,
        %parallel_loop3A_371 = arith.constant 0 : i32
        %parallel_loop3A_372 = arith.constant 0 : i32
        %parallel_loop3A_373 = arith.constant 0 : i32
        %parallel_loop3A_374 = tpu.memref_slice %arg6[%parallel_loop3A_371, %parallel_loop3A_372, %parallel_loop3A_373] : memref<2x128x128xf32, #tpu.memory_space<vmem>> -> memref<1x128x128xf32, #tpu.memory_space<vmem>>
        %parallel_loop3A_375 = tpu.memref_squeeze %parallel_loop3A_374 : memref<1x128x128xf32, #tpu.memory_space<vmem>> -> memref<128x128xf32, #tpu.memory_space<vmem>>
        tpu.vector_store_idx %parallel_loop3A_375[%parallel_loop3A_141, %parallel_loop3A_369], %parallel_loop3A_370 : memref<128x128xf32, #tpu.memory_space<vmem>>[vector<16xi32>, vector<16xi32>], vector<16xf32>,
        %parallel_loop3A_376 = arith.constant 32 : i32
        %parallel_loop3A_377 = vector.broadcast %parallel_loop3A_376 : i32 to vector<16xi32>
        %parallel_loop3A_378 = arith.addi %and3A_41, %parallel_loop3A_377 : vector<16xi32>
        %parallel_loop3A_379 = tpu.vector_load_idx %arg7[%parallel_loop3A_378, %parallel_loop3A_141] : memref<64x64xf32, #tpu.memory_space<vmem>>[vector<16xi32>, vector<16xi32>], vector<16xf32>,
        %parallel_loop3A_380 = arith.constant 0 : i32
        %parallel_loop3A_381 = arith.constant 0 : i32
        %parallel_loop3A_382 = arith.constant 0 : i32
        %parallel_loop3A_383 = tpu.memref_slice %arg6[%parallel_loop3A_380, %parallel_loop3A_381, %parallel_loop3A_382] : memref<2x128x128xf32, #tpu.memory_space<vmem>> -> memref<1x128x128xf32, #tpu.memory_space<vmem>>
        %parallel_loop3A_384 = tpu.memref_squeeze %parallel_loop3A_383 : memref<1x128x128xf32, #tpu.memory_space<vmem>> -> memref<128x128xf32, #tpu.memory_space<vmem>>
        tpu.vector_store_idx %parallel_loop3A_384[%parallel_loop3A_141, %parallel_loop3A_378], %parallel_loop3A_379 : memref<128x128xf32, #tpu.memory_space<vmem>>[vector<16xi32>, vector<16xi32>], vector<16xf32>,
        %parallel_loop3A_385 = arith.constant 48 : i32
        %parallel_loop3A_386 = vector.broadcast %parallel_loop3A_385 : i32 to vector<16xi32>
        %parallel_loop3A_387 = arith.addi %and3A_41, %parallel_loop3A_386 : vector<16xi32>
        %parallel_loop3A_388 = tpu.vector_load_idx %arg7[%parallel_loop3A_387, %parallel_loop3A_141] : memref<64x64xf32, #tpu.memory_space<vmem>>[vector<16xi32>, vector<16xi32>], vector<16xf32>,
        %parallel_loop3A_389 = arith.constant 0 : i32
        %parallel_loop3A_390 = arith.constant 0 : i32
        %parallel_loop3A_391 = arith.constant 0 : i32
        %parallel_loop3A_392 = tpu.memref_slice %arg6[%parallel_loop3A_389, %parallel_loop3A_390, %parallel_loop3A_391] : memref<2x128x128xf32, #tpu.memory_space<vmem>> -> memref<1x128x128xf32, #tpu.memory_space<vmem>>
        %parallel_loop3A_393 = tpu.memref_squeeze %parallel_loop3A_392 : memref<1x128x128xf32, #tpu.memory_space<vmem>> -> memref<128x128xf32, #tpu.memory_space<vmem>>
        tpu.vector_store_idx %parallel_loop3A_393[%parallel_loop3A_141, %parallel_loop3A_387], %parallel_loop3A_388 : memref<128x128xf32, #tpu.memory_space<vmem>>[vector<16xi32>, vector<16xi32>], vector<16xf32>,
        %parallel_loop3A_394 = arith.constant 0 : i32
        %parallel_loop3A_395 = vector.broadcast %parallel_loop3A_394 : i32 to vector<16xi32>
        %parallel_loop3A_396 = arith.addi %and3A_47, %parallel_loop3A_395 : vector<16xi32>
        %parallel_loop3A_397 = tpu.vector_load_idx %arg7[%parallel_loop3A_396, %parallel_loop3A_141] : memref<64x64xf32, #tpu.memory_space<vmem>>[vector<16xi32>, vector<16xi32>], vector<16xf32>,
        %parallel_loop3A_398 = arith.constant 0 : i32
        %parallel_loop3A_399 = arith.constant 0 : i32
        %parallel_loop3A_400 = arith.constant 0 : i32
        %parallel_loop3A_401 = tpu.memref_slice %arg6[%parallel_loop3A_398, %parallel_loop3A_399, %parallel_loop3A_400] : memref<2x128x128xf32, #tpu.memory_space<vmem>> -> memref<1x128x128xf32, #tpu.memory_space<vmem>>
        %parallel_loop3A_402 = tpu.memref_squeeze %parallel_loop3A_401 : memref<1x128x128xf32, #tpu.memory_space<vmem>> -> memref<128x128xf32, #tpu.memory_space<vmem>>
        tpu.vector_store_idx %parallel_loop3A_402[%parallel_loop3A_141, %parallel_loop3A_396], %parallel_loop3A_397 : memref<128x128xf32, #tpu.memory_space<vmem>>[vector<16xi32>, vector<16xi32>], vector<16xf32>,
        %parallel_loop3A_403 = arith.constant 16 : i32
        %parallel_loop3A_404 = vector.broadcast %parallel_loop3A_403 : i32 to vector<16xi32>
        %parallel_loop3A_405 = arith.addi %and3A_47, %parallel_loop3A_404 : vector<16xi32>
        %parallel_loop3A_406 = tpu.vector_load_idx %arg7[%parallel_loop3A_405, %parallel_loop3A_141] : memref<64x64xf32, #tpu.memory_space<vmem>>[vector<16xi32>, vector<16xi32>], vector<16xf32>,
        %parallel_loop3A_407 = arith.constant 0 : i32
        %parallel_loop3A_408 = arith.constant 0 : i32
        %parallel_loop3A_409 = arith.constant 0 : i32
        %parallel_loop3A_410 = tpu.memref_slice %arg6[%parallel_loop3A_407, %parallel_loop3A_408, %parallel_loop3A_409] : memref<2x128x128xf32, #tpu.memory_space<vmem>> -> memref<1x128x128xf32, #tpu.memory_space<vmem>>
        %parallel_loop3A_411 = tpu.memref_squeeze %parallel_loop3A_410 : memref<1x128x128xf32, #tpu.memory_space<vmem>> -> memref<128x128xf32, #tpu.memory_space<vmem>>
        tpu.vector_store_idx %parallel_loop3A_411[%parallel_loop3A_141, %parallel_loop3A_405], %parallel_loop3A_406 : memref<128x128xf32, #tpu.memory_space<vmem>>[vector<16xi32>, vector<16xi32>], vector<16xf32>,
        %parallel_loop3A_412 = arith.constant 32 : i32
        %parallel_loop3A_413 = vector.broadcast %parallel_loop3A_412 : i32 to vector<16xi32>
        %parallel_loop3A_414 = arith.addi %and3A_47, %parallel_loop3A_413 : vector<16xi32>
        %parallel_loop3A_415 = tpu.vector_load_idx %arg7[%parallel_loop3A_414, %parallel_loop3A_141] : memref<64x64xf32, #tpu.memory_space<vmem>>[vector<16xi32>, vector<16xi32>], vector<16xf32>,
        %parallel_loop3A_416 = arith.constant 0 : i32
        %parallel_loop3A_417 = arith.constant 0 : i32
        %parallel_loop3A_418 = arith.constant 0 : i32
        %parallel_loop3A_419 = tpu.memref_slice %arg6[%parallel_loop3A_416, %parallel_loop3A_417, %parallel_loop3A_418] : memref<2x128x128xf32, #tpu.memory_space<vmem>> -> memref<1x128x128xf32, #tpu.memory_space<vmem>>
        %parallel_loop3A_420 = tpu.memref_squeeze %parallel_loop3A_419 : memref<1x128x128xf32, #tpu.memory_space<vmem>> -> memref<128x128xf32, #tpu.memory_space<vmem>>
        tpu.vector_store_idx %parallel_loop3A_420[%parallel_loop3A_141, %parallel_loop3A_414], %parallel_loop3A_415 : memref<128x128xf32, #tpu.memory_space<vmem>>[vector<16xi32>, vector<16xi32>], vector<16xf32>,
        %parallel_loop3A_421 = arith.constant 48 : i32
        %parallel_loop3A_422 = vector.broadcast %parallel_loop3A_421 : i32 to vector<16xi32>
        %parallel_loop3A_423 = arith.addi %and3A_47, %parallel_loop3A_422 : vector<16xi32>
        %parallel_loop3A_424 = tpu.vector_load_idx %arg7[%parallel_loop3A_423, %parallel_loop3A_141] : memref<64x64xf32, #tpu.memory_space<vmem>>[vector<16xi32>, vector<16xi32>], vector<16xf32>,
        %parallel_loop3A_425 = arith.constant 0 : i32
        %parallel_loop3A_426 = arith.constant 0 : i32
        %parallel_loop3A_427 = arith.constant 0 : i32
        %parallel_loop3A_428 = tpu.memref_slice %arg6[%parallel_loop3A_425, %parallel_loop3A_426, %parallel_loop3A_427] : memref<2x128x128xf32, #tpu.memory_space<vmem>> -> memref<1x128x128xf32, #tpu.memory_space<vmem>>
        %parallel_loop3A_429 = tpu.memref_squeeze %parallel_loop3A_428 : memref<1x128x128xf32, #tpu.memory_space<vmem>> -> memref<128x128xf32, #tpu.memory_space<vmem>>
        tpu.vector_store_idx %parallel_loop3A_429[%parallel_loop3A_141, %parallel_loop3A_423], %parallel_loop3A_424 : memref<128x128xf32, #tpu.memory_space<vmem>>[vector<16xi32>, vector<16xi32>], vector<16xf32>,
        %parallel_loop3A_430 = arith.constant 0 : i32
        %parallel_loop3A_431 = vector.broadcast %parallel_loop3A_430 : i32 to vector<16xi32>
        %parallel_loop3A_432 = arith.addi %and3A_53, %parallel_loop3A_431 : vector<16xi32>
        %parallel_loop3A_433 = tpu.vector_load_idx %arg7[%parallel_loop3A_432, %parallel_loop3A_141] : memref<64x64xf32, #tpu.memory_space<vmem>>[vector<16xi32>, vector<16xi32>], vector<16xf32>,
        %parallel_loop3A_434 = arith.constant 0 : i32
        %parallel_loop3A_435 = arith.constant 0 : i32
        %parallel_loop3A_436 = arith.constant 0 : i32
        %parallel_loop3A_437 = tpu.memref_slice %arg6[%parallel_loop3A_434, %parallel_loop3A_435, %parallel_loop3A_436] : memref<2x128x128xf32, #tpu.memory_space<vmem>> -> memref<1x128x128xf32, #tpu.memory_space<vmem>>
        %parallel_loop3A_438 = tpu.memref_squeeze %parallel_loop3A_437 : memref<1x128x128xf32, #tpu.memory_space<vmem>> -> memref<128x128xf32, #tpu.memory_space<vmem>>
        tpu.vector_store_idx %parallel_loop3A_438[%parallel_loop3A_141, %parallel_loop3A_432], %parallel_loop3A_433 : memref<128x128xf32, #tpu.memory_space<vmem>>[vector<16xi32>, vector<16xi32>], vector<16xf32>,
        %parallel_loop3A_439 = arith.constant 16 : i32
        %parallel_loop3A_440 = vector.broadcast %parallel_loop3A_439 : i32 to vector<16xi32>
        %parallel_loop3A_441 = arith.addi %and3A_53, %parallel_loop3A_440 : vector<16xi32>
        %parallel_loop3A_442 = tpu.vector_load_idx %arg7[%parallel_loop3A_441, %parallel_loop3A_141] : memref<64x64xf32, #tpu.memory_space<vmem>>[vector<16xi32>, vector<16xi32>], vector<16xf32>,
        %parallel_loop3A_443 = arith.constant 0 : i32
        %parallel_loop3A_444 = arith.constant 0 : i32
        %parallel_loop3A_445 = arith.constant 0 : i32
        %parallel_loop3A_446 = tpu.memref_slice %arg6[%parallel_loop3A_443, %parallel_loop3A_444, %parallel_loop3A_445] : memref<2x128x128xf32, #tpu.memory_space<vmem>> -> memref<1x128x128xf32, #tpu.memory_space<vmem>>
        %parallel_loop3A_447 = tpu.memref_squeeze %parallel_loop3A_446 : memref<1x128x128xf32, #tpu.memory_space<vmem>> -> memref<128x128xf32, #tpu.memory_space<vmem>>
        tpu.vector_store_idx %parallel_loop3A_447[%parallel_loop3A_141, %parallel_loop3A_441], %parallel_loop3A_442 : memref<128x128xf32, #tpu.memory_space<vmem>>[vector<16xi32>, vector<16xi32>], vector<16xf32>,
        %parallel_loop3A_448 = arith.constant 32 : i32
        %parallel_loop3A_449 = vector.broadcast %parallel_loop3A_448 : i32 to vector<16xi32>
        %parallel_loop3A_450 = arith.addi %and3A_53, %parallel_loop3A_449 : vector<16xi32>
        %parallel_loop3A_451 = tpu.vector_load_idx %arg7[%parallel_loop3A_450, %parallel_loop3A_141] : memref<64x64xf32, #tpu.memory_space<vmem>>[vector<16xi32>, vector<16xi32>], vector<16xf32>,
        %parallel_loop3A_452 = arith.constant 0 : i32
        %parallel_loop3A_453 = arith.constant 0 : i32
        %parallel_loop3A_454 = arith.constant 0 : i32
        %parallel_loop3A_455 = tpu.memref_slice %arg6[%parallel_loop3A_452, %parallel_loop3A_453, %parallel_loop3A_454] : memref<2x128x128xf32, #tpu.memory_space<vmem>> -> memref<1x128x128xf32, #tpu.memory_space<vmem>>
        %parallel_loop3A_456 = tpu.memref_squeeze %parallel_loop3A_455 : memref<1x128x128xf32, #tpu.memory_space<vmem>> -> memref<128x128xf32, #tpu.memory_space<vmem>>
        tpu.vector_store_idx %parallel_loop3A_456[%parallel_loop3A_141, %parallel_loop3A_450], %parallel_loop3A_451 : memref<128x128xf32, #tpu.memory_space<vmem>>[vector<16xi32>, vector<16xi32>], vector<16xf32>,
        %parallel_loop3A_457 = arith.constant 48 : i32
        %parallel_loop3A_458 = vector.broadcast %parallel_loop3A_457 : i32 to vector<16xi32>
        %parallel_loop3A_459 = arith.addi %and3A_53, %parallel_loop3A_458 : vector<16xi32>
        %parallel_loop3A_460 = tpu.vector_load_idx %arg7[%parallel_loop3A_459, %parallel_loop3A_141] : memref<64x64xf32, #tpu.memory_space<vmem>>[vector<16xi32>, vector<16xi32>], vector<16xf32>,
        %parallel_loop3A_461 = arith.constant 0 : i32
        %parallel_loop3A_462 = arith.constant 0 : i32
        %parallel_loop3A_463 = arith.constant 0 : i32
        %parallel_loop3A_464 = tpu.memref_slice %arg6[%parallel_loop3A_461, %parallel_loop3A_462, %parallel_loop3A_463] : memref<2x128x128xf32, #tpu.memory_space<vmem>> -> memref<1x128x128xf32, #tpu.memory_space<vmem>>
        %parallel_loop3A_465 = tpu.memref_squeeze %parallel_loop3A_464 : memref<1x128x128xf32, #tpu.memory_space<vmem>> -> memref<128x128xf32, #tpu.memory_space<vmem>>
        tpu.vector_store_idx %parallel_loop3A_465[%parallel_loop3A_141, %parallel_loop3A_459], %parallel_loop3A_460 : memref<128x128xf32, #tpu.memory_space<vmem>>[vector<16xi32>, vector<16xi32>], vector<16xf32>,
        %parallel_loop3A_466 = arith.constant 0 : i32
        %parallel_loop3A_467 = vector.broadcast %parallel_loop3A_466 : i32 to vector<16xi32>
        %parallel_loop3A_468 = arith.addi %and3A_59, %parallel_loop3A_467 : vector<16xi32>
        %parallel_loop3A_469 = tpu.vector_load_idx %arg7[%parallel_loop3A_468, %parallel_loop3A_141] : memref<64x64xf32, #tpu.memory_space<vmem>>[vector<16xi32>, vector<16xi32>], vector<16xf32>,
        %parallel_loop3A_470 = arith.constant 0 : i32
        %parallel_loop3A_471 = arith.constant 0 : i32
        %parallel_loop3A_472 = arith.constant 0 : i32
        %parallel_loop3A_473 = tpu.memref_slice %arg6[%parallel_loop3A_470, %parallel_loop3A_471, %parallel_loop3A_472] : memref<2x128x128xf32, #tpu.memory_space<vmem>> -> memref<1x128x128xf32, #tpu.memory_space<vmem>>
        %parallel_loop3A_474 = tpu.memref_squeeze %parallel_loop3A_473 : memref<1x128x128xf32, #tpu.memory_space<vmem>> -> memref<128x128xf32, #tpu.memory_space<vmem>>
        tpu.vector_store_idx %parallel_loop3A_474[%parallel_loop3A_141, %parallel_loop3A_468], %parallel_loop3A_469 : memref<128x128xf32, #tpu.memory_space<vmem>>[vector<16xi32>, vector<16xi32>], vector<16xf32>,
        %parallel_loop3A_475 = arith.constant 16 : i32
        %parallel_loop3A_476 = vector.broadcast %parallel_loop3A_475 : i32 to vector<16xi32>
        %parallel_loop3A_477 = arith.addi %and3A_59, %parallel_loop3A_476 : vector<16xi32>
        %parallel_loop3A_478 = tpu.vector_load_idx %arg7[%parallel_loop3A_477, %parallel_loop3A_141] : memref<64x64xf32, #tpu.memory_space<vmem>>[vector<16xi32>, vector<16xi32>], vector<16xf32>,
        %parallel_loop3A_479 = arith.constant 0 : i32
        %parallel_loop3A_480 = arith.constant 0 : i32
        %parallel_loop3A_481 = arith.constant 0 : i32
        %parallel_loop3A_482 = tpu.memref_slice %arg6[%parallel_loop3A_479, %parallel_loop3A_480, %parallel_loop3A_481] : memref<2x128x128xf32, #tpu.memory_space<vmem>> -> memref<1x128x128xf32, #tpu.memory_space<vmem>>
        %parallel_loop3A_483 = tpu.memref_squeeze %parallel_loop3A_482 : memref<1x128x128xf32, #tpu.memory_space<vmem>> -> memref<128x128xf32, #tpu.memory_space<vmem>>
        tpu.vector_store_idx %parallel_loop3A_483[%parallel_loop3A_141, %parallel_loop3A_477], %parallel_loop3A_478 : memref<128x128xf32, #tpu.memory_space<vmem>>[vector<16xi32>, vector<16xi32>], vector<16xf32>,
        %parallel_loop3A_484 = arith.constant 32 : i32
        %parallel_loop3A_485 = vector.broadcast %parallel_loop3A_484 : i32 to vector<16xi32>
        %parallel_loop3A_486 = arith.addi %and3A_59, %parallel_loop3A_485 : vector<16xi32>
        %parallel_loop3A_487 = tpu.vector_load_idx %arg7[%parallel_loop3A_486, %parallel_loop3A_141] : memref<64x64xf32, #tpu.memory_space<vmem>>[vector<16xi32>, vector<16xi32>], vector<16xf32>,
        %parallel_loop3A_488 = arith.constant 0 : i32
        %parallel_loop3A_489 = arith.constant 0 : i32
        %parallel_loop3A_490 = arith.constant 0 : i32
        %parallel_loop3A_491 = tpu.memref_slice %arg6[%parallel_loop3A_488, %parallel_loop3A_489, %parallel_loop3A_490] : memref<2x128x128xf32, #tpu.memory_space<vmem>> -> memref<1x128x128xf32, #tpu.memory_space<vmem>>
        %parallel_loop3A_492 = tpu.memref_squeeze %parallel_loop3A_491 : memref<1x128x128xf32, #tpu.memory_space<vmem>> -> memref<128x128xf32, #tpu.memory_space<vmem>>
        tpu.vector_store_idx %parallel_loop3A_492[%parallel_loop3A_141, %parallel_loop3A_486], %parallel_loop3A_487 : memref<128x128xf32, #tpu.memory_space<vmem>>[vector<16xi32>, vector<16xi32>], vector<16xf32>,
        %parallel_loop3A_493 = arith.constant 48 : i32
        %parallel_loop3A_494 = vector.broadcast %parallel_loop3A_493 : i32 to vector<16xi32>
        %parallel_loop3A_495 = arith.addi %and3A_59, %parallel_loop3A_494 : vector<16xi32>
        %parallel_loop3A_496 = tpu.vector_load_idx %arg7[%parallel_loop3A_495, %parallel_loop3A_141] : memref<64x64xf32, #tpu.memory_space<vmem>>[vector<16xi32>, vector<16xi32>], vector<16xf32>,
        %parallel_loop3A_497 = arith.constant 0 : i32
        %parallel_loop3A_498 = arith.constant 0 : i32
        %parallel_loop3A_499 = arith.constant 0 : i32
        %parallel_loop3A_500 = tpu.memref_slice %arg6[%parallel_loop3A_497, %parallel_loop3A_498, %parallel_loop3A_499] : memref<2x128x128xf32, #tpu.memory_space<vmem>> -> memref<1x128x128xf32, #tpu.memory_space<vmem>>
        %parallel_loop3A_501 = tpu.memref_squeeze %parallel_loop3A_500 : memref<1x128x128xf32, #tpu.memory_space<vmem>> -> memref<128x128xf32, #tpu.memory_space<vmem>>
        tpu.vector_store_idx %parallel_loop3A_501[%parallel_loop3A_141, %parallel_loop3A_495], %parallel_loop3A_496 : memref<128x128xf32, #tpu.memory_space<vmem>>[vector<16xi32>, vector<16xi32>], vector<16xf32>,
        %parallel_loop3A_502 = arith.constant 0 : i32
        %parallel_loop3A_503 = vector.broadcast %parallel_loop3A_502 : i32 to vector<16xi32>
        %parallel_loop3A_504 = arith.addi %and3A_65, %parallel_loop3A_503 : vector<16xi32>
        %parallel_loop3A_505 = tpu.vector_load_idx %arg7[%parallel_loop3A_504, %parallel_loop3A_141] : memref<64x64xf32, #tpu.memory_space<vmem>>[vector<16xi32>, vector<16xi32>], vector<16xf32>,
        %parallel_loop3A_506 = arith.constant 0 : i32
        %parallel_loop3A_507 = arith.constant 0 : i32
        %parallel_loop3A_508 = arith.constant 0 : i32
        %parallel_loop3A_509 = tpu.memref_slice %arg6[%parallel_loop3A_506, %parallel_loop3A_507, %parallel_loop3A_508] : memref<2x128x128xf32, #tpu.memory_space<vmem>> -> memref<1x128x128xf32, #tpu.memory_space<vmem>>
        %parallel_loop3A_510 = tpu.memref_squeeze %parallel_loop3A_509 : memref<1x128x128xf32, #tpu.memory_space<vmem>> -> memref<128x128xf32, #tpu.memory_space<vmem>>
        tpu.vector_store_idx %parallel_loop3A_510[%parallel_loop3A_141, %parallel_loop3A_504], %parallel_loop3A_505 : memref<128x128xf32, #tpu.memory_space<vmem>>[vector<16xi32>, vector<16xi32>], vector<16xf32>,
        %parallel_loop3A_511 = arith.constant 16 : i32
        %parallel_loop3A_512 = vector.broadcast %parallel_loop3A_511 : i32 to vector<16xi32>
        %parallel_loop3A_513 = arith.addi %and3A_65, %parallel_loop3A_512 : vector<16xi32>
        %parallel_loop3A_514 = tpu.vector_load_idx %arg7[%parallel_loop3A_513, %parallel_loop3A_141] : memref<64x64xf32, #tpu.memory_space<vmem>>[vector<16xi32>, vector<16xi32>], vector<16xf32>,
        %parallel_loop3A_515 = arith.constant 0 : i32
        %parallel_loop3A_516 = arith.constant 0 : i32
        %parallel_loop3A_517 = arith.constant 0 : i32
        %parallel_loop3A_518 = tpu.memref_slice %arg6[%parallel_loop3A_515, %parallel_loop3A_516, %parallel_loop3A_517] : memref<2x128x128xf32, #tpu.memory_space<vmem>> -> memref<1x128x128xf32, #tpu.memory_space<vmem>>
        %parallel_loop3A_519 = tpu.memref_squeeze %parallel_loop3A_518 : memref<1x128x128xf32, #tpu.memory_space<vmem>> -> memref<128x128xf32, #tpu.memory_space<vmem>>
        tpu.vector_store_idx %parallel_loop3A_519[%parallel_loop3A_141, %parallel_loop3A_513], %parallel_loop3A_514 : memref<128x128xf32, #tpu.memory_space<vmem>>[vector<16xi32>, vector<16xi32>], vector<16xf32>,
        %parallel_loop3A_520 = arith.constant 32 : i32
        %parallel_loop3A_521 = vector.broadcast %parallel_loop3A_520 : i32 to vector<16xi32>
        %parallel_loop3A_522 = arith.addi %and3A_65, %parallel_loop3A_521 : vector<16xi32>
        %parallel_loop3A_523 = tpu.vector_load_idx %arg7[%parallel_loop3A_522, %parallel_loop3A_141] : memref<64x64xf32, #tpu.memory_space<vmem>>[vector<16xi32>, vector<16xi32>], vector<16xf32>,
        %parallel_loop3A_524 = arith.constant 0 : i32
        %parallel_loop3A_525 = arith.constant 0 : i32
        %parallel_loop3A_526 = arith.constant 0 : i32
        %parallel_loop3A_527 = tpu.memref_slice %arg6[%parallel_loop3A_524, %parallel_loop3A_525, %parallel_loop3A_526] : memref<2x128x128xf32, #tpu.memory_space<vmem>> -> memref<1x128x128xf32, #tpu.memory_space<vmem>>
        %parallel_loop3A_528 = tpu.memref_squeeze %parallel_loop3A_527 : memref<1x128x128xf32, #tpu.memory_space<vmem>> -> memref<128x128xf32, #tpu.memory_space<vmem>>
        tpu.vector_store_idx %parallel_loop3A_528[%parallel_loop3A_141, %parallel_loop3A_522], %parallel_loop3A_523 : memref<128x128xf32, #tpu.memory_space<vmem>>[vector<16xi32>, vector<16xi32>], vector<16xf32>,
        %parallel_loop3A_529 = arith.constant 48 : i32
        %parallel_loop3A_530 = vector.broadcast %parallel_loop3A_529 : i32 to vector<16xi32>
        %parallel_loop3A_531 = arith.addi %and3A_65, %parallel_loop3A_530 : vector<16xi32>
        %parallel_loop3A_532 = tpu.vector_load_idx %arg7[%parallel_loop3A_531, %parallel_loop3A_141] : memref<64x64xf32, #tpu.memory_space<vmem>>[vector<16xi32>, vector<16xi32>], vector<16xf32>,
        %parallel_loop3A_533 = arith.constant 0 : i32
        %parallel_loop3A_534 = arith.constant 0 : i32
        %parallel_loop3A_535 = arith.constant 0 : i32
        %parallel_loop3A_536 = tpu.memref_slice %arg6[%parallel_loop3A_533, %parallel_loop3A_534, %parallel_loop3A_535] : memref<2x128x128xf32, #tpu.memory_space<vmem>> -> memref<1x128x128xf32, #tpu.memory_space<vmem>>
        %parallel_loop3A_537 = tpu.memref_squeeze %parallel_loop3A_536 : memref<1x128x128xf32, #tpu.memory_space<vmem>> -> memref<128x128xf32, #tpu.memory_space<vmem>>
        tpu.vector_store_idx %parallel_loop3A_537[%parallel_loop3A_141, %parallel_loop3A_531], %parallel_loop3A_532 : memref<128x128xf32, #tpu.memory_space<vmem>>[vector<16xi32>, vector<16xi32>], vector<16xf32>,
        %parallel_loop3A_538 = arith.constant 0 : i32
        %parallel_loop3A_539 = vector.broadcast %parallel_loop3A_538 : i32 to vector<16xi32>
        %parallel_loop3A_540 = arith.addi %and3A_71, %parallel_loop3A_539 : vector<16xi32>
        %parallel_loop3A_541 = tpu.vector_load_idx %arg7[%parallel_loop3A_540, %parallel_loop3A_141] : memref<64x64xf32, #tpu.memory_space<vmem>>[vector<16xi32>, vector<16xi32>], vector<16xf32>,
        %parallel_loop3A_542 = arith.constant 0 : i32
        %parallel_loop3A_543 = arith.constant 0 : i32
        %parallel_loop3A_544 = arith.constant 0 : i32
        %parallel_loop3A_545 = tpu.memref_slice %arg6[%parallel_loop3A_542, %parallel_loop3A_543, %parallel_loop3A_544] : memref<2x128x128xf32, #tpu.memory_space<vmem>> -> memref<1x128x128xf32, #tpu.memory_space<vmem>>
        %parallel_loop3A_546 = tpu.memref_squeeze %parallel_loop3A_545 : memref<1x128x128xf32, #tpu.memory_space<vmem>> -> memref<128x128xf32, #tpu.memory_space<vmem>>
        tpu.vector_store_idx %parallel_loop3A_546[%parallel_loop3A_141, %parallel_loop3A_540], %parallel_loop3A_541 : memref<128x128xf32, #tpu.memory_space<vmem>>[vector<16xi32>, vector<16xi32>], vector<16xf32>,
        %parallel_loop3A_547 = arith.constant 16 : i32
        %parallel_loop3A_548 = vector.broadcast %parallel_loop3A_547 : i32 to vector<16xi32>
        %parallel_loop3A_549 = arith.addi %and3A_71, %parallel_loop3A_548 : vector<16xi32>
        %parallel_loop3A_550 = tpu.vector_load_idx %arg7[%parallel_loop3A_549, %parallel_loop3A_141] : memref<64x64xf32, #tpu.memory_space<vmem>>[vector<16xi32>, vector<16xi32>], vector<16xf32>,
        %parallel_loop3A_551 = arith.constant 0 : i32
        %parallel_loop3A_552 = arith.constant 0 : i32
        %parallel_loop3A_553 = arith.constant 0 : i32
        %parallel_loop3A_554 = tpu.memref_slice %arg6[%parallel_loop3A_551, %parallel_loop3A_552, %parallel_loop3A_553] : memref<2x128x128xf32, #tpu.memory_space<vmem>> -> memref<1x128x128xf32, #tpu.memory_space<vmem>>
        %parallel_loop3A_555 = tpu.memref_squeeze %parallel_loop3A_554 : memref<1x128x128xf32, #tpu.memory_space<vmem>> -> memref<128x128xf32, #tpu.memory_space<vmem>>
        tpu.vector_store_idx %parallel_loop3A_555[%parallel_loop3A_141, %parallel_loop3A_549], %parallel_loop3A_550 : memref<128x128xf32, #tpu.memory_space<vmem>>[vector<16xi32>, vector<16xi32>], vector<16xf32>,
        %parallel_loop3A_556 = arith.constant 32 : i32
        %parallel_loop3A_557 = vector.broadcast %parallel_loop3A_556 : i32 to vector<16xi32>
        %parallel_loop3A_558 = arith.addi %and3A_71, %parallel_loop3A_557 : vector<16xi32>
        %parallel_loop3A_559 = tpu.vector_load_idx %arg7[%parallel_loop3A_558, %parallel_loop3A_141] : memref<64x64xf32, #tpu.memory_space<vmem>>[vector<16xi32>, vector<16xi32>], vector<16xf32>,
        %parallel_loop3A_560 = arith.constant 0 : i32
        %parallel_loop3A_561 = arith.constant 0 : i32
        %parallel_loop3A_562 = arith.constant 0 : i32
        %parallel_loop3A_563 = tpu.memref_slice %arg6[%parallel_loop3A_560, %parallel_loop3A_561, %parallel_loop3A_562] : memref<2x128x128xf32, #tpu.memory_space<vmem>> -> memref<1x128x128xf32, #tpu.memory_space<vmem>>
        %parallel_loop3A_564 = tpu.memref_squeeze %parallel_loop3A_563 : memref<1x128x128xf32, #tpu.memory_space<vmem>> -> memref<128x128xf32, #tpu.memory_space<vmem>>
        tpu.vector_store_idx %parallel_loop3A_564[%parallel_loop3A_141, %parallel_loop3A_558], %parallel_loop3A_559 : memref<128x128xf32, #tpu.memory_space<vmem>>[vector<16xi32>, vector<16xi32>], vector<16xf32>,
        %parallel_loop3A_565 = arith.constant 48 : i32
        %parallel_loop3A_566 = vector.broadcast %parallel_loop3A_565 : i32 to vector<16xi32>
        %parallel_loop3A_567 = arith.addi %and3A_71, %parallel_loop3A_566 : vector<16xi32>
        %parallel_loop3A_568 = tpu.vector_load_idx %arg7[%parallel_loop3A_567, %parallel_loop3A_141] : memref<64x64xf32, #tpu.memory_space<vmem>>[vector<16xi32>, vector<16xi32>], vector<16xf32>,
        %parallel_loop3A_569 = arith.constant 0 : i32
        %parallel_loop3A_570 = arith.constant 0 : i32
        %parallel_loop3A_571 = arith.constant 0 : i32
        %parallel_loop3A_572 = tpu.memref_slice %arg6[%parallel_loop3A_569, %parallel_loop3A_570, %parallel_loop3A_571] : memref<2x128x128xf32, #tpu.memory_space<vmem>> -> memref<1x128x128xf32, #tpu.memory_space<vmem>>
        %parallel_loop3A_573 = tpu.memref_squeeze %parallel_loop3A_572 : memref<1x128x128xf32, #tpu.memory_space<vmem>> -> memref<128x128xf32, #tpu.memory_space<vmem>>
        tpu.vector_store_idx %parallel_loop3A_573[%parallel_loop3A_141, %parallel_loop3A_567], %parallel_loop3A_568 : memref<128x128xf32, #tpu.memory_space<vmem>>[vector<16xi32>, vector<16xi32>], vector<16xf32>,
        %parallel_loop3A_574 = arith.constant 0 : i32
        %parallel_loop3A_575 = vector.broadcast %parallel_loop3A_574 : i32 to vector<16xi32>
        %parallel_loop3A_576 = arith.addi %and3A_77, %parallel_loop3A_575 : vector<16xi32>
        %parallel_loop3A_577 = tpu.vector_load_idx %arg7[%parallel_loop3A_576, %parallel_loop3A_141] : memref<64x64xf32, #tpu.memory_space<vmem>>[vector<16xi32>, vector<16xi32>], vector<16xf32>,
        %parallel_loop3A_578 = arith.constant 0 : i32
        %parallel_loop3A_579 = arith.constant 0 : i32
        %parallel_loop3A_580 = arith.constant 0 : i32
        %parallel_loop3A_581 = tpu.memref_slice %arg6[%parallel_loop3A_578, %parallel_loop3A_579, %parallel_loop3A_580] : memref<2x128x128xf32, #tpu.memory_space<vmem>> -> memref<1x128x128xf32, #tpu.memory_space<vmem>>
        %parallel_loop3A_582 = tpu.memref_squeeze %parallel_loop3A_581 : memref<1x128x128xf32, #tpu.memory_space<vmem>> -> memref<128x128xf32, #tpu.memory_space<vmem>>
        tpu.vector_store_idx %parallel_loop3A_582[%parallel_loop3A_141, %parallel_loop3A_576], %parallel_loop3A_577 : memref<128x128xf32, #tpu.memory_space<vmem>>[vector<16xi32>, vector<16xi32>], vector<16xf32>,
        %parallel_loop3A_583 = arith.constant 16 : i32
        %parallel_loop3A_584 = vector.broadcast %parallel_loop3A_583 : i32 to vector<16xi32>
        %parallel_loop3A_585 = arith.addi %and3A_77, %parallel_loop3A_584 : vector<16xi32>
        %parallel_loop3A_586 = tpu.vector_load_idx %arg7[%parallel_loop3A_585, %parallel_loop3A_141] : memref<64x64xf32, #tpu.memory_space<vmem>>[vector<16xi32>, vector<16xi32>], vector<16xf32>,
        %parallel_loop3A_587 = arith.constant 0 : i32
        %parallel_loop3A_588 = arith.constant 0 : i32
        %parallel_loop3A_589 = arith.constant 0 : i32
        %parallel_loop3A_590 = tpu.memref_slice %arg6[%parallel_loop3A_587, %parallel_loop3A_588, %parallel_loop3A_589] : memref<2x128x128xf32, #tpu.memory_space<vmem>> -> memref<1x128x128xf32, #tpu.memory_space<vmem>>
        %parallel_loop3A_591 = tpu.memref_squeeze %parallel_loop3A_590 : memref<1x128x128xf32, #tpu.memory_space<vmem>> -> memref<128x128xf32, #tpu.memory_space<vmem>>
        tpu.vector_store_idx %parallel_loop3A_591[%parallel_loop3A_141, %parallel_loop3A_585], %parallel_loop3A_586 : memref<128x128xf32, #tpu.memory_space<vmem>>[vector<16xi32>, vector<16xi32>], vector<16xf32>,
        %parallel_loop3A_592 = arith.constant 32 : i32
        %parallel_loop3A_593 = vector.broadcast %parallel_loop3A_592 : i32 to vector<16xi32>
        %parallel_loop3A_594 = arith.addi %and3A_77, %parallel_loop3A_593 : vector<16xi32>
        %parallel_loop3A_595 = tpu.vector_load_idx %arg7[%parallel_loop3A_594, %parallel_loop3A_141] : memref<64x64xf32, #tpu.memory_space<vmem>>[vector<16xi32>, vector<16xi32>], vector<16xf32>,
        %parallel_loop3A_596 = arith.constant 0 : i32
        %parallel_loop3A_597 = arith.constant 0 : i32
        %parallel_loop3A_598 = arith.constant 0 : i32
        %parallel_loop3A_599 = tpu.memref_slice %arg6[%parallel_loop3A_596, %parallel_loop3A_597, %parallel_loop3A_598] : memref<2x128x128xf32, #tpu.memory_space<vmem>> -> memref<1x128x128xf32, #tpu.memory_space<vmem>>
        %parallel_loop3A_600 = tpu.memref_squeeze %parallel_loop3A_599 : memref<1x128x128xf32, #tpu.memory_space<vmem>> -> memref<128x128xf32, #tpu.memory_space<vmem>>
        tpu.vector_store_idx %parallel_loop3A_600[%parallel_loop3A_141, %parallel_loop3A_594], %parallel_loop3A_595 : memref<128x128xf32, #tpu.memory_space<vmem>>[vector<16xi32>, vector<16xi32>], vector<16xf32>,
        %parallel_loop3A_601 = arith.constant 48 : i32
        %parallel_loop3A_602 = vector.broadcast %parallel_loop3A_601 : i32 to vector<16xi32>
        %parallel_loop3A_603 = arith.addi %and3A_77, %parallel_loop3A_602 : vector<16xi32>
        %parallel_loop3A_604 = tpu.vector_load_idx %arg7[%parallel_loop3A_603, %parallel_loop3A_141] : memref<64x64xf32, #tpu.memory_space<vmem>>[vector<16xi32>, vector<16xi32>], vector<16xf32>,
        %parallel_loop3A_605 = arith.constant 0 : i32
        %parallel_loop3A_606 = arith.constant 0 : i32
        %parallel_loop3A_607 = arith.constant 0 : i32
        %parallel_loop3A_608 = tpu.memref_slice %arg6[%parallel_loop3A_605, %parallel_loop3A_606, %parallel_loop3A_607] : memref<2x128x128xf32, #tpu.memory_space<vmem>> -> memref<1x128x128xf32, #tpu.memory_space<vmem>>
        %parallel_loop3A_609 = tpu.memref_squeeze %parallel_loop3A_608 : memref<1x128x128xf32, #tpu.memory_space<vmem>> -> memref<128x128xf32, #tpu.memory_space<vmem>>
        tpu.vector_store_idx %parallel_loop3A_609[%parallel_loop3A_141, %parallel_loop3A_603], %parallel_loop3A_604 : memref<128x128xf32, #tpu.memory_space<vmem>>[vector<16xi32>, vector<16xi32>], vector<16xf32>,
        %parallel_loop3A_610 = arith.constant 0 : i32
        %parallel_loop3A_611 = vector.broadcast %parallel_loop3A_610 : i32 to vector<16xi32>
        %parallel_loop3A_612 = arith.addi %and3A_83, %parallel_loop3A_611 : vector<16xi32>
        %parallel_loop3A_613 = tpu.vector_load_idx %arg7[%parallel_loop3A_612, %parallel_loop3A_141] : memref<64x64xf32, #tpu.memory_space<vmem>>[vector<16xi32>, vector<16xi32>], vector<16xf32>,
        %parallel_loop3A_614 = arith.constant 0 : i32
        %parallel_loop3A_615 = arith.constant 0 : i32
        %parallel_loop3A_616 = arith.constant 0 : i32
        %parallel_loop3A_617 = tpu.memref_slice %arg6[%parallel_loop3A_614, %parallel_loop3A_615, %parallel_loop3A_616] : memref<2x128x128xf32, #tpu.memory_space<vmem>> -> memref<1x128x128xf32, #tpu.memory_space<vmem>>
        %parallel_loop3A_618 = tpu.memref_squeeze %parallel_loop3A_617 : memref<1x128x128xf32, #tpu.memory_space<vmem>> -> memref<128x128xf32, #tpu.memory_space<vmem>>
        tpu.vector_store_idx %parallel_loop3A_618[%parallel_loop3A_141, %parallel_loop3A_612], %parallel_loop3A_613 : memref<128x128xf32, #tpu.memory_space<vmem>>[vector<16xi32>, vector<16xi32>], vector<16xf32>,
        %parallel_loop3A_619 = arith.constant 16 : i32
        %parallel_loop3A_620 = vector.broadcast %parallel_loop3A_619 : i32 to vector<16xi32>
        %parallel_loop3A_621 = arith.addi %and3A_83, %parallel_loop3A_620 : vector<16xi32>
        %parallel_loop3A_622 = tpu.vector_load_idx %arg7[%parallel_loop3A_621, %parallel_loop3A_141] : memref<64x64xf32, #tpu.memory_space<vmem>>[vector<16xi32>, vector<16xi32>], vector<16xf32>,
        %parallel_loop3A_623 = arith.constant 0 : i32
        %parallel_loop3A_624 = arith.constant 0 : i32
        %parallel_loop3A_625 = arith.constant 0 : i32
        %parallel_loop3A_626 = tpu.memref_slice %arg6[%parallel_loop3A_623, %parallel_loop3A_624, %parallel_loop3A_625] : memref<2x128x128xf32, #tpu.memory_space<vmem>> -> memref<1x128x128xf32, #tpu.memory_space<vmem>>
        %parallel_loop3A_627 = tpu.memref_squeeze %parallel_loop3A_626 : memref<1x128x128xf32, #tpu.memory_space<vmem>> -> memref<128x128xf32, #tpu.memory_space<vmem>>
        tpu.vector_store_idx %parallel_loop3A_627[%parallel_loop3A_141, %parallel_loop3A_621], %parallel_loop3A_622 : memref<128x128xf32, #tpu.memory_space<vmem>>[vector<16xi32>, vector<16xi32>], vector<16xf32>,
        %parallel_loop3A_628 = arith.constant 32 : i32
        %parallel_loop3A_629 = vector.broadcast %parallel_loop3A_628 : i32 to vector<16xi32>
        %parallel_loop3A_630 = arith.addi %and3A_83, %parallel_loop3A_629 : vector<16xi32>
        %parallel_loop3A_631 = tpu.vector_load_idx %arg7[%parallel_loop3A_630, %parallel_loop3A_141] : memref<64x64xf32, #tpu.memory_space<vmem>>[vector<16xi32>, vector<16xi32>], vector<16xf32>,
        %parallel_loop3A_632 = arith.constant 0 : i32
        %parallel_loop3A_633 = arith.constant 0 : i32
        %parallel_loop3A_634 = arith.constant 0 : i32
        %parallel_loop3A_635 = tpu.memref_slice %arg6[%parallel_loop3A_632, %parallel_loop3A_633, %parallel_loop3A_634] : memref<2x128x128xf32, #tpu.memory_space<vmem>> -> memref<1x128x128xf32, #tpu.memory_space<vmem>>
        %parallel_loop3A_636 = tpu.memref_squeeze %parallel_loop3A_635 : memref<1x128x128xf32, #tpu.memory_space<vmem>> -> memref<128x128xf32, #tpu.memory_space<vmem>>
        tpu.vector_store_idx %parallel_loop3A_636[%parallel_loop3A_141, %parallel_loop3A_630], %parallel_loop3A_631 : memref<128x128xf32, #tpu.memory_space<vmem>>[vector<16xi32>, vector<16xi32>], vector<16xf32>,
        %parallel_loop3A_637 = arith.constant 48 : i32
        %parallel_loop3A_638 = vector.broadcast %parallel_loop3A_637 : i32 to vector<16xi32>
        %parallel_loop3A_639 = arith.addi %and3A_83, %parallel_loop3A_638 : vector<16xi32>
        %parallel_loop3A_640 = tpu.vector_load_idx %arg7[%parallel_loop3A_639, %parallel_loop3A_141] : memref<64x64xf32, #tpu.memory_space<vmem>>[vector<16xi32>, vector<16xi32>], vector<16xf32>,
        %parallel_loop3A_641 = arith.constant 0 : i32
        %parallel_loop3A_642 = arith.constant 0 : i32
        %parallel_loop3A_643 = arith.constant 0 : i32
        %parallel_loop3A_644 = tpu.memref_slice %arg6[%parallel_loop3A_641, %parallel_loop3A_642, %parallel_loop3A_643] : memref<2x128x128xf32, #tpu.memory_space<vmem>> -> memref<1x128x128xf32, #tpu.memory_space<vmem>>
        %parallel_loop3A_645 = tpu.memref_squeeze %parallel_loop3A_644 : memref<1x128x128xf32, #tpu.memory_space<vmem>> -> memref<128x128xf32, #tpu.memory_space<vmem>>
        tpu.vector_store_idx %parallel_loop3A_645[%parallel_loop3A_141, %parallel_loop3A_639], %parallel_loop3A_640 : memref<128x128xf32, #tpu.memory_space<vmem>>[vector<16xi32>, vector<16xi32>], vector<16xf32>,
        %parallel_loop3A_646 = arith.constant 0 : i32
        %parallel_loop3A_647 = vector.broadcast %parallel_loop3A_646 : i32 to vector<16xi32>
        %parallel_loop3A_648 = arith.addi %and3A_89, %parallel_loop3A_647 : vector<16xi32>
        %parallel_loop3A_649 = tpu.vector_load_idx %arg7[%parallel_loop3A_648, %parallel_loop3A_141] : memref<64x64xf32, #tpu.memory_space<vmem>>[vector<16xi32>, vector<16xi32>], vector<16xf32>,
        %parallel_loop3A_650 = arith.constant 0 : i32
        %parallel_loop3A_651 = arith.constant 0 : i32
        %parallel_loop3A_652 = arith.constant 0 : i32
        %parallel_loop3A_653 = tpu.memref_slice %arg6[%parallel_loop3A_650, %parallel_loop3A_651, %parallel_loop3A_652] : memref<2x128x128xf32, #tpu.memory_space<vmem>> -> memref<1x128x128xf32, #tpu.memory_space<vmem>>
        %parallel_loop3A_654 = tpu.memref_squeeze %parallel_loop3A_653 : memref<1x128x128xf32, #tpu.memory_space<vmem>> -> memref<128x128xf32, #tpu.memory_space<vmem>>
        tpu.vector_store_idx %parallel_loop3A_654[%parallel_loop3A_141, %parallel_loop3A_648], %parallel_loop3A_649 : memref<128x128xf32, #tpu.memory_space<vmem>>[vector<16xi32>, vector<16xi32>], vector<16xf32>,
        %parallel_loop3A_655 = arith.constant 16 : i32
        %parallel_loop3A_656 = vector.broadcast %parallel_loop3A_655 : i32 to vector<16xi32>
        %parallel_loop3A_657 = arith.addi %and3A_89, %parallel_loop3A_656 : vector<16xi32>
        %parallel_loop3A_658 = tpu.vector_load_idx %arg7[%parallel_loop3A_657, %parallel_loop3A_141] : memref<64x64xf32, #tpu.memory_space<vmem>>[vector<16xi32>, vector<16xi32>], vector<16xf32>,
        %parallel_loop3A_659 = arith.constant 0 : i32
        %parallel_loop3A_660 = arith.constant 0 : i32
        %parallel_loop3A_661 = arith.constant 0 : i32
        %parallel_loop3A_662 = tpu.memref_slice %arg6[%parallel_loop3A_659, %parallel_loop3A_660, %parallel_loop3A_661] : memref<2x128x128xf32, #tpu.memory_space<vmem>> -> memref<1x128x128xf32, #tpu.memory_space<vmem>>
        %parallel_loop3A_663 = tpu.memref_squeeze %parallel_loop3A_662 : memref<1x128x128xf32, #tpu.memory_space<vmem>> -> memref<128x128xf32, #tpu.memory_space<vmem>>
        tpu.vector_store_idx %parallel_loop3A_663[%parallel_loop3A_141, %parallel_loop3A_657], %parallel_loop3A_658 : memref<128x128xf32, #tpu.memory_space<vmem>>[vector<16xi32>, vector<16xi32>], vector<16xf32>,
        %parallel_loop3A_664 = arith.constant 32 : i32
        %parallel_loop3A_665 = vector.broadcast %parallel_loop3A_664 : i32 to vector<16xi32>
        %parallel_loop3A_666 = arith.addi %and3A_89, %parallel_loop3A_665 : vector<16xi32>
        %parallel_loop3A_667 = tpu.vector_load_idx %arg7[%parallel_loop3A_666, %parallel_loop3A_141] : memref<64x64xf32, #tpu.memory_space<vmem>>[vector<16xi32>, vector<16xi32>], vector<16xf32>,
        %parallel_loop3A_668 = arith.constant 0 : i32
        %parallel_loop3A_669 = arith.constant 0 : i32
        %parallel_loop3A_670 = arith.constant 0 : i32
        %parallel_loop3A_671 = tpu.memref_slice %arg6[%parallel_loop3A_668, %parallel_loop3A_669, %parallel_loop3A_670] : memref<2x128x128xf32, #tpu.memory_space<vmem>> -> memref<1x128x128xf32, #tpu.memory_space<vmem>>
        %parallel_loop3A_672 = tpu.memref_squeeze %parallel_loop3A_671 : memref<1x128x128xf32, #tpu.memory_space<vmem>> -> memref<128x128xf32, #tpu.memory_space<vmem>>
        tpu.vector_store_idx %parallel_loop3A_672[%parallel_loop3A_141, %parallel_loop3A_666], %parallel_loop3A_667 : memref<128x128xf32, #tpu.memory_space<vmem>>[vector<16xi32>, vector<16xi32>], vector<16xf32>,
        %parallel_loop3A_673 = arith.constant 48 : i32
        %parallel_loop3A_674 = vector.broadcast %parallel_loop3A_673 : i32 to vector<16xi32>
        %parallel_loop3A_675 = arith.addi %and3A_89, %parallel_loop3A_674 : vector<16xi32>
        %parallel_loop3A_676 = tpu.vector_load_idx %arg7[%parallel_loop3A_675, %parallel_loop3A_141] : memref<64x64xf32, #tpu.memory_space<vmem>>[vector<16xi32>, vector<16xi32>], vector<16xf32>,
        %parallel_loop3A_677 = arith.constant 0 : i32
        %parallel_loop3A_678 = arith.constant 0 : i32
        %parallel_loop3A_679 = arith.constant 0 : i32
        %parallel_loop3A_680 = tpu.memref_slice %arg6[%parallel_loop3A_677, %parallel_loop3A_678, %parallel_loop3A_679] : memref<2x128x128xf32, #tpu.memory_space<vmem>> -> memref<1x128x128xf32, #tpu.memory_space<vmem>>
        %parallel_loop3A_681 = tpu.memref_squeeze %parallel_loop3A_680 : memref<1x128x128xf32, #tpu.memory_space<vmem>> -> memref<128x128xf32, #tpu.memory_space<vmem>>
        tpu.vector_store_idx %parallel_loop3A_681[%parallel_loop3A_141, %parallel_loop3A_675], %parallel_loop3A_676 : memref<128x128xf32, #tpu.memory_space<vmem>>[vector<16xi32>, vector<16xi32>], vector<16xf32>,
        %parallel_loop3A_682 = arith.constant 0 : i32
        %parallel_loop3A_683 = vector.broadcast %parallel_loop3A_682 : i32 to vector<16xi32>
        %parallel_loop3A_684 = arith.addi %and3A_95, %parallel_loop3A_683 : vector<16xi32>
        %parallel_loop3A_685 = tpu.vector_load_idx %arg7[%parallel_loop3A_684, %parallel_loop3A_141] : memref<64x64xf32, #tpu.memory_space<vmem>>[vector<16xi32>, vector<16xi32>], vector<16xf32>,
        %parallel_loop3A_686 = arith.constant 0 : i32
        %parallel_loop3A_687 = arith.constant 0 : i32
        %parallel_loop3A_688 = arith.constant 0 : i32
        %parallel_loop3A_689 = tpu.memref_slice %arg6[%parallel_loop3A_686, %parallel_loop3A_687, %parallel_loop3A_688] : memref<2x128x128xf32, #tpu.memory_space<vmem>> -> memref<1x128x128xf32, #tpu.memory_space<vmem>>
        %parallel_loop3A_690 = tpu.memref_squeeze %parallel_loop3A_689 : memref<1x128x128xf32, #tpu.memory_space<vmem>> -> memref<128x128xf32, #tpu.memory_space<vmem>>
        tpu.vector_store_idx %parallel_loop3A_690[%parallel_loop3A_141, %parallel_loop3A_684], %parallel_loop3A_685 : memref<128x128xf32, #tpu.memory_space<vmem>>[vector<16xi32>, vector<16xi32>], vector<16xf32>,
        %parallel_loop3A_691 = arith.constant 16 : i32
        %parallel_loop3A_692 = vector.broadcast %parallel_loop3A_691 : i32 to vector<16xi32>
        %parallel_loop3A_693 = arith.addi %and3A_95, %parallel_loop3A_692 : vector<16xi32>
        %parallel_loop3A_694 = tpu.vector_load_idx %arg7[%parallel_loop3A_693, %parallel_loop3A_141] : memref<64x64xf32, #tpu.memory_space<vmem>>[vector<16xi32>, vector<16xi32>], vector<16xf32>,
        %parallel_loop3A_695 = arith.constant 0 : i32
        %parallel_loop3A_696 = arith.constant 0 : i32
        %parallel_loop3A_697 = arith.constant 0 : i32
        %parallel_loop3A_698 = tpu.memref_slice %arg6[%parallel_loop3A_695, %parallel_loop3A_696, %parallel_loop3A_697] : memref<2x128x128xf32, #tpu.memory_space<vmem>> -> memref<1x128x128xf32, #tpu.memory_space<vmem>>
        %parallel_loop3A_699 = tpu.memref_squeeze %parallel_loop3A_698 : memref<1x128x128xf32, #tpu.memory_space<vmem>> -> memref<128x128xf32, #tpu.memory_space<vmem>>
        tpu.vector_store_idx %parallel_loop3A_699[%parallel_loop3A_141, %parallel_loop3A_693], %parallel_loop3A_694 : memref<128x128xf32, #tpu.memory_space<vmem>>[vector<16xi32>, vector<16xi32>], vector<16xf32>,
        %parallel_loop3A_700 = arith.constant 32 : i32
        %parallel_loop3A_701 = vector.broadcast %parallel_loop3A_700 : i32 to vector<16xi32>
        %parallel_loop3A_702 = arith.addi %and3A_95, %parallel_loop3A_701 : vector<16xi32>
        %parallel_loop3A_703 = tpu.vector_load_idx %arg7[%parallel_loop3A_702, %parallel_loop3A_141] : memref<64x64xf32, #tpu.memory_space<vmem>>[vector<16xi32>, vector<16xi32>], vector<16xf32>,
        %parallel_loop3A_704 = arith.constant 0 : i32
        %parallel_loop3A_705 = arith.constant 0 : i32
        %parallel_loop3A_706 = arith.constant 0 : i32
        %parallel_loop3A_707 = tpu.memref_slice %arg6[%parallel_loop3A_704, %parallel_loop3A_705, %parallel_loop3A_706] : memref<2x128x128xf32, #tpu.memory_space<vmem>> -> memref<1x128x128xf32, #tpu.memory_space<vmem>>
        %parallel_loop3A_708 = tpu.memref_squeeze %parallel_loop3A_707 : memref<1x128x128xf32, #tpu.memory_space<vmem>> -> memref<128x128xf32, #tpu.memory_space<vmem>>
        tpu.vector_store_idx %parallel_loop3A_708[%parallel_loop3A_141, %parallel_loop3A_702], %parallel_loop3A_703 : memref<128x128xf32, #tpu.memory_space<vmem>>[vector<16xi32>, vector<16xi32>], vector<16xf32>,
        %parallel_loop3A_709 = arith.constant 48 : i32
        %parallel_loop3A_710 = vector.broadcast %parallel_loop3A_709 : i32 to vector<16xi32>
        %parallel_loop3A_711 = arith.addi %and3A_95, %parallel_loop3A_710 : vector<16xi32>
        %parallel_loop3A_712 = tpu.vector_load_idx %arg7[%parallel_loop3A_711, %parallel_loop3A_141] : memref<64x64xf32, #tpu.memory_space<vmem>>[vector<16xi32>, vector<16xi32>], vector<16xf32>,
        %parallel_loop3A_713 = arith.constant 0 : i32
        %parallel_loop3A_714 = arith.constant 0 : i32
        %parallel_loop3A_715 = arith.constant 0 : i32
        %parallel_loop3A_716 = tpu.memref_slice %arg6[%parallel_loop3A_713, %parallel_loop3A_714, %parallel_loop3A_715] : memref<2x128x128xf32, #tpu.memory_space<vmem>> -> memref<1x128x128xf32, #tpu.memory_space<vmem>>
        %parallel_loop3A_717 = tpu.memref_squeeze %parallel_loop3A_716 : memref<1x128x128xf32, #tpu.memory_space<vmem>> -> memref<128x128xf32, #tpu.memory_space<vmem>>
        tpu.vector_store_idx %parallel_loop3A_717[%parallel_loop3A_141, %parallel_loop3A_711], %parallel_loop3A_712 : memref<128x128xf32, #tpu.memory_space<vmem>>[vector<16xi32>, vector<16xi32>], vector<16xf32>,
      } {sc.loop_unroll_factor = 1 : i64, sc.parallel_access}
      %run_scoped3A = arith.constant 0 : i32
      "tpu.region"() ({
        %run_scoped3A_137 = tpu.sem_alloc : memref<!tpu.dma_semaphore, #tpu.memory_space<semaphore_mem>>
        %dma_start3A_138 = arith.constant 0 : i32
        %dma_start3A_139 = arith.constant 0 : i32
        %dma_start3A_140 = tpu.memref_slice %arg6[%run_scoped3A, %dma_start3A_138, %dma_start3A_139] : memref<2x128x128xf32, #tpu.memory_space<vmem>> -> memref<1x128x128xf32, #tpu.memory_space<vmem>>
        %dma_start3A_141 = tpu.memref_squeeze %dma_start3A_140 : memref<1x128x128xf32, #tpu.memory_space<vmem>> -> memref<128x128xf32, #tpu.memory_space<vmem>>
        %dma_start3A_142 = arith.constant 0 : i32
        %dma_start3A_143 = arith.constant 0 : i32
        %dma_start3A_144 = tpu.memref_slice %dma_start3A_141[%dma_start3A_142, %dma_start3A_143] : memref<128x128xf32, #tpu.memory_space<vmem>> -> memref<64x128xf32, #tpu.memory_space<vmem>>
        %dma_start3A_145 = arith.constant 999936 : i32
        %dma_start3A_146 = arith.constant 0 : i32
        %dma_start3A_147 = tpu.memref_slice %arg4[%dma_start3A_145, %dma_start3A_146] : memref<1000000x128xf32, #tpu.memory_space<hbm>> -> memref<64x128xf32, #tpu.memory_space<hbm>>
        %dma_start3A_148 = arith.constant 999936 : i32
        %dma_start3A_149 = arith.constant 0 : i32
        %dma_start3A_150 = tpu.memref_slice %arg4[%dma_start3A_148, %dma_start3A_149] : memref<1000000x128xf32, #tpu.memory_space<hbm>> -> memref<64x128xf32, #tpu.memory_space<hbm>>
        %dma_start3A_151 = arith.constant 0 : i32
        %dma_start3A_152 = arith.constant 0 : i32
        %dma_start3A_153 = tpu.memref_slice %arg6[%run_scoped3A, %dma_start3A_151, %dma_start3A_152] : memref<2x128x128xf32, #tpu.memory_space<vmem>> -> memref<1x128x128xf32, #tpu.memory_space<vmem>>
        %dma_start3A_154 = tpu.memref_squeeze %dma_start3A_153 : memref<1x128x128xf32, #tpu.memory_space<vmem>> -> memref<128x128xf32, #tpu.memory_space<vmem>>
        %dma_start3A_155 = arith.constant 0 : i32
        %dma_start3A_156 = arith.constant 0 : i32
        %dma_start3A_157 = tpu.memref_slice %dma_start3A_154[%dma_start3A_155, %dma_start3A_156] : memref<128x128xf32, #tpu.memory_space<vmem>> -> memref<64x128xf32, #tpu.memory_space<vmem>>
        tpu.enqueue_dma source(%dma_start3A_157 : memref<64x128xf32, #tpu.memory_space<vmem>>) target(%dma_start3A_150 : memref<64x128xf32, #tpu.memory_space<hbm>>) target_semaphore(%run_scoped3A_137 : memref<!tpu.dma_semaphore, #tpu.memory_space<semaphore_mem>>)
        %dma_wait3A = arith.constant 0 : i32
        %dma_wait3A_158 = arith.constant 0 : i32
        %dma_wait3A_159 = tpu.memref_slice %arg6[%run_scoped3A, %dma_wait3A, %dma_wait3A_158] : memref<2x128x128xf32, #tpu.memory_space<vmem>> -> memref<1x128x128xf32, #tpu.memory_space<vmem>>
        %dma_wait3A_160 = tpu.memref_squeeze %dma_wait3A_159 : memref<1x128x128xf32, #tpu.memory_space<vmem>> -> memref<128x128xf32, #tpu.memory_space<vmem>>
        %dma_wait3A_161 = arith.constant 0 : i32
        %dma_wait3A_162 = arith.constant 0 : i32
        %dma_wait3A_163 = tpu.memref_slice %dma_wait3A_160[%dma_wait3A_161, %dma_wait3A_162] : memref<128x128xf32, #tpu.memory_space<vmem>> -> memref<64x128xf32, #tpu.memory_space<vmem>>
        %dma_wait3A_164 = arith.constant 999936 : i32
        %dma_wait3A_165 = arith.constant 0 : i32
        %dma_wait3A_166 = tpu.memref_slice %arg4[%dma_wait3A_164, %dma_wait3A_165] : memref<1000000x128xf32, #tpu.memory_space<hbm>> -> memref<64x128xf32, #tpu.memory_space<hbm>>
        %dma_wait3A_167 = arith.constant 999936 : i32
        %dma_wait3A_168 = arith.constant 0 : i32
        %dma_wait3A_169 = tpu.memref_slice %arg4[%dma_wait3A_167, %dma_wait3A_168] : memref<1000000x128xf32, #tpu.memory_space<hbm>> -> memref<64x128xf32, #tpu.memory_space<hbm>>
        %dma_wait3A_170 = arith.constant 0 : i32
        %dma_wait3A_171 = arith.constant 0 : i32
        %dma_wait3A_172 = tpu.memref_slice %arg6[%run_scoped3A, %dma_wait3A_170, %dma_wait3A_171] : memref<2x128x128xf32, #tpu.memory_space<vmem>> -> memref<1x128x128xf32, #tpu.memory_space<vmem>>
        %dma_wait3A_173 = tpu.memref_squeeze %dma_wait3A_172 : memref<1x128x128xf32, #tpu.memory_space<vmem>> -> memref<128x128xf32, #tpu.memory_space<vmem>>
        %dma_wait3A_174 = arith.constant 0 : i32
        %dma_wait3A_175 = arith.constant 0 : i32
        %dma_wait3A_176 = tpu.memref_slice %dma_wait3A_173[%dma_wait3A_174, %dma_wait3A_175] : memref<128x128xf32, #tpu.memory_space<vmem>> -> memref<64x128xf32, #tpu.memory_space<vmem>>
        tpu.wait_dma2 semaphore(%run_scoped3A_137 : memref<!tpu.dma_semaphore, #tpu.memory_space<semaphore_mem>>) src(%dma_wait3A_176 : memref<64x128xf32, #tpu.memory_space<vmem>>) dst(%dma_wait3A_169 : memref<64x128xf32, #tpu.memory_space<hbm>>)
        tpu.yield
      }) : () -> ()
    } else {
    }
    return
  }
}

</mosaic_0001>

<sc_bundles>
// kernel: _table_transpose.3.cloned.1.call-start
scs
__scs_entry_jumppad:
0x0: {  	(pc) =	sbr.rel $0x88, $3  }
0x1: {  	(tag) =	ssettag $0x0;
	lr =	simm.s32 $0x1  }
0x2: {  	[smem:$0x3F9F] =	sst lr;
	_ =	strace $0xD0000000  }
0x3: {  	_ = 	snop  }
0x4: {  	_ = 	snop  }
0x5: {  	_ = 	snop  }
0x6: {  	_ = 	snop  }
0x7: {  	_ = 	snop  }
__scs_overlays_trampoline_lowered:
0x8: {  	[smem:$0x3FAE] =	sst s0  }
0x9: {  	[smem:$0x3FAF] =	sst s1  }
0xa: {  	[smem:$0x3FB0] =	sst s2  }
0xb: {  	[smem:$0x3FB1] =	sst s3  }
0xc: {  	[smem:$0x3FB2] =	sst s4  }
0xd: {  	[smem:$0x3FB3] =	sst s5  }
0xe: {  	[smem:$0x3FB4] =	sst s6  }
0xf: {  	[smem:$0x3FB5] =	sst s7  }
0x10: {  	[smem:$0x3FB6] =	sst s8  }
0x11: {  	[smem:$0x3FB7] =	sst s9;
	s0 =	simm.s32 @!p0 $0x0  }
0x12: {  	s1 =	sld [smem:$0x3F9D];
	s0 =	simm.s32 @p0 $0x1  }
0x13: {  	[smem:$0x3FB8] =	sst s0;
	s0 =	simm.s32 @!p1 $0x0  }
0x14: {  	s2 =	sld [smem:$0x3F9C];
	s0 =	simm.s32 @p1 $0x1  }
0x15: {  	[smem:$0x3FB9] =	sst s0;
	s0 =	simm.s32 @!p2 $0x0  }
0x16: {  	s3 =	sld [smem:$0x3FDB];
	s0 =	simm.s32 @p2 $0x1  }
0x17: {  	s4 =	simm.s32 $0x1BF5;
	[smem:$0x3FBB] =	sst s0  }
0x18: {  	s0 =	sld [smem:$0x3F9E];
	_ =	swait.ge [sflag:s4], $0x0  }
0x19: {  	s7 =	sld [smem:$0x3F9F]  }
0x1a: {  	s8 =	sadd.s32 $0xFFFFE003, lr  }
0x1b: {  	s9 =	sadd.s32 $0xFFFFFEF7, lr;
	s5 =	simm.s32 $0xFFFFFFFF;
	p2 =	slt.u32 s8, $0xFFFFF086  }
0x1c: {  	p1 =	slt.u32 s9, $0xF7A;
	s5 =	simm.s32 @!p2 $0x0  }
0x1d: {  	s5 =	simm.s32 @p1 $0x1;
	p0 =	seq.s32 s7, s2  }
0x1e: {  	s7 =	smul.u32 @!p0 $0xF7A, s2;
	p2 =	seq.s32 @!p0 s5, $0x0  }
0x1f: {  	s9 =	smul.u32 $0xF7A, s1;
	s8 =	simm.s32 @!p0 $0x1BF5;
	p2 =	por !p2, p0  }
0x20: {  	[sflag:s8] =	ssyncset.s32 @!p0 $0xFFFFF086;
	s6 =	sadd.s32 @!p0 s3, s7;
	s7 =	simm.s32 @!p0 $0x108  }
0x21: {  	s3 =	sadd.s32 s3, s9;
	s6 =	sadd.s32 @!p0 $0x88, s6;
	s7 =	simm.s32 @p2 $0x1082  }
0x22: {  	[simem:s7], [sflag:s8] =	dma.local @!p0 [hbm:s6], $0xF7A  }
0x23: {  	s9 =	sor.u32 $0xD0000000, s2;
	s6 =	simm.s32 $0x108;
	_ =	swait.ge @!p0 [sflag:s8], $0x0  }
0x24: {  	s3 =	sadd.s32 $0x88, s3;
	s6 =	simm.s32 @!p1 $0x1082;
	[sflag:s4] =	ssyncset.s32 $0xFFFFF086  }
0x25: {  	[simem:s6], [sflag:s4] =	dma.local [hbm:s3], $0xF7A  }
0x26: {  	[smem:$0x3F9F] =	sst s1;
	(tag) =	ssettag s2;
	_ =	strace s9  }
0x27: {  	s1 =	sld [smem:$0x3FAF]  }
0x28: {  	s2 =	sld [smem:$0x3FB0]  }
0x29: {  	s4 =	sld [smem:$0x3FB2]  }
0x2a: {  	p0 =	seq.s32 s5, $0x0;
	s5 =	sld [smem:$0x3FB3]  }
0x2b: {  	s6 =	sld [smem:$0x3FB4]  }
0x2c: {  	s7 =	sld [smem:$0x3FB5]  }
0x2d: {  	s3 =	simm.s32 $0x108;
	s8 =	sld [smem:$0x3FB6]  }
0x2e: {  	s3 =	simm.s32 @!p0 $0x1082;
	s9 =	sld [smem:$0x3FB7]  }
0x2f: {  	lr =	sadd.s32 s0, s3;
	s0 =	sld [smem:$0x3FAE]  }
0x30: {  	s3 =	sld [smem:$0x3FB1]  }
0x31: {  	[smem:$0x3FBA] =	sst s10  }
0x32: {  	s10 =	sld [smem:$0x3FB8];
	_ =	sdelay $0x3  }
0x33: {  	p0 =	seq.s32 s10, $0x1;
	s10 =	sld [smem:$0x3FBA];
	_ =	sdelay $0x3  }
0x34: {  	[smem:$0x3FBA] =	sst s10  }
0x35: {  	s10 =	sld [smem:$0x3FB9];
	_ =	sdelay $0x3  }
0x36: {  	p1 =	seq.s32 s10, $0x1;
	s10 =	sld [smem:$0x3FBA];
	_ =	sdelay $0x3  }
0x37: {  	[smem:$0x3FBA] =	sst s10  }
0x38: {  	s10 =	sld [smem:$0x3FBB]  }
0x39: {  	_ = 	snop;
	(pc) =	sbr.ind lr, $3  }
0x3a: {  	_ = 	snop  }
0x3b: {  	_ = 	snop  }
0x3c: {  	p2 =	seq.s32 s10, $0x1;
	s10 =	sld [smem:$0x3FBA]  }
0x3d: {  	_ =	shalt  }
0x3e: {  	_ =	shalt  }
0x3f: {  	_ =	shalt  }
0x40: {  	_ =	shalt  }
0x41: {  	_ =	shalt  }
0x42: {  	_ =	shalt  }
0x43: {  	_ =	shalt  }
0x44: {  	_ =	shalt  }
0x45: {  	_ =	shalt  }
0x46: {  	_ =	shalt  }
0x47: {  	_ =	shalt  }
0x48: {  	_ =	shalt  }
0x49: {  	_ =	shalt  }
0x4a: {  	_ =	shalt  }
0x4b: {  	_ =	shalt  }
0x4c: {  	_ =	shalt  }
0x4d: {  	_ =	shalt  }
0x4e: {  	_ =	shalt  }
0x4f: {  	_ =	shalt  }
0x50: {  	_ =	shalt  }
0x51: {  	_ =	shalt  }
0x52: {  	_ =	shalt  }
0x53: {  	_ =	shalt  }
0x54: {  	_ =	shalt  }
0x55: {  	_ =	shalt  }
0x56: {  	_ =	shalt  }
0x57: {  	_ =	shalt  }
0x58: {  	_ =	shalt  }
0x59: {  	_ =	shalt  }
0x5a: {  	_ =	shalt  }
0x5b: {  	_ =	shalt  }
0x5c: {  	_ =	shalt  }
0x5d: {  	_ =	shalt  }
0x5e: {  	_ =	shalt  }
0x5f: {  	_ =	shalt  }
0x60: {  	_ =	shalt  }
0x61: {  	_ =	shalt  }
0x62: {  	_ =	shalt  }
0x63: {  	_ =	shalt  }
0x64: {  	_ =	shalt  }
0x65: {  	_ =	shalt  }
0x66: {  	_ =	shalt  }
0x67: {  	_ =	shalt  }
0x68: {  	_ =	shalt  }
0x69: {  	_ =	shalt  }
0x6a: {  	_ =	shalt  }
0x6b: {  	_ =	shalt  }
0x6c: {  	_ =	shalt  }
0x6d: {  	_ =	shalt  }
0x6e: {  	_ =	shalt  }
0x6f: {  	_ =	shalt  }
0x70: {  	_ =	shalt  }
0x71: {  	_ =	shalt  }
0x72: {  	_ =	shalt  }
0x73: {  	_ =	shalt  }
0x74: {  	_ =	shalt  }
0x75: {  	_ =	shalt  }
0x76: {  	_ =	shalt  }
0x77: {  	_ =	shalt  }
0x78: {  	_ =	shalt  }
0x79: {  	_ =	shalt  }
0x7a: {  	_ =	shalt  }
0x7b: {  	_ =	shalt  }
0x7c: {  	_ =	shalt  }
0x7d: {  	_ =	shalt  }
0x7e: {  	_ =	shalt  }
0x7f: {  	_ =	shalt  }
0x80: {  	_ =	shalt  }
0x81: {  	_ =	shalt  }
0x82: {  	_ =	shalt  }
0x83: {  	_ =	shalt  }
0x84: {  	_ =	shalt  }
0x85: {  	_ =	shalt  }
0x86: {  	_ =	shalt  }
0x87: {  	_ =	shalt  }
.Lfunc_end0:
.L_simem_size_0:
called_computation_lowered:
.L_overlay_start_0:
0x88: {  	s2 =	sld [smem:$0x3FD9]  }
0x89: {  	s3 =	sld [smem:$0x3FFE];
	_ =	sdelay $0x1  }
0x8a: {  	s1 =	srdreg.scid  }
0x8b: {  	s0 =	sand.u32 $0x1, s1  }
0x8c: {  	s18 =	sshll.u32 s0, $0xA;
	s2 =	sadd.s32 s3, s2  }
0x8d: {  	s2 =	sadd.s32 s2, s18  }
0x8e: {  	[smem:$0x3FC6] =	sst s2  }
0x8f: {  	_ = 	snop  }
0x90: {  	s2 =	sld [smem:$0x3FC9]  }
0x91: {  	s19 =	sld [smem:$0x3FC8]  }
0x92: {  	s4 =	sld [smem:$0x3FD0];
	(tm) =	ssettm $0x1  }
0x93: {  	s5 =	sld [smem:$0x3FFB];
	_ =	sdelay $0x3  }
0x94: {  	_ =	strace s5  }
0x95: {  	s5 =	sld [smem:$0x3FFC];
	_ =	sdelay $0x3  }
0x96: {  	_ =	strace s5  }
0x97: {  	s5 =	sld [smem:$0x3FFD];
	_ =	sdelay $0x3  }
0x98: {  	_ =	strace s5  }
0x99: {  	_ =	strace $0x8FFFFFFF  }
0x9a: {  	s20 =	sld [smem:$0x3FDB];
	_ =	sdelay $0x1  }
0x9b: {  	s6 =	simm.s32 $_scs_section_size  }
0x9c: {  	s7 =	simm.s32 $_size__tile_overlayer_lowered;
	s8 =	simm.s32 $_tile_overlayer_lowered  }
0x9d: {  	s23 =	simm.s32 $0x1BFF;
	s22 =	sshll.u32 s8, $0x1;
	s5 =	sadd.s32 s6, s20  }
0x9e: {  	s9 =	simm.s32 $0x0;
	s21 =	sshll.u32 s7, $0x1;
	s7 =	sadd.s32 s22, s5  }
0x9f: {  	[timem:s9], [sflag:s23] =	dma.local [hbm:s7], s21  }
0xa0: {  	_ =	swait.ge [sflag:s23], s21  }
0xa1: {  	s6 =	ssub.s32 $0x0, s21;
	[sflag:s23] =	ssyncset.done $0x0  }
0xa2: {  	[sflag:s23] =	ssyncadd.s32 s6;
	_ =	sdelay $0x1  }
0xa3: {  	s24 =	simm.s32 $0x1B8B  }
0xa4: {  	_ =	swait.ge [sflag:s24], $0x1  }
0xa5: {  	[sflag:s24] =	ssyncset.done $0x0  }
0xa6: {  	s25 =	simm.s32 $0x1B8E;
	[sflag:s24] =	ssyncadd.s32 $0xFFFFFFFF  }
0xa7: {  	s26 =	simm.s32 $execute0_lowered;
	[smem:$0x3FD2] =	sst s25  }
0xa8: {  	s6 =	sshll.u32 s26, $0x1;
	_ =	strace $0x80000046;
	[dreg:$0x1] =	wrdreg $0xFFFFFFFF  }
0xa9: {  	s28 =	simm.s32 $_size_execute0_lowered;
	s5 =	sadd.s32 s5, s6;
	[dreg:$0x0] =	wrdreg $0x0  }
0xaa: {  	s6 =	sshll.u32 s28, $0x1;
	[dreg:$0x2] =	wrdreg s5  }
0xab: {  	[dreg:$0x3] =	wrdreg s6  }
0xac: {  	[dreg:$0x4] =	wrdreg $0xC0  }
0xad: {  	_ =	task [dreg:s9], $0x5FFFF  }
0xae: {  	[dreg:$0x1] =	wrdreg $0xFFFFFFFF  }
0xaf: {  	[dreg:$0x0] =	wrdreg $0x60  }
0xb0: {  	[dreg:$0x2] =	wrdreg s2  }
0xb1: {  	[dreg:$0x3] =	wrdreg s19  }
0xb2: {  	[dreg:$0x4] =	wrdreg s4  }
0xb3: {  	[dreg:$0x5] =	wrdreg $0x9  }
0xb4: {  	_ =	task.clear_ibuf [dreg:s9], $0x6FFFF;
	_ =	strace $0x90000046  }
0xb5: {  	s29 =	simm.s32 $0x9;
	_ =	strace $0x80000048  }
0xb6: {  	_ =	swait.ge [sflag:s29], $0x1  }
0xb7: {  	[sflag:s29] =	ssyncadd.s32 $0xFFFFFFFF  }
0xb8: {  	_ =	strace $0x90000048  }
0xb9: {  	_ =	sfence  }
0xba: {  	s30 =	sld [smem:$0x0];
	_ =	sdelay $0x2  }
0xbb: {  	s31 =	sshll.u32 s1, $0xD;
	s1 =	sshrl.u32 s1, $0x2  }
0xbc: {  	s3 =	sand.u32 $0x4000, s31;
	s1 =	sadd.s32 s1, s30  }
0xbd: {  	s0 =	sor.u32 s3, s0;
	s1 =	sshll.u32 s1, $0x11  }
0xbe: {  	s0 =	sor.u32 s1, s0  }
0xbf: {  	s0 =	sadd.s32 $0x8F2B, s0  }
0xc0: {  	[sflag:s0] =	ssyncadd.remote.s32 $0x1  }
0xc1: {  	_ =	sfence.sel $0xFFFF  }
0xc2: {  	[dreg:$0x0] =	wrdreg $0xFFFFFFFF;
	(pc) =	sbr.abs _section_cstart, $3  }
0xc3: {  	[dreg:$0x1] =	wrdreg $0xFFFFFFFF  }
0xc4: {  	_ =	task.clear_ibuf [dreg:s9], $0x2FFFF;
	_ =	strace $0x9FFFFFFF  }
0xc5: {  	(tm) =	ssettm $0x7FFFFFFF  }
tec
execute0_lowered:
.L_overlay_start_1:
0x0: {  	(tag) =	ssettag $0x1  }
0x1: {  	vm14 =	vcmask $0x300;
	v0 =	vimm.s32 $0xF;
	vm13 =	vcmask $0x704  }
0x2: {  	vm12 =	vcmask $0xB08;
	vm11 =	vcmask $0xF0C;
	vm10 =	vcmask $0x1310  }
0x3: {  	vm9 =	vcmask $0x1714;
	vm8 =	vcmask $0x1B18;
	vm7 =	vcmask $0x1F1C  }
0x4: {  	vm6 =	vcmask $0x2320;
	v1 =	vimm.s32 $0x80F;
	vm5 =	vcmask $0x2724  }
0x5: {  	vm3 =	vcmask $0x2B28;
	vm4 =	vcmask $0x2F2C;
	vm1 =	vcmask $0x3330  }
0x6: {  	vm2 =	vcmask $0x3734;
	v2 =	vimm.s32 $0xFEDCBA9;
	v3 =	vimm.s32 $0x87654321  }
0x7: {  	vm0 =	vcmask $0x3B38;
	v6 =	vimm.s32 $0x18F;
	v7 =	vimm.s32 $0x98F  }
0x8: {  	v8 =	vimm.s32 $0x118F;
	v9 =	vimm.s32 $0x198F;
	v10 =	vimm.s32 $0x20F  }
0x9: {  	v11 =	vimm.s32 $0xA0F;
	v12 =	vimm.s32 $0x120F;
	v13 =	vimm.s32 $0x1A0F  }
0xa: {  	v14 =	vimm.s32 $0x28F;
	v15 =	vimm.s32 $0xA8F;
	v16 =	vimm.s32 $0x128F  }
0xb: {  	v17 =	vimm.s32 $0x1A8F;
	v18 =	vimm.s32 $0x30F;
	v19 =	vimm.s32 $0xFEDCBA98  }
0xc: {  	v20 =	vimm.s32 $0xB0F;
	v21 =	vimm.s32 $0x76543210;
	v22 =	vimm.s32 $0x130F  }
0xd: {  	v23 =	vimm.s32 $0x1B0F;
	v24 =	vimm.s32 $0x38F;
	v25 =	vimm.s32 $0xB8F  }
0xe: {  	v26 =	vimm.s32 $0x40F;
	v27 =	vimm.s32 $0xC0F;
	v28 =	vimm.s32 $0x140F  }
0xf: {  	v29 =	vimm.s32 $0x1C0F;
	v30 =	vimm.s32 $0x48F;
	v31 =	vimm.s32 $0xC8F  }
0x10: {  	v32 =	vimm.s32 $0x148F;
	v33 =	vimm.s32 $0x1C8F;
	v34 =	vimm.s32 $0x50F  }
0x11: {  	v35 =	vimm.s32 $0xD0F;
	v36 =	vimm.s32 $0x150F;
	v37 =	vimm.s32 $0x1D0F  }
0x12: {  	v38 =	vimm.s32 $0x58F;
	v39 =	vimm.s32 $0xD8F;
	v40 =	vimm.s32 $0x158F  }
0x13: {  	v41 =	vimm.s32 $0x1D8F;
	v42 =	vimm.s32 $0x60F;
	v43 =	vimm.s32 $0xE0F  }
0x14: {  	v44 =	vimm.s32 $0x160F;
	v45 =	vimm.s32 $0x1E0F;
	v46 =	vimm.s32 $0x68F  }
0x15: {  	v47 =	vimm.s32 $0xE8F;
	v48 =	vimm.s32 $0x168F;
	v49 =	vimm.s32 $0x1E8F  }
0x16: {  	v50 =	vimm.s32 $0x70F;
	v51 =	vimm.s32 $0xF0F;
	v52 =	vimm.s32 $0x170F  }
0x17: {  	v53 =	vimm.s32 $0x1F0F;
	v54 =	vimm.s32 $0x15141312;
	v60 =	vimm.s32 $0x19181716  }
0x18: {  	v61 =	vimm.s32 $0x2D2C2B2A;
	v0 =	vsel vm14, $0x80, v0;
	v1 =	vsel vm14, $0x880, v1  }
0x19: {  	v2 =	vunpack.c.l.s4.s8 v2;
	v3 =	vunpack.c.l.s4.s8 v3;
	v6 =	vsel vm14, $0x200, v6  }
0x1a: {  	v7 =	vsel vm14, $0xA00, v7;
	v8 =	vsel vm14, $0x1200, v8;
	v9 =	vsel vm14, $0x1A00, v9  }
0x1b: {  	v10 =	vsel vm14, $0x280, v10;
	v11 =	vsel vm14, $0xA80, v11;
	v12 =	vsel vm14, $0x1280, v12  }
0x1c: {  	v13 =	vsel vm14, $0x1A80, v13;
	v14 =	vsel vm14, $0x300, v14;
	v15 =	vsel vm14, $0xB00, v15  }
0x1d: {  	v16 =	vsel vm14, $0x1300, v16;
	v17 =	vsel vm14, $0x1B00, v17;
	v18 =	vsel vm14, $0x380, v18  }
0x1e: {  	v19 =	vunpack.c.l.s4.s8 v19;
	v20 =	vsel vm14, $0xB80, v20;
	v21 =	vunpack.c.l.s4.s8 v21  }
0x1f: {  	v22 =	vsel vm14, $0x1380, v22;
	v23 =	vsel vm14, $0x1B80, v23;
	v24 =	vsel vm14, $0x400, v24  }
0x20: {  	v26 =	vsel vm14, $0x480, v26;
	v27 =	vsel vm14, $0xC80, v27;
	v28 =	vsel vm14, $0x1480, v28  }
0x21: {  	v29 =	vsel vm14, $0x1C80, v29;
	v30 =	vsel vm14, $0x500, v30;
	v31 =	vsel vm14, $0xD00, v31  }
0x22: {  	v32 =	vsel vm14, $0x1500, v32;
	v33 =	vsel vm14, $0x1D00, v33;
	v34 =	vsel vm14, $0x580, v34  }
0x23: {  	v35 =	vsel vm14, $0xD80, v35;
	v36 =	vsel vm14, $0x1580, v36;
	v37 =	vsel vm14, $0x1D80, v37  }
0x24: {  	v38 =	vsel vm14, $0x600, v38;
	v39 =	vsel vm14, $0xE00, v39;
	v40 =	vsel vm14, $0x1600, v40  }
0x25: {  	v41 =	vsel vm14, $0x1E00, v41;
	v42 =	vsel vm14, $0x680, v42;
	v43 =	vsel vm14, $0xE80, v43  }
0x26: {  	v44 =	vsel vm14, $0x1680, v44;
	v45 =	vsel vm14, $0x1E80, v45;
	v46 =	vsel vm14, $0x700, v46  }
0x27: {  	v47 =	vsel vm14, $0xF00, v47;
	v48 =	vsel vm14, $0x1700, v48;
	v49 =	vsel vm14, $0x1F00, v49  }
0x28: {  	v50 =	vsel vm14, $0x780, v50;
	v51 =	vsel vm14, $0xF80, v51;
	v52 =	vsel vm14, $0x1780, v52  }
0x29: {  	v53 =	vsel vm14, $0x1F80, v53;
	v54 =	vunpack.c.0.s8.s32 v54;
	v0 =	vsel vm13, $0x101, v0  }
0x2a: {  	v1 =	vsel vm13, $0x901, v1;
	v6 =	vsel vm13, $0x281, v6;
	v7 =	vsel vm13, $0xA81, v7  }
0x2b: {  	v8 =	vsel vm13, $0x1281, v8;
	v9 =	vsel vm13, $0x1A81, v9;
	v10 =	vsel vm13, $0x301, v10  }
0x2c: {  	v11 =	vsel vm13, $0xB01, v11;
	v12 =	vsel vm13, $0x1301, v12;
	v13 =	vsel vm13, $0x1B01, v13  }
0x2d: {  	v14 =	vsel vm13, $0x381, v14;
	v15 =	vsel vm13, $0xB81, v15;
	v16 =	vsel vm13, $0x1381, v16  }
0x2e: {  	v17 =	vsel vm13, $0x1B81, v17;
	v18 =	vsel vm13, $0x401, v18;
	v20 =	vsel vm13, $0xC01, v20  }
0x2f: {  	v22 =	vsel vm13, $0x1401, v22;
	v23 =	vsel vm13, $0x1C01, v23;
	v24 =	vsel vm13, $0x481, v24  }
0x30: {  	v26 =	vsel vm13, $0x501, v26;
	v27 =	vsel vm13, $0xD01, v27;
	v28 =	vsel vm13, $0x1501, v28  }
0x31: {  	v29 =	vsel vm13, $0x1D01, v29;
	v30 =	vsel vm13, $0x581, v30;
	v31 =	vsel vm13, $0xD81, v31  }
0x32: {  	v32 =	vsel vm13, $0x1581, v32;
	v33 =	vsel vm13, $0x1D81, v33;
	v34 =	vsel vm13, $0x601, v34  }
0x33: {  	v35 =	vsel vm13, $0xE01, v35;
	v36 =	vsel vm13, $0x1601, v36;
	v37 =	vsel vm13, $0x1E01, v37  }
0x34: {  	v38 =	vsel vm13, $0x681, v38;
	v39 =	vsel vm13, $0xE81, v39;
	v40 =	vsel vm13, $0x1681, v40  }
0x35: {  	v41 =	vsel vm13, $0x1E81, v41;
	v42 =	vsel vm13, $0x701, v42;
	v43 =	vsel vm13, $0xF01, v43  }
0x36: {  	v44 =	vsel vm13, $0x1701, v44;
	v45 =	vsel vm13, $0x1F01, v45;
	v46 =	vsel vm13, $0x781, v46  }
0x37: {  	v47 =	vsel vm13, $0xF81, v47;
	v48 =	vsel vm13, $0x1781, v48;
	v49 =	vsel vm13, $0x1F81, v49  }
0x38: {  	v50 =	vsel vm13, $0x1, v50;
	v51 =	vsel vm13, $0x801, v51;
	v52 =	vsel vm13, $0x1001, v52  }
0x39: {  	v53 =	vsel vm13, $0x1801, v53;
	v0 =	vsel vm12, $0x182, v0;
	v1 =	vsel vm12, $0x982, v1  }
0x3a: {  	v4 =	vunpack.c.0.s8.s32 v2;
	v2 =	vimm.s32 $0x100F;
	v3 =	vunpack.c.0.s8.s32 v3  }
0x3b: {  	v19 =	vunpack.c.0.s8.s32 v19;
	v21 =	vunpack.c.0.s8.s32 v21;
	[tilespmem:$0x1FB90] =	vst v54;
	v54 =	vunpack.c.0.s8.s32 v60  }
0x3c: {  	v6 =	vsel vm12, $0x302, v6;
	v7 =	vsel vm12, $0xB02, v7;
	v8 =	vsel vm12, $0x1302, v8  }
0x3d: {  	v9 =	vsel vm12, $0x1B02, v9;
	v10 =	vsel vm12, $0x382, v10;
	v11 =	vsel vm12, $0xB82, v11  }
0x3e: {  	v12 =	vsel vm12, $0x1382, v12;
	v13 =	vsel vm12, $0x1B82, v13;
	v14 =	vsel vm12, $0x402, v14  }
0x3f: {  	v15 =	vsel vm12, $0xC02, v15;
	v16 =	vsel vm12, $0x1402, v16;
	v17 =	vsel vm12, $0x1C02, v17  }
0x40: {  	v18 =	vsel vm12, $0x482, v18;
	v20 =	vsel vm12, $0xC82, v20;
	v22 =	vsel vm12, $0x1482, v22  }
0x41: {  	v23 =	vsel vm12, $0x1C82, v23;
	v24 =	vsel vm12, $0x502, v24;
	v26 =	vsel vm12, $0x582, v26  }
0x42: {  	v27 =	vsel vm12, $0xD82, v27;
	v28 =	vsel vm12, $0x1582, v28;
	v29 =	vsel vm12, $0x1D82, v29  }
0x43: {  	v30 =	vsel vm12, $0x602, v30;
	v31 =	vsel vm12, $0xE02, v31;
	v32 =	vsel vm12, $0x1602, v32  }
0x44: {  	v33 =	vsel vm12, $0x1E02, v33;
	v34 =	vsel vm12, $0x682, v34;
	v35 =	vsel vm12, $0xE82, v35  }
0x45: {  	v36 =	vsel vm12, $0x1682, v36;
	v37 =	vsel vm12, $0x1E82, v37;
	v38 =	vsel vm12, $0x702, v38  }
0x46: {  	v39 =	vsel vm12, $0xF02, v39;
	v40 =	vsel vm12, $0x1702, v40;
	v41 =	vsel vm12, $0x1F02, v41  }
0x47: {  	v42 =	vsel vm12, $0x782, v42;
	v43 =	vsel vm12, $0xF82, v43;
	v44 =	vsel vm12, $0x1782, v44  }
0x48: {  	v45 =	vsel vm12, $0x1F82, v45;
	v46 =	vsel vm12, $0x2, v46;
	v47 =	vsel vm12, $0x802, v47  }
0x49: {  	v48 =	vsel vm12, $0x1002, v48;
	v49 =	vsel vm12, $0x1802, v49;
	v50 =	vsel vm12, $0x82, v50  }
0x4a: {  	v51 =	vsel vm12, $0x882, v51;
	v52 =	vsel vm12, $0x1082, v52;
	v53 =	vsel vm12, $0x1882, v53  }
0x4b: {  	v0 =	vsel vm11, $0x203, v0;
	v1 =	vsel vm11, $0xA03, v1;
	v2 =	vsel vm14, $0x1080, v2  }
0x4c: {  	v62 =	vsel vm11, $0x883, v47;
	v63 =	vsel vm11, $0x1083, v48;
	v56 =	vsel vm11, $0x1883, v49  }
0x4d: {  	v57 =	vsel vm11, $0x103, v50;
	v58 =	vsel vm11, $0x903, v51;
	v59 =	vsel vm11, $0x1103, v52  }
0x4e: {  	v60 =	vsel vm11, $0x1903, v53;
	v0 =	vsel vm10, $0x284, v0;
	v1 =	vsel vm10, $0xA84, v1;
	[tilespmem:$0x1F6A0] =	vst v4  }
0x4f: {  	[tilespmem:$0x1F6B0] =	vst v3;
	v2 =	vsel vm13, $0x1101, v2;
	v3 =	vcombine.low v3, v4;
	v4 =	vimm.s32 $0x98765432  }
0x50: {  	v19 =	vand.u32 $0xF, v19;
	v47 =	vsel vm10, $0x1104, v63;
	v48 =	vsel vm10, $0x1904, v56  }
0x51: {  	v49 =	vsel vm10, $0x184, v57;
	v50 =	vsel vm10, $0x984, v58;
	v51 =	vsel vm10, $0x1184, v59  }
0x52: {  	v52 =	vsel vm10, $0x1984, v60;
	v63 =	vimm.s32 $0x29282726;
	v0 =	vsel vm9, $0x305, v0  }
0x53: {  	v1 =	vsel vm9, $0xB05, v1;
	v2 =	vsel vm12, $0x1182, v2;
	v4 =	vunpack.c.l.s4.s8 v4  }
0x54: {  	v19 =	vcombine.low v19, v21;
	v21 =	vimm.s32 $0x138F;
	v47 =	vsel vm9, $0x1185, v47  }
0x55: {  	v48 =	vsel vm9, $0x1985, v48;
	v49 =	vsel vm9, $0x205, v49;
	v50 =	vsel vm9, $0xA05, v50  }
0x56: {  	v51 =	vsel vm9, $0x1205, v51;
	v52 =	vsel vm9, $0x1A05, v52;
	v0 =	vsel vm8, $0x386, v0  }
0x57: {  	v1 =	vsel vm8, $0xB86, v1;
	v21 =	vsel vm14, $0x1400, v21;
	v57 =	vsel vm8, $0x1206, v47  }
0x58: {  	v58 =	vsel vm8, $0x1A06, v48;
	v59 =	vsel vm8, $0x286, v49;
	v60 =	vsel vm8, $0xA86, v50  }
0x59: {  	v0 =	vsel vm7, $0x407, v0;
	v1 =	vsel vm7, $0xC07, v1;
	[tilespmem:$0x1F6E0] =	vst v19;
	v19 =	vsel vm14, $0xC00, v25  }
0x5a: {  	v25 =	vimm.s32 $0x1B8F;
	v21 =	vsel vm13, $0x1481, v21;
	v47 =	vsel vm7, $0x1A87, v58  }
0x5b: {  	v48 =	vsel vm7, $0x307, v59;
	v49 =	vsel vm7, $0xB07, v60;
	v0 =	vsel vm6, $0x488, v0  }
0x5c: {  	v58 =	vimm.s32 $0x210FEDCB;
	v59 =	vimm.s32 $0x39383736;
	v0 =	vsel vm5, $0x509, v0  }
0x5d: {  	v60 =	vimm.s32 $0xA9876543;
	v1 =	vsel vm6, $0xC88, v1;
	v0 =	vsel vm3, $0x58A, v0  }
0x5e: {  	v25 =	vsel vm14, $0x1C00, v25;
	v19 =	vsel vm13, $0xC81, v19;
	v0 =	vsel vm4, $0x60B, v0  }
0x5f: {  	v21 =	vsel vm12, $0x1502, v21;
	v1 =	vsel vm5, $0xD09, v1;
	v0 =	vsel vm1, $0x68C, v0  }
0x60: {  	v47 =	vsel vm6, $0x1B08, v47;
	v1 =	vsel vm3, $0xD8A, v1;
	v0 =	vsel vm2, $0x70D, v0  }
0x61: {  	v48 =	vsel vm6, $0x388, v48;
	v1 =	vsel vm4, $0xE0B, v1;
	v0 =	vsel vm0, $0x78E, v0  }
0x62: {  	v49 =	vsel vm6, $0xB88, v49;
	v25 =	vsel vm13, $0x1C81, v25;
	[tilespmem:$0x1F840] =	vst v0;
	v0 =	vsel vm1, $0xE8C, v1  }
0x63: {  	v19 =	vsel vm12, $0xD02, v19;
	v21 =	vsel vm11, $0x1583, v21;
	v0 =	vsel vm2, $0xF0D, v0  }
0x64: {  	v47 =	vsel vm5, $0x1B89, v47;
	v48 =	vsel vm5, $0x409, v48;
	v0 =	vsel vm0, $0xF8E, v0  }
0x65: {  	v49 =	vsel vm5, $0xC09, v49;
	v1 =	vsel vm11, $0x1203, v2;
	[tilespmem:$0x1FC90] =	vst v0;
	v0 =	vimm.s32 $0x1C1B1A19  }
0x66: {  	v2 =	vand.u32 $0xF, v3;
	v1 =	vsel vm10, $0x1284, v1;
	v0 =	vunpack.c.0.s8.s32 v0  }
0x67: {  	v25 =	vsel vm12, $0x1D02, v25;
	[tilespmem:$0x1FCA0] =	vst v2;
	v2 =	vimm.s32 $0x101F1E1D;
	v1 =	vsel vm9, $0x1305, v1  }
0x68: {  	v19 =	vsel vm11, $0xD83, v19;
	v2 =	vunpack.c.0.s8.s32 v2;
	[tilespmem:$0x1FA70] =	vst v0;
	v0 =	vsel vm8, $0x1386, v1  }
0x69: {  	v21 =	vsel vm10, $0x1604, v21;
	v47 =	vsel vm3, $0x1C0A, v47;
	v0 =	vsel vm7, $0x1407, v0  }
0x6a: {  	v48 =	vsel vm3, $0x48A, v48;
	[tilespmem:$0x1FA80] =	vst v2;
	v2 =	vimm.s32 $0x14131211;
	v0 =	vsel vm6, $0x1488, v0  }
0x6b: {  	v2 =	vunpack.c.0.s8.s32 v2;
	v1 =	vimm.s32 $0x180F;
	v0 =	vsel vm5, $0x1509, v0  }
0x6c: {  	v49 =	vsel vm3, $0xC8A, v49;
	v1 =	vsel vm14, $0x1880, v1;
	v0 =	vsel vm3, $0x158A, v0  }
0x6d: {  	[tilespmem:$0x1FA90] =	vst v2;
	v2 =	vimm.s32 $0x18171615;
	v1 =	vsel vm13, $0x1901, v1;
	v0 =	vsel vm4, $0x160B, v0  }
0x6e: {  	v2 =	vunpack.c.0.s8.s32 v2;
	v1 =	vsel vm12, $0x1982, v1;
	v0 =	vsel vm1, $0x168C, v0  }
0x6f: {  	v19 =	vsel vm10, $0xE04, v19;
	v1 =	vsel vm11, $0x1A03, v1;
	v0 =	vsel vm2, $0x170D, v0  }
0x70: {  	[tilespmem:$0x1FAA0] =	vst v2;
	v2 =	vimm.s32 $0x2C2B2A29;
	v1 =	vsel vm10, $0x1A84, v1;
	v0 =	vsel vm0, $0x178E, v0  }
0x71: {  	v21 =	vsel vm9, $0x1685, v21;
	v1 =	vsel vm9, $0x1B05, v1;
	[tilespmem:$0x1F8F0] =	vst v0;
	v0 =	vunpack.c.0.s8.s32 v2  }
0x72: {  	v47 =	vsel vm4, $0x1C8B, v47;
	v48 =	vsel vm4, $0x50B, v48;
	v1 =	vsel vm8, $0x1B86, v1  }
0x73: {  	v49 =	vsel vm4, $0xD0B, v49;
	v19 =	vsel vm9, $0xE85, v19;
	[tilespmem:$0x1FAB0] =	vst v0;
	v0 =	vsel vm7, $0x1C07, v1  }
0x74: {  	v21 =	vsel vm8, $0x1706, v21;
	v1 =	vimm.s32 $0x202F2E2D;
	v0 =	vsel vm6, $0x1C88, v0  }
0x75: {  	v19 =	vsel vm8, $0xF06, v19;
	v1 =	vunpack.c.0.s8.s32 v1;
	v0 =	vsel vm5, $0x1D09, v0  }
0x76: {  	v21 =	vsel vm7, $0x1787, v21;
	v2 =	vimm.s32 $0x8F;
	v0 =	vsel vm3, $0x1D8A, v0  }
0x77: {  	[tilespmem:$0x1FAC0] =	vst v1;
	v1 =	vsel vm14, $0x100, v2;
	v2 =	vimm.s32 $0x24232221;
	v0 =	vsel vm4, $0x1E0B, v0  }
0x78: {  	v19 =	vsel vm7, $0xF87, v19;
	v2 =	vunpack.c.0.s8.s32 v2;
	v0 =	vsel vm1, $0x1E8C, v0  }
0x79: {  	v21 =	vsel vm6, $0x1008, v21;
	v3 =	vimm.s32 $0x108F;
	v0 =	vsel vm2, $0x1F0D, v0  }
0x7a: {  	v19 =	vsel vm6, $0x808, v19;
	[tilespmem:$0x1FAD0] =	vst v2;
	v2 =	vimm.s32 $0x28272625;
	v0 =	vsel vm0, $0x1F8E, v0  }
0x7b: {  	v1 =	vsel vm13, $0x181, v1;
	v2 =	vunpack.c.0.s8.s32 v2;
	[tilespmem:$0x1F910] =	vst v0;
	v0 =	vimm.s32 $0x3C3B3A39  }
0x7c: {  	v21 =	vsel vm5, $0x1089, v21;
	v1 =	vsel vm12, $0x202, v1;
	v0 =	vunpack.c.0.s8.s32 v0  }
0x7d: {  	v3 =	vsel vm14, $0x1100, v3;
	v1 =	vsel vm11, $0x283, v1;
	[tilespmem:$0x1FAE0] =	vst v2;
	v2 =	vimm.s32 $0x34333231  }
0x7e: {  	v1 =	vsel vm10, $0x304, v1;
	v2 =	vunpack.c.0.s8.s32 v2;
	[tilespmem:$0x1FB20] =	vst v0;
	v0 =	vimm.s32 $0x303F3E3D  }
0x7f: {  	v19 =	vsel vm5, $0x889, v19;
	v1 =	vsel vm9, $0x385, v1;
	v0 =	vunpack.c.0.s8.s32 v0  }
0x80: {  	v21 =	vsel vm3, $0x110A, v21;
	v19 =	vsel vm3, $0x90A, v19;
	v1 =	vsel vm8, $0x406, v1;
	[tilespmem:$0x1FB40] =	vst v2  }
0x81: {  	v2 =	vimm.s32 $0x38373635;
	[tilespmem:$0x1FB30] =	vst v0;
	v0 =	vsel vm7, $0x487, v1;
	v1 =	vimm.s32 $0x88F  }
0x82: {  	v19 =	vsel vm4, $0x98B, v19;
	v2 =	vunpack.c.0.s8.s32 v2;
	v1 =	vsel vm14, $0x900, v1  }
0x83: {  	v3 =	vsel vm13, $0x1181, v3;
	v19 =	vsel vm1, $0xA0C, v19;
	v1 =	vsel vm13, $0x981, v1  }
0x84: {  	v0 =	vsel vm6, $0x508, v0;
	[tilespmem:$0x1FB50] =	vst v2;
	v2 =	vimm.s32 $0x10FEDCBA;
	v1 =	vsel vm12, $0xA02, v1  }
0x85: {  	v0 =	vsel vm5, $0x589, v0;
	v2 =	vunpack.c.l.s4.s8 v2;
	v1 =	vsel vm11, $0xA83, v1  }
0x86: {  	v19 =	vsel vm2, $0xA8D, v19;
	v0 =	vsel vm3, $0x60A, v0;
	v1 =	vsel vm10, $0xB04, v1  }
0x87: {  	v0 =	vsel vm4, $0x68B, v0;
	v5 =	vunpack.c.0.s8.s32 v2;
	v1 =	vsel vm9, $0xB85, v1  }
0x88: {  	v2 =	vsel vm12, $0x1202, v3;
	v3 =	vunpack.c.0.s8.s32 v4;
	v1 =	vsel vm8, $0xC06, v1  }
0x89: {  	v4 =	vimm.s32 $0x110F;
	v0 =	vsel vm1, $0x70C, v0;
	v1 =	vsel vm7, $0xC87, v1  }
0x8a: {  	v2 =	vsel vm11, $0x1283, v2;
	v4 =	vsel vm14, $0x1180, v4;
	v1 =	vsel vm6, $0xD08, v1  }
0x8b: {  	[tilespmem:$0x1F6C0] =	vst v5;
	v0 =	vsel vm2, $0x78D, v0;
	v2 =	vsel vm10, $0x1304, v2;
	v1 =	vsel vm5, $0xD89, v1  }
0x8c: {  	[tilespmem:$0x1F6D0] =	vst v3;
	v3 =	vcombine.low v3, v5;
	v5 =	vimm.s32 $0x190F;
	v1 =	vsel vm3, $0xE0A, v1  }
0x8d: {  	v4 =	vsel vm13, $0x1201, v4;
	v0 =	vsel vm0, $0xE, v0;
	v1 =	vsel vm4, $0xE8B, v1  }
0x8e: {  	v2 =	vsel vm9, $0x1385, v2;
	v5 =	vsel vm14, $0x1980, v5;
	[tilespmem:$0x1F940] =	vst v0;
	v0 =	vsel vm1, $0xF0C, v1  }
0x8f: {  	v4 =	vsel vm12, $0x1282, v4;
	v5 =	vsel vm13, $0x1A01, v5;
	v0 =	vsel vm2, $0xF8D, v0  }
0x90: {  	v5 =	vsel vm12, $0x1A82, v5;
	v1 =	vsel vm8, $0x1406, v2;
	v0 =	vsel vm0, $0x80E, v0  }
0x91: {  	v2 =	vand.u32 $0xF, v3;
	v3 =	vimm.s32 $0x90F;
	[tilespmem:$0x1F980] =	vst v0;
	v0 =	vimm.s32 $0x1D1C1B1A  }
0x92: {  	[tilespmem:$0x1F960] =	vst v2;
	v1 =	vsel vm7, $0x1487, v1;
	v2 =	vimm.s32 $0x11101F1E;
	v0 =	vunpack.c.0.s8.s32 v0  }
0x93: {  	v3 =	vsel vm14, $0x980, v3;
	v1 =	vsel vm6, $0x1508, v1;
	v2 =	vunpack.c.0.s8.s32 v2  }
0x94: {  	v3 =	vsel vm13, $0xA01, v3;
	[tilespmem:$0x1FB70] =	vst v0;
	v0 =	vsel vm5, $0x1589, v1;
	v1 =	vimm.s32 $0x188F  }
0x95: {  	v3 =	vsel vm12, $0xA82, v3;
	v0 =	vsel vm3, $0x160A, v0;
	v1 =	vsel vm14, $0x1900, v1  }
0x96: {  	[tilespmem:$0x1FB80] =	vst v2;
	v2 =	vimm.s32 $0x10F;
	v0 =	vsel vm4, $0x168B, v0;
	v1 =	vsel vm13, $0x1981, v1  }
0x97: {  	v2 =	vsel vm14, $0x180, v2;
	v1 =	vsel vm12, $0x1A02, v1;
	v0 =	vsel vm1, $0x170C, v0  }
0x98: {  	v2 =	vsel vm13, $0x201, v2;
	v1 =	vsel vm11, $0x1A83, v1;
	v0 =	vsel vm2, $0x178D, v0  }
0x99: {  	v2 =	vsel vm12, $0x282, v2;
	v1 =	vsel vm10, $0x1B04, v1;
	v55 =	vsel vm0, $0x100E, v0  }
0x9a: {  	v0 =	vunpack.c.0.s8.s32 v61;
	v61 =	vimm.s32 $0x21202F2E;
	v1 =	vsel vm9, $0x1B85, v1  }
0x9b: {  	v53 =	vunpack.c.0.s8.s32 v61;
	v61 =	vsel vm8, $0x1286, v51;
	v1 =	vsel vm8, $0x1C06, v1  }
0x9c: {  	[tilespmem:$0x1FBE0] =	vst v0;
	v50 =	vsel vm7, $0x1307, v61;
	v61 =	vunpack.c.l.s4.s8 v60;
	v0 =	vsel vm7, $0x1C87, v1  }
0x9d: {  	v1 =	vsel vm11, $0x303, v2;
	v2 =	vsel vm11, $0xB03, v3;
	v3 =	vsel vm11, $0x1303, v4  }
0x9e: {  	v4 =	vsel vm11, $0x1B03, v5;
	v5 =	vsel vm11, $0x383, v6;
	v6 =	vsel vm11, $0xB83, v7  }
0x9f: {  	v7 =	vsel vm11, $0x1383, v8;
	v8 =	vsel vm11, $0x1B83, v9;
	v9 =	vsel vm11, $0x403, v10  }
0xa0: {  	v10 =	vsel vm11, $0xC03, v11;
	v11 =	vsel vm11, $0x1403, v12;
	v12 =	vsel vm11, $0x1C03, v13  }
0xa1: {  	v13 =	vsel vm11, $0x483, v14;
	v14 =	vsel vm11, $0xC83, v15;
	v15 =	vsel vm11, $0x1483, v16  }
0xa2: {  	v16 =	vsel vm11, $0x1C83, v17;
	v17 =	vsel vm11, $0x503, v18;
	v18 =	vsel vm11, $0xD03, v20  }
0xa3: {  	v20 =	vsel vm11, $0x1503, v22;
	v22 =	vsel vm11, $0x1D03, v23;
	v23 =	vsel vm11, $0x583, v24  }
0xa4: {  	v24 =	vsel vm11, $0x1D83, v25;
	v25 =	vsel vm11, $0x603, v26;
	v26 =	vsel vm11, $0xE03, v27  }
0xa5: {  	v27 =	vsel vm11, $0x1603, v28;
	v28 =	vsel vm11, $0x1E03, v29;
	v29 =	vsel vm11, $0x683, v30  }
0xa6: {  	v30 =	vsel vm11, $0xE83, v31;
	v31 =	vsel vm11, $0x1683, v32;
	v32 =	vsel vm11, $0x1E83, v33  }
0xa7: {  	v33 =	vsel vm11, $0x703, v34;
	v34 =	vsel vm11, $0xF03, v35;
	v35 =	vsel vm11, $0x1703, v36  }
0xa8: {  	v36 =	vsel vm11, $0x1F03, v37;
	v37 =	vsel vm11, $0x783, v38;
	v38 =	vsel vm11, $0xF83, v39  }
0xa9: {  	v39 =	vsel vm11, $0x1783, v40;
	v40 =	vsel vm11, $0x1F83, v41;
	v41 =	vsel vm11, $0x3, v42  }
0xaa: {  	v42 =	vsel vm11, $0x803, v43;
	v43 =	vsel vm11, $0x1003, v44;
	v44 =	vsel vm11, $0x1803, v45  }
0xab: {  	v45 =	vsel vm11, $0x83, v46;
	v46 =	vsel vm10, $0x904, v62;
	v62 =	vimm.s32 $0x25242322  }
0xac: {  	v50 =	vsel vm6, $0x1388, v50;
	v0 =	vsel vm6, $0x1D08, v0;
	v1 =	vsel vm10, $0x384, v1  }
0xad: {  	v2 =	vsel vm10, $0xB84, v2;
	v3 =	vsel vm10, $0x1384, v3;
	v4 =	vsel vm10, $0x1B84, v4  }
0xae: {  	v5 =	vsel vm10, $0x404, v5;
	v6 =	vsel vm10, $0xC04, v6;
	v7 =	vsel vm10, $0x1404, v7  }
0xaf: {  	v8 =	vsel vm10, $0x1C04, v8;
	v9 =	vsel vm10, $0x484, v9;
	v10 =	vsel vm10, $0xC84, v10  }
0xb0: {  	v11 =	vsel vm10, $0x1484, v11;
	v12 =	vsel vm10, $0x1C84, v12;
	v13 =	vsel vm10, $0x504, v13  }
0xb1: {  	v14 =	vsel vm10, $0xD04, v14;
	v15 =	vsel vm10, $0x1504, v15;
	v16 =	vsel vm10, $0x1D04, v16  }
0xb2: {  	v17 =	vsel vm10, $0x584, v17;
	v18 =	vsel vm10, $0xD84, v18;
	v20 =	vsel vm10, $0x1584, v20  }
0xb3: {  	v22 =	vsel vm10, $0x1D84, v22;
	v23 =	vsel vm10, $0x604, v23;
	v24 =	vsel vm10, $0x1E04, v24  }
0xb4: {  	v25 =	vsel vm10, $0x684, v25;
	v26 =	vsel vm10, $0xE84, v26;
	v27 =	vsel vm10, $0x1684, v27  }
0xb5: {  	v28 =	vsel vm10, $0x1E84, v28;
	v29 =	vsel vm10, $0x704, v29;
	v30 =	vsel vm10, $0xF04, v30  }
0xb6: {  	v31 =	vsel vm10, $0x1704, v31;
	v32 =	vsel vm10, $0x1F04, v32;
	v33 =	vsel vm10, $0x784, v33  }
0xb7: {  	v34 =	vsel vm10, $0xF84, v34;
	v35 =	vsel vm10, $0x1784, v35;
	v36 =	vsel vm10, $0x1F84, v36  }
0xb8: {  	v37 =	vsel vm10, $0x4, v37;
	v38 =	vsel vm10, $0x804, v38;
	v39 =	vsel vm10, $0x1004, v39  }
0xb9: {  	v40 =	vsel vm10, $0x1804, v40;
	v41 =	vsel vm10, $0x84, v41;
	v42 =	vsel vm10, $0x884, v42  }
0xba: {  	v43 =	vsel vm10, $0x1084, v43;
	v44 =	vsel vm10, $0x1884, v44;
	v45 =	vsel vm10, $0x104, v45  }
0xbb: {  	[tilespmem:$0x1FBF0] =	vst v53;
	v53 =	vunpack.c.0.s8.s32 v62;
	v46 =	vsel vm9, $0x985, v46;
	v62 =	vsel vm8, $0x1A86, v52  }
0xbc: {  	v50 =	vsel vm5, $0x1409, v50;
	v0 =	vsel vm5, $0x1D89, v0;
	v1 =	vsel vm9, $0x405, v1  }
0xbd: {  	v2 =	vsel vm9, $0xC05, v2;
	v3 =	vsel vm9, $0x1405, v3;
	v4 =	vsel vm9, $0x1C05, v4  }
0xbe: {  	v5 =	vsel vm9, $0x485, v5;
	v6 =	vsel vm9, $0xC85, v6;
	v7 =	vsel vm9, $0x1485, v7  }
0xbf: {  	v8 =	vsel vm9, $0x1C85, v8;
	v9 =	vsel vm9, $0x505, v9;
	v10 =	vsel vm9, $0xD05, v10  }
0xc0: {  	v11 =	vsel vm9, $0x1505, v11;
	v12 =	vsel vm9, $0x1D05, v12;
	v13 =	vsel vm9, $0x585, v13  }
0xc1: {  	v14 =	vsel vm9, $0xD85, v14;
	v15 =	vsel vm9, $0x1585, v15;
	v16 =	vsel vm9, $0x1D85, v16  }
0xc2: {  	v17 =	vsel vm9, $0x605, v17;
	v18 =	vsel vm9, $0xE05, v18;
	v20 =	vsel vm9, $0x1605, v20  }
0xc3: {  	v22 =	vsel vm9, $0x1E05, v22;
	v23 =	vsel vm9, $0x685, v23;
	v24 =	vsel vm9, $0x1E85, v24  }
0xc4: {  	v25 =	vsel vm9, $0x705, v25;
	v26 =	vsel vm9, $0xF05, v26;
	v27 =	vsel vm9, $0x1705, v27  }
0xc5: {  	v28 =	vsel vm9, $0x1F05, v28;
	v29 =	vsel vm9, $0x785, v29;
	v30 =	vsel vm9, $0xF85, v30  }
0xc6: {  	v31 =	vsel vm9, $0x1785, v31;
	v32 =	vsel vm9, $0x1F85, v32;
	v33 =	vsel vm9, $0x5, v33  }
0xc7: {  	v34 =	vsel vm9, $0x805, v34;
	v35 =	vsel vm9, $0x1005, v35;
	v36 =	vsel vm9, $0x1805, v36  }
0xc8: {  	v37 =	vsel vm9, $0x85, v37;
	v38 =	vsel vm9, $0x885, v38;
	v39 =	vsel vm9, $0x1085, v39  }
0xc9: {  	v40 =	vsel vm9, $0x1885, v40;
	v41 =	vsel vm9, $0x105, v41;
	v42 =	vsel vm9, $0x905, v42  }
0xca: {  	v43 =	vsel vm9, $0x1105, v43;
	v44 =	vsel vm9, $0x1905, v44;
	v45 =	vsel vm9, $0x185, v45  }
0xcb: {  	v56 =	vsel vm8, $0xA06, v46;
	v46 =	vsel vm7, $0x1287, v57;
	v51 =	vsel vm7, $0x1B07, v62  }
0xcc: {  	v57 =	vimm.s32 $0x35343332;
	v50 =	vsel vm3, $0x148A, v50;
	v0 =	vsel vm3, $0x1E0A, v0  }
0xcd: {  	[tilespmem:$0x1FC00] =	vst v53;
	v1 =	vsel vm8, $0x486, v1;
	v53 =	vunpack.c.0.s8.s32 v63;
	v63 =	vimm.s32 $0x3D3C3B3A  }
0xce: {  	v46 =	vsel vm6, $0x1308, v46;
	v51 =	vsel vm6, $0x1B88, v51;
	v50 =	vsel vm4, $0x150B, v50  }
0xcf: {  	v0 =	vsel vm4, $0x1E8B, v0;
	v1 =	vsel vm7, $0x507, v1;
	v52 =	vunpack.c.0.s8.s32 v63  }
0xd0: {  	v46 =	vsel vm5, $0x1389, v46;
	v51 =	vsel vm5, $0x1C09, v51;
	v0 =	vsel vm1, $0x1F0C, v0  }
0xd1: {  	v1 =	vsel vm6, $0x588, v1;
	v46 =	vsel vm3, $0x140A, v46;
	v0 =	vsel vm2, $0x1F8D, v0  }
0xd2: {  	v51 =	vsel vm3, $0x1C8A, v51;
	v46 =	vsel vm4, $0x148B, v46;
	v0 =	vsel vm0, $0x180E, v0  }
0xd3: {  	v51 =	vsel vm4, $0x1D0B, v51;
	[tilespmem:$0x1F6F0] =	vst v0;
	v0 =	vsel vm5, $0x609, v1;
	v1 =	vsel vm8, $0xC86, v2  }
0xd4: {  	v2 =	vsel vm8, $0x1486, v3;
	v3 =	vsel vm8, $0x1C86, v4;
	v4 =	vsel vm8, $0x506, v5  }
0xd5: {  	v5 =	vsel vm8, $0xD06, v6;
	v6 =	vsel vm8, $0x1506, v7;
	v7 =	vsel vm8, $0x1D06, v8  }
0xd6: {  	v8 =	vsel vm8, $0x586, v9;
	v9 =	vsel vm8, $0xD86, v10;
	v10 =	vsel vm8, $0x1586, v11  }
0xd7: {  	v11 =	vsel vm8, $0x1D86, v12;
	v12 =	vsel vm8, $0x606, v13;
	v13 =	vsel vm8, $0xE06, v14  }
0xd8: {  	v14 =	vsel vm8, $0x1606, v15;
	v15 =	vsel vm8, $0x1E06, v16;
	v16 =	vsel vm8, $0x686, v17  }
0xd9: {  	v17 =	vsel vm8, $0xE86, v18;
	v18 =	vsel vm8, $0x1686, v20;
	v20 =	vsel vm8, $0x1E86, v22  }
0xda: {  	v22 =	vsel vm8, $0x706, v23;
	v23 =	vsel vm8, $0x1F06, v24;
	v24 =	vsel vm8, $0x786, v25  }
0xdb: {  	v25 =	vsel vm8, $0xF86, v26;
	v26 =	vsel vm8, $0x1786, v27;
	v27 =	vsel vm8, $0x1F86, v28  }
0xdc: {  	v28 =	vsel vm8, $0x6, v29;
	v29 =	vsel vm8, $0x806, v30;
	v30 =	vsel vm8, $0x1006, v31  }
0xdd: {  	v31 =	vsel vm8, $0x1806, v32;
	v32 =	vsel vm8, $0x86, v33;
	v33 =	vsel vm8, $0x886, v34  }
0xde: {  	v34 =	vsel vm8, $0x1086, v35;
	v35 =	vsel vm8, $0x1886, v36;
	v36 =	vsel vm8, $0x106, v37  }
0xdf: {  	v37 =	vsel vm8, $0x906, v38;
	v38 =	vsel vm8, $0x1106, v39;
	v39 =	vsel vm8, $0x1906, v40  }
0xe0: {  	v40 =	vsel vm8, $0x186, v41;
	v41 =	vsel vm8, $0x986, v42;
	v42 =	vsel vm8, $0x1186, v43  }
0xe1: {  	v43 =	vsel vm8, $0x1986, v44;
	v44 =	vsel vm8, $0x206, v45;
	v45 =	vsel vm7, $0xA87, v56  }
0xe2: {  	v56 =	vimm.s32 $0x31303F3E;
	v0 =	vsel vm3, $0x68A, v0;
	v1 =	vsel vm7, $0xD07, v1  }
0xe3: {  	v2 =	vsel vm7, $0x1507, v2;
	v3 =	vsel vm7, $0x1D07, v3;
	v4 =	vsel vm7, $0x587, v4  }
0xe4: {  	v5 =	vsel vm7, $0xD87, v5;
	v6 =	vsel vm7, $0x1587, v6;
	v7 =	vsel vm7, $0x1D87, v7  }
0xe5: {  	v8 =	vsel vm7, $0x607, v8;
	v9 =	vsel vm7, $0xE07, v9;
	v10 =	vsel vm7, $0x1607, v10  }
0xe6: {  	v11 =	vsel vm7, $0x1E07, v11;
	v12 =	vsel vm7, $0x687, v12;
	v13 =	vsel vm7, $0xE87, v13  }
0xe7: {  	v14 =	vsel vm7, $0x1687, v14;
	v15 =	vsel vm7, $0x1E87, v15;
	v16 =	vsel vm7, $0x707, v16  }
0xe8: {  	v17 =	vsel vm7, $0xF07, v17;
	v18 =	vsel vm7, $0x1707, v18;
	v20 =	vsel vm7, $0x1F07, v20  }
0xe9: {  	v22 =	vsel vm7, $0x787, v22;
	v23 =	vsel vm7, $0x1F87, v23;
	v24 =	vsel vm7, $0x7, v24  }
0xea: {  	v25 =	vsel vm7, $0x807, v25;
	v26 =	vsel vm7, $0x1007, v26;
	v27 =	vsel vm7, $0x1807, v27  }
0xeb: {  	v28 =	vsel vm7, $0x87, v28;
	v29 =	vsel vm7, $0x887, v29;
	v30 =	vsel vm7, $0x1087, v30  }
0xec: {  	v31 =	vsel vm7, $0x1887, v31;
	v32 =	vsel vm7, $0x107, v32;
	v33 =	vsel vm7, $0x907, v33  }
0xed: {  	v34 =	vsel vm7, $0x1107, v34;
	v35 =	vsel vm7, $0x1907, v35;
	v36 =	vsel vm7, $0x187, v36  }
0xee: {  	v37 =	vsel vm7, $0x987, v37;
	v38 =	vsel vm7, $0x1187, v38;
	v39 =	vsel vm7, $0x1987, v39  }
0xef: {  	v40 =	vsel vm7, $0x207, v40;
	v41 =	vsel vm7, $0xA07, v41;
	v42 =	vsel vm7, $0x1207, v42  }
0xf0: {  	[tilespmem:$0x1FC40] =	vst v52;
	v43 =	vsel vm7, $0x1A07, v43;
	v44 =	vsel vm7, $0x287, v44;
	v52 =	vunpack.c.0.s8.s32 v56  }
0xf1: {  	v45 =	vsel vm6, $0xB08, v45;
	v56 =	vsel vm4, $0x118B, v21;
	v21 =	vunpack.c.0.s8.s32 v59  }
0xf2: {  	v0 =	vsel vm4, $0x70B, v0;
	v1 =	vsel vm6, $0xD88, v1;
	v2 =	vsel vm6, $0x1588, v2  }
0xf3: {  	v3 =	vsel vm6, $0x1D88, v3;
	v4 =	vsel vm6, $0x608, v4;
	v5 =	vsel vm6, $0xE08, v5  }
0xf4: {  	v6 =	vsel vm6, $0x1608, v6;
	v7 =	vsel vm6, $0x1E08, v7;
	v8 =	vsel vm6, $0x688, v8  }
0xf5: {  	v9 =	vsel vm6, $0xE88, v9;
	v10 =	vsel vm6, $0x1688, v10;
	v11 =	vsel vm6, $0x1E88, v11  }
0xf6: {  	v12 =	vsel vm6, $0x708, v12;
	v13 =	vsel vm6, $0xF08, v13;
	v14 =	vsel vm6, $0x1708, v14  }
0xf7: {  	v15 =	vsel vm6, $0x1F08, v15;
	v16 =	vsel vm6, $0x788, v16;
	v17 =	vsel vm6, $0xF88, v17  }
0xf8: {  	v18 =	vsel vm6, $0x1788, v18;
	v20 =	vsel vm6, $0x1F88, v20;
	v22 =	vsel vm6, $0x8, v22  }
0xf9: {  	v23 =	vsel vm6, $0x1808, v23;
	v24 =	vsel vm6, $0x88, v24;
	v25 =	vsel vm6, $0x888, v25  }
0xfa: {  	v26 =	vsel vm6, $0x1088, v26;
	v27 =	vsel vm6, $0x1888, v27;
	v28 =	vsel vm6, $0x108, v28  }
0xfb: {  	v29 =	vsel vm6, $0x908, v29;
	v30 =	vsel vm6, $0x1108, v30;
	v31 =	vsel vm6, $0x1908, v31  }
0xfc: {  	v32 =	vsel vm6, $0x188, v32;
	v33 =	vsel vm6, $0x988, v33;
	v34 =	vsel vm6, $0x1188, v34  }
0xfd: {  	v35 =	vsel vm6, $0x1988, v35;
	v36 =	vsel vm6, $0x208, v36;
	v37 =	vsel vm6, $0xA08, v37  }
0xfe: {  	v38 =	vsel vm6, $0x1208, v38;
	v39 =	vsel vm6, $0x1A08, v39;
	v40 =	vsel vm6, $0x288, v40  }
0xff: {  	v41 =	vsel vm6, $0xA88, v41;
	v42 =	vsel vm6, $0x1288, v42;
	v43 =	vsel vm6, $0x1A88, v43  }
0x100: {  	v44 =	vsel vm6, $0x308, v44;
	v45 =	vsel vm5, $0xB89, v45;
	[tilespmem:$0x1FC50] =	vst v52;
	v52 =	vunpack.c.0.s8.s32 v57  }
0x101: {  	v0 =	vsel vm1, $0x78C, v0;
	v1 =	vsel vm5, $0xE09, v1;
	v2 =	vsel vm5, $0x1609, v2  }
0x102: {  	v3 =	vsel vm5, $0x1E09, v3;
	v4 =	vsel vm5, $0x689, v4;
	v5 =	vsel vm5, $0xE89, v5  }
0x103: {  	v6 =	vsel vm5, $0x1689, v6;
	v7 =	vsel vm5, $0x1E89, v7;
	v8 =	vsel vm5, $0x709, v8  }
0x104: {  	v9 =	vsel vm5, $0xF09, v9;
	v10 =	vsel vm5, $0x1709, v10;
	v11 =	vsel vm5, $0x1F09, v11  }
0x105: {  	v12 =	vsel vm5, $0x789, v12;
	v13 =	vsel vm5, $0xF89, v13;
	v14 =	vsel vm5, $0x1789, v14  }
0x106: {  	v15 =	vsel vm5, $0x1F89, v15;
	v16 =	vsel vm5, $0x9, v16;
	v17 =	vsel vm5, $0x809, v17  }
0x107: {  	v18 =	vsel vm5, $0x1009, v18;
	v20 =	vsel vm5, $0x1809, v20;
	v22 =	vsel vm5, $0x89, v22  }
0x108: {  	v23 =	vsel vm5, $0x1889, v23;
	v24 =	vsel vm5, $0x109, v24;
	v25 =	vsel vm5, $0x909, v25  }
0x109: {  	v26 =	vsel vm5, $0x1109, v26;
	v27 =	vsel vm5, $0x1909, v27;
	v28 =	vsel vm5, $0x189, v28  }
0x10a: {  	v29 =	vsel vm5, $0x989, v29;
	v30 =	vsel vm5, $0x1189, v30;
	v31 =	vsel vm5, $0x1989, v31  }
0x10b: {  	v32 =	vsel vm5, $0x209, v32;
	v33 =	vsel vm5, $0xA09, v33;
	v34 =	vsel vm5, $0x1209, v34  }
0x10c: {  	v35 =	vsel vm5, $0x1A09, v35;
	v36 =	vsel vm5, $0x289, v36;
	v37 =	vsel vm5, $0xA89, v37  }
0x10d: {  	v38 =	vsel vm5, $0x1289, v38;
	v39 =	vsel vm5, $0x1A89, v39;
	v40 =	vsel vm5, $0x309, v40  }
0x10e: {  	v41 =	vsel vm5, $0xB09, v41;
	v42 =	vsel vm5, $0x1309, v42;
	v43 =	vsel vm5, $0x1B09, v43  }
0x10f: {  	v44 =	vsel vm5, $0x389, v44;
	v45 =	vsel vm3, $0xC0A, v45;
	v1 =	vsel vm3, $0xE8A, v1  }
0x110: {  	v2 =	vsel vm3, $0x168A, v2;
	v3 =	vsel vm3, $0x1E8A, v3;
	v4 =	vsel vm3, $0x70A, v4  }
0x111: {  	v5 =	vsel vm3, $0xF0A, v5;
	v6 =	vsel vm3, $0x170A, v6;
	v7 =	vsel vm3, $0x1F0A, v7  }
0x112: {  	v8 =	vsel vm3, $0x78A, v8;
	v9 =	vsel vm3, $0xF8A, v9;
	v10 =	vsel vm3, $0x178A, v10  }
0x113: {  	v11 =	vsel vm3, $0x1F8A, v11;
	v12 =	vsel vm3, $0xA, v12;
	v13 =	vsel vm3, $0x80A, v13  }
0x114: {  	v14 =	vsel vm3, $0x100A, v14;
	v15 =	vsel vm3, $0x180A, v15;
	v16 =	vsel vm3, $0x8A, v16  }
0x115: {  	v17 =	vsel vm3, $0x88A, v17;
	v18 =	vsel vm3, $0x108A, v18;
	v20 =	vsel vm3, $0x188A, v20  }
0x116: {  	v22 =	vsel vm3, $0x10A, v22;
	v23 =	vsel vm3, $0x190A, v23;
	v24 =	vsel vm3, $0x18A, v24  }
0x117: {  	v25 =	vsel vm3, $0x98A, v25;
	v26 =	vsel vm3, $0x118A, v26;
	v27 =	vsel vm3, $0x198A, v27  }
0x118: {  	v28 =	vsel vm3, $0x20A, v28;
	v29 =	vsel vm3, $0xA0A, v29;
	v30 =	vsel vm3, $0x120A, v30  }
0x119: {  	v31 =	vsel vm3, $0x1A0A, v31;
	v32 =	vsel vm3, $0x28A, v32;
	v33 =	vsel vm3, $0xA8A, v33  }
0x11a: {  	v34 =	vsel vm3, $0x128A, v34;
	v35 =	vsel vm3, $0x1A8A, v35;
	v36 =	vsel vm3, $0x30A, v36  }
0x11b: {  	v37 =	vsel vm3, $0xB0A, v37;
	v38 =	vsel vm3, $0x130A, v38;
	v39 =	vsel vm3, $0x1B0A, v39  }
0x11c: {  	v40 =	vsel vm3, $0x38A, v40;
	v41 =	vsel vm3, $0xB8A, v41;
	v42 =	vsel vm3, $0x138A, v42  }
0x11d: {  	v43 =	vsel vm3, $0x1B8A, v43;
	v44 =	vsel vm3, $0x40A, v44;
	v45 =	vsel vm4, $0xC8B, v45  }
0x11e: {  	v0 =	vsel vm2, $0xD, v0;
	[tilespmem:$0x1FC60] =	vst v52;
	v52 =	vunpack.c.l.s4.s8 v58;
	v1 =	vsel vm4, $0xF0B, v1  }
0x11f: {  	v2 =	vsel vm4, $0x170B, v2;
	v3 =	vsel vm4, $0x1F0B, v3;
	v4 =	vsel vm4, $0x78B, v4  }
0x120: {  	v5 =	vsel vm4, $0xF8B, v5;
	v6 =	vsel vm4, $0x178B, v6;
	v7 =	vsel vm4, $0x1F8B, v7  }
0x121: {  	v8 =	vsel vm4, $0xB, v8;
	v9 =	vsel vm4, $0x80B, v9;
	v10 =	vsel vm4, $0x100B, v10  }
0x122: {  	v11 =	vsel vm4, $0x180B, v11;
	v12 =	vsel vm4, $0x8B, v12;
	v13 =	vsel vm4, $0x88B, v13  }
0x123: {  	v14 =	vsel vm4, $0x108B, v14;
	v15 =	vsel vm4, $0x188B, v15;
	v16 =	vsel vm4, $0x10B, v16  }
0x124: {  	v17 =	vsel vm4, $0x90B, v17;
	v18 =	vsel vm4, $0x110B, v18;
	v20 =	vsel vm4, $0x190B, v20  }
0x125: {  	v22 =	vsel vm4, $0x18B, v22;
	v23 =	vsel vm4, $0x198B, v23;
	v24 =	vsel vm4, $0x20B, v24  }
0x126: {  	v25 =	vsel vm4, $0xA0B, v25;
	v26 =	vsel vm4, $0x120B, v26;
	v27 =	vsel vm4, $0x1A0B, v27  }
0x127: {  	v28 =	vsel vm4, $0x28B, v28;
	v29 =	vsel vm4, $0xA8B, v29;
	v30 =	vsel vm4, $0x128B, v30  }
0x128: {  	v31 =	vsel vm4, $0x1A8B, v31;
	v32 =	vsel vm4, $0x30B, v32;
	v33 =	vsel vm4, $0xB0B, v33  }
0x129: {  	v34 =	vsel vm4, $0x130B, v34;
	v35 =	vsel vm4, $0x1B0B, v35;
	v36 =	vsel vm4, $0x38B, v36  }
0x12a: {  	v37 =	vsel vm4, $0xB8B, v37;
	v38 =	vsel vm4, $0x138B, v38;
	v39 =	vsel vm4, $0x1B8B, v39  }
0x12b: {  	v40 =	vsel vm4, $0x40B, v40;
	v41 =	vsel vm4, $0xC0B, v41;
	v42 =	vsel vm4, $0x140B, v42  }
0x12c: {  	v43 =	vsel vm4, $0x1C0B, v43;
	v44 =	vsel vm4, $0x48B, v44;
	v0 =	vsel vm0, $0x8E, v0  }
0x12d: {  	[tilespmem:$0x1FBA0] =	vst v54;
	v62 =	vsel vm1, $0x110C, v14;
	v63 =	vsel vm1, $0x190C, v15;
	v54 =	vsel vm1, $0x98C, v17  }
0x12e: {  	v17 =	vsel vm1, $0x198C, v20;
	v20 =	vsel vm1, $0x120C, v56;
	v57 =	vsel vm1, $0x138C, v34  }
0x12f: {  	v58 =	vsel vm1, $0x1B8C, v35;
	v59 =	vsel vm1, $0x40C, v36;
	v34 =	vsel vm1, $0x1C0C, v39  }
0x130: {  	[tilespmem:$0x1F700] =	vst v0;
	v36 =	vsel vm1, $0x150C, v46;
	v0 =	vunpack.c.0.s8.s32 v52;
	v52 =	vsel vm1, $0x18C, v16  }
0x131: {  	v16 =	vsel vm1, $0x118C, v18;
	v18 =	vsel vm1, $0x20C, v22;
	v22 =	vsel vm1, $0x1A0C, v23  }
0x132: {  	v39 =	vsel vm1, $0x58C, v48;
	v56 =	vsel vm2, $0x1A8D, v22;
	v22 =	vsel vm1, $0x28C, v24  }
0x133: {  	v24 =	vsel vm1, $0x128C, v26;
	v26 =	vsel vm1, $0x30C, v28;
	v28 =	vsel vm1, $0x130C, v30  }
0x134: {  	v30 =	vsel vm1, $0x38C, v32;
	[tilespmem:$0x1F710] =	vst v0;
	v0 =	vsel vm1, $0xF8C, v1;
	v1 =	vunpack.c.0.s8.s32 v61  }
0x135: {  	v20 =	vsel vm2, $0x128D, v20;
	v60 =	vsel vm2, $0x40D, v30;
	v0 =	vsel vm2, $0x80D, v0  }
0x136: {  	[tilespmem:$0x1F720] =	vst v1;
	v1 =	vsel vm1, $0x178C, v2;
	v0 =	vsel vm0, $0x88E, v0;
	v2 =	vsel vm1, $0xC, v4  }
0x137: {  	v4 =	vsel vm1, $0x100C, v6;
	v6 =	vsel vm1, $0x8C, v8;
	v8 =	vsel vm1, $0x108C, v10  }
0x138: {  	v10 =	vsel vm1, $0x10C, v12;
	v12 =	vsel vm2, $0x118D, v62;
	[tilespmem:$0x1FCB0] =	vst v0;
	v0 =	vsel vm2, $0x100D, v1  }
0x139: {  	v1 =	vsel vm1, $0x1F8C, v3;
	v3 =	vsel vm1, $0x80C, v5;
	v2 =	vsel vm2, $0x8D, v2  }
0x13a: {  	[tilespmem:$0x1FC10] =	vst v53;
	v5 =	vsel vm1, $0x180C, v7;
	v7 =	vsel vm1, $0x88C, v9;
	v9 =	vsel vm1, $0x188C, v11  }
0x13b: {  	[tilespmem:$0x1FC70] =	vst v21;
	v11 =	vsel vm1, $0x90C, v13;
	v1 =	vsel vm2, $0x180D, v1;
	v0 =	vsel vm0, $0x108E, v0  }
0x13c: {  	v3 =	vsel vm2, $0x88D, v3;
	v11 =	vsel vm2, $0x98D, v11;
	[tilespmem:$0x1F750] =	vst v0;
	v0 =	vsel vm0, $0x188E, v1  }
0x13d: {  	v13 =	vsel vm2, $0x198D, v63;
	v5 =	vsel vm2, $0x188D, v5;
	v1 =	vsel vm0, $0x90E, v3;
	[tilespmem:$0x1F760] =	vst v0  }
0x13e: {  	v7 =	vsel vm2, $0x90D, v7;
	v0 =	vsel vm0, $0x10E, v2;
	[tilespmem:$0x1F770] =	vst v1;
	v1 =	vsel vm0, $0x190E, v5  }
0x13f: {  	v30 =	vsel vm0, $0x98E, v7;
	v7 =	vsel vm0, $0xA0E, v11;
	[tilespmem:$0x1F790] =	vst v1;
	v11 =	vmovc v0;
	v0 =	vsel vm0, $0x120E, v12  }
0x140: {  	v23 =	vsel vm1, $0xA8C, v25;
	v14 =	vsel vm2, $0x20D, v52;
	[tilespmem:$0x1F7C0] =	vst v0;
	v0 =	vsel vm0, $0x1A0E, v13  }
0x141: {  	v25 =	vsel vm1, $0x1A8C, v27;
	v18 =	vsel vm2, $0x28D, v18;
	[tilespmem:$0x1F7D0] =	vst v0;
	v0 =	vsel vm0, $0x28E, v14  }
0x142: {  	v27 =	vsel vm1, $0xB0C, v29;
	v29 =	vsel vm1, $0x1B0C, v31;
	[tilespmem:$0x1F7E0] =	vst v0;
	v0 =	vsel vm0, $0x30E, v18  }
0x143: {  	v31 =	vsel vm1, $0xB8C, v33;
	v59 =	vsel vm2, $0x48D, v59;
	[tilespmem:$0x1F7F0] =	vst v0;
	v0 =	vsel vm0, $0xB0E, v19  }
0x144: {  	v33 =	vsel vm1, $0x50C, v44;
	v44 =	vsel vm2, $0x158D, v36;
	[tilespmem:$0x1F800] =	vst v0;
	v0 =	vsel vm0, $0x130E, v20  }
0x145: {  	v52 =	vsel vm2, $0xA0D, v54;
	v22 =	vsel vm2, $0x30D, v22;
	[tilespmem:$0x1F810] =	vst v0;
	v0 =	vsel vm0, $0x1B0E, v56  }
0x146: {  	v15 =	vsel vm2, $0xB8D, v27;
	v26 =	vsel vm2, $0x38D, v26;
	[tilespmem:$0x1F820] =	vst v0;
	v0 =	vsel vm0, $0x38E, v22  }
0x147: {  	v31 =	vsel vm2, $0xC0D, v31;
	v32 =	vsel vm2, $0x140D, v57;
	[tilespmem:$0x1F830] =	vst v0;
	v0 =	vsel vm0, $0x40E, v26  }
0x148: {  	v57 =	vsel vm1, $0x48C, v40;
	v54 =	vsel vm2, $0x138D, v28;
	[tilespmem:$0x1F850] =	vst v0;
	v0 =	vsel vm0, $0xC0E, v15  }
0x149: {  	v61 =	vsel vm2, $0x1C0D, v58;
	v58 =	vsel vm1, $0xC8C, v41;
	[tilespmem:$0x1F860] =	vst v0;
	v0 =	vsel vm0, $0x140E, v54  }
0x14a: {  	v28 =	vsel vm2, $0x50D, v57;
	v27 =	vsel vm2, $0xD0D, v58;
	[tilespmem:$0x1F870] =	vst v0;
	v0 =	vsel vm0, $0x48E, v60  }
0x14b: {  	v62 =	vsel vm1, $0xC0C, v37;
	v37 =	vsel vm2, $0x1C8D, v34;
	[tilespmem:$0x1F880] =	vst v0;
	v0 =	vsel vm0, $0xC8E, v31  }
0x14c: {  	v53 =	vsel vm2, $0x110D, v8;
	v63 =	vsel vm1, $0x140C, v38;
	[tilespmem:$0x1F890] =	vst v0;
	v0 =	vsel vm0, $0x1C8E, v61  }
0x14d: {  	v8 =	vsel vm2, $0x148D, v63;
	v63 =	vsel vm1, $0x1C8C, v43;
	[tilespmem:$0x1F8A0] =	vst v0;
	v0 =	vsel vm0, $0x50E, v59  }
0x14e: {  	v34 =	vsel vm1, $0xD0C, v45;
	v58 =	vsel vm2, $0x1D0D, v63;
	[tilespmem:$0x1F8B0] =	vst v0;
	v0 =	vsel vm0, $0x58E, v28  }
0x14f: {  	v57 =	vsel vm2, $0x58D, v33;
	v43 =	vsel vm2, $0xD8D, v34;
	[tilespmem:$0x1F8C0] =	vst v0;
	v0 =	vsel vm0, $0x1D8E, v58  }
0x150: {  	v33 =	vsel vm2, $0x60D, v39;
	v38 =	vsel vm1, $0x1D0C, v47;
	[tilespmem:$0x1F8D0] =	vst v0;
	v0 =	vsel vm0, $0xE0E, v43  }
0x151: {  	v41 =	vsel vm1, $0xD8C, v49;
	v21 =	vsel vm2, $0x1D8D, v38;
	[tilespmem:$0x1F8E0] =	vst v0;
	v0 =	vsel vm0, $0x160E, v44  }
0x152: {  	v35 =	vsel vm2, $0xC8D, v62;
	v62 =	vsel vm1, $0x148C, v42;
	[tilespmem:$0x1F900] =	vst v0;
	v0 =	vsel vm0, $0x1E0E, v21  }
0x153: {  	v42 =	vsel vm1, $0x158C, v50;
	v47 =	vsel vm2, $0xE0D, v41;
	[tilespmem:$0x1F920] =	vst v0;
	v0 =	vsel vm0, $0x68E, v33  }
0x154: {  	v46 =	vsel vm1, $0x1D8C, v51;
	v48 =	vsel vm2, $0x160D, v42;
	[tilespmem:$0x1F930] =	vst v0;
	v0 =	vsel vm0, $0xE8E, v47  }
0x155: {  	v49 =	vsel vm2, $0x1E0D, v46;
	[tilespmem:$0x1F950] =	vst v0;
	v0 =	vsel vm0, $0x168E, v48  }
0x156: {  	[tilespmem:$0x1F970] =	vst v0;
	v0 =	vsel vm0, $0x1E8E, v49  }
0x157: {  	v9 =	vsel vm2, $0x190D, v9;
	v1 =	vsel vm0, $0x118E, v53;
	[tilespmem:$0x1F990] =	vst v0;
	v0 =	vimm.s32 $0x16151413  }
0x158: {  	[tilespmem:$0x1F7A0] =	vst v1;
	v1 =	vsel vm0, $0x198E, v9;
	v0 =	vunpack.c.0.s8.s32 v0  }
0x159: {  	[tilespmem:$0x1F7B0] =	vst v1;
	v1 =	vimm.s32 $0x1A191817  }
0x15a: {  	[tilespmem:$0x1F9A0] =	vst v0;
	v0 =	vunpack.c.0.s8.s32 v1;
	_ =	sdelay $0x1  }
0x15b: {  	[tilespmem:$0x1F9B0] =	vst v0;
	v0 =	vimm.s32 $0x2E2D2C2B  }
0x15c: {  	v0 =	vunpack.c.0.s8.s32 v0  }
0x15d: {  	v17 =	vsel vm2, $0x1A0D, v17;
	v16 =	vsel vm2, $0x120D, v16  }
0x15e: {  	v23 =	vsel vm2, $0xB0D, v23;
	v25 =	vsel vm2, $0x1B0D, v25;
	[tilespmem:$0x1F9C0] =	vst v0;
	v0 =	vimm.s32 $0x2221202F  }
0x15f: {  	v29 =	vsel vm2, $0x1B8D, v29;
	v36 =	vsel vm0, $0x1A8E, v17;
	v0 =	vunpack.c.0.s8.s32 v0  }
0x160: {  	v24 =	vsel vm2, $0x130D, v24;
	v45 =	vsel vm0, $0x60E, v57;
	v1 =	vimm.s32 $0x26252423  }
0x161: {  	v4 =	vsel vm2, $0x108D, v4;
	v6 =	vsel vm2, $0x10D, v6;
	[tilespmem:$0x1F9D0] =	vst v0;
	v0 =	vunpack.c.0.s8.s32 v1  }
0x162: {  	v10 =	vsel vm2, $0x18D, v10;
	v39 =	vsel vm0, $0x1D0E, v37;
	v37 =	vsel vm0, $0xD8E, v27  }
0x163: {  	v40 =	vsel vm2, $0x150D, v62;
	v62 =	vimm.s32 $0x1E1D1C1B;
	[tilespmem:$0x1F9E0] =	vst v0;
	v0 =	vimm.s32 $0x2A292827  }
0x164: {  	v63 =	vimm.s32 $0x1211101F;
	v50 =	vunpack.c.0.s8.s32 v62;
	v0 =	vunpack.c.0.s8.s32 v0  }
0x165: {  	v17 =	vsel vm0, $0x158E, v40;
	v51 =	vunpack.c.0.s8.s32 v63;
	v2 =	vsel vm0, $0x110E, v4  }
0x166: {  	v4 =	vsel vm0, $0x18E, v6;
	v6 =	vsel vm0, $0x20E, v10;
	[tilespmem:$0x1F9F0] =	vst v0;
	v0 =	vimm.s32 $0x3E3D3C3B  }
0x167: {  	v34 =	vld [tilespmem:$0x1FA70];
	v5 =	vsel vm0, $0x128E, v16;
	v10 =	vsel vm0, $0x1B8E, v25;
	v0 =	vunpack.c.0.s8.s32 v0  }
0x168: {  	v25 =	vsel vm0, $0xD0E, v35;
	v16 =	vld [tilespmem:$0x1FA80];
	[tilespmem:$0x1F730] =	vst v50;
	v12 =	vsel vm0, $0xB8E, v23;
	v1 =	vimm.s32 $0x3231303F  }
0x169: {  	v50 =	vsel vm0, $0x1C0E, v29;
	[tilespmem:$0x1FA00] =	vst v0;
	v0 =	vunpack.c.0.s8.s32 v1;
	v1 =	vimm.s32 $0x36353433  }
0x16a: {  	[tilespmem:$0x1F780] =	vst v2;
	v2 =	vsel vm0, $0x148E, v32;
	v13 =	vmovc v4;
	v4 =	vsel vm0, $0xA8E, v52;
	v1 =	vunpack.c.0.s8.s32 v1  }
0x16b: {  	v14 =	vsel vm0, $0x138E, v24;
	v56 =	vlaneseq.u32;
	v49 =	vmovc v2;
	v2 =	vimm.s32 $0xBA987654  }
0x16c: {  	v61 =	vsel vm0, $0x150E, v8;
	vm0 =	vcmask $0x1F10;
	[tilespmem:$0x1FA20] =	vst v1;
	v1 =	vunpack.c.l.s4.s8 v2  }
0x16d: {  	v22 =	vor.u32 $0x20, v56;
	v23 =	vor.u32 $0x30, v56;
	v34 =	vsel vm0, v16, v34  }
0x16e: {  	v53 =	vld [tilespmem:$0x1F980];
	[tilespmem:$0x1FA10] =	vst v0;
	v0 =	vimm.s32 $0x3210FEDC;
	v27 =	vunpack.c.0.s8.s32 v1;
	v1 =	vimm.s32 $0x1B1A1918  }
0x16f: {  	v44 =	vld [tilespmem:$0x1FA90];
	v0 =	vunpack.c.l.s4.s8 v0;
	v35 =	vunpack.c.0.s8.s32 v1;
	v1 =	vimm.s32 $0x27262524  }
0x170: {  	[tilespmem:$0x1F740] =	vst v51;
	v16 =	vld [tilespmem:$0x1FAA0];
	v2 =	vimm.s32 $0x3A393837;
	v38 =	vunpack.c.0.s8.s32 v1;
	v1 =	vimm.s32 $0x33323130  }
0x171: {  	s0 =	rddreg [dreg:$0x0];
	s5 =	srdreg.scid;
	v52 =	vld [tilespmem:$0x1F840];
	[tilespmem:$0x1FA50] =	vst v22;
	v2 =	vunpack.c.0.s8.s32 v2;
	v19 =	vunpack.c.0.s8.s32 v1;
	v1 =	vimm.s32 $0x37363534  }
0x172: {  	s1 =	rddreg [dreg:$0x1];
	s6 =	sand.u32 $0x1, s5;
	s5 =	simm.s32 $0x0;
	v51 =	vld [tilespmem:$0x1F960];
	[tilespmem:$0x1FA60] =	vst v23;
	v1 =	vunpack.c.0.s8.s32 v1  }
0x173: {  	[smem:$0x7FF] =	sst s5;
	v24 =	vld [tilespmem:$0x1F8F0];
	v41 =	vunpack.c.0.s8.s32 v0;
	[tilespmem:$0x1FA30] =	vst v2  }
0x174: {  	s3 =	rddreg [dreg:$0x2];
	v3 =	vimm.s32 $0xEDCBA987;
	v54 =	vld [tilespmem:$0x1F910];
	v0 =	vimm.s32 $0x1F1E1D1C;
	[tilespmem:$0x1FA40] =	vst v1  }
0x175: {  	s2 =	rddreg [dreg:$0x3];
	v31 =	vld [tilespmem:$0x1F940];
	v44 =	vsel vm0, v16, v44;
	v46 =	vunpack.c.0.s8.s32 v0;
	v0 =	vimm.s32 $0x13121110;
	_ =	strace $0x80000047;
	[tilespmem:$0x1FCC0] =	vst v41  }
0x176: {  	v2 =	vimm.s32 $0xCBA98765;
	v40 =	vunpack.c.0.s8.s32 v0;
	v0 =	vimm.s32 $0x17161514;
	[tilespmem:$0x1FCD0] =	vst v27  }
0x177: {  	v48 =	vunpack.c.0.s8.s32 v0;
	v1 =	vunpack.c.l.s4.s8 v2;
	v2 =	vimm.s32 $0x3B3A3938;
	[tilespmem:$0x1FCE0] =	vst v46  }
0x178: {  	v0 =	vimm.s32 $0x2F2E2D2C;
	v42 =	vunpack.c.0.s8.s32 v2;
	v2 =	vimm.s32 $0x6543210F;
	[tilespmem:$0x1FCF0] =	vst v40;
	v63 =	vld [tilespmem:$0x1FAB0]  }
0x179: {  	v21 =	vunpack.c.0.s8.s32 v0;
	v0 =	vimm.s32 $0x23222120;
	[tilespmem:$0x1FD00] =	vst v48;
	v2 =	vunpack.c.l.s4.s8 v2;
	v16 =	vld [tilespmem:$0x1FAC0]  }
0x17a: {  	v3 =	vunpack.c.l.s4.s8 v3;
	v9 =	vunpack.c.0.s8.s32 v0;
	[tilespmem:$0x1FD10] =	vst v35  }
0x17b: {  	v33 =	vmul.u32 $0x81, v56;
	[tilespmem:$0x1FD20] =	vst v21  }
0x17c: {  	v3 =	vunpack.c.0.s8.s32 v3;
	[tilespmem:$0x1FD30] =	vst v9  }
0x17d: {  	[tilespmem:$0x1FD40] =	vst v38;
	v58 =	vunpack.c.0.s8.s32 v2;
	v2 =	vmov v33;
	v33 =	vld [tilespmem:$0x1FAD0]  }
0x17e: {  	[tilespmem:$0x1FDE0] =	vst v3;
	v20 =	vsel vm0, v16, v63;
	v16 =	vld [tilespmem:$0x1FAE0]  }
0x17f: {  	[tilespmem:$0x1FE50] =	vst v5  }
0x180: {  	[tilespmem:$0x1FE60] =	vst v4  }
0x181: {  	[tilespmem:$0x1FE70] =	vst v6  }
0x182: {  	v57 =	vmul.u32 $0x80, v56;
	[tilespmem:$0x1FE80] =	vst v7;
	v63 =	vld [tilespmem:$0x1FB20]  }
0x183: {  	[tilespmem:$0x1FEB0] =	vst v39;
	v15 =	vsel vm0, v16, v33;
	v16 =	vld [tilespmem:$0x1FB30]  }
0x184: {  	v60 =	vor.u32 $0x10, v56;
	[tilespmem:$0x1FEC0] =	vst v57  }
0x185: {  	v23 =	vcombine.low v44, v34;
	[tilespmem:$0x1FEE0] =	vst v60;
	v26 =	vcombine.low v15, v20  }
0x186: {  	[tilespmem:$0x1FEF0] =	vst v14  }
0x187: {  	[tilespmem:$0x1FF20] =	vst v23  }
0x188: {  	[tilespmem:$0x1FB00] =	vst v15;
	v15 =	vsel vm0, v16, v63;
	v16 =	vld [tilespmem:$0x1FB40]  }
0x189: {  	[tilespmem:$0x1FB10] =	vst v26;
	v26 =	vmov v19;
	v19 =	vld [tilespmem:$0x1FB50]  }
0x18a: {  	[tilespmem:$0x1FF30] =	vst v12  }
0x18b: {  	[tilespmem:$0x1FF40] =	vst v36  }
0x18c: {  	[tilespmem:$0x1FF50] =	vst v30  }
0x18d: {  	[tilespmem:$0x1FF70] =	vst v11  }
0x18e: {  	[tilespmem:$0x1FF80] =	vst v50;
	v16 =	vsel vm0, v19, v16;
	v19 =	vld [tilespmem:$0x1FB80]  }
0x18f: {  	v28 =	vmov v13;
	[tilespmem:$0x1FB60] =	vst v16;
	v63 =	vcombine.low v16, v15;
	v16 =	vld [tilespmem:$0x1FB70]  }
0x190: {  	[tilespmem:$0x1FF90] =	vst v28  }
0x191: {  	[tilespmem:$0x1FFA0] =	vst v49  }
0x192: {  	[tilespmem:$0x1FFB0] =	vst v25  }
0x193: {  	[tilespmem:$0x1FFC0] =	vst v61  }
0x194: {  	[tilespmem:$0x1FAF0] =	vst v20;
	v20 =	vsel vm0, v19, v16;
	v16 =	vld [tilespmem:$0x1FB90]  }
0x195: {  	v0 =	vimm.s32 $0x2B2A2928;
	[tilespmem:$0x1FFD0] =	vst v37;
	v19 =	vld [tilespmem:$0x1FBA0]  }
0x196: {  	v8 =	vmov v55;
	v47 =	vunpack.c.0.s8.s32 v0;
	v0 =	vimm.s32 $0x3F3E3D3C;
	[tilespmem:$0x1FFE0] =	vst v17  }
0x197: {  	v43 =	vunpack.c.0.s8.s32 v0;
	[tilespmem:$0x1FFF0] =	vst v8  }
0x198: {  	v0 =	vimm.s32 $0x43210FED;
	[tilespmem:$0x1FD50] =	vst v47  }
0x199: {  	v0 =	vunpack.c.l.s4.s8 v0;
	[tilespmem:$0x1FD60] =	vst v43  }
0x19a: {  	v55 =	vunpack.c.0.s8.s32 v1;
	v1 =	vimm.s32 $0xDCBA9876;
	[tilespmem:$0x1FD80] =	vst v42;
	v16 =	vsel vm0, v19, v16;
	v19 =	vld [tilespmem:$0x1FBF0]  }
0x19b: {  	v1 =	vunpack.c.l.s4.s8 v1;
	v18 =	vunpack.c.0.s8.s32 v0;
	[tilespmem:$0x1FBC0] =	vst v16;
	v29 =	vcombine.low v16, v20;
	v16 =	vld [tilespmem:$0x1FBE0]  }
0x19c: {  	[tilespmem:$0x1FDA0] =	vst v55  }
0x19d: {  	v1 =	vunpack.c.0.s8.s32 v1;
	[tilespmem:$0x1FD90] =	vst v18  }
0x19e: {  	[tilespmem:$0x1FDD0] =	vst v58  }
0x19f: {  	v0 =	vimm.s32 $0x543210FE;
	[tilespmem:$0x1FDC0] =	vst v1;
	v33 =	vld [tilespmem:$0x1FC00]  }
0x1a0: {  	v0 =	vunpack.c.l.s4.s8 v0;
	v32 =	vor.u32 $0x1000, v2;
	[tilespmem:$0x1FE40] =	vst v2;
	v22 =	vsel vm0, v19, v16;
	v16 =	vld [tilespmem:$0x1FC10]  }
0x1a1: {  	v59 =	vor.u32 $0x800, v2;
	[tilespmem:$0x1FEA0] =	vst v32  }
0x1a2: {  	v0 =	vunpack.c.0.s8.s32 v0;
	v62 =	vor.u32 $0x1800, v2;
	[tilespmem:$0x1FED0] =	vst v59  }
0x1a3: {  	[tilespmem:$0x1FF10] =	vst v62  }
0x1a4: {  	[tilespmem:$0x1FDB0] =	vst v0  }
0x1a5: {  	[tilespmem:$0x1FD70] =	vst v26;
	v13 =	vsel vm0, v16, v33;
	v33 =	vld [tilespmem:$0x1FC40]  }
0x1a6: {  	[tilespmem:$0x1FE10] =	vst v15;
	v16 =	vld [tilespmem:$0x1FC50]  }
0x1a7: {  	[tilespmem:$0x1FBB0] =	vst v20;
	v20 =	vcombine.low v13, v22  }
0x1a8: {  	[tilespmem:$0x1FBD0] =	vst v29;
	v29 =	vmov v10  }
0x1a9: {  	[tilespmem:$0x1FF00] =	vst v29  }
0x1aa: {  	v10 =	vld [tilespmem:$0x1FC60];
	[tilespmem:$0x1FE20] =	vst v22  }
0x1ab: {  	[tilespmem:$0x1FC30] =	vst v20;
	v20 =	vmov v44;
	v44 =	vsel vm0, v16, v33;
	v16 =	vmov v34;
	v34 =	vld [tilespmem:$0x1FC70]  }
0x1ac: {  	s4 =	stileid.u32;
	s10 =	simm.s32 $0x400;
	[tilespmem:$0x1FC20] =	vst v13;
	v13 =	vmov v45  }
0x1ad: {  	s11 =	simm.s32 $0x7A1400;
	s12 =	simm.s32 $0x4;
	s13 =	simm.s32 $0xC000;
	[tilespmem:$0x1FF60] =	vst v13  }
.Ltmp0:
0x1ae: {  	s14 =	simm.s32 $0x5;
	s15 =	simm.s32 $0x4000;
	[tilespmem:$0x1FDF0] =	vst v16;
	(pc) =	sbr.rel .LBB2_1-.Ltmp0, $4  }
0x1af: {  	s16 =	simm.s32 $0x0;
	s8 =	sshll.u32 s4, $0x1;
	s7 =	ssub.s32 $0x2, s6;
	[tilespmem:$0x1FE00] =	vst v20  }
0x1b0: {  	p0 =	sgt.u32 s4, $0x1;
	s6 =	sor.u32 s6, s8;
	s9 =	sshrl.u32 s7, $0x1;
	v45 =	vld [tilespmem:$0x1FCB0];
	[tilespmem:$0x1FE30] =	vst v44;
	v19 =	vsel vm0, v34, v10  }
0x1b1: {  	s8 =	sadd.s32 $0xF42000, s3;
	s31 =	sshll.u32 s6, $0x7;
	s9 =	ssub.s32 s7, s9;
	v33 =	vld [tilespmem:$0x1FCA0];
	v34 =	vmov v63;
	[tilespmem:$0x1FC80] =	vst v19  }
0x1b2: {  	p1 =	sne.s32 s6, $0x0;
	s7 =	sadd.s32 s0, s31;
	s9 =	smax.u32 s9, $0x1;
	v19 =	vld [tilespmem:$0x1FC90];
	[tilespmem:$0x1FE90] =	vst v34  }
.LBB2_7:
0x1b3: {  	_ =	swait.ge [sflag:s12], $0x4000  }
.Ltmp1:
0x1b4: {  	[sflag:s12] =	ssyncset.done $0x0;
	(pc) =	sbr.rel @!p1 .LBB2_8-.Ltmp1, $4  }
0x1b5: {  	s17 =	simm.s32 @!p0 $0x3;
	[sflag:s12] =	ssyncadd.s32 $0xFFFFC000  }
0x1b6: {  	_ =	swait.ge @!p0 [sflag:s17], $0x4000  }
0x1b7: {  	[sflag:s17] =	ssyncset.done @!p0 $0x0  }
0x1b8: {  	[sflag:s17] =	ssyncadd.s32 @!p0 $0xFFFFC000  }
.LBB2_11:
0x1b9: {  	s16 =	sadd.s32 $0x1, s16  }
0x1ba: {  	p2 =	sne.s32 s16, s9  }
.Ltmp2:
0x1bb: {  	_ = 	snop;
	(pc) =	sbr.rel @!p2 .LBB2_12-.Ltmp2, $1  }
0x1bc: {  	_ =	sdelay $0x3  }
.LBB2_1:
.Ltmp3:
0x1bd: {  	(pc) =	sbr.rel .LBB2_2-.Ltmp3, $3  }
0x1be: {  	_ =	sdelay $0x1  }
0x1bf: {  	[tilespmem:s5], [sflag:$0x1] =	stream.strided.gather [hbm4b:s7+s10], $0x2000, s11, s10, $0x38;
	[tilespmem:$0xE000] =	vst v63  }
0x1c0: {  	s17 =	simm.s32 $0x0  }
.LBB2_6:
0x1c1: {  	p2 =	sne.s32 s17, $0xF5  }
.Ltmp4:
0x1c2: {  	_ = 	snop;
	(pc) =	sbr.rel @!p2 .LBB2_7-.Ltmp4, $1  }
0x1c3: {  	_ =	sdelay $0x3  }
.LBB2_2:
0x1c4: {  	s18 =	sand.u32 $0x1, s17;
	p2 =	slt.u32 s17, $0x2  }
0x1c5: {  	s20 =	sadd.s32 @!p2 $0x3, s18  }
0x1c6: {  	s19 =	sshll.u32 s17, $0x5;
	s17 =	sadd.s32 $0x1, s17;
	_ =	swait.ge @!p2 [sflag:s20], $0x4000  }
0x1c7: {  	s21 =	sshll.u32 s17, $0x5;
	s19 =	sor.u32 s6, s19;
	[sflag:s20] =	ssyncset.done @!p2 $0x0  }
0x1c8: {  	s21 =	sor.u32 s6, s21;
	[sflag:s20] =	ssyncadd.s32 @!p2 $0xFFFFC000;
	p2 =	sgt.u32 s19, $0x1E83  }
.Ltmp5:
0x1c9: {  	p3 =	sgt.u32 s21, $0x1E83;
	(pc) =	sbr.rel @p2 .LBB2_6-.Ltmp5, $4  }
0x1ca: {  	s20 =	sxor.u32 @!p3 $0x1, s18  }
0x1cb: {  	s21 =	sshll.u32 @!p3 s21, $0x7;
	s23 =	simm.s32 @!p3 $0x400;
	s24 =	simm.s32 @!p3 $0x7A1400  }
0x1cc: {  	s22 =	sshll.u32 @!p3 s20, $0xD;
	s20 =	sadd.s32 @!p3 $0x1, s20;
	s21 =	sadd.s32 @!p3 s0, s21  }
0x1cd: {  	[tilespmem:s22], [sflag:s20] =	stream.strided.gather @!p3 [hbm4b:s21+s23], $0x2000, s24, s23, $0x38;
	[tilespmem:$0xE000] =	vst v63  }
0x1ce: {  	s28 =	simm.s32 $0x0  }
0x1cf: {  	v0 =	vor.u32 s28, v2  }
0x1d0: {  	s21 =	sadd.s32 $0x1, s18  }
0x1d1: {  	_ =	swait.ge [sflag:s21], $0x2000;
	v1 =	vmov s28  }
0x1d2: {  	s26 =	simm.s32 $0x10;
	[sflag:s21] =	ssyncset.done $0x0;
	v1 =	vshll.u32 v1, $0x7  }
0x1d3: {  	s20 =	sshll.u32 s18, $0xD;
	v3 =	vor.u32 s26, v2;
	[sflag:s21] =	ssyncadd.s32 $0xFFFFE000;
	v2 =	vor.u32 v57, v1;
	v1 =	vmov s26  }
0x1d4: {  	v1 =	vshll.u32 v1, $0x7;
	v5 =	vor.u32 v56, v2;
	v0 =	vld.idx.msk [tilespmem:v0+s20+$0x0], $0xffff  }
0x1d5: {  	v4 =	vor.u32 v57, v1;
	v1 =	vor.u32 s28, v59;
	_ =	sdelay $0x1  }
0x1d6: {  	s31 =	sshll.u32 s18, $0xE  }
0x1d7: {  	s21 =	sadd.s32 $0x4000, s31  }
0x1d8: {  	v3 =	vld.idx.msk [tilespmem:v3+s20+$0x0], $0xffff;
	v6 =	vor.u32 v56, v4;
	[tilespmem:v5+s21+$0x0] =	vst.idx.msk $0xffff, v0  }
0x1d9: {  	v0 =	vld.idx.msk [tilespmem:v1+s20+$0x0], $0xffff;
	v1 =	vor.u32 v60, v2;
	_ =	sdelay $0x3  }
0x1da: {  	[tilespmem:v6+s21+$0x0] =	vst.idx.msk $0xffff, v3  }
0x1db: {  	v7 =	vor.u32 s26, v59;
	[tilespmem:v1+s21+$0x0] =	vst.idx.msk $0xffff, v0  }
0x1dc: {  	v3 =	vor.u32 s28, v32;
	v49 =	vld [tilespmem:$0x1FA50];
	_ =	sdelay $0x3  }
0x1dd: {  	v6 =	vor.u32 v60, v4;
	v5 =	vld.idx.msk [tilespmem:v7+s20+$0x0], $0xffff  }
0x1de: {  	v0 =	vld.idx.msk [tilespmem:v3+s20+$0x0], $0xffff;
	v1 =	vor.u32 v49, v2;
	_ =	sdelay $0x3  }
0x1df: {  	[tilespmem:v6+s21+$0x0] =	vst.idx.msk $0xffff, v5  }
0x1e0: {  	v7 =	vor.u32 s26, v32;
	[tilespmem:v1+s21+$0x0] =	vst.idx.msk $0xffff, v0  }
0x1e1: {  	v3 =	vor.u32 s28, v62;
	v56 =	vld [tilespmem:$0x1FA60];
	_ =	sdelay $0x3  }
0x1e2: {  	v5 =	vld.idx.msk [tilespmem:v7+s20+$0x0], $0xffff;
	v6 =	vor.u32 v49, v4  }
0x1e3: {  	v7 =	vor.u32 s26, v62;
	v0 =	vld.idx.msk [tilespmem:v3+s20+$0x0], $0xffff;
	v1 =	vor.u32 v56, v2  }
0x1e4: {  	v3 =	vor.u32 s28, v52;
	_ =	sdelay $0x2  }
0x1e5: {  	[tilespmem:v6+s21+$0x0] =	vst.idx.msk $0xffff, v5  }
0x1e6: {  	v5 =	vld.idx.msk [tilespmem:v7+s20+$0x0], $0xffff;
	v6 =	vor.u32 v56, v4;
	[tilespmem:v1+s21+$0x0] =	vst.idx.msk $0xffff, v0  }
0x1e7: {  	v7 =	vor.u32 s26, v52;
	v1 =	vor.u32 v33, v2;
	v0 =	vld.idx.msk [tilespmem:v3+s20+$0x0], $0xffff  }
0x1e8: {  	v3 =	vor.u32 s28, v19;
	_ =	sdelay $0x2  }
0x1e9: {  	[tilespmem:v6+s21+$0x0] =	vst.idx.msk $0xffff, v5  }
0x1ea: {  	v6 =	vor.u32 v33, v4;
	v5 =	vld.idx.msk [tilespmem:v7+s20+$0x0], $0xffff;
	[tilespmem:v1+s21+$0x0] =	vst.idx.msk $0xffff, v0  }
0x1eb: {  	v1 =	vor.u32 v23, v2;
	v0 =	vld.idx.msk [tilespmem:v3+s20+$0x0], $0xffff;
	_ =	sdelay $0x3  }
0x1ec: {  	[tilespmem:v6+s21+$0x0] =	vst.idx.msk $0xffff, v5  }
0x1ed: {  	v7 =	vor.u32 s26, v19;
	[tilespmem:v1+s21+$0x0] =	vst.idx.msk $0xffff, v0  }
0x1ee: {  	v12 =	vmov v21;
	v3 =	vor.u32 s28, v24;
	v21 =	vld [tilespmem:$0x1FB10];
	_ =	sdelay $0x3  }
0x1ef: {  	v6 =	vor.u32 v23, v4;
	v5 =	vld.idx.msk [tilespmem:v7+s20+$0x0], $0xffff  }
0x1f0: {  	v7 =	vor.u32 s26, v24;
	v0 =	vld.idx.msk [tilespmem:v3+s20+$0x0], $0xffff;
	v1 =	vor.u32 v21, v2  }
0x1f1: {  	v3 =	vor.u32 s28, v54;
	_ =	sdelay $0x2  }
0x1f2: {  	[tilespmem:v6+s21+$0x0] =	vst.idx.msk $0xffff, v5  }
0x1f3: {  	v5 =	vld.idx.msk [tilespmem:v7+s20+$0x0], $0xffff;
	v6 =	vor.u32 v21, v4;
	[tilespmem:v1+s21+$0x0] =	vst.idx.msk $0xffff, v0  }
0x1f4: {  	v7 =	vor.u32 s26, v54;
	v1 =	vor.u32 v34, v2;
	v0 =	vld.idx.msk [tilespmem:v3+s20+$0x0], $0xffff  }
0x1f5: {  	v3 =	vor.u32 s28, v31;
	_ =	sdelay $0x2  }
0x1f6: {  	[tilespmem:v6+s21+$0x0] =	vst.idx.msk $0xffff, v5  }
0x1f7: {  	v6 =	vor.u32 v34, v4;
	v5 =	vld.idx.msk [tilespmem:v7+s20+$0x0], $0xffff;
	[tilespmem:v1+s21+$0x0] =	vst.idx.msk $0xffff, v0  }
0x1f8: {  	v1 =	vor.u32 v51, v2;
	v0 =	vld.idx.msk [tilespmem:v3+s20+$0x0], $0xffff;
	_ =	sdelay $0x3  }
0x1f9: {  	[tilespmem:v6+s21+$0x0] =	vst.idx.msk $0xffff, v5  }
0x1fa: {  	v7 =	vor.u32 s26, v31;
	[tilespmem:v1+s21+$0x0] =	vst.idx.msk $0xffff, v0  }
0x1fb: {  	v3 =	vor.u32 s28, v53;
	v10 =	vld [tilespmem:$0x1FBD0];
	_ =	sdelay $0x3  }
0x1fc: {  	v6 =	vor.u32 v51, v4;
	v5 =	vld.idx.msk [tilespmem:v7+s20+$0x0], $0xffff  }
0x1fd: {  	v7 =	vor.u32 s26, v53;
	v0 =	vld.idx.msk [tilespmem:v3+s20+$0x0], $0xffff;
	v1 =	vor.u32 v10, v2;
	_ =	sdelay $0x3  }
0x1fe: {  	[tilespmem:v6+s21+$0x0] =	vst.idx.msk $0xffff, v5  }
0x1ff: {  	v3 =	vor.u32 s28, v8;
	v5 =	vld.idx.msk [tilespmem:v7+s20+$0x0], $0xffff;
	v6 =	vor.u32 v10, v4;
	[tilespmem:v1+s21+$0x0] =	vst.idx.msk $0xffff, v0  }
0x200: {  	v7 =	vor.u32 s26, v8;
	v8 =	vld [tilespmem:$0x1FC30];
	_ =	sdelay $0x3  }
0x201: {  	v0 =	vld.idx.msk [tilespmem:v3+s20+$0x0], $0xffff;
	[tilespmem:v6+s21+$0x0] =	vst.idx.msk $0xffff, v5  }
0x202: {  	v39 =	vld [tilespmem:$0x1F6F0];
	v1 =	vor.u32 v8, v2  }
0x203: {  	v5 =	vld.idx.msk [tilespmem:v7+s20+$0x0], $0xffff;
	v6 =	vor.u32 v8, v4;
	_ =	sdelay $0x1  }
0x204: {  	v8 =	vld [tilespmem:$0x1FC80];
	_ =	sdelay $0x1  }
0x205: {  	v3 =	vor.u32 s28, v39;
	[tilespmem:v1+s21+$0x0] =	vst.idx.msk $0xffff, v0  }
0x206: {  	[tilespmem:v6+s21+$0x0] =	vst.idx.msk $0xffff, v5  }
0x207: {  	v7 =	vor.u32 s26, v39;
	v29 =	vld [tilespmem:$0x1F720]  }
0x208: {  	v53 =	vcombine.low v8, v44;
	v8 =	vld [tilespmem:$0x1F710];
	_ =	sdelay $0x1  }
0x209: {  	v0 =	vld.idx.msk [tilespmem:v3+s20+$0x0], $0xffff;
	v1 =	vor.u32 v53, v2;
	_ =	sdelay $0x1  }
0x20a: {  	v5 =	vld.idx.msk [tilespmem:v7+s20+$0x0], $0xffff;
	v6 =	vor.u32 v53, v4  }
0x20b: {  	v8 =	vcombine.low v29, v8  }
0x20c: {  	v10 =	vld [tilespmem:$0x1F700]  }
0x20d: {  	v17 =	vld [tilespmem:$0x1F7A0];
	[tilespmem:v1+s21+$0x0] =	vst.idx.msk $0xffff, v0;
	v8 =	vand.u32 $0xF, v8  }
0x20e: {  	[tilespmem:$0x1F120] =	vst v8  }
0x20f: {  	[tilespmem:v6+s21+$0x0] =	vst.idx.msk $0xffff, v5  }
0x210: {  	v37 =	vld [tilespmem:$0x1F730]  }
0x211: {  	v39 =	vld [tilespmem:$0x1F740]  }
0x212: {  	v36 =	vmov v54;
	v3 =	vor.u32 s28, v10;
	v54 =	vld [tilespmem:$0x1F9A0]  }
0x213: {  	v15 =	vmov v55;
	v7 =	vor.u32 s26, v10;
	v55 =	vld [tilespmem:$0x1F9B0];
	_ =	sdelay $0x3  }
0x214: {  	v1 =	vor.u32 v8, v2;
	v6 =	vor.u32 v8, v4;
	v0 =	vld.idx.msk [tilespmem:v3+s20+$0x0], $0xffff  }
0x215: {  	v3 =	vor.u32 s28, v45;
	v5 =	vld.idx.msk [tilespmem:v7+s20+$0x0], $0xffff;
	v8 =	vsel vm0, v39, v37;
	v13 =	vsel vm0, v55, v54  }
0x216: {  	[tilespmem:$0x1F190] =	vst v8;
	v8 =	vcombine.low v13, v8  }
0x217: {  	v7 =	vor.u32 s26, v45;
	[tilespmem:$0x1F1A0] =	vst v13  }
0x218: {  	[tilespmem:$0x1F3A0] =	vst v8  }
0x219: {  	v16 =	vmov v26;
	v26 =	vld [tilespmem:$0x1FA40];
	[tilespmem:v1+s21+$0x0] =	vst.idx.msk $0xffff, v0  }
0x21a: {  	[tilespmem:v6+s21+$0x0] =	vst.idx.msk $0xffff, v5;
	v0 =	vld.idx.msk [tilespmem:v3+s20+$0x0], $0xffff  }
0x21b: {  	v13 =	vld [tilespmem:$0x1F750]  }
0x21c: {  	v5 =	vld.idx.msk [tilespmem:v7+s20+$0x0], $0xffff  }
0x21d: {  	v14 =	vmov v43;
	v43 =	vmov v48;
	v48 =	vld [tilespmem:$0x1F9C0]  }
0x21e: {  	v1 =	vor.u32 v8, v2;
	v6 =	vor.u32 v8, v4;
	v8 =	vld [tilespmem:$0x1F9D0]  }
0x21f: {  	v25 =	vmov v42;
	v42 =	vmov v41;
	v41 =	vld [tilespmem:$0x1F9E0]  }
0x220: {  	v3 =	vor.u32 s28, v13;
	v7 =	vor.u32 s26, v13;
	v13 =	vmovc v27;
	v27 =	vmov v46;
	v46 =	vld [tilespmem:$0x1F9F0];
	_ =	sdelay $0x4  }
0x221: {  	v31 =	vmov v18;
	v8 =	vsel vm0, v8, v48;
	v18 =	vsel vm0, v46, v41  }
0x222: {  	[tilespmem:$0x1F1C0] =	vst v8;
	v8 =	vcombine.low v18, v8  }
0x223: {  	[tilespmem:$0x1F1D0] =	vst v18  }
0x224: {  	[tilespmem:$0x1F3E0] =	vst v8  }
0x225: {  	[tilespmem:v1+s21+$0x0] =	vst.idx.msk $0xffff, v0  }
0x226: {  	[tilespmem:v6+s21+$0x0] =	vst.idx.msk $0xffff, v5  }
0x227: {  	v22 =	vmov v38;
	v38 =	vmov v51;
	v51 =	vld [tilespmem:$0x1FA00]  }
0x228: {  	v61 =	vld [tilespmem:$0x1FA10];
	_ =	sdelay $0x1  }
0x229: {  	v0 =	vld.idx.msk [tilespmem:v3+s20+$0x0], $0xffff  }
0x22a: {  	v3 =	vld [tilespmem:$0x1F760]  }
0x22b: {  	v18 =	vmov v35;
	v35 =	vmov v19;
	v19 =	vmov v62;
	v62 =	vld [tilespmem:$0x1FA20]  }
0x22c: {  	v44 =	vmov v9;
	v9 =	vsel vm0, v61, v51;
	v61 =	vld [tilespmem:$0x1FA30];
	_ =	sdelay $0x3  }
0x22d: {  	v1 =	vor.u32 v8, v2  }
0x22e: {  	v5 =	vor.u32 s28, v3;
	v10 =	vsel vm0, v61, v62  }
0x22f: {  	v6 =	vld.idx.msk [tilespmem:v7+s20+$0x0], $0xffff;
	v7 =	vor.u32 v8, v4;
	[tilespmem:$0x1F1F0] =	vst v9;
	v9 =	vcombine.low v10, v9  }
0x230: {  	v8 =	vor.u32 s26, v3;
	[tilespmem:$0x1F200] =	vst v10  }
0x231: {  	[tilespmem:$0x1F420] =	vst v9  }
0x232: {  	[tilespmem:v1+s21+$0x0] =	vst.idx.msk $0xffff, v0  }
0x233: {  	v1 =	vor.u32 v9, v2;
	v0 =	vld.idx.msk [tilespmem:v5+s20+$0x0], $0xffff  }
0x234: {  	[tilespmem:v7+s21+$0x0] =	vst.idx.msk $0xffff, v6  }
0x235: {  	v7 =	vor.u32 v9, v4;
	v6 =	vld.idx.msk [tilespmem:v8+s20+$0x0], $0xffff  }
0x236: {  	v9 =	vcombine.low v13, v42;
	_ =	sdelay $0x1  }
0x237: {  	v51 =	vmov v23;
	v5 =	vor.u32 s28, v11;
	v23 =	vld [tilespmem:$0x1F7B0];
	v9 =	vand.u32 $0xF, v9;
	[tilespmem:v1+s21+$0x0] =	vst.idx.msk $0xffff, v0  }
0x238: {  	v8 =	vor.u32 s26, v11;
	[tilespmem:$0x1F460] =	vst v9  }
0x239: {  	[tilespmem:v7+s21+$0x0] =	vst.idx.msk $0xffff, v6  }
0x23a: {  	v10 =	vld [tilespmem:$0x1F770];
	_ =	sdelay $0x1  }
0x23b: {  	v3 =	vmov v43;
	v43 =	vmov v12;
	v1 =	vor.u32 v9, v2;
	v0 =	vld.idx.msk [tilespmem:v5+s20+$0x0], $0xffff  }
0x23c: {  	v12 =	vsel vm0, v18, v3;
	v7 =	vor.u32 v9, v4;
	v9 =	vsel vm0, v40, v27;
	v6 =	vld.idx.msk [tilespmem:v8+s20+$0x0], $0xffff  }
0x23d: {  	[tilespmem:$0x1F240] =	vst v9;
	v9 =	vcombine.low v12, v9  }
0x23e: {  	[tilespmem:$0x1F250] =	vst v12;
	v5 =	vor.u32 s28, v10  }
0x23f: {  	[tilespmem:$0x1F490] =	vst v9;
	v8 =	vor.u32 s26, v10  }
0x240: {  	[tilespmem:v1+s21+$0x0] =	vst.idx.msk $0xffff, v0  }
0x241: {  	[tilespmem:v7+s21+$0x0] =	vst.idx.msk $0xffff, v6  }
0x242: {  	v10 =	vld [tilespmem:$0x1F780]  }
0x243: {  	v1 =	vor.u32 v9, v2;
	v0 =	vld.idx.msk [tilespmem:v5+s20+$0x0], $0xffff  }
0x244: {  	v12 =	vsel vm0, v47, v22;
	v7 =	vor.u32 v9, v4;
	v9 =	vsel vm0, v44, v43;
	v6 =	vld.idx.msk [tilespmem:v8+s20+$0x0], $0xffff  }
0x245: {  	[tilespmem:$0x1F270] =	vst v9;
	v9 =	vcombine.low v12, v9  }
0x246: {  	[tilespmem:$0x1F280] =	vst v12  }
0x247: {  	[tilespmem:$0x1F130] =	vst v9  }
0x248: {  	[tilespmem:v1+s21+$0x0] =	vst.idx.msk $0xffff, v0  }
0x249: {  	v5 =	vor.u32 s28, v10;
	[tilespmem:v7+s21+$0x0] =	vst.idx.msk $0xffff, v6  }
0x24a: {  	v8 =	vor.u32 s26, v10;
	v12 =	vld [tilespmem:$0x1F790];
	_ =	sdelay $0x3  }
0x24b: {  	v1 =	vor.u32 v9, v2;
	v7 =	vor.u32 v9, v4;
	v9 =	vsel vm0, v16, v14;
	v0 =	vld.idx.msk [tilespmem:v5+s20+$0x0], $0xffff  }
0x24c: {  	v6 =	vld.idx.msk [tilespmem:v8+s20+$0x0], $0xffff;
	v5 =	vor.u32 s28, v12;
	v8 =	vor.u32 s26, v12;
	v12 =	vsel vm0, v25, v26  }
0x24d: {  	[tilespmem:$0x1F2A0] =	vst v9;
	v9 =	vcombine.low v12, v9  }
0x24e: {  	[tilespmem:$0x1F2B0] =	vst v12  }
0x24f: {  	[tilespmem:$0x1F5B0] =	vst v9  }
0x250: {  	[tilespmem:v1+s21+$0x0] =	vst.idx.msk $0xffff, v0  }
0x251: {  	v1 =	vor.u32 v9, v2;
	v0 =	vld.idx.msk [tilespmem:v5+s20+$0x0], $0xffff  }
0x252: {  	[tilespmem:v7+s21+$0x0] =	vst.idx.msk $0xffff, v6  }
0x253: {  	v7 =	vor.u32 v9, v4;
	v6 =	vld.idx.msk [tilespmem:v8+s20+$0x0], $0xffff  }
0x254: {  	v9 =	vcombine.low v15, v31;
	_ =	sdelay $0x1  }
0x255: {  	v9 =	vand.u32 $0xF, v9;
	[tilespmem:v1+s21+$0x0] =	vst.idx.msk $0xffff, v0  }
0x256: {  	[tilespmem:$0x1F650] =	vst v9  }
0x257: {  	[tilespmem:v7+s21+$0x0] =	vst.idx.msk $0xffff, v6  }
0x258: {  	v1 =	vor.u32 v9, v2;
	v7 =	vor.u32 v9, v4;
	v9 =	vld [tilespmem:$0x1FA80]  }
0x259: {  	v10 =	vld [tilespmem:$0x1FA90];
	_ =	sdelay $0x2  }
0x25a: {  	v5 =	vor.u32 s28, v28  }
0x25b: {  	v8 =	vor.u32 s26, v28  }
0x25c: {  	v12 =	vsel vm0, v10, v9;
	v9 =	vld [tilespmem:$0x1FA70]  }
0x25d: {  	v10 =	vld [tilespmem:$0x1FAA0];
	_ =	sdelay $0x1  }
0x25e: {  	v0 =	vld.idx.msk [tilespmem:v5+s20+$0x0], $0xffff  }
0x25f: {  	v6 =	vld.idx.msk [tilespmem:v8+s20+$0x0], $0xffff;
	_ =	sdelay $0x1  }
0x260: {  	[tilespmem:$0x1F2F0] =	vst v12;
	v9 =	vsel vm0, v9, v10  }
0x261: {  	[tilespmem:$0x1F300] =	vst v9  }
0x262: {  	[tilespmem:v1+s21+$0x0] =	vst.idx.msk $0xffff, v0  }
0x263: {  	v15 =	vcombine.low v9, v12;
	v9 =	vld [tilespmem:$0x1FE40];
	[tilespmem:v7+s21+$0x0] =	vst.idx.msk $0xffff, v6  }
0x264: {  	v12 =	vld [tilespmem:$0x1FAC0]  }
0x265: {  	v13 =	vld [tilespmem:$0x1FAD0];
	_ =	sdelay $0x3  }
0x266: {  	v5 =	vor.u32 s28, v30;
	v14 =	vld [tilespmem:$0x1FAE0]  }
0x267: {  	v8 =	vor.u32 s26, v30;
	v13 =	vsel vm0, v13, v12;
	v12 =	vld [tilespmem:$0x1FAB0]  }
0x268: {  	s23 =	simm.s32 $0x20  }
0x269: {  	v0 =	vor.u32 s23, v9;
	_ =	sdelay $0x1  }
0x26a: {  	s22 =	simm.s32 $0x30;
	v1 =	vmov s23;
	v5 =	vld.idx.msk [tilespmem:v5+s20+$0x0], $0xffff;
	v10 =	vor.u32 v15, v2;
	v11 =	vor.u32 v15, v4  }
0x26b: {  	v1 =	vshll.u32 v1, $0x7;
	v7 =	vld.idx.msk [tilespmem:v8+s20+$0x0], $0xffff;
	v8 =	vmov s22;
	[tilespmem:$0x1F330] =	vst v13;
	v12 =	vsel vm0, v12, v14  }
0x26c: {  	v42 =	vor.u32 v57, v1;
	v8 =	vshll.u32 v8, $0x7;
	v14 =	vlaneseq.u32;
	[tilespmem:$0x1F320] =	vst v12  }
0x26d: {  	v45 =	vor.u32 v57, v8;
	v8 =	vor.u32 v14, v42;
	v0 =	vld.idx.msk [tilespmem:v0+s20+$0x0], $0xffff;
	_ =	sdelay $0x2  }
0x26e: {  	[tilespmem:v10+s21+$0x0] =	vst.idx.msk $0xffff, v5  }
0x26f: {  	[tilespmem:v11+s21+$0x0] =	vst.idx.msk $0xffff, v7  }
0x270: {  	v26 =	vld [tilespmem:$0x1F890];
	[tilespmem:v8+s21+$0x0] =	vst.idx.msk $0xffff, v0  }
0x271: {  	v0 =	vld [tilespmem:$0x1FB20]  }
0x272: {  	v8 =	vld [tilespmem:$0x1FB50];
	_ =	sdelay $0x3  }
0x273: {  	v9 =	vor.u32 s22, v9  }
0x274: {  	v6 =	vor.u32 s28, v17;
	v11 =	vsel vm0, v0, v8;
	v0 =	vld [tilespmem:$0x1FB30]  }
0x275: {  	v1 =	vor.u32 s26, v17;
	v8 =	vld [tilespmem:$0x1FB40];
	_ =	sdelay $0x1  }
0x276: {  	v5 =	vor.u32 s23, v59  }
0x277: {  	v13 =	vcombine.low v12, v13;
	v9 =	vld.idx.msk [tilespmem:v9+s20+$0x0], $0xffff  }
0x278: {  	v28 =	vor.u32 v14, v45;
	v6 =	vld.idx.msk [tilespmem:v6+s20+$0x0], $0xffff  }
0x279: {  	v29 =	vor.u32 v13, v2;
	v1 =	vld.idx.msk [tilespmem:v1+s20+$0x0], $0xffff;
	[tilespmem:$0x1F360] =	vst v11;
	v8 =	vsel vm0, v8, v0  }
0x27a: {  	v10 =	vor.u32 s22, v59;
	v30 =	vor.u32 v13, v4;
	[tilespmem:$0x1F350] =	vst v8  }
0x27b: {  	v0 =	vld.idx.msk [tilespmem:v5+s20+$0x0], $0xffff;
	v5 =	vor.u32 v60, v42;
	_ =	sdelay $0x1  }
0x27c: {  	[tilespmem:v28+s21+$0x0] =	vst.idx.msk $0xffff, v9  }
0x27d: {  	[tilespmem:v29+s21+$0x0] =	vst.idx.msk $0xffff, v6  }
0x27e: {  	v11 =	vcombine.low v11, v8;
	[tilespmem:v30+s21+$0x0] =	vst.idx.msk $0xffff, v1;
	v8 =	vld.idx.msk [tilespmem:v10+s20+$0x0], $0xffff  }
0x27f: {  	v7 =	vor.u32 s28, v23;
	v14 =	vld [tilespmem:$0x1FE70];
	[tilespmem:v5+s21+$0x0] =	vst.idx.msk $0xffff, v0  }
0x280: {  	v20 =	vmov v32;
	v31 =	vor.u32 s26, v23;
	v0 =	vld [tilespmem:$0x1FDB0]  }
0x281: {  	v9 =	vor.u32 v60, v45;
	v10 =	vor.u32 s23, v20;
	v5 =	vld [tilespmem:$0x1FDC0];
	_ =	sdelay $0x2  }
0x282: {  	v7 =	vld.idx.msk [tilespmem:v7+s20+$0x0], $0xffff;
	v28 =	vor.u32 v11, v2  }
0x283: {  	v29 =	vld.idx.msk [tilespmem:v31+s20+$0x0], $0xffff;
	v30 =	vor.u32 v11, v4  }
0x284: {  	[tilespmem:v9+s21+$0x0] =	vst.idx.msk $0xffff, v8;
	v8 =	vor.u32 v49, v42;
	v0 =	vcombine.low v5, v0;
	v5 =	vld.idx.msk [tilespmem:v10+s20+$0x0], $0xffff;
	_ =	sdelay $0x2  }
0x285: {  	[tilespmem:v28+s21+$0x0] =	vst.idx.msk $0xffff, v7  }
0x286: {  	[tilespmem:v30+s21+$0x0] =	vst.idx.msk $0xffff, v29  }
0x287: {  	v10 =	vld [tilespmem:$0x1FE80];
	[tilespmem:v8+s21+$0x0] =	vst.idx.msk $0xffff, v5  }
0x288: {  	v31 =	vor.u32 s26, v14;
	v5 =	vld [tilespmem:$0x1FB70]  }
0x289: {  	v8 =	vld [tilespmem:$0x1FBA0];
	_ =	sdelay $0x2  }
0x28a: {  	v6 =	vor.u32 s22, v20  }
0x28b: {  	v29 =	vld.idx.msk [tilespmem:v31+s20+$0x0], $0xffff  }
0x28c: {  	v28 =	vor.u32 s28, v10;
	v31 =	vor.u32 s26, v10;
	v10 =	vsel vm0, v5, v8;
	v5 =	vld [tilespmem:$0x1FB80]  }
0x28d: {  	v1 =	vor.u32 s28, v14;
	v8 =	vld [tilespmem:$0x1FB90];
	_ =	sdelay $0x1  }
0x28e: {  	v63 =	vor.u32 s23, v19;
	v12 =	vmov v50;
	v50 =	vor.u32 v49, v45;
	v6 =	vld.idx.msk [tilespmem:v6+s20+$0x0], $0xffff;
	_ =	sdelay $0x1  }
0x28f: {  	v9 =	vand.u32 $0xF, v0  }
0x290: {  	v1 =	vld.idx.msk [tilespmem:v1+s20+$0x0], $0xffff;
	v7 =	vor.u32 v9, v2;
	[tilespmem:$0x1F3C0] =	vst v10;
	v8 =	vsel vm0, v8, v5  }
0x291: {  	v30 =	vor.u32 v9, v4;
	[tilespmem:$0x1F3B0] =	vst v8  }
0x292: {  	v5 =	vld.idx.msk [tilespmem:v63+s20+$0x0], $0xffff;
	[tilespmem:v50+s21+$0x0] =	vst.idx.msk $0xffff, v6;
	v6 =	vor.u32 v56, v42;
	_ =	sdelay $0x2  }
0x293: {  	[tilespmem:v7+s21+$0x0] =	vst.idx.msk $0xffff, v1  }
0x294: {  	[tilespmem:v30+s21+$0x0] =	vst.idx.msk $0xffff, v29  }
0x295: {  	v14 =	vcombine.low v10, v8;
	v10 =	vld [tilespmem:$0x1F7C0];
	[tilespmem:v6+s21+$0x0] =	vst.idx.msk $0xffff, v5  }
0x296: {  	v5 =	vld [tilespmem:$0x1FBE0]  }
0x297: {  	v6 =	vld [tilespmem:$0x1FC10];
	_ =	sdelay $0x2  }
0x298: {  	v0 =	vor.u32 s22, v19;
	_ =	sdelay $0x1  }
0x299: {  	v16 =	vsel vm0, v5, v6;
	v5 =	vld [tilespmem:$0x1FBF0]  }
0x29a: {  	v6 =	vld [tilespmem:$0x1FC00];
	_ =	sdelay $0x1  }
0x29b: {  	v8 =	vor.u32 v56, v45;
	v50 =	vor.u32 s23, v52;
	v0 =	vld.idx.msk [tilespmem:v0+s20+$0x0], $0xffff;
	_ =	sdelay $0x1  }
0x29c: {  	v7 =	vld.idx.msk [tilespmem:v28+s20+$0x0], $0xffff  }
0x29d: {  	v28 =	vor.u32 v14, v2;
	v30 =	vld.idx.msk [tilespmem:v31+s20+$0x0], $0xffff;
	[tilespmem:$0x1F3F0] =	vst v16;
	v6 =	vsel vm0, v6, v5  }
0x29e: {  	v34 =	vmov v33;
	v31 =	vor.u32 v14, v4;
	[tilespmem:$0x1F400] =	vst v6  }
0x29f: {  	v5 =	vld.idx.msk [tilespmem:v50+s20+$0x0], $0xffff;
	[tilespmem:v8+s21+$0x0] =	vst.idx.msk $0xffff, v0;
	v0 =	vor.u32 v34, v42;
	_ =	sdelay $0x2  }
0x2a0: {  	[tilespmem:v28+s21+$0x0] =	vst.idx.msk $0xffff, v7  }
0x2a1: {  	[tilespmem:v31+s21+$0x0] =	vst.idx.msk $0xffff, v30  }
0x2a2: {  	v19 =	vcombine.low v16, v6;
	v16 =	vld [tilespmem:$0x1F7D0];
	[tilespmem:v0+s21+$0x0] =	vst.idx.msk $0xffff, v5  }
0x2a3: {  	v0 =	vld [tilespmem:$0x1FC40]  }
0x2a4: {  	v5 =	vld [tilespmem:$0x1FC70];
	_ =	sdelay $0x1  }
0x2a5: {  	v1 =	vor.u32 s22, v52  }
0x2a6: {  	v29 =	vor.u32 s28, v10  }
0x2a7: {  	v52 =	vor.u32 s26, v10;
	v8 =	vld [tilespmem:$0x1FC60]  }
0x2a8: {  	v0 =	vsel vm0, v0, v5;
	v5 =	vld [tilespmem:$0x1FC50];
	_ =	sdelay $0x1  }
0x2a9: {  	v63 =	vor.u32 s23, v35;
	v6 =	vor.u32 v34, v45;
	v1 =	vld.idx.msk [tilespmem:v1+s20+$0x0], $0xffff  }
0x2aa: {  	v7 =	vor.u32 s22, v35;
	v28 =	vld.idx.msk [tilespmem:v29+s20+$0x0], $0xffff;
	v29 =	vor.u32 v19, v2  }
0x2ab: {  	v31 =	vld.idx.msk [tilespmem:v52+s20+$0x0], $0xffff;
	v50 =	vor.u32 v19, v4;
	v30 =	vor.u32 s28, v16  }
0x2ac: {  	[tilespmem:$0x1F440] =	vst v0;
	v8 =	vsel vm0, v8, v5  }
0x2ad: {  	v52 =	vor.u32 s26, v16;
	[tilespmem:$0x1F430] =	vst v8  }
0x2ae: {  	v5 =	vld.idx.msk [tilespmem:v63+s20+$0x0], $0xffff;
	[tilespmem:v6+s21+$0x0] =	vst.idx.msk $0xffff, v1  }
0x2af: {  	v8 =	vcombine.low v0, v8;
	v1 =	vor.u32 v51, v42;
	[tilespmem:v29+s21+$0x0] =	vst.idx.msk $0xffff, v28;
	v6 =	vld.idx.msk [tilespmem:v7+s20+$0x0], $0xffff  }
0x2b0: {  	[tilespmem:v50+s21+$0x0] =	vst.idx.msk $0xffff, v31;
	v7 =	vor.u32 v51, v45;
	v29 =	vld.idx.msk [tilespmem:v30+s20+$0x0], $0xffff  }
0x2b1: {  	v30 =	vor.u32 v8, v2;
	v0 =	vld [tilespmem:$0x1F7E0]  }
0x2b2: {  	v63 =	vor.u32 s23, v24;
	v33 =	vld.idx.msk [tilespmem:v52+s20+$0x0], $0xffff;
	v50 =	vor.u32 v8, v4;
	_ =	sdelay $0x1  }
0x2b3: {  	[tilespmem:v1+s21+$0x0] =	vst.idx.msk $0xffff, v5  }
0x2b4: {  	v28 =	vor.u32 s22, v24;
	v1 =	vld [tilespmem:$0x1FDE0];
	[tilespmem:v7+s21+$0x0] =	vst.idx.msk $0xffff, v6  }
0x2b5: {  	[tilespmem:v30+s21+$0x0] =	vst.idx.msk $0xffff, v29  }
0x2b6: {  	v31 =	vor.u32 s28, v0;
	v5 =	vld.idx.msk [tilespmem:v63+s20+$0x0], $0xffff;
	v6 =	vor.u32 v21, v42;
	[tilespmem:v50+s21+$0x0] =	vst.idx.msk $0xffff, v33  }
0x2b7: {  	v51 =	vor.u32 s26, v0;
	v17 =	vld [tilespmem:$0x1FE60];
	_ =	sdelay $0x1  }
0x2b8: {  	v7 =	vld.idx.msk [tilespmem:v28+s20+$0x0], $0xffff;
	v28 =	vor.u32 v21, v45  }
0x2b9: {  	v24 =	vld [tilespmem:$0x1F720]  }
0x2ba: {  	v1 =	vcombine.low v1, v58;
	v30 =	vld.idx.msk [tilespmem:v31+s20+$0x0], $0xffff;
	[tilespmem:v6+s21+$0x0] =	vst.idx.msk $0xffff, v5;
	v5 =	vsel vm0, v54, v39  }
0x2bb: {  	v34 =	vld.idx.msk [tilespmem:v51+s20+$0x0], $0xffff;
	v58 =	vor.u32 s28, v17;
	v50 =	vor.u32 s26, v17;
	v17 =	vsel vm0, v37, v55;
	[tilespmem:$0x1F4A0] =	vst v5  }
0x2bc: {  	[tilespmem:$0x1F4B0] =	vst v17  }
0x2bd: {  	v52 =	vor.u32 s23, v36;
	[tilespmem:v28+s21+$0x0] =	vst.idx.msk $0xffff, v7  }
0x2be: {  	v21 =	vld [tilespmem:$0x1FE90];
	_ =	sdelay $0x1  }
0x2bf: {  	v1 =	vand.u32 $0xF, v1  }
0x2c0: {  	v31 =	vor.u32 v1, v2  }
0x2c1: {  	v63 =	vor.u32 v1, v4;
	v6 =	vld.idx.msk [tilespmem:v52+s20+$0x0], $0xffff  }
0x2c2: {  	v5 =	vcombine.low v17, v5;
	v17 =	vld [tilespmem:$0x1F940];
	v7 =	vor.u32 v21, v42;
	_ =	sdelay $0x2  }
0x2c3: {  	v29 =	vor.u32 s22, v36;
	[tilespmem:v31+s21+$0x0] =	vst.idx.msk $0xffff, v30  }
0x2c4: {  	[tilespmem:v63+s21+$0x0] =	vst.idx.msk $0xffff, v34  }
0x2c5: {  	v51 =	vor.u32 s23, v17;
	v30 =	vor.u32 s22, v17;
	v17 =	vld [tilespmem:$0x1FE50];
	[tilespmem:v7+s21+$0x0] =	vst.idx.msk $0xffff, v6  }
0x2c6: {  	v6 =	vld [tilespmem:$0x1F9D0];
	_ =	sdelay $0x1  }
0x2c7: {  	v28 =	vld.idx.msk [tilespmem:v29+s20+$0x0], $0xffff;
	v29 =	vor.u32 v21, v45;
	_ =	sdelay $0x1  }
0x2c8: {  	v31 =	vld.idx.msk [tilespmem:v58+s20+$0x0], $0xffff;
	v7 =	vsel vm0, v48, v46  }
0x2c9: {  	v35 =	vld.idx.msk [tilespmem:v50+s20+$0x0], $0xffff;
	[tilespmem:$0x1F4D0] =	vst v7;
	v6 =	vsel vm0, v41, v6  }
0x2ca: {  	v52 =	vor.u32 v5, v2;
	[tilespmem:$0x1F4E0] =	vst v6  }
0x2cb: {  	v55 =	vor.u32 v5, v4;
	[tilespmem:v29+s21+$0x0] =	vst.idx.msk $0xffff, v28  }
0x2cc: {  	v58 =	vcombine.low v7, v6;
	v6 =	vld [tilespmem:$0x1F980];
	_ =	sdelay $0x2  }
0x2cd: {  	[tilespmem:v52+s21+$0x0] =	vst.idx.msk $0xffff, v31  }
0x2ce: {  	v54 =	vor.u32 s28, v17;
	v32 =	vld.idx.msk [tilespmem:v51+s20+$0x0], $0xffff;
	v28 =	vor.u32 v38, v42;
	[tilespmem:v55+s21+$0x0] =	vst.idx.msk $0xffff, v35  }
0x2cf: {  	v48 =	vor.u32 s23, v6;
	v31 =	vor.u32 s22, v6;
	v6 =	vld [tilespmem:$0x1FF40];
	_ =	sdelay $0x3  }
0x2d0: {  	v33 =	vld.idx.msk [tilespmem:v54+s20+$0x0], $0xffff;
	[tilespmem:v28+s21+$0x0] =	vst.idx.msk $0xffff, v32  }
0x2d1: {  	v51 =	vor.u32 s28, v6;
	v54 =	vor.u32 s26, v6;
	v6 =	vld [tilespmem:$0x1FA00];
	_ =	sdelay $0x4  }
0x2d2: {  	v63 =	vor.u32 s26, v17;
	v17 =	vsel vm0, v6, v61;
	v6 =	vld [tilespmem:$0x1FA10];
	_ =	sdelay $0x1  }
0x2d3: {  	v29 =	vld.idx.msk [tilespmem:v30+s20+$0x0], $0xffff;
	v30 =	vor.u32 v38, v45;
	_ =	sdelay $0x2  }
0x2d4: {  	v36 =	vld.idx.msk [tilespmem:v63+s20+$0x0], $0xffff;
	[tilespmem:$0x1F4F0] =	vst v17;
	v6 =	vsel vm0, v62, v6  }
0x2d5: {  	[tilespmem:$0x1F500] =	vst v6  }
0x2d6: {  	v50 =	vor.u32 v58, v2;
	[tilespmem:v30+s21+$0x0] =	vst.idx.msk $0xffff, v29  }
0x2d7: {  	v7 =	vld [tilespmem:$0x1FBD0];
	_ =	sdelay $0x3  }
0x2d8: {  	v52 =	vor.u32 v58, v4;
	v30 =	vld.idx.msk [tilespmem:v31+s20+$0x0], $0xffff;
	[tilespmem:v50+s21+$0x0] =	vst.idx.msk $0xffff, v33  }
0x2d9: {  	v29 =	vor.u32 v7, v42;
	v31 =	vor.u32 v7, v45;
	v7 =	vld [tilespmem:$0x1FFF0];
	_ =	sdelay $0x2  }
0x2da: {  	v28 =	vld.idx.msk [tilespmem:v48+s20+$0x0], $0xffff  }
0x2db: {  	[tilespmem:v52+s21+$0x0] =	vst.idx.msk $0xffff, v36  }
0x2dc: {  	v55 =	vor.u32 s23, v7;
	v61 =	vor.u32 s22, v7;
	v7 =	vld [tilespmem:$0x1F7F0];
	_ =	sdelay $0x1  }
0x2dd: {  	v6 =	vcombine.low v17, v6  }
0x2de: {  	[tilespmem:v29+s21+$0x0] =	vst.idx.msk $0xffff, v28  }
0x2df: {  	v62 =	vor.u32 v6, v2;
	v33 =	vld.idx.msk [tilespmem:v51+s20+$0x0], $0xffff;
	[tilespmem:v31+s21+$0x0] =	vst.idx.msk $0xffff, v30  }
0x2e0: {  	v63 =	vor.u32 s28, v7;
	v28 =	vor.u32 s26, v7;
	v7 =	vld [tilespmem:$0x1FC30];
	_ =	sdelay $0x3  }
0x2e1: {  	v37 =	vld.idx.msk [tilespmem:v54+s20+$0x0], $0xffff;
	[tilespmem:v62+s21+$0x0] =	vst.idx.msk $0xffff, v33  }
0x2e2: {  	v41 =	vor.u32 v6, v4;
	v30 =	vor.u32 v7, v42;
	v46 =	vor.u32 v7, v45;
	v7 =	vld [tilespmem:$0x1F6F0]  }
0x2e3: {  	v25 =	vld [tilespmem:$0x1F6E0];
	_ =	sdelay $0x1  }
0x2e4: {  	v29 =	vld.idx.msk [tilespmem:v55+s20+$0x0], $0xffff  }
0x2e5: {  	v31 =	vld.idx.msk [tilespmem:v61+s20+$0x0], $0xffff  }
0x2e6: {  	v50 =	vld.idx.msk [tilespmem:v63+s20+$0x0], $0xffff;
	[tilespmem:v41+s21+$0x0] =	vst.idx.msk $0xffff, v37;
	v48 =	vor.u32 s23, v7  }
0x2e7: {  	v52 =	vor.u32 v25, v2;
	v51 =	vor.u32 s22, v7;
	v7 =	vld [tilespmem:$0x1F800];
	_ =	sdelay $0x1  }
0x2e8: {  	[tilespmem:v30+s21+$0x0] =	vst.idx.msk $0xffff, v29  }
0x2e9: {  	v61 =	vsel vm0, v3, v40;
	v28 =	vld.idx.msk [tilespmem:v28+s20+$0x0], $0xffff;
	v30 =	vsel vm0, v27, v18;
	[tilespmem:v46+s21+$0x0] =	vst.idx.msk $0xffff, v31  }
0x2ea: {  	v21 =	vcombine.low v30, v61;
	v30 =	vld.idx.msk [tilespmem:v48+s20+$0x0], $0xffff;
	[tilespmem:$0x1F340] =	vst v53  }
0x2eb: {  	v55 =	vor.u32 v25, v4;
	v54 =	vor.u32 s28, v7;
	[tilespmem:v52+s21+$0x0] =	vst.idx.msk $0xffff, v50  }
0x2ec: {  	v3 =	vld [tilespmem:$0x1F700]  }
0x2ed: {  	v31 =	vor.u32 v53, v42  }
0x2ee: {  	v62 =	vor.u32 v53, v45;
	v32 =	vld.idx.msk [tilespmem:v51+s20+$0x0], $0xffff;
	_ =	sdelay $0x1  }
0x2ef: {  	v29 =	vor.u32 s26, v7;
	v51 =	vor.u32 v21, v2;
	[tilespmem:v55+s21+$0x0] =	vst.idx.msk $0xffff, v28;
	v48 =	vld.idx.msk [tilespmem:v54+s20+$0x0], $0xffff  }
0x2f0: {  	v63 =	vor.u32 s23, v3;
	v50 =	vor.u32 s22, v3;
	v3 =	vld [tilespmem:$0x1F810]  }
0x2f1: {  	[tilespmem:v31+s21+$0x0] =	vst.idx.msk $0xffff, v30  }
0x2f2: {  	[tilespmem:v62+s21+$0x0] =	vst.idx.msk $0xffff, v32  }
0x2f3: {  	v53 =	vsel vm0, v22, v44;
	v44 =	vld [tilespmem:$0x1F120]  }
0x2f4: {  	v52 =	vor.u32 v21, v4;
	v29 =	vld.idx.msk [tilespmem:v29+s20+$0x0], $0xffff;
	[tilespmem:v51+s21+$0x0] =	vst.idx.msk $0xffff, v48  }
0x2f5: {  	v28 =	vor.u32 s28, v3;
	v31 =	vor.u32 s26, v3;
	v3 =	vld [tilespmem:$0x1FCB0];
	_ =	sdelay $0x1  }
0x2f6: {  	v30 =	vsel vm0, v43, v47  }
0x2f7: {  	v46 =	vcombine.low v30, v53;
	v30 =	vld.idx.msk [tilespmem:v63+s20+$0x0], $0xffff;
	v54 =	vor.u32 v44, v42  }
0x2f8: {  	[tilespmem:v52+s21+$0x0] =	vst.idx.msk $0xffff, v29  }
0x2f9: {  	v61 =	vor.u32 s23, v3;
	v62 =	vor.u32 s22, v3;
	v3 =	vld [tilespmem:$0x1F820];
	_ =	sdelay $0x2  }
0x2fa: {  	[tilespmem:v54+s21+$0x0] =	vst.idx.msk $0xffff, v30  }
0x2fb: {  	v7 =	vld [tilespmem:$0x1FA40]  }
0x2fc: {  	v29 =	vor.u32 s28, v3;
	v30 =	vor.u32 s26, v3;
	v3 =	vld [tilespmem:$0x1FD70];
	_ =	sdelay $0x3  }
0x2fd: {  	v33 =	vld.idx.msk [tilespmem:v50+s20+$0x0], $0xffff  }
0x2fe: {  	v55 =	vor.u32 v44, v45;
	v47 =	vsel vm0, v7, v3;
	v3 =	vld [tilespmem:$0x1FD60]  }
0x2ff: {  	v7 =	vld [tilespmem:$0x1FD80];
	_ =	sdelay $0x3  }
0x300: {  	v28 =	vld.idx.msk [tilespmem:v28+s20+$0x0], $0xffff;
	[tilespmem:v55+s21+$0x0] =	vst.idx.msk $0xffff, v33  }
0x301: {  	v63 =	vor.u32 v46, v2;
	v48 =	vsel vm0, v3, v7;
	v3 =	vld [tilespmem:$0x1F3A0]  }
0x302: {  	v43 =	vor.u32 v46, v4;
	v31 =	vld.idx.msk [tilespmem:v31+s20+$0x0], $0xffff;
	_ =	sdelay $0x3  }
0x303: {  	v50 =	vld.idx.msk [tilespmem:v61+s20+$0x0], $0xffff;
	[tilespmem:v63+s21+$0x0] =	vst.idx.msk $0xffff, v28;
	v51 =	vor.u32 v3, v42  }
0x304: {  	v53 =	vcombine.low v48, v47;
	v47 =	vld [tilespmem:$0x1F750];
	[tilespmem:v43+s21+$0x0] =	vst.idx.msk $0xffff, v31  }
0x305: {  	v52 =	vor.u32 v3, v45;
	v3 =	vld [tilespmem:$0x1F830]  }
0x306: {  	v28 =	vld.idx.msk [tilespmem:v62+s20+$0x0], $0xffff  }
0x307: {  	v29 =	vld.idx.msk [tilespmem:v29+s20+$0x0], $0xffff  }
0x308: {  	v30 =	vld.idx.msk [tilespmem:v30+s20+$0x0], $0xffff;
	[tilespmem:v51+s21+$0x0] =	vst.idx.msk $0xffff, v50  }
0x309: {  	v7 =	vld [tilespmem:$0x1F6A0]  }
0x30a: {  	v31 =	vor.u32 s28, v3;
	v63 =	vor.u32 s26, v3;
	v3 =	vld [tilespmem:$0x1F6B0];
	_ =	sdelay $0x3  }
0x30b: {  	v61 =	vor.u32 v53, v2;
	[tilespmem:v52+s21+$0x0] =	vst.idx.msk $0xffff, v28  }
0x30c: {  	v40 =	vcombine.low v7, v3;
	v3 =	vld [tilespmem:$0x1F3E0];
	_ =	sdelay $0x2  }
0x30d: {  	v54 =	vor.u32 s23, v47  }
0x30e: {  	v62 =	vor.u32 v53, v4;
	v55 =	vor.u32 s22, v47;
	[tilespmem:v61+s21+$0x0] =	vst.idx.msk $0xffff, v29  }
0x30f: {  	v41 =	vor.u32 v3, v42;
	v43 =	vor.u32 v3, v45;
	v3 =	vld [tilespmem:$0x1F760];
	_ =	sdelay $0x2  }
0x310: {  	v28 =	vld.idx.msk [tilespmem:v54+s20+$0x0], $0xffff  }
0x311: {  	v29 =	vld.idx.msk [tilespmem:v55+s20+$0x0], $0xffff;
	[tilespmem:v62+s21+$0x0] =	vst.idx.msk $0xffff, v30  }
0x312: {  	v48 =	vor.u32 s23, v3;
	v50 =	vor.u32 s22, v3;
	v3 =	vld [tilespmem:$0x1FF30];
	_ =	sdelay $0x2  }
0x313: {  	v7 =	vand.u32 $0xF, v40;
	[tilespmem:v41+s21+$0x0] =	vst.idx.msk $0xffff, v28  }
0x314: {  	v31 =	vld.idx.msk [tilespmem:v31+s20+$0x0], $0xffff;
	v51 =	vor.u32 v7, v2;
	[tilespmem:v43+s21+$0x0] =	vst.idx.msk $0xffff, v29  }
0x315: {  	v30 =	vor.u32 s28, v3;
	v28 =	vor.u32 s26, v3;
	v3 =	vld [tilespmem:$0x1F420]  }
0x316: {  	v32 =	vld.idx.msk [tilespmem:v63+s20+$0x0], $0xffff  }
0x317: {  	v18 =	vld [tilespmem:$0x1FDF0]  }
0x318: {  	v17 =	vld [tilespmem:$0x1FE00]  }
0x319: {  	v52 =	vor.u32 v7, v4;
	v29 =	vld.idx.msk [tilespmem:v48+s20+$0x0], $0xffff;
	[tilespmem:v51+s21+$0x0] =	vst.idx.msk $0xffff, v31  }
0x31a: {  	v54 =	vor.u32 v3, v42;
	v55 =	vor.u32 v3, v45;
	v3 =	vld [tilespmem:$0x1FF70]  }
0x31b: {  	v31 =	vld.idx.msk [tilespmem:v50+s20+$0x0], $0xffff;
	_ =	sdelay $0x2  }
0x31c: {  	[tilespmem:v52+s21+$0x0] =	vst.idx.msk $0xffff, v32  }
0x31d: {  	v61 =	vor.u32 s23, v3;
	v63 =	vor.u32 s22, v3;
	v3 =	vld [tilespmem:$0x1FEF0];
	[tilespmem:v54+s21+$0x0] =	vst.idx.msk $0xffff, v29  }
0x31e: {  	v62 =	vcombine.low v18, v17;
	[tilespmem:v55+s21+$0x0] =	vst.idx.msk $0xffff, v31  }
0x31f: {  	v18 =	vld [tilespmem:$0x1F460]  }
0x320: {  	v40 =	vor.u32 v62, v2;
	v30 =	vld.idx.msk [tilespmem:v30+s20+$0x0], $0xffff  }
0x321: {  	v17 =	vld [tilespmem:$0x1FB00]  }
0x322: {  	v41 =	vor.u32 s28, v3;
	v29 =	vor.u32 s26, v3;
	v3 =	vld [tilespmem:$0x1FAF0]  }
0x323: {  	v43 =	vor.u32 v62, v4;
	v28 =	vld.idx.msk [tilespmem:v28+s20+$0x0], $0xffff  }
0x324: {  	v31 =	vld.idx.msk [tilespmem:v61+s20+$0x0], $0xffff;
	v52 =	vor.u32 v18, v42  }
0x325: {  	[tilespmem:v40+s21+$0x0] =	vst.idx.msk $0xffff, v30;
	v30 =	vld.idx.msk [tilespmem:v63+s20+$0x0], $0xffff;
	v54 =	vor.u32 v18, v45;
	_ =	sdelay $0x1  }
0x326: {  	v48 =	vcombine.low v3, v17;
	v3 =	vld [tilespmem:$0x1F770]  }
0x327: {  	[tilespmem:v43+s21+$0x0] =	vst.idx.msk $0xffff, v28  }
0x328: {  	v63 =	vld [tilespmem:$0x1FF00];
	[tilespmem:v52+s21+$0x0] =	vst.idx.msk $0xffff, v31  }
0x329: {  	[tilespmem:v54+s21+$0x0] =	vst.idx.msk $0xffff, v30  }
0x32a: {  	v17 =	vld [tilespmem:$0x1FE10]  }
0x32b: {  	v55 =	vor.u32 s23, v3;
	v40 =	vor.u32 s22, v3;
	v3 =	vld [tilespmem:$0x1FB60];
	_ =	sdelay $0x4  }
0x32c: {  	v50 =	vcombine.low v17, v3;
	v3 =	vld [tilespmem:$0x1F490];
	_ =	sdelay $0x1  }
0x32d: {  	v32 =	vld.idx.msk [tilespmem:v41+s20+$0x0], $0xffff;
	v41 =	vor.u32 v48, v2;
	_ =	sdelay $0x1  }
0x32e: {  	v29 =	vld.idx.msk [tilespmem:v29+s20+$0x0], $0xffff;
	v43 =	vor.u32 v48, v4;
	v28 =	vor.u32 s28, v63  }
0x32f: {  	v30 =	vld.idx.msk [tilespmem:v55+s20+$0x0], $0xffff;
	v33 =	vor.u32 v3, v42;
	_ =	sdelay $0x1  }
0x330: {  	[tilespmem:v41+s21+$0x0] =	vst.idx.msk $0xffff, v32;
	v52 =	vld.idx.msk [tilespmem:v40+s20+$0x0], $0xffff  }
0x331: {  	v61 =	vld [tilespmem:$0x1F780];
	v54 =	vor.u32 v3, v45  }
0x332: {  	v28 =	vld.idx.msk [tilespmem:v28+s20+$0x0], $0xffff;
	[tilespmem:v43+s21+$0x0] =	vst.idx.msk $0xffff, v29  }
0x333: {  	v43 =	vld [tilespmem:$0x1F850];
	[tilespmem:v33+s21+$0x0] =	vst.idx.msk $0xffff, v30  }
0x334: {  	v31 =	vor.u32 s26, v63;
	v51 =	vor.u32 v50, v2;
	v3 =	vld [tilespmem:$0x1F6C0]  }
0x335: {  	v17 =	vld [tilespmem:$0x1F6D0]  }
0x336: {  	[tilespmem:v54+s21+$0x0] =	vst.idx.msk $0xffff, v52  }
0x337: {  	v55 =	vor.u32 s23, v61;
	v54 =	vld [tilespmem:$0x1F130]  }
0x338: {  	v36 =	vor.u32 s22, v61  }
0x339: {  	v31 =	vld.idx.msk [tilespmem:v31+s20+$0x0], $0xffff;
	v38 =	vor.u32 v50, v4;
	[tilespmem:v51+s21+$0x0] =	vst.idx.msk $0xffff, v28  }
0x33a: {  	v40 =	vcombine.low v3, v17;
	v3 =	vld [tilespmem:$0x1F790];
	_ =	sdelay $0x1  }
0x33b: {  	v32 =	vld.idx.msk [tilespmem:v55+s20+$0x0], $0xffff;
	v41 =	vor.u32 v54, v42  }
0x33c: {  	v28 =	vld.idx.msk [tilespmem:v36+s20+$0x0], $0xffff;
	v33 =	vor.u32 v54, v45  }
0x33d: {  	[tilespmem:v38+s21+$0x0] =	vst.idx.msk $0xffff, v31  }
0x33e: {  	v51 =	vor.u32 s23, v3;
	v55 =	vor.u32 s22, v3;
	v3 =	vld [tilespmem:$0x1F860];
	_ =	sdelay $0x1  }
0x33f: {  	[tilespmem:v41+s21+$0x0] =	vst.idx.msk $0xffff, v32  }
0x340: {  	[tilespmem:v33+s21+$0x0] =	vst.idx.msk $0xffff, v28  }
0x341: {  	v29 =	vor.u32 s28, v43;
	v17 =	vld [tilespmem:$0x1FBC0]  }
0x342: {  	v31 =	vor.u32 s28, v3;
	v41 =	vor.u32 s26, v3;
	v3 =	vld [tilespmem:$0x1FBB0];
	_ =	sdelay $0x1  }
0x343: {  	v30 =	vor.u32 s26, v43  }
0x344: {  	v52 =	vand.u32 $0xF, v40  }
0x345: {  	v29 =	vld.idx.msk [tilespmem:v29+s20+$0x0], $0xffff;
	v40 =	vor.u32 v52, v2  }
0x346: {  	v17 =	vcombine.low v3, v17;
	v3 =	vld [tilespmem:$0x1F5B0];
	_ =	sdelay $0x1  }
0x347: {  	v30 =	vld.idx.msk [tilespmem:v30+s20+$0x0], $0xffff  }
0x348: {  	v28 =	vld.idx.msk [tilespmem:v51+s20+$0x0], $0xffff;
	[tilespmem:$0x1F610] =	vst v17  }
0x349: {  	v38 =	vor.u32 v52, v4;
	[tilespmem:v40+s21+$0x0] =	vst.idx.msk $0xffff, v29  }
0x34a: {  	v33 =	vor.u32 v3, v42;
	v34 =	vor.u32 v3, v45;
	v3 =	vld [tilespmem:$0x1FF90];
	_ =	sdelay $0x2  }
0x34b: {  	v29 =	vld.idx.msk [tilespmem:v55+s20+$0x0], $0xffff  }
0x34c: {  	[tilespmem:v38+s21+$0x0] =	vst.idx.msk $0xffff, v30  }
0x34d: {  	v51 =	vor.u32 s23, v3;
	v55 =	vor.u32 s22, v3;
	v3 =	vld [tilespmem:$0x1F870];
	_ =	sdelay $0x1  }
0x34e: {  	[tilespmem:v33+s21+$0x0] =	vst.idx.msk $0xffff, v28  }
0x34f: {  	v32 =	vld.idx.msk [tilespmem:v41+s20+$0x0], $0xffff;
	[tilespmem:v34+s21+$0x0] =	vst.idx.msk $0xffff, v29  }
0x350: {  	v40 =	vor.u32 v17, v2;
	v41 =	vor.u32 v17, v4;
	v17 =	vld [tilespmem:$0x1FE20]  }
0x351: {  	v30 =	vor.u32 s28, v3;
	v28 =	vor.u32 s26, v3;
	v3 =	vld [tilespmem:$0x1FC20];
	_ =	sdelay $0x4  }
0x352: {  	v17 =	vcombine.low v17, v3;
	v3 =	vld [tilespmem:$0x1F650]  }
0x353: {  	v31 =	vld.idx.msk [tilespmem:v31+s20+$0x0], $0xffff;
	_ =	sdelay $0x3  }
0x354: {  	v29 =	vld.idx.msk [tilespmem:v51+s20+$0x0], $0xffff;
	[tilespmem:$0x1F660] =	vst v17;
	v33 =	vor.u32 v3, v42  }
0x355: {  	[tilespmem:v40+s21+$0x0] =	vst.idx.msk $0xffff, v31;
	v31 =	vld.idx.msk [tilespmem:v55+s20+$0x0], $0xffff;
	v34 =	vor.u32 v3, v45  }
0x356: {  	v36 =	vor.u32 v17, v2;
	v30 =	vld.idx.msk [tilespmem:v30+s20+$0x0], $0xffff  }
0x357: {  	v3 =	vld [tilespmem:$0x1FF50]  }
0x358: {  	[tilespmem:v41+s21+$0x0] =	vst.idx.msk $0xffff, v32  }
0x359: {  	[tilespmem:v33+s21+$0x0] =	vst.idx.msk $0xffff, v29  }
0x35a: {  	[tilespmem:v34+s21+$0x0] =	vst.idx.msk $0xffff, v31  }
0x35b: {  	v40 =	vor.u32 v17, v4;
	v17 =	vld [tilespmem:$0x1FE40];
	[tilespmem:v36+s21+$0x0] =	vst.idx.msk $0xffff, v30  }
0x35c: {  	v41 =	vor.u32 s28, v12;
	v51 =	vor.u32 s23, v3;
	v29 =	vor.u32 s26, v12;
	v12 =	vld [tilespmem:$0x1FE30]  }
0x35d: {  	v55 =	vor.u32 s22, v3;
	v3 =	vld [tilespmem:$0x1FC80];
	_ =	sdelay $0x1  }
0x35e: {  	v28 =	vld.idx.msk [tilespmem:v28+s20+$0x0], $0xffff;
	_ =	sdelay $0x1  }
0x35f: {  	v35 =	vor.u32 v15, v42;
	v31 =	vld.idx.msk [tilespmem:v51+s20+$0x0], $0xffff  }
0x360: {  	v3 =	vcombine.low v12, v3;
	v12 =	vld [tilespmem:$0x1F7A0]  }
0x361: {  	s24 =	simm.s32 $0x40;
	v32 =	vld.idx.msk [tilespmem:v55+s20+$0x0], $0xffff;
	[tilespmem:$0x1F140] =	vst v15  }
0x362: {  	v51 =	vmov s24;
	[tilespmem:v40+s21+$0x0] =	vst.idx.msk $0xffff, v28;
	v28 =	vld.idx.msk [tilespmem:v41+s20+$0x0], $0xffff  }
0x363: {  	s25 =	simm.s32 $0x50;
	v34 =	vor.u32 s24, v17;
	v30 =	vshll.u32 v51, $0x7;
	v29 =	vld.idx.msk [tilespmem:v29+s20+$0x0], $0xffff;
	[tilespmem:$0x1F150] =	vst v3  }
0x364: {  	v33 =	vor.u32 s25, v17;
	v51 =	vor.u32 v57, v30;
	v30 =	vor.u32 v15, v45;
	v15 =	vld [tilespmem:$0x1F880];
	[tilespmem:v35+s21+$0x0] =	vst.idx.msk $0xffff, v31  }
0x365: {  	v39 =	vor.u32 v3, v2;
	v41 =	vor.u32 v3, v4;
	v3 =	vld [tilespmem:$0x1F710];
	v36 =	vor.u32 s23, v12  }
0x366: {  	v55 =	vmov s25;
	v37 =	vor.u32 s22, v12  }
0x367: {  	v38 =	vshll.u32 v55, $0x7  }
0x368: {  	v17 =	vlaneseq.u32;
	v55 =	vor.u32 v57, v38;
	v31 =	vld.idx.msk [tilespmem:v34+s20+$0x0], $0xffff  }
0x369: {  	v34 =	vor.u32 v17, v51;
	v33 =	vld.idx.msk [tilespmem:v33+s20+$0x0], $0xffff;
	[tilespmem:v30+s21+$0x0] =	vst.idx.msk $0xffff, v32;
	v40 =	vor.u32 s28, v15  }
0x36a: {  	v38 =	vor.u32 v17, v55;
	[tilespmem:v39+s21+$0x0] =	vst.idx.msk $0xffff, v28;
	v3 =	vcombine.low v3, v24;
	v30 =	vld.idx.msk [tilespmem:v36+s20+$0x0], $0xffff  }
0x36b: {  	v35 =	vor.u32 s26, v15;
	v28 =	vld.idx.msk [tilespmem:v37+s20+$0x0], $0xffff;
	[tilespmem:$0x1F170] =	vst v13  }
0x36c: {  	v57 =	vor.u32 v13, v42;
	[tilespmem:$0x1F160] =	vst v3  }
0x36d: {  	v39 =	vor.u32 v13, v45;
	v3 =	vand.u32 $0xF, v3;
	[tilespmem:v41+s21+$0x0] =	vst.idx.msk $0xffff, v29  }
0x36e: {  	v32 =	vor.u32 s24, v59;
	v29 =	vld.idx.msk [tilespmem:v40+s20+$0x0], $0xffff;
	v40 =	vor.u32 v3, v2;
	[tilespmem:v34+s21+$0x0] =	vst.idx.msk $0xffff, v31  }
0x36f: {  	[tilespmem:v38+s21+$0x0] =	vst.idx.msk $0xffff, v33  }
0x370: {  	v33 =	vld.idx.msk [tilespmem:v35+s20+$0x0], $0xffff;
	[tilespmem:$0x1F180] =	vst v3  }
0x371: {  	v37 =	vor.u32 s25, v59;
	[tilespmem:v57+s21+$0x0] =	vst.idx.msk $0xffff, v30  }
0x372: {  	v41 =	vor.u32 s23, v23;
	[tilespmem:v39+s21+$0x0] =	vst.idx.msk $0xffff, v28  }
0x373: {  	v31 =	vor.u32 s22, v23;
	v30 =	vld.idx.msk [tilespmem:v32+s20+$0x0], $0xffff;
	[tilespmem:v40+s21+$0x0] =	vst.idx.msk $0xffff, v29  }
0x374: {  	v34 =	vor.u32 v3, v4;
	v3 =	vld [tilespmem:$0x1F190]  }
0x375: {  	v13 =	vld [tilespmem:$0x1F1A0]  }
0x376: {  	v28 =	vld.idx.msk [tilespmem:v37+s20+$0x0], $0xffff  }
0x377: {  	v29 =	vld.idx.msk [tilespmem:v41+s20+$0x0], $0xffff  }
0x378: {  	v59 =	vor.u32 v60, v51;
	v36 =	vor.u32 s26, v26;
	v57 =	vor.u32 s28, v26;
	v26 =	vld.idx.msk [tilespmem:v31+s20+$0x0], $0xffff;
	[tilespmem:$0x1F1B0] =	vst v11  }
0x379: {  	v37 =	vor.u32 v60, v55;
	[tilespmem:v34+s21+$0x0] =	vst.idx.msk $0xffff, v33  }
0x37a: {  	v40 =	vcombine.low v3, v13;
	v3 =	vld [tilespmem:$0x1FE70]  }
0x37b: {  	v60 =	vor.u32 v11, v42  }
0x37c: {  	v31 =	vor.u32 v11, v45  }
0x37d: {  	[tilespmem:v59+s21+$0x0] =	vst.idx.msk $0xffff, v30  }
0x37e: {  	[tilespmem:v37+s21+$0x0] =	vst.idx.msk $0xffff, v28  }
0x37f: {  	v33 =	vor.u32 s23, v3;
	v59 =	vor.u32 s22, v3;
	v3 =	vld [tilespmem:$0x1FFA0]  }
0x380: {  	v30 =	vld.idx.msk [tilespmem:v57+s20+$0x0], $0xffff;
	[tilespmem:v60+s21+$0x0] =	vst.idx.msk $0xffff, v29  }
0x381: {  	v28 =	vld.idx.msk [tilespmem:v36+s20+$0x0], $0xffff;
	[tilespmem:v31+s21+$0x0] =	vst.idx.msk $0xffff, v26  }
0x382: {  	v38 =	vor.u32 s24, v20;
	v13 =	vld [tilespmem:$0x1FF10]  }
0x383: {  	v27 =	vor.u32 s25, v20;
	v57 =	vor.u32 v40, v2;
	v11 =	vld [tilespmem:$0x1F1D0]  }
0x384: {  	v36 =	vor.u32 s28, v3;
	v37 =	vor.u32 s26, v3;
	v3 =	vld [tilespmem:$0x1F1C0];
	_ =	sdelay $0x2  }
0x385: {  	v35 =	vor.u32 v40, v4;
	v29 =	vld.idx.msk [tilespmem:v38+s20+$0x0], $0xffff  }
0x386: {  	v60 =	vor.u32 v49, v51;
	v26 =	vld.idx.msk [tilespmem:v27+s20+$0x0], $0xffff;
	[tilespmem:v57+s21+$0x0] =	vst.idx.msk $0xffff, v30  }
0x387: {  	v27 =	vor.u32 v49, v55;
	v31 =	vor.u32 s24, v13;
	v41 =	vcombine.low v3, v11;
	v3 =	vld [tilespmem:$0x1FE80]  }
0x388: {  	v24 =	vld.idx.msk [tilespmem:v33+s20+$0x0], $0xffff;
	v33 =	vor.u32 v9, v42  }
0x389: {  	v12 =	vmov v25;
	v30 =	vld.idx.msk [tilespmem:v59+s20+$0x0], $0xffff;
	v57 =	vor.u32 v9, v45;
	v25 =	vor.u32 s25, v13;
	[tilespmem:$0x1F1E0] =	vst v9  }
0x38a: {  	[tilespmem:v35+s21+$0x0] =	vst.idx.msk $0xffff, v28;
	v28 =	vld.idx.msk [tilespmem:v36+s20+$0x0], $0xffff;
	v35 =	vor.u32 v41, v2  }
0x38b: {  	[tilespmem:v60+s21+$0x0] =	vst.idx.msk $0xffff, v29;
	v29 =	vld.idx.msk [tilespmem:v37+s20+$0x0], $0xffff  }
0x38c: {  	[tilespmem:v27+s21+$0x0] =	vst.idx.msk $0xffff, v26;
	v26 =	vld.idx.msk [tilespmem:v31+s20+$0x0], $0xffff;
	v59 =	vor.u32 s23, v3  }
0x38d: {  	v60 =	vor.u32 v41, v4;
	v49 =	vor.u32 s22, v3;
	v3 =	vld [tilespmem:$0x1F8A0];
	[tilespmem:v33+s21+$0x0] =	vst.idx.msk $0xffff, v24  }
0x38e: {  	v24 =	vld.idx.msk [tilespmem:v25+s20+$0x0], $0xffff;
	[tilespmem:v57+s21+$0x0] =	vst.idx.msk $0xffff, v30  }
0x38f: {  	v31 =	vor.u32 v56, v51;
	v11 =	vld [tilespmem:$0x1F840];
	[tilespmem:v35+s21+$0x0] =	vst.idx.msk $0xffff, v28  }
0x390: {  	v56 =	vor.u32 v56, v55;
	v9 =	vld [tilespmem:$0x1F200]  }
0x391: {  	v30 =	vld.idx.msk [tilespmem:v59+s20+$0x0], $0xffff;
	v59 =	vor.u32 v14, v42  }
0x392: {  	v27 =	vor.u32 s28, v3;
	v25 =	vor.u32 s26, v3;
	v3 =	vld [tilespmem:$0x1F1F0];
	[tilespmem:v60+s21+$0x0] =	vst.idx.msk $0xffff, v29  }
0x393: {  	v23 =	vld.idx.msk [tilespmem:v49+s20+$0x0], $0xffff;
	[tilespmem:$0x1F210] =	vst v14  }
0x394: {  	[tilespmem:v31+s21+$0x0] =	vst.idx.msk $0xffff, v26  }
0x395: {  	v57 =	vor.u32 s24, v11;
	[tilespmem:v56+s21+$0x0] =	vst.idx.msk $0xffff, v24  }
0x396: {  	v29 =	vor.u32 s23, v10;
	v31 =	vor.u32 s22, v10;
	v10 =	vld [tilespmem:$0x1F8B0];
	[tilespmem:v59+s21+$0x0] =	vst.idx.msk $0xffff, v30  }
0x397: {  	v38 =	vcombine.low v3, v9;
	v9 =	vld [tilespmem:$0x1FCA0];
	_ =	sdelay $0x1  }
0x398: {  	v26 =	vld.idx.msk [tilespmem:v27+s20+$0x0], $0xffff  }
0x399: {  	v3 =	vor.u32 s25, v11;
	v30 =	vld.idx.msk [tilespmem:v57+s20+$0x0], $0xffff  }
0x39a: {  	v28 =	vor.u32 v14, v45;
	v60 =	vor.u32 s28, v10;
	v56 =	vor.u32 s26, v10;
	v10 =	vld [tilespmem:$0x1FCD0]  }
0x39b: {  	v27 =	vor.u32 v38, v2;
	v49 =	vor.u32 v9, v51;
	v57 =	vor.u32 v9, v55;
	v9 =	vld [tilespmem:$0x1FCC0];
	_ =	sdelay $0x1  }
0x39c: {  	v24 =	vld.idx.msk [tilespmem:v25+s20+$0x0], $0xffff;
	v25 =	vor.u32 v38, v4  }
0x39d: {  	v3 =	vld.idx.msk [tilespmem:v3+s20+$0x0], $0xffff  }
0x39e: {  	[tilespmem:v28+s21+$0x0] =	vst.idx.msk $0xffff, v23;
	v23 =	vld.idx.msk [tilespmem:v29+s20+$0x0], $0xffff  }
0x39f: {  	v59 =	vcombine.low v9, v10;
	v10 =	vld [tilespmem:$0x1FC90];
	[tilespmem:v27+s21+$0x0] =	vst.idx.msk $0xffff, v26  }
0x3a0: {  	v29 =	vor.u32 v19, v42;
	v26 =	vld.idx.msk [tilespmem:v31+s20+$0x0], $0xffff;
	[tilespmem:$0x1F220] =	vst v19  }
0x3a1: {  	[tilespmem:v25+s21+$0x0] =	vst.idx.msk $0xffff, v24  }
0x3a2: {  	[tilespmem:v49+s21+$0x0] =	vst.idx.msk $0xffff, v30  }
0x3a3: {  	v31 =	vor.u32 v19, v45;
	v9 =	vand.u32 $0xF, v59;
	v24 =	vld.idx.msk [tilespmem:v60+s20+$0x0], $0xffff;
	[tilespmem:v57+s21+$0x0] =	vst.idx.msk $0xffff, v3  }
0x3a4: {  	v30 =	vor.u32 s22, v16;
	v60 =	vor.u32 v9, v2;
	v3 =	vld.idx.msk [tilespmem:v56+s20+$0x0], $0xffff;
	[tilespmem:$0x1F230] =	vst v9  }
0x3a5: {  	[tilespmem:v29+s21+$0x0] =	vst.idx.msk $0xffff, v23  }
0x3a6: {  	v36 =	vor.u32 v9, v4;
	v28 =	vor.u32 s24, v10;
	v9 =	vld [tilespmem:$0x1FF20]  }
0x3a7: {  	v27 =	vor.u32 s25, v10  }
0x3a8: {  	v25 =	vor.u32 s23, v16;
	v10 =	vld [tilespmem:$0x1FFB0];
	[tilespmem:v31+s21+$0x0] =	vst.idx.msk $0xffff, v26  }
0x3a9: {  	v22 =	vld.idx.msk [tilespmem:v30+s20+$0x0], $0xffff;
	[tilespmem:v60+s21+$0x0] =	vst.idx.msk $0xffff, v24  }
0x3aa: {  	v11 =	vld [tilespmem:$0x1F8F0]  }
0x3ab: {  	v23 =	vld.idx.msk [tilespmem:v28+s20+$0x0], $0xffff;
	v29 =	vor.u32 v9, v51  }
0x3ac: {  	v26 =	vld.idx.msk [tilespmem:v27+s20+$0x0], $0xffff;
	v31 =	vor.u32 v9, v55  }
0x3ad: {  	v24 =	vld.idx.msk [tilespmem:v25+s20+$0x0], $0xffff  }
0x3ae: {  	v9 =	vld [tilespmem:$0x1F240];
	[tilespmem:$0x1F260] =	vst v8  }
0x3af: {  	v28 =	vor.u32 s28, v10;
	v27 =	vor.u32 s26, v10;
	v10 =	vld [tilespmem:$0x1F250];
	[tilespmem:v36+s21+$0x0] =	vst.idx.msk $0xffff, v3  }
0x3b0: {  	[tilespmem:v29+s21+$0x0] =	vst.idx.msk $0xffff, v23  }
0x3b1: {  	v37 =	vor.u32 v8, v42;
	v25 =	vor.u32 s24, v11;
	[tilespmem:v31+s21+$0x0] =	vst.idx.msk $0xffff, v26  }
0x3b2: {  	v3 =	vor.u32 s23, v0;
	v29 =	vor.u32 s22, v0;
	v0 =	vld [tilespmem:$0x1FFC0];
	_ =	sdelay $0x2  }
0x3b3: {  	v39 =	vor.u32 v8, v45;
	v30 =	vor.u32 s25, v11  }
0x3b4: {  	[tilespmem:v37+s21+$0x0] =	vst.idx.msk $0xffff, v24;
	v24 =	vld.idx.msk [tilespmem:v25+s20+$0x0], $0xffff  }
0x3b5: {  	v31 =	vor.u32 s28, v0;
	v25 =	vor.u32 s26, v0;
	v0 =	vld [tilespmem:$0x1FB10];
	_ =	sdelay $0x1  }
0x3b6: {  	v35 =	vcombine.low v9, v10;
	v23 =	vld.idx.msk [tilespmem:v28+s20+$0x0], $0xffff  }
0x3b7: {  	[tilespmem:v39+s21+$0x0] =	vst.idx.msk $0xffff, v22;
	v22 =	vld.idx.msk [tilespmem:v30+s20+$0x0], $0xffff  }
0x3b8: {  	v28 =	vor.u32 v35, v2;
	v8 =	vld [tilespmem:$0x1F280]  }
0x3b9: {  	v49 =	vor.u32 v0, v51;
	v30 =	vor.u32 v0, v55;
	v0 =	vld [tilespmem:$0x1F270]  }
0x3ba: {  	v26 =	vld.idx.msk [tilespmem:v27+s20+$0x0], $0xffff;
	v27 =	vor.u32 v35, v4  }
0x3bb: {  	v9 =	vld [tilespmem:$0x1F910]  }
0x3bc: {  	v3 =	vld.idx.msk [tilespmem:v3+s20+$0x0], $0xffff  }
0x3bd: {  	[tilespmem:v28+s21+$0x0] =	vst.idx.msk $0xffff, v23;
	v23 =	vld.idx.msk [tilespmem:v29+s20+$0x0], $0xffff  }
0x3be: {  	[tilespmem:$0x1F290] =	vst v1;
	v34 =	vcombine.low v0, v8;
	v0 =	vld [tilespmem:$0x1FE60]  }
0x3bf: {  	v20 =	vor.u32 v1, v42;
	[tilespmem:v27+s21+$0x0] =	vst.idx.msk $0xffff, v26  }
0x3c0: {  	v28 =	vor.u32 v1, v45;
	v19 =	vor.u32 s25, v9;
	[tilespmem:v49+s21+$0x0] =	vst.idx.msk $0xffff, v24  }
0x3c1: {  	v26 =	vld.idx.msk [tilespmem:v31+s20+$0x0], $0xffff;
	[tilespmem:v30+s21+$0x0] =	vst.idx.msk $0xffff, v22;
	v27 =	vor.u32 v34, v2  }
0x3c2: {  	v1 =	vld [tilespmem:$0x1FE90]  }
0x3c3: {  	v29 =	vor.u32 s23, v0;
	v31 =	vor.u32 s22, v0;
	v0 =	vld [tilespmem:$0x1FEB0]  }
0x3c4: {  	v24 =	vld.idx.msk [tilespmem:v25+s20+$0x0], $0xffff;
	[tilespmem:v20+s21+$0x0] =	vst.idx.msk $0xffff, v3  }
0x3c5: {  	v3 =	vld.idx.msk [tilespmem:v19+s20+$0x0], $0xffff;
	[tilespmem:v28+s21+$0x0] =	vst.idx.msk $0xffff, v23  }
0x3c6: {  	v56 =	vor.u32 s24, v9;
	v8 =	vld [tilespmem:$0x1F940];
	[tilespmem:v27+s21+$0x0] =	vst.idx.msk $0xffff, v26  }
0x3c7: {  	v25 =	vor.u32 v34, v4;
	v57 =	vor.u32 v1, v51;
	v20 =	vor.u32 v1, v55;
	v1 =	vld [tilespmem:$0x1F2B0]  }
0x3c8: {  	v30 =	vor.u32 s28, v0;
	v19 =	vor.u32 s26, v0;
	v0 =	vld [tilespmem:$0x1F2A0];
	_ =	sdelay $0x2  }
0x3c9: {  	v22 =	vld.idx.msk [tilespmem:v56+s20+$0x0], $0xffff  }
0x3ca: {  	v23 =	vld.idx.msk [tilespmem:v29+s20+$0x0], $0xffff;
	[tilespmem:v25+s21+$0x0] =	vst.idx.msk $0xffff, v24  }
0x3cb: {  	v29 =	vor.u32 v5, v42;
	v33 =	vcombine.low v0, v1;
	v0 =	vld [tilespmem:$0x1FE50];
	_ =	sdelay $0x1  }
0x3cc: {  	v18 =	vld.idx.msk [tilespmem:v31+s20+$0x0], $0xffff;
	[tilespmem:$0x1F2C0] =	vst v5  }
0x3cd: {  	[tilespmem:v57+s21+$0x0] =	vst.idx.msk $0xffff, v22  }
0x3ce: {  	[tilespmem:v20+s21+$0x0] =	vst.idx.msk $0xffff, v3  }
0x3cf: {  	v25 =	vor.u32 s23, v0;
	v27 =	vor.u32 s22, v0;
	v0 =	vld [tilespmem:$0x1F8C0];
	[tilespmem:v29+s21+$0x0] =	vst.idx.msk $0xffff, v23  }
0x3d0: {  	v28 =	vor.u32 s24, v8;
	v17 =	vor.u32 s25, v8;
	v8 =	vld [tilespmem:$0x1F960]  }
0x3d1: {  	v24 =	vor.u32 v5, v45;
	v1 =	vld [tilespmem:$0x1FD90]  }
0x3d2: {  	v5 =	vld [tilespmem:$0x1FDA0];
	_ =	sdelay $0x1  }
0x3d3: {  	v22 =	vld.idx.msk [tilespmem:v30+s20+$0x0], $0xffff;
	v26 =	vor.u32 v33, v2  }
0x3d4: {  	v3 =	vld.idx.msk [tilespmem:v19+s20+$0x0], $0xffff  }
0x3d5: {  	v19 =	vor.u32 v33, v4;
	v23 =	vld.idx.msk [tilespmem:v28+s20+$0x0], $0xffff;
	[tilespmem:v24+s21+$0x0] =	vst.idx.msk $0xffff, v18  }
0x3d6: {  	v28 =	vor.u32 v8, v51;
	v29 =	vcombine.low v1, v5;
	v1 =	vld [tilespmem:$0x1F980]  }
0x3d7: {  	v17 =	vld.idx.msk [tilespmem:v17+s20+$0x0], $0xffff;
	v20 =	vor.u32 s28, v0;
	v31 =	vor.u32 v8, v55  }
0x3d8: {  	v30 =	vor.u32 s26, v0;
	v18 =	vld.idx.msk [tilespmem:v25+s20+$0x0], $0xffff;
	[tilespmem:v26+s21+$0x0] =	vst.idx.msk $0xffff, v22  }
0x3d9: {  	v25 =	vor.u32 v58, v42;
	v22 =	vld.idx.msk [tilespmem:v27+s20+$0x0], $0xffff;
	[tilespmem:$0x1F2D0] =	vst v58  }
0x3da: {  	[tilespmem:v19+s21+$0x0] =	vst.idx.msk $0xffff, v3  }
0x3db: {  	v24 =	vor.u32 s24, v1;
	v26 =	vor.u32 s25, v1;
	v1 =	vld [tilespmem:$0x1FF40];
	[tilespmem:v28+s21+$0x0] =	vst.idx.msk $0xffff, v23  }
0x3dc: {  	v0 =	vand.u32 $0xF, v29;
	v3 =	vld.idx.msk [tilespmem:v20+s20+$0x0], $0xffff;
	[tilespmem:v31+s21+$0x0] =	vst.idx.msk $0xffff, v17  }
0x3dd: {  	v27 =	vor.u32 v58, v45;
	v17 =	vld.idx.msk [tilespmem:v30+s20+$0x0], $0xffff;
	[tilespmem:$0x1F2E0] =	vst v0  }
0x3de: {  	v19 =	vor.u32 v0, v2;
	[tilespmem:v25+s21+$0x0] =	vst.idx.msk $0xffff, v18  }
0x3df: {  	v28 =	vor.u32 v0, v4;
	v0 =	vld [tilespmem:$0x1FBD0]  }
0x3e0: {  	v20 =	vor.u32 s23, v1;
	v23 =	vor.u32 s22, v1;
	v1 =	vld [tilespmem:$0x1FFD0];
	_ =	sdelay $0x1  }
0x3e1: {  	v18 =	vld.idx.msk [tilespmem:v24+s20+$0x0], $0xffff;
	[tilespmem:v27+s21+$0x0] =	vst.idx.msk $0xffff, v22  }
0x3e2: {  	v22 =	vld.idx.msk [tilespmem:v26+s20+$0x0], $0xffff;
	[tilespmem:v19+s21+$0x0] =	vst.idx.msk $0xffff, v3  }
0x3e3: {  	v25 =	vor.u32 v0, v51;
	v27 =	vor.u32 v0, v55;
	v0 =	vld [tilespmem:$0x1F2F0]  }
0x3e4: {  	v24 =	vor.u32 s28, v1;
	v26 =	vor.u32 s26, v1;
	v1 =	vld [tilespmem:$0x1F300];
	_ =	sdelay $0x1  }
0x3e5: {  	v3 =	vld.idx.msk [tilespmem:v20+s20+$0x0], $0xffff  }
0x3e6: {  	v15 =	vld.idx.msk [tilespmem:v23+s20+$0x0], $0xffff;
	[tilespmem:$0x1F310] =	vst v6  }
0x3e7: {  	v5 =	vld [tilespmem:$0x1FFF0];
	[tilespmem:v28+s21+$0x0] =	vst.idx.msk $0xffff, v17  }
0x3e8: {  	v30 =	vcombine.low v0, v1;
	v0 =	vld [tilespmem:$0x1F7F0];
	_ =	sdelay $0x2  }
0x3e9: {  	[tilespmem:v25+s21+$0x0] =	vst.idx.msk $0xffff, v18  }
0x3ea: {  	v20 =	vor.u32 v6, v42;
	v19 =	vor.u32 s24, v5;
	[tilespmem:v27+s21+$0x0] =	vst.idx.msk $0xffff, v22  }
0x3eb: {  	v17 =	vor.u32 s23, v0;
	v25 =	vor.u32 s22, v0;
	v0 =	vld [tilespmem:$0x1FFE0];
	_ =	sdelay $0x2  }
0x3ec: {  	v23 =	vor.u32 v6, v45;
	v16 =	vor.u32 s25, v5  }
0x3ed: {  	[tilespmem:v20+s21+$0x0] =	vst.idx.msk $0xffff, v3;
	v3 =	vld.idx.msk [tilespmem:v19+s20+$0x0], $0xffff  }
0x3ee: {  	v27 =	vor.u32 s28, v0;
	v19 =	vor.u32 s26, v0;
	v0 =	vld [tilespmem:$0x1FC30]  }
0x3ef: {  	v18 =	vld.idx.msk [tilespmem:v24+s20+$0x0], $0xffff  }
0x3f0: {  	v22 =	vld.idx.msk [tilespmem:v26+s20+$0x0], $0xffff  }
0x3f1: {  	[tilespmem:v23+s21+$0x0] =	vst.idx.msk $0xffff, v15;
	v15 =	vld.idx.msk [tilespmem:v16+s20+$0x0], $0xffff  }
0x3f2: {  	v24 =	vor.u32 v30, v2;
	v1 =	vld [tilespmem:$0x1F330]  }
0x3f3: {  	v20 =	vor.u32 v0, v51;
	v16 =	vor.u32 v0, v55;
	v0 =	vld [tilespmem:$0x1F320]  }
0x3f4: {  	v26 =	vor.u32 v30, v4;
	v5 =	vld [tilespmem:$0x1F6F0];
	_ =	sdelay $0x2  }
0x3f5: {  	v13 =	vld.idx.msk [tilespmem:v17+s20+$0x0], $0xffff;
	[tilespmem:v24+s21+$0x0] =	vst.idx.msk $0xffff, v18  }
0x3f6: {  	v31 =	vcombine.low v1, v0;
	v0 =	vld [tilespmem:$0x1F800]  }
0x3f7: {  	v17 =	vor.u32 v12, v42;
	v18 =	vld.idx.msk [tilespmem:v25+s20+$0x0], $0xffff;
	v23 =	vor.u32 s24, v5;
	[tilespmem:v26+s21+$0x0] =	vst.idx.msk $0xffff, v22  }
0x3f8: {  	v24 =	vor.u32 v12, v45;
	v14 =	vor.u32 s25, v5;
	v22 =	vld.idx.msk [tilespmem:v27+s20+$0x0], $0xffff;
	[tilespmem:v20+s21+$0x0] =	vst.idx.msk $0xffff, v3  }
0x3f9: {  	[tilespmem:v16+s21+$0x0] =	vst.idx.msk $0xffff, v15;
	v3 =	vld.idx.msk [tilespmem:v19+s20+$0x0], $0xffff;
	v26 =	vor.u32 v31, v2  }
0x3fa: {  	v1 =	vld [tilespmem:$0x1F340]  }
0x3fb: {  	v25 =	vor.u32 s23, v0;
	v20 =	vor.u32 s22, v0;
	v0 =	vld [tilespmem:$0x1F8D0]  }
0x3fc: {  	v15 =	vld.idx.msk [tilespmem:v23+s20+$0x0], $0xffff;
	[tilespmem:v17+s21+$0x0] =	vst.idx.msk $0xffff, v13  }
0x3fd: {  	v13 =	vld.idx.msk [tilespmem:v14+s20+$0x0], $0xffff;
	[tilespmem:v24+s21+$0x0] =	vst.idx.msk $0xffff, v18  }
0x3fe: {  	v5 =	vld [tilespmem:$0x1F700];
	[tilespmem:v26+s21+$0x0] =	vst.idx.msk $0xffff, v22  }
0x3ff: {  	v19 =	vor.u32 v31, v4;
	v23 =	vor.u32 v1, v51;
	v17 =	vor.u32 v1, v55;
	v1 =	vld [tilespmem:$0x1F360]  }
0x400: {  	v16 =	vor.u32 s28, v0;
	v14 =	vor.u32 s26, v0;
	v0 =	vld [tilespmem:$0x1F350];
	_ =	sdelay $0x3  }
0x401: {  	[tilespmem:v19+s21+$0x0] =	vst.idx.msk $0xffff, v3  }
0x402: {  	v26 =	vcombine.low v0, v1;
	v0 =	vld [tilespmem:$0x1F810]  }
0x403: {  	v18 =	vld.idx.msk [tilespmem:v25+s20+$0x0], $0xffff  }
0x404: {  	v3 =	vld.idx.msk [tilespmem:v20+s20+$0x0], $0xffff;
	[tilespmem:$0x1F370] =	vst v21  }
0x405: {  	v25 =	vor.u32 v21, v42;
	v11 =	vor.u32 s25, v5;
	[tilespmem:v23+s21+$0x0] =	vst.idx.msk $0xffff, v15  }
0x406: {  	[tilespmem:v17+s21+$0x0] =	vst.idx.msk $0xffff, v13  }
0x407: {  	v19 =	vor.u32 s23, v0;
	v20 =	vor.u32 s22, v0;
	v0 =	vld [tilespmem:$0x1FF60]  }
0x408: {  	v12 =	vor.u32 v21, v45;
	v24 =	vor.u32 s24, v5;
	v15 =	vld.idx.msk [tilespmem:v16+s20+$0x0], $0xffff  }
0x409: {  	v13 =	vld.idx.msk [tilespmem:v14+s20+$0x0], $0xffff  }
0x40a: {  	v11 =	vld.idx.msk [tilespmem:v11+s20+$0x0], $0xffff;
	v16 =	vor.u32 v26, v2;
	[tilespmem:v25+s21+$0x0] =	vst.idx.msk $0xffff, v18  }
0x40b: {  	v1 =	vld [tilespmem:$0x1FDC0]  }
0x40c: {  	v14 =	vor.u32 v26, v4;
	v17 =	vor.u32 s28, v0;
	v23 =	vor.u32 s26, v0;
	v0 =	vld [tilespmem:$0x1FDB0]  }
0x40d: {  	v22 =	vor.u32 v44, v51;
	v18 =	vld.idx.msk [tilespmem:v24+s20+$0x0], $0xffff;
	[tilespmem:v12+s21+$0x0] =	vst.idx.msk $0xffff, v3  }
0x40e: {  	v25 =	vor.u32 v44, v55;
	v58 =	vld [tilespmem:$0x1FCB0]  }
0x40f: {  	v3 =	vld.idx.msk [tilespmem:v19+s20+$0x0], $0xffff;
	[tilespmem:v16+s21+$0x0] =	vst.idx.msk $0xffff, v15  }
0x410: {  	v19 =	vor.u32 v46, v42;
	v15 =	vld.idx.msk [tilespmem:v20+s20+$0x0], $0xffff;
	[tilespmem:$0x1F380] =	vst v46  }
0x411: {  	[tilespmem:v14+s21+$0x0] =	vst.idx.msk $0xffff, v13;
	v24 =	vcombine.low v0, v1  }
0x412: {  	v1 =	vld [tilespmem:$0x1F820];
	[tilespmem:v22+s21+$0x0] =	vst.idx.msk $0xffff, v18  }
0x413: {  	v20 =	vor.u32 v46, v45;
	v13 =	vld.idx.msk [tilespmem:v17+s20+$0x0], $0xffff;
	[tilespmem:v25+s21+$0x0] =	vst.idx.msk $0xffff, v11;
	v12 =	vor.u32 s24, v58;
	v0 =	vand.u32 $0xF, v24  }
0x414: {  	v11 =	vld.idx.msk [tilespmem:v23+s20+$0x0], $0xffff;
	v16 =	vor.u32 s25, v58;
	v14 =	vor.u32 v0, v2;
	[tilespmem:$0x1F390] =	vst v0  }
0x415: {  	[tilespmem:v19+s21+$0x0] =	vst.idx.msk $0xffff, v3  }
0x416: {  	v22 =	vor.u32 v0, v4;
	v0 =	vld [tilespmem:$0x1F8E0]  }
0x417: {  	v59 =	vld [tilespmem:$0x1F3A0]  }
0x418: {  	v17 =	vor.u32 s23, v1;
	[tilespmem:v20+s21+$0x0] =	vst.idx.msk $0xffff, v15;
	v3 =	vld.idx.msk [tilespmem:v12+s20+$0x0], $0xffff  }
0x419: {  	v18 =	vor.u32 s22, v1;
	v15 =	vld.idx.msk [tilespmem:v16+s20+$0x0], $0xffff;
	[tilespmem:v14+s21+$0x0] =	vst.idx.msk $0xffff, v13  }
0x41a: {  	v1 =	vld [tilespmem:$0x1F3C0]  }
0x41b: {  	v12 =	vor.u32 s28, v0;
	v16 =	vor.u32 s26, v0;
	v0 =	vld [tilespmem:$0x1F3B0];
	_ =	sdelay $0x1  }
0x41c: {  	v13 =	vld.idx.msk [tilespmem:v17+s20+$0x0], $0xffff  }
0x41d: {  	v19 =	vor.u32 v59, v51;
	v9 =	vld.idx.msk [tilespmem:v18+s20+$0x0], $0xffff;
	[tilespmem:$0x1F3D0] =	vst v53  }
0x41e: {  	v20 =	vor.u32 v59, v55;
	[tilespmem:v22+s21+$0x0] =	vst.idx.msk $0xffff, v11  }
0x41f: {  	v21 =	vcombine.low v0, v1;
	v0 =	vld [tilespmem:$0x1F830];
	_ =	sdelay $0x2  }
0x420: {  	[tilespmem:v19+s21+$0x0] =	vst.idx.msk $0xffff, v3  }
0x421: {  	v14 =	vor.u32 s24, v47;
	v17 =	vor.u32 v53, v42;
	[tilespmem:v20+s21+$0x0] =	vst.idx.msk $0xffff, v15  }
0x422: {  	v11 =	vor.u32 s23, v0;
	v19 =	vor.u32 s22, v0;
	v0 =	vld [tilespmem:$0x1F900];
	_ =	sdelay $0x1  }
0x423: {  	v18 =	vor.u32 v53, v45;
	_ =	sdelay $0x1  }
0x424: {  	[tilespmem:v17+s21+$0x0] =	vst.idx.msk $0xffff, v13;
	v13 =	vld.idx.msk [tilespmem:v14+s20+$0x0], $0xffff  }
0x425: {  	v10 =	vor.u32 s25, v47;
	v20 =	vor.u32 s28, v0;
	v14 =	vor.u32 s26, v0;
	v0 =	vld [tilespmem:$0x1F3E0]  }
0x426: {  	v3 =	vld.idx.msk [tilespmem:v12+s20+$0x0], $0xffff  }
0x427: {  	v15 =	vld.idx.msk [tilespmem:v16+s20+$0x0], $0xffff;
	v12 =	vor.u32 v21, v2;
	[tilespmem:v18+s21+$0x0] =	vst.idx.msk $0xffff, v9  }
0x428: {  	v47 =	vld [tilespmem:$0x1F3F0]  }
0x429: {  	v16 =	vor.u32 v21, v4;
	v56 =	vld [tilespmem:$0x1F400]  }
0x42a: {  	v9 =	vld.idx.msk [tilespmem:v10+s20+$0x0], $0xffff;
	v17 =	vor.u32 v0, v51  }
0x42b: {  	v10 =	vor.u32 v0, v55;
	v0 =	vld [tilespmem:$0x1F760]  }
0x42c: {  	v11 =	vld.idx.msk [tilespmem:v11+s20+$0x0], $0xffff;
	[tilespmem:v12+s21+$0x0] =	vst.idx.msk $0xffff, v3  }
0x42d: {  	v24 =	vor.u32 v7, v42;
	v3 =	vld.idx.msk [tilespmem:v19+s20+$0x0], $0xffff;
	[tilespmem:$0x1F410] =	vst v7  }
0x42e: {  	v19 =	vor.u32 v7, v45;
	v22 =	vcombine.low v56, v47;
	v60 =	vld [tilespmem:$0x1FF30];
	[tilespmem:v16+s21+$0x0] =	vst.idx.msk $0xffff, v15  }
0x42f: {  	[tilespmem:v17+s21+$0x0] =	vst.idx.msk $0xffff, v13  }
0x430: {  	v15 =	vld.idx.msk [tilespmem:v20+s20+$0x0], $0xffff;
	v16 =	vor.u32 v22, v2;
	v18 =	vor.u32 s24, v0;
	[tilespmem:v10+s21+$0x0] =	vst.idx.msk $0xffff, v9  }
0x431: {  	v23 =	vor.u32 s25, v0;
	v0 =	vld [tilespmem:$0x1F420]  }
0x432: {  	v1 =	vld [tilespmem:$0x1F920];
	[tilespmem:v24+s21+$0x0] =	vst.idx.msk $0xffff, v11  }
0x433: {  	v14 =	vld.idx.msk [tilespmem:v14+s20+$0x0], $0xffff;
	[tilespmem:v19+s21+$0x0] =	vst.idx.msk $0xffff, v3  }
0x434: {  	v5 =	vld [tilespmem:$0x1FF70]  }
0x435: {  	[tilespmem:v16+s21+$0x0] =	vst.idx.msk $0xffff, v15;
	v9 =	vld.idx.msk [tilespmem:v18+s20+$0x0], $0xffff  }
0x436: {  	v13 =	vor.u32 v22, v4;
	v18 =	vor.u32 v0, v51;
	v22 =	vor.u32 v0, v55;
	v0 =	vld [tilespmem:$0x1F430]  }
0x437: {  	v10 =	vor.u32 s28, v1;
	v20 =	vor.u32 s26, v1;
	v1 =	vld [tilespmem:$0x1F440]  }
0x438: {  	v12 =	vor.u32 s23, v60  }
0x439: {  	v17 =	vor.u32 s22, v60;
	_ =	sdelay $0x1  }
0x43a: {  	v11 =	vld.idx.msk [tilespmem:v23+s20+$0x0], $0xffff;
	[tilespmem:v13+s21+$0x0] =	vst.idx.msk $0xffff, v14  }
0x43b: {  	v44 =	vcombine.low v0, v1;
	v1 =	vld [tilespmem:$0x1FEF0]  }
0x43c: {  	v3 =	vld.idx.msk [tilespmem:v12+s20+$0x0], $0xffff  }
0x43d: {  	v19 =	vor.u32 v62, v42;
	v8 =	vld.idx.msk [tilespmem:v17+s20+$0x0], $0xffff;
	v12 =	vor.u32 s24, v5;
	[tilespmem:$0x1F450] =	vst v62  }
0x43e: {  	[tilespmem:v18+s21+$0x0] =	vst.idx.msk $0xffff, v9  }
0x43f: {  	v9 =	vld.idx.msk [tilespmem:v10+s20+$0x0], $0xffff;
	[tilespmem:v22+s21+$0x0] =	vst.idx.msk $0xffff, v11  }
0x440: {  	v14 =	vor.u32 s23, v1;
	v10 =	vor.u32 s22, v1;
	v1 =	vld [tilespmem:$0x1F930];
	_ =	sdelay $0x1  }
0x441: {  	[tilespmem:v19+s21+$0x0] =	vst.idx.msk $0xffff, v3;
	v3 =	vld.idx.msk [tilespmem:v12+s20+$0x0], $0xffff  }
0x442: {  	v6 =	vld [tilespmem:$0x1F460]  }
0x443: {  	v0 =	vor.u32 s25, v5;
	v5 =	vld [tilespmem:$0x1FDD0]  }
0x444: {  	v17 =	vor.u32 s28, v1;
	v12 =	vor.u32 s26, v1;
	v1 =	vld [tilespmem:$0x1FDE0]  }
0x445: {  	v13 =	vor.u32 v62, v45  }
0x446: {  	v15 =	vor.u32 v44, v2;
	_ =	sdelay $0x1  }
0x447: {  	v11 =	vld.idx.msk [tilespmem:v20+s20+$0x0], $0xffff;
	v16 =	vor.u32 v44, v4  }
0x448: {  	v18 =	vor.u32 v6, v51;
	v19 =	vcombine.low v5, v1;
	v1 =	vld [tilespmem:$0x1F770]  }
0x449: {  	v0 =	vld.idx.msk [tilespmem:v0+s20+$0x0], $0xffff;
	[tilespmem:v13+s21+$0x0] =	vst.idx.msk $0xffff, v8  }
0x44a: {  	v20 =	vor.u32 v6, v55;
	v8 =	vld.idx.msk [tilespmem:v14+s20+$0x0], $0xffff;
	[tilespmem:v15+s21+$0x0] =	vst.idx.msk $0xffff, v9  }
0x44b: {  	v14 =	vor.u32 v48, v42;
	v9 =	vld.idx.msk [tilespmem:v10+s20+$0x0], $0xffff;
	[tilespmem:$0x1F470] =	vst v48  }
0x44c: {  	v15 =	vor.u32 v48, v45;
	[tilespmem:v16+s21+$0x0] =	vst.idx.msk $0xffff, v11  }
0x44d: {  	v11 =	vld.idx.msk [tilespmem:v17+s20+$0x0], $0xffff;
	[tilespmem:v18+s21+$0x0] =	vst.idx.msk $0xffff, v3;
	v22 =	vor.u32 s24, v1;
	v13 =	vor.u32 s25, v1;
	v1 =	vand.u32 $0xF, v19  }
0x44e: {  	v10 =	vor.u32 s23, v63;
	v3 =	vld.idx.msk [tilespmem:v12+s20+$0x0], $0xffff;
	v16 =	vor.u32 v1, v2;
	[tilespmem:$0x1F480] =	vst v1  }
0x44f: {  	v17 =	vor.u32 v1, v4;
	[tilespmem:v20+s21+$0x0] =	vst.idx.msk $0xffff, v0  }
0x450: {  	v5 =	vld [tilespmem:$0x1F490];
	[tilespmem:v14+s21+$0x0] =	vst.idx.msk $0xffff, v8  }
0x451: {  	v1 =	vld [tilespmem:$0x1F950]  }
0x452: {  	[tilespmem:v15+s21+$0x0] =	vst.idx.msk $0xffff, v9  }
0x453: {  	v9 =	vld.idx.msk [tilespmem:v10+s20+$0x0], $0xffff;
	[tilespmem:v16+s21+$0x0] =	vst.idx.msk $0xffff, v11  }
0x454: {  	v8 =	vld.idx.msk [tilespmem:v13+s20+$0x0], $0xffff;
	[tilespmem:v17+s21+$0x0] =	vst.idx.msk $0xffff, v3  }
0x455: {  	v3 =	vld [tilespmem:$0x1F4B0]  }
0x456: {  	v12 =	vor.u32 s22, v63;
	v13 =	vor.u32 s28, v1;
	v10 =	vor.u32 s26, v1;
	v1 =	vld [tilespmem:$0x1F4A0]  }
0x457: {  	v0 =	vld.idx.msk [tilespmem:v22+s20+$0x0], $0xffff;
	v18 =	vor.u32 v5, v51  }
0x458: {  	v14 =	vor.u32 v5, v55  }
0x459: {  	v15 =	vor.u32 v50, v42;
	_ =	sdelay $0x1  }
0x45a: {  	v22 =	vcombine.low v1, v3;
	v1 =	vld.idx.msk [tilespmem:v12+s20+$0x0], $0xffff;
	[tilespmem:$0x1F4C0] =	vst v50  }
0x45b: {  	[tilespmem:v18+s21+$0x0] =	vst.idx.msk $0xffff, v0  }
0x45c: {  	[tilespmem:v14+s21+$0x0] =	vst.idx.msk $0xffff, v8  }
0x45d: {  	[tilespmem:v15+s21+$0x0] =	vst.idx.msk $0xffff, v9  }
0x45e: {  	v6 =	vld [tilespmem:$0x1F4D0]  }
0x45f: {  	v11 =	vor.u32 s24, v61;
	v7 =	vld [tilespmem:$0x1F4E0];
	_ =	sdelay $0x2  }
0x460: {  	v5 =	vld.idx.msk [tilespmem:v13+s20+$0x0], $0xffff  }
0x461: {  	v13 =	vld [tilespmem:$0x1F500]  }
0x462: {  	v12 =	vcombine.low v7, v6;
	v6 =	vld.idx.msk [tilespmem:v11+s20+$0x0], $0xffff  }
0x463: {  	v3 =	vor.u32 v50, v45;
	v11 =	vld [tilespmem:$0x1F4F0]  }
0x464: {  	v8 =	vor.u32 v22, v2  }
0x465: {  	v0 =	vor.u32 s25, v61  }
0x466: {  	v9 =	vld.idx.msk [tilespmem:v10+s20+$0x0], $0xffff;
	v10 =	vor.u32 v22, v4;
	_ =	sdelay $0x1  }
0x467: {  	[tilespmem:v3+s21+$0x0] =	vst.idx.msk $0xffff, v1;
	v11 =	vcombine.low v13, v11  }
0x468: {  	[tilespmem:v8+s21+$0x0] =	vst.idx.msk $0xffff, v5  }
0x469: {  	v0 =	vld.idx.msk [tilespmem:v0+s20+$0x0], $0xffff;
	[tilespmem:$0x1F510] =	vst v11  }
0x46a: {  	v7 =	vor.u32 v54, v51;
	[tilespmem:v10+s21+$0x0] =	vst.idx.msk $0xffff, v9  }
0x46b: {  	v3 =	vor.u32 v12, v2;
	v28 =	vor.u32 v11, v2;
	v2 =	vor.u32 v54, v55;
	v9 =	vld [tilespmem:$0x1F970];
	_ =	sdelay $0x2  }
0x46c: {  	v1 =	vor.u32 s23, v43  }
0x46d: {  	v8 =	vor.u32 v12, v4;
	v15 =	vor.u32 v11, v4;
	v4 =	vor.u32 s22, v43;
	[tilespmem:v7+s21+$0x0] =	vst.idx.msk $0xffff, v6  }
0x46e: {  	[tilespmem:v2+s21+$0x0] =	vst.idx.msk $0xffff, v0;
	v5 =	vor.u32 s28, v9  }
0x46f: {  	v10 =	vld [tilespmem:$0x1F790];
	v6 =	vor.u32 s26, v9;
	_ =	sdelay $0x1  }
0x470: {  	v1 =	vld.idx.msk [tilespmem:v1+s20+$0x0], $0xffff;
	v7 =	vor.u32 v52, v42  }
0x471: {  	v2 =	vld.idx.msk [tilespmem:v4+s20+$0x0], $0xffff;
	[tilespmem:$0x1F520] =	vst v52;
	v9 =	vor.u32 v30, v42  }
0x472: {  	v5 =	vld.idx.msk [tilespmem:v5+s20+$0x0], $0xffff;
	[tilespmem:$0x1F530] =	vst v9  }
0x473: {  	v0 =	vor.u32 s24, v10;
	v6 =	vld.idx.msk [tilespmem:v6+s20+$0x0], $0xffff;
	[tilespmem:$0x1F540] =	vst v30  }
0x474: {  	[tilespmem:$0x1F550] =	vst v31  }
0x475: {  	[tilespmem:v7+s21+$0x0] =	vst.idx.msk $0xffff, v1;
	v1 =	vor.u32 v26, v42  }
0x476: {  	v4 =	vor.u32 v52, v45;
	[tilespmem:$0x1F560] =	vst v1  }
0x477: {  	v7 =	vor.u32 v21, v42;
	[tilespmem:$0x1F570] =	vst v26  }
0x478: {  	v0 =	vld.idx.msk [tilespmem:v0+s20+$0x0], $0xffff;
	[tilespmem:$0x1F580] =	vst v7  }
0x479: {  	[tilespmem:$0x1F590] =	vst v21;
	v7 =	vor.u32 v21, v45  }
0x47a: {  	v9 =	vld [tilespmem:$0x1F5B0];
	[tilespmem:$0x1F5A0] =	vst v7  }
0x47b: {  	[tilespmem:v4+s21+$0x0] =	vst.idx.msk $0xffff, v2;
	v2 =	vor.u32 v44, v45  }
0x47c: {  	[tilespmem:$0x1F5C0] =	vst v2;
	v2 =	vld [tilespmem:$0x1F860];
	_ =	sdelay $0x1  }
0x47d: {  	[tilespmem:v3+s21+$0x0] =	vst.idx.msk $0xffff, v5  }
0x47e: {  	v7 =	vor.u32 v9, v51;
	[tilespmem:$0x1F5D0] =	vst v12  }
0x47f: {  	[tilespmem:v8+s21+$0x0] =	vst.idx.msk $0xffff, v6  }
0x480: {  	v1 =	vor.u32 s25, v10;
	v10 =	vor.u32 s23, v2;
	v3 =	vor.u32 s22, v2;
	v2 =	vld [tilespmem:$0x1F990];
	_ =	sdelay $0x1  }
0x481: {  	[tilespmem:$0x1F5E0] =	vst v40  }
0x482: {  	[tilespmem:v7+s21+$0x0] =	vst.idx.msk $0xffff, v0  }
0x483: {  	v0 =	vld [tilespmem:$0x1FF90]  }
0x484: {  	v6 =	vor.u32 s28, v2  }
0x485: {  	v1 =	vld.idx.msk [tilespmem:v1+s20+$0x0], $0xffff;
	[tilespmem:$0x1F5F0] =	vst v41  }
0x486: {  	v57 =	vor.u32 v38, v42;
	v16 =	vor.u32 v9, v55;
	v24 =	vld.idx.msk [tilespmem:v10+s20+$0x0], $0xffff  }
0x487: {  	v17 =	vor.u32 v38, v51;
	v61 =	vor.u32 v38, v45;
	v14 =	vor.u32 s26, v2;
	[tilespmem:$0x1F600] =	vst v38;
	v2 =	vld [tilespmem:$0x1F610]  }
0x488: {  	v13 =	vor.u32 v38, v55;
	v19 =	vor.u32 s24, v0;
	v38 =	vor.u32 s25, v0;
	v0 =	vld.idx.msk [tilespmem:v3+s20+$0x0], $0xffff;
	[tilespmem:$0x1F620] =	vst v35  }
0x489: {  	v39 =	vor.u32 v31, v42;
	v18 =	vor.u32 v31, v45;
	v31 =	vld.idx.msk [tilespmem:v6+s20+$0x0], $0xffff;
	[tilespmem:$0x1F630] =	vst v34  }
0x48a: {  	[tilespmem:$0x1F640] =	vst v33  }
0x48b: {  	v27 =	vor.u32 v41, v55;
	v25 =	vor.u32 v41, v51;
	[tilespmem:v16+s21+$0x0] =	vst.idx.msk $0xffff, v1  }
0x48c: {  	v58 =	vor.u32 v41, v45;
	v60 =	vor.u32 v41, v42;
	v41 =	vor.u32 v2, v42;
	v1 =	vld [tilespmem:$0x1F870]  }
0x48d: {  	v32 =	vor.u32 v40, v51  }
0x48e: {  	v49 =	vor.u32 v33, v45;
	v46 =	vor.u32 v26, v45;
	v59 =	vor.u32 v40, v45  }
0x48f: {  	v53 =	vor.u32 v34, v45;
	v48 =	vor.u32 v35, v45;
	v50 =	vor.u32 v35, v42  }
0x490: {  	v63 =	vor.u32 v12, v45;
	v11 =	vor.u32 v35, v51;
	v5 =	vor.u32 v12, v42;
	v4 =	vld [tilespmem:$0x1F660]  }
0x491: {  	v12 =	vor.u32 v35, v55;
	v36 =	vor.u32 s23, v1;
	v35 =	vor.u32 s22, v1;
	v1 =	vld [tilespmem:$0x1F650];
	[tilespmem:v41+s21+$0x0] =	vst.idx.msk $0xffff, v24  }
0x492: {  	v62 =	vor.u32 v40, v42;
	v20 =	vor.u32 v30, v45;
	v26 =	vor.u32 v2, v45;
	v2 =	vld [tilespmem:$0x1FF50]  }
0x493: {  	v52 =	vor.u32 v33, v42;
	v7 =	vor.u32 v33, v55;
	v6 =	vor.u32 v33, v51;
	v33 =	vld.idx.msk [tilespmem:v14+s20+$0x0], $0xffff  }
0x494: {  	v29 =	vor.u32 v22, v42;
	v54 =	vor.u32 v34, v42;
	v30 =	vor.u32 v40, v55;
	v40 =	vld.idx.msk [tilespmem:v19+s20+$0x0], $0xffff  }
0x495: {  	v8 =	vor.u32 v34, v55;
	v10 =	vor.u32 v34, v51;
	v41 =	vld.idx.msk [tilespmem:v38+s20+$0x0], $0xffff;
	[tilespmem:$0x1F670] =	vst v44  }
0x496: {  	v14 =	vor.u32 v4, v45;
	[tilespmem:$0x1F680] =	vst v22;
	v43 =	vor.u32 v1, v51;
	v37 =	vor.u32 v1, v55  }
0x497: {  	s28 =	simm.s32 $0x4;
	s26 =	simm.s32 $0x50;
	v24 =	vmovc v47;
	[tilespmem:$0x1F690] =	vst v22;
	v1 =	vor.u32 v4, v42;
	v3 =	vor.u32 s24, v2;
	v38 =	vor.u32 s25, v2  }
.LBB2_4:
0x498: {  	v4 =	vld [tilespmem:$0x1F140]  }
0x499: {  	[tilespmem:v26+s21+$0x0] =	vst.idx.msk $0xffff, v0  }
0x49a: {  	v36 =	vld.idx.msk [tilespmem:v36+s20+$0x0], $0xffff;
	[tilespmem:v28+s21+$0x0] =	vst.idx.msk $0xffff, v31  }
0x49b: {  	v26 =	vld.idx.msk [tilespmem:v35+s20+$0x0], $0xffff;
	[tilespmem:v15+s21+$0x0] =	vst.idx.msk $0xffff, v33  }
0x49c: {  	v2 =	vld [tilespmem:$0x1F160];
	[tilespmem:v43+s21+$0x0] =	vst.idx.msk $0xffff, v40  }
0x49d: {  	[tilespmem:v37+s21+$0x0] =	vst.idx.msk $0xffff, v41;
	v40 =	vor.u32 v4, v55;
	v37 =	vor.u32 v4, v51;
	v4 =	vld [tilespmem:$0x1F7A0];
	_ =	sdelay $0x2  }
0x49e: {  	v0 =	vld [tilespmem:$0x1FF80]  }
0x49f: {  	v34 =	vand.u32 $0xF, v2;
	v2 =	vld [tilespmem:$0x1FE40]  }
0x4a0: {  	v31 =	vmov v5;
	v5 =	vor.u32 s24, v4;
	v41 =	vor.u32 s26, v4;
	v4 =	vld [tilespmem:$0x1F880];
	_ =	sdelay $0x1  }
0x4a1: {  	s25 =	sadd.s32 $0x20, s25  }
0x4a2: {  	s29 =	sadd.s32 $0xFFFFFFF0, s25;
	v38 =	vld.idx.msk [tilespmem:v38+s20+$0x0], $0xffff  }
0x4a3: {  	v35 =	vor.u32 s23, v0;
	v47 =	vor.u32 s29, v2;
	v28 =	vor.u32 s25, v2;
	v2 =	vld.idx.msk [tilespmem:v3+s20+$0x0], $0xffff  }
0x4a4: {  	[tilespmem:v14+s21+$0x0] =	vst.idx.msk $0xffff, v26;
	v3 =	vmov v63;
	v63 =	vor.u32 s23, v4;
	v26 =	vor.u32 s22, v4;
	v4 =	vld [tilespmem:$0x1F500]  }
0x4a5: {  	v9 =	vld [tilespmem:$0x1F540];
	_ =	sdelay $0x1  }
0x4a6: {  	[tilespmem:v1+s21+$0x0] =	vst.idx.msk $0xffff, v36;
	v1 =	vld [tilespmem:$0x1F4F0]  }
0x4a7: {  	v36 =	vld.idx.msk [tilespmem:v35+s20+$0x0], $0xffff  }
0x4a8: {  	v15 =	vmov v45;
	v45 =	vmov v55;
	v35 =	vmov v4;
	v4 =	vld [tilespmem:$0x1F150]  }
0x4a9: {  	v21 =	vor.u32 s22, v0;
	v0 =	vor.u32 v9, v51;
	v43 =	vor.u32 v9, v45;
	v9 =	vld [tilespmem:$0x1FEC0];
	_ =	sdelay $0x2  }
0x4aa: {  	v19 =	vld [tilespmem:$0x1FED0];
	v16 =	vmov s29;
	v33 =	vmov v1;
	v1 =	vmov s25  }
0x4ab: {  	v22 =	vld [tilespmem:$0x1F170];
	v16 =	vshll.u32 v16, $0x7;
	v1 =	vshll.u32 v1, $0x7;
	v14 =	vor.u32 v4, v42  }
0x4ac: {  	v16 =	vor.u32 v9, v16;
	v21 =	vld.idx.msk [tilespmem:v21+s20+$0x0], $0xffff;
	v55 =	vor.u32 v9, v1;
	v9 =	vlaneseq.u32  }
0x4ad: {  	v47 =	vld.idx.msk [tilespmem:v47+s20+$0x0], $0xffff;
	v1 =	vor.u32 v9, v16  }
0x4ae: {  	v28 =	vld.idx.msk [tilespmem:v28+s20+$0x0], $0xffff;
	[tilespmem:v37+s21+$0x0] =	vst.idx.msk $0xffff, v2  }
0x4af: {  	v5 =	vld.idx.msk [tilespmem:v5+s20+$0x0], $0xffff;
	v4 =	vor.u32 v4, v15  }
0x4b0: {  	[tilespmem:v14+s21+$0x0] =	vst.idx.msk $0xffff, v36;
	v14 =	vld [tilespmem:$0x1F7B0]  }
0x4b1: {  	[tilespmem:v40+s21+$0x0] =	vst.idx.msk $0xffff, v38;
	v63 =	vld.idx.msk [tilespmem:v63+s20+$0x0], $0xffff  }
0x4b2: {  	[tilespmem:v1+s21+$0x0] =	vst.idx.msk $0xffff, v47;
	v47 =	vld [tilespmem:$0x1FEE0]  }
0x4b3: {  	v2 =	vor.u32 s29, v19;
	v38 =	vld.idx.msk [tilespmem:v41+s20+$0x0], $0xffff;
	v9 =	vor.u32 v9, v55  }
0x4b4: {  	v37 =	vor.u32 s25, v19;
	v19 =	vor.u32 v22, v51;
	[tilespmem:v4+s21+$0x0] =	vst.idx.msk $0xffff, v21;
	v21 =	vld [tilespmem:$0x1F890]  }
0x4b5: {  	v36 =	vor.u32 s24, v14  }
0x4b6: {  	v22 =	vor.u32 v22, v45;
	v41 =	vor.u32 v34, v42;
	v4 =	vor.u32 v34, v15;
	v1 =	vld.idx.msk [tilespmem:v26+s20+$0x0], $0xffff  }
0x4b7: {  	v23 =	vor.u32 s26, v14;
	v26 =	vor.u32 v47, v16;
	v34 =	vor.u32 v47, v55;
	v47 =	vld [tilespmem:$0x1FEA0]  }
0x4b8: {  	[tilespmem:v9+s21+$0x0] =	vst.idx.msk $0xffff, v28;
	v2 =	vld.idx.msk [tilespmem:v2+s20+$0x0], $0xffff  }
0x4b9: {  	v28 =	vld.idx.msk [tilespmem:v37+s20+$0x0], $0xffff;
	[tilespmem:v19+s21+$0x0] =	vst.idx.msk $0xffff, v5;
	v9 =	vor.u32 s23, v21  }
0x4ba: {  	v21 =	vor.u32 s22, v21;
	v5 =	vld.idx.msk [tilespmem:v36+s20+$0x0], $0xffff  }
0x4bb: {  	[tilespmem:v22+s21+$0x0] =	vst.idx.msk $0xffff, v38;
	v36 =	vld [tilespmem:$0x1F1B0]  }
0x4bc: {  	v22 =	vld.idx.msk [tilespmem:v23+s20+$0x0], $0xffff;
	v37 =	vor.u32 s29, v47  }
0x4bd: {  	[tilespmem:v41+s21+$0x0] =	vst.idx.msk $0xffff, v63;
	v63 =	vld [tilespmem:$0x1FE70]  }
0x4be: {  	[tilespmem:v4+s21+$0x0] =	vst.idx.msk $0xffff, v1;
	v9 =	vld.idx.msk [tilespmem:v9+s20+$0x0], $0xffff  }
0x4bf: {  	v1 =	vld.idx.msk [tilespmem:v21+s20+$0x0], $0xffff  }
0x4c0: {  	v47 =	vor.u32 s25, v47;
	[tilespmem:v26+s21+$0x0] =	vst.idx.msk $0xffff, v2;
	v21 =	vld [tilespmem:$0x1FFA0]  }
0x4c1: {  	v23 =	vor.u32 v36, v45;
	v2 =	vld.idx.msk [tilespmem:v37+s20+$0x0], $0xffff  }
0x4c2: {  	v38 =	vor.u32 s24, v63;
	v63 =	vor.u32 s26, v63;
	v37 =	vld [tilespmem:$0x1FA50]  }
0x4c3: {  	[tilespmem:$0x1F110] =	vst v3  }
0x4c4: {  	v3 =	vmov v29;
	v29 =	vld [tilespmem:$0x1F550];
	[tilespmem:v34+s21+$0x0] =	vst.idx.msk $0xffff, v28;
	v19 =	vor.u32 v36, v51  }
0x4c5: {  	v28 =	vld.idx.msk [tilespmem:v47+s20+$0x0], $0xffff  }
0x4c6: {  	v4 =	vor.u32 s23, v21;
	v47 =	vld [tilespmem:$0x1FF10];
	[tilespmem:v23+s21+$0x0] =	vst.idx.msk $0xffff, v22  }
0x4c7: {  	v21 =	vor.u32 s22, v21;
	v26 =	vor.u32 v37, v16;
	v22 =	vld.idx.msk [tilespmem:v63+s20+$0x0], $0xffff  }
0x4c8: {  	v34 =	vor.u32 v37, v55;
	[tilespmem:v59+s21+$0x0] =	vst.idx.msk $0xffff, v1;
	v1 =	vld [tilespmem:$0x1F8A0]  }
0x4c9: {  	[tilespmem:v19+s21+$0x0] =	vst.idx.msk $0xffff, v5;
	v23 =	vld [tilespmem:$0x1F1E0]  }
0x4ca: {  	v5 =	vld.idx.msk [tilespmem:v38+s20+$0x0], $0xffff;
	[tilespmem:v62+s21+$0x0] =	vst.idx.msk $0xffff, v9  }
0x4cb: {  	v4 =	vld.idx.msk [tilespmem:v4+s20+$0x0], $0xffff  }
0x4cc: {  	[tilespmem:v26+s21+$0x0] =	vst.idx.msk $0xffff, v2;
	v2 =	vld.idx.msk [tilespmem:v21+s20+$0x0], $0xffff  }
0x4cd: {  	[tilespmem:v34+s21+$0x0] =	vst.idx.msk $0xffff, v28;
	v26 =	vor.u32 s23, v1;
	v28 =	vor.u32 s22, v1;
	v1 =	vld [tilespmem:$0x1FA60]  }
0x4ce: {  	v40 =	vor.u32 v29, v51;
	v14 =	vor.u32 v29, v45;
	v29 =	vld [tilespmem:$0x1F570]  }
0x4cf: {  	v63 =	vld [tilespmem:$0x1FE80]  }
0x4d0: {  	v37 =	vor.u32 s29, v47  }
0x4d1: {  	v47 =	vor.u32 s25, v47  }
0x4d2: {  	v59 =	vmovc v30;
	v19 =	vor.u32 v23, v51;
	v30 =	vor.u32 v1, v16;
	v34 =	vor.u32 v1, v55;
	v1 =	vld [tilespmem:$0x1F840]  }
0x4d3: {  	v23 =	vor.u32 v23, v45  }
0x4d4: {  	v41 =	vor.u32 v29, v51;
	v36 =	vor.u32 v29, v45;
	v29 =	vld [tilespmem:$0x1F590];
	v9 =	vor.u32 s24, v63  }
0x4d5: {  	v38 =	vor.u32 s26, v63;
	v21 =	vld.idx.msk [tilespmem:v37+s20+$0x0], $0xffff  }
0x4d6: {  	v62 =	vmov v32;
	v32 =	vld.idx.msk [tilespmem:v47+s20+$0x0], $0xffff  }
0x4d7: {  	[tilespmem:v19+s21+$0x0] =	vst.idx.msk $0xffff, v5;
	v47 =	vor.u32 s29, v1;
	v63 =	vor.u32 s25, v1;
	v1 =	vld [tilespmem:$0x1F210]  }
0x4d8: {  	[tilespmem:v23+s21+$0x0] =	vst.idx.msk $0xffff, v22;
	v23 =	vld [tilespmem:$0x1F7C0]  }
0x4d9: {  	v5 =	vld.idx.msk [tilespmem:v9+s20+$0x0], $0xffff  }
0x4da: {  	v19 =	vld.idx.msk [tilespmem:v38+s20+$0x0], $0xffff;
	[tilespmem:v60+s21+$0x0] =	vst.idx.msk $0xffff, v4  }
0x4db: {  	v37 =	vor.u32 v29, v45;
	[tilespmem:v58+s21+$0x0] =	vst.idx.msk $0xffff, v2;
	v58 =	vmov v27;
	v27 =	vld [tilespmem:$0x1F8B0]  }
0x4dc: {  	v9 =	vor.u32 v1, v51;
	v22 =	vor.u32 v1, v45;
	v1 =	vor.u32 v29, v51;
	v29 =	vld [tilespmem:$0x1FCA0]  }
0x4dd: {  	v26 =	vld.idx.msk [tilespmem:v26+s20+$0x0], $0xffff  }
0x4de: {  	v2 =	vld.idx.msk [tilespmem:v28+s20+$0x0], $0xffff;
	v4 =	vor.u32 s24, v23;
	[tilespmem:v30+s21+$0x0] =	vst.idx.msk $0xffff, v21  }
0x4df: {  	v23 =	vor.u32 s26, v23;
	[tilespmem:v34+s21+$0x0] =	vst.idx.msk $0xffff, v32;
	v21 =	vld.idx.msk [tilespmem:v47+s20+$0x0], $0xffff  }
0x4e0: {  	v30 =	vld.idx.msk [tilespmem:v63+s20+$0x0], $0xffff  }
0x4e1: {  	v28 =	vor.u32 v29, v16;
	v32 =	vor.u32 v29, v55;
	v29 =	vld [tilespmem:$0x1FC90];
	[tilespmem:v9+s21+$0x0] =	vst.idx.msk $0xffff, v5  }
0x4e2: {  	v60 =	vmov v25;
	v25 =	vor.u32 s23, v27;
	[tilespmem:v22+s21+$0x0] =	vst.idx.msk $0xffff, v19;
	v19 =	vld [tilespmem:$0x1F220]  }
0x4e3: {  	v27 =	vor.u32 s22, v27;
	v4 =	vld.idx.msk [tilespmem:v4+s20+$0x0], $0xffff  }
0x4e4: {  	v9 =	vld.idx.msk [tilespmem:v23+s20+$0x0], $0xffff  }
0x4e5: {  	[tilespmem:v57+s21+$0x0] =	vst.idx.msk $0xffff, v26;
	v26 =	vld [tilespmem:$0x1FFB0]  }
0x4e6: {  	v23 =	vld [tilespmem:$0x1F7D0]  }
0x4e7: {  	[tilespmem:v61+s21+$0x0] =	vst.idx.msk $0xffff, v2;
	v25 =	vld.idx.msk [tilespmem:v25+s20+$0x0], $0xffff  }
0x4e8: {  	v57 =	vmov v17;
	v17 =	vld.idx.msk [tilespmem:v27+s20+$0x0], $0xffff  }
0x4e9: {  	v47 =	vor.u32 s29, v29;
	[tilespmem:v28+s21+$0x0] =	vst.idx.msk $0xffff, v21;
	v21 =	vld [tilespmem:$0x1F230]  }
0x4ea: {  	[tilespmem:v32+s21+$0x0] =	vst.idx.msk $0xffff, v30;
	v28 =	vor.u32 s23, v26;
	v30 =	vor.u32 s22, v26;
	v26 =	vld [tilespmem:$0x1FF20]  }
0x4eb: {  	v63 =	vor.u32 s25, v29;
	v5 =	vor.u32 v19, v51  }
0x4ec: {  	v19 =	vor.u32 v19, v45  }
0x4ed: {  	v61 =	vmov v13;
	v13 =	vld [tilespmem:$0x1F260];
	v22 =	vor.u32 s24, v23  }
0x4ee: {  	v23 =	vor.u32 s26, v23;
	v27 =	vld.idx.msk [tilespmem:v47+s20+$0x0], $0xffff  }
0x4ef: {  	v2 =	vor.u32 v21, v42;
	v32 =	vor.u32 v26, v16;
	v38 =	vor.u32 v26, v55;
	v26 =	vld [tilespmem:$0x1F8F0]  }
0x4f0: {  	v21 =	vor.u32 v21, v15;
	v34 =	vld.idx.msk [tilespmem:v63+s20+$0x0], $0xffff;
	[tilespmem:v5+s21+$0x0] =	vst.idx.msk $0xffff, v4  }
0x4f1: {  	[tilespmem:v19+s21+$0x0] =	vst.idx.msk $0xffff, v9;
	v19 =	vld [tilespmem:$0x1F7E0]  }
0x4f2: {  	v4 =	vld.idx.msk [tilespmem:v22+s20+$0x0], $0xffff  }
0x4f3: {  	v9 =	vld.idx.msk [tilespmem:v23+s20+$0x0], $0xffff  }
0x4f4: {  	[tilespmem:v2+s21+$0x0] =	vst.idx.msk $0xffff, v25;
	v25 =	vld [tilespmem:$0x1FFC0];
	v47 =	vor.u32 s29, v26  }
0x4f5: {  	[tilespmem:v21+s21+$0x0] =	vst.idx.msk $0xffff, v17;
	v63 =	vor.u32 s25, v26;
	v22 =	vld.idx.msk [tilespmem:v28+s20+$0x0], $0xffff  }
0x4f6: {  	v5 =	vor.u32 v13, v51;
	v13 =	vor.u32 v13, v45;
	v17 =	vld.idx.msk [tilespmem:v30+s20+$0x0], $0xffff  }
0x4f7: {  	v2 =	vor.u32 s24, v19;
	v19 =	vor.u32 s26, v19;
	[tilespmem:v32+s21+$0x0] =	vst.idx.msk $0xffff, v27;
	v30 =	vld [tilespmem:$0x1FB10]  }
0x4f8: {  	[tilespmem:v38+s21+$0x0] =	vst.idx.msk $0xffff, v34;
	v38 =	vld [tilespmem:$0x1F910]  }
0x4f9: {  	v21 =	vld.idx.msk [tilespmem:v47+s20+$0x0], $0xffff  }
0x4fa: {  	v23 =	vor.u32 s23, v25;
	v28 =	vld.idx.msk [tilespmem:v63+s20+$0x0], $0xffff  }
0x4fb: {  	v25 =	vor.u32 s22, v25;
	[tilespmem:v13+s21+$0x0] =	vst.idx.msk $0xffff, v9;
	v9 =	vld [tilespmem:$0x1F290]  }
0x4fc: {  	v27 =	vor.u32 v30, v16;
	[tilespmem:v5+s21+$0x0] =	vst.idx.msk $0xffff, v4;
	v5 =	vld.idx.msk [tilespmem:v19+s20+$0x0], $0xffff  }
0x4fd: {  	v19 =	vld [tilespmem:$0x1FE60]  }
0x4fe: {  	v30 =	vor.u32 v30, v55;
	v2 =	vld.idx.msk [tilespmem:v2+s20+$0x0], $0xffff;
	[tilespmem:v50+s21+$0x0] =	vst.idx.msk $0xffff, v22  }
0x4ff: {  	v47 =	vor.u32 s29, v38;
	[tilespmem:v48+s21+$0x0] =	vst.idx.msk $0xffff, v17;
	v22 =	vld.idx.msk [tilespmem:v23+s20+$0x0], $0xffff  }
0x500: {  	v34 =	vor.u32 s25, v38;
	v50 =	vmov v11;
	v11 =	vld.idx.msk [tilespmem:v25+s20+$0x0], $0xffff;
	v4 =	vor.u32 v9, v51  }
0x501: {  	v9 =	vor.u32 v9, v45;
	[tilespmem:v27+s21+$0x0] =	vst.idx.msk $0xffff, v21;
	v21 =	vld [tilespmem:$0x1FEB0]  }
0x502: {  	v27 =	vld [tilespmem:$0x1FE90];
	v13 =	vor.u32 s24, v19  }
0x503: {  	[tilespmem:v30+s21+$0x0] =	vst.idx.msk $0xffff, v28;
	v30 =	vld [tilespmem:$0x1F940];
	v19 =	vor.u32 s26, v19  }
0x504: {  	v48 =	vmov v12;
	v12 =	vld.idx.msk [tilespmem:v47+s20+$0x0], $0xffff  }
0x505: {  	v25 =	vld.idx.msk [tilespmem:v34+s20+$0x0], $0xffff;
	[tilespmem:v4+s21+$0x0] =	vst.idx.msk $0xffff, v2  }
0x506: {  	v17 =	vor.u32 s23, v21;
	[tilespmem:v9+s21+$0x0] =	vst.idx.msk $0xffff, v5;
	v9 =	vld [tilespmem:$0x1F2C0]  }
0x507: {  	v21 =	vor.u32 s22, v21;
	v23 =	vor.u32 v27, v16;
	v2 =	vld.idx.msk [tilespmem:v13+s20+$0x0], $0xffff  }
0x508: {  	v27 =	vor.u32 v27, v55;
	v5 =	vld.idx.msk [tilespmem:v19+s20+$0x0], $0xffff  }
0x509: {  	v28 =	vor.u32 s29, v30;
	v19 =	vld [tilespmem:$0x1FE50]  }
0x50a: {  	v30 =	vor.u32 s25, v30;
	[tilespmem:v54+s21+$0x0] =	vst.idx.msk $0xffff, v22;
	v22 =	vld [tilespmem:$0x1F8C0]  }
0x50b: {  	[tilespmem:v53+s21+$0x0] =	vst.idx.msk $0xffff, v11;
	v17 =	vld.idx.msk [tilespmem:v17+s20+$0x0], $0xffff  }
0x50c: {  	v4 =	vor.u32 v9, v51;
	[tilespmem:v23+s21+$0x0] =	vst.idx.msk $0xffff, v12;
	v11 =	vld.idx.msk [tilespmem:v21+s20+$0x0], $0xffff  }
0x50d: {  	v9 =	vor.u32 v9, v45;
	[tilespmem:v27+s21+$0x0] =	vst.idx.msk $0xffff, v25;
	v27 =	vld [tilespmem:$0x1F960]  }
0x50e: {  	v13 =	vor.u32 s24, v19;
	v12 =	vld.idx.msk [tilespmem:v28+s20+$0x0], $0xffff  }
0x50f: {  	v19 =	vor.u32 s26, v19;
	v25 =	vld.idx.msk [tilespmem:v30+s20+$0x0], $0xffff  }
0x510: {  	v28 =	vld [tilespmem:$0x1F980]  }
0x511: {  	v21 =	vor.u32 s23, v22;
	v30 =	vld [tilespmem:$0x1F2E0];
	[tilespmem:v4+s21+$0x0] =	vst.idx.msk $0xffff, v2  }
0x512: {  	v22 =	vor.u32 s22, v22;
	[tilespmem:v9+s21+$0x0] =	vst.idx.msk $0xffff, v5;
	v5 =	vld [tilespmem:$0x1F2D0]  }
0x513: {  	v2 =	vld.idx.msk [tilespmem:v13+s20+$0x0], $0xffff  }
0x514: {  	v23 =	vor.u32 v27, v16;
	v9 =	vld.idx.msk [tilespmem:v19+s20+$0x0], $0xffff  }
0x515: {  	[tilespmem:v52+s21+$0x0] =	vst.idx.msk $0xffff, v17;
	v52 =	vld [tilespmem:$0x1FFF0]  }
0x516: {  	v54 =	vmov v10;
	v27 =	vor.u32 v27, v55;
	v10 =	vor.u32 s29, v28;
	[tilespmem:v49+s21+$0x0] =	vst.idx.msk $0xffff, v11;
	v21 =	vld.idx.msk [tilespmem:v21+s20+$0x0], $0xffff  }
0x517: {  	v28 =	vor.u32 s25, v28;
	v11 =	vld.idx.msk [tilespmem:v22+s20+$0x0], $0xffff  }
0x518: {  	v53 =	vmov v8;
	v8 =	vor.u32 v5, v51;
	v13 =	vor.u32 v5, v45;
	v5 =	vld [tilespmem:$0x1FF40]  }
0x519: {  	[tilespmem:v23+s21+$0x0] =	vst.idx.msk $0xffff, v12;
	v23 =	vld [tilespmem:$0x1FFD0]  }
0x51a: {  	v4 =	vor.u32 v30, v42;
	v12 =	vor.u32 v30, v15;
	v30 =	vld [tilespmem:$0x1FBD0]  }
0x51b: {  	[tilespmem:v27+s21+$0x0] =	vst.idx.msk $0xffff, v25;
	v10 =	vld.idx.msk [tilespmem:v10+s20+$0x0], $0xffff  }
0x51c: {  	v27 =	vld.idx.msk [tilespmem:v28+s20+$0x0], $0xffff  }
0x51d: {  	v17 =	vor.u32 s24, v5;
	[tilespmem:v8+s21+$0x0] =	vst.idx.msk $0xffff, v2;
	v8 =	vld [tilespmem:$0x1F310]  }
0x51e: {  	v19 =	vor.u32 s26, v5;
	[tilespmem:v13+s21+$0x0] =	vst.idx.msk $0xffff, v9;
	v9 =	vld [tilespmem:$0x1F7F0]  }
0x51f: {  	v22 =	vor.u32 s23, v23  }
0x520: {  	v23 =	vor.u32 s22, v23;
	v25 =	vor.u32 v30, v16  }
0x521: {  	v28 =	vor.u32 v30, v55  }
0x522: {  	v32 =	vor.u32 s25, v52;
	v30 =	vor.u32 s29, v52;
	v52 =	vmovc v6;
	v2 =	vld.idx.msk [tilespmem:v17+s20+$0x0], $0xffff;
	v6 =	vor.u32 v8, v51  }
0x523: {  	v49 =	vmov v7;
	v7 =	vld.idx.msk [tilespmem:v19+s20+$0x0], $0xffff;
	[tilespmem:v4+s21+$0x0] =	vst.idx.msk $0xffff, v21;
	v4 =	vor.u32 s24, v9  }
0x524: {  	[tilespmem:v12+s21+$0x0] =	vst.idx.msk $0xffff, v11;
	v13 =	vld.idx.msk [tilespmem:v22+s20+$0x0], $0xffff  }
0x525: {  	[tilespmem:v25+s21+$0x0] =	vst.idx.msk $0xffff, v10;
	v10 =	vld.idx.msk [tilespmem:v23+s20+$0x0], $0xffff  }
0x526: {  	[tilespmem:v28+s21+$0x0] =	vst.idx.msk $0xffff, v27;
	v27 =	vld [tilespmem:$0x1F6E0]  }
0x527: {  	v8 =	vor.u32 v8, v45;
	v11 =	vld.idx.msk [tilespmem:v30+s20+$0x0], $0xffff;
	[tilespmem:v6+s21+$0x0] =	vst.idx.msk $0xffff, v2  }
0x528: {  	v9 =	vor.u32 s26, v9;
	v2 =	vld.idx.msk [tilespmem:v4+s20+$0x0], $0xffff  }
0x529: {  	v4 =	vld [tilespmem:$0x1F900];
	_ =	sdelay $0x1  }
0x52a: {  	v17 =	vld [tilespmem:$0x1FFE0]  }
0x52b: {  	v21 =	vld.idx.msk [tilespmem:v32+s20+$0x0], $0xffff;
	[tilespmem:v8+s21+$0x0] =	vst.idx.msk $0xffff, v7  }
0x52c: {  	v8 =	vld.idx.msk [tilespmem:v9+s20+$0x0], $0xffff;
	v9 =	vor.u32 v27, v45  }
0x52d: {  	v7 =	vor.u32 s23, v4;
	v6 =	vor.u32 s22, v4;
	v4 =	vor.u32 v27, v51;
	v27 =	vld [tilespmem:$0x1F530]  }
0x52e: {  	v22 =	vld [tilespmem:$0x1FC30]  }
0x52f: {  	[tilespmem:v20+s21+$0x0] =	vst.idx.msk $0xffff, v10;
	v20 =	vld [tilespmem:$0x1F8E0];
	_ =	sdelay $0x2  }
0x530: {  	v25 =	vld [tilespmem:$0x1F6F0];
	v12 =	vor.u32 s23, v17  }
0x531: {  	v17 =	vor.u32 s22, v17;
	v19 =	vor.u32 v22, v16  }
0x532: {  	v28 =	vmovc v0;
	v22 =	vor.u32 v22, v55;
	v10 =	vor.u32 s22, v20;
	v0 =	vor.u32 s23, v20;
	v20 =	vld [tilespmem:$0x1F8D0]  }
0x533: {  	[tilespmem:v27+s21+$0x0] =	vst.idx.msk $0xffff, v13;
	v27 =	vld [tilespmem:$0x1F800];
	_ =	sdelay $0x1  }
0x534: {  	v23 =	vor.u32 s29, v25;
	v12 =	vld.idx.msk [tilespmem:v12+s20+$0x0], $0xffff  }
0x535: {  	v25 =	vor.u32 s25, v25;
	[tilespmem:v19+s21+$0x0] =	vst.idx.msk $0xffff, v11;
	v11 =	vld.idx.msk [tilespmem:v17+s20+$0x0], $0xffff  }
0x536: {  	[tilespmem:v22+s21+$0x0] =	vst.idx.msk $0xffff, v21;
	v21 =	vor.u32 s23, v20;
	v22 =	vor.u32 s22, v20;
	v20 =	vld [tilespmem:$0x1F340]  }
0x537: {  	v13 =	vor.u32 s24, v27;
	v27 =	vor.u32 s26, v27;
	_ =	sdelay $0x1  }
0x538: {  	v19 =	vld.idx.msk [tilespmem:v23+s20+$0x0], $0xffff  }
0x539: {  	[tilespmem:$0x1F530] =	vst v28;
	v25 =	vld.idx.msk [tilespmem:v25+s20+$0x0], $0xffff  }
0x53a: {  	[tilespmem:v9+s21+$0x0] =	vst.idx.msk $0xffff, v8;
	v23 =	vor.u32 v20, v16;
	v28 =	vor.u32 v20, v55;
	v20 =	vld [tilespmem:$0x1F700]  }
0x53b: {  	v8 =	vld.idx.msk [tilespmem:v27+s20+$0x0], $0xffff  }
0x53c: {  	v27 =	vld [tilespmem:$0x1F810];
	_ =	sdelay $0x1  }
0x53d: {  	[tilespmem:v4+s21+$0x0] =	vst.idx.msk $0xffff, v2;
	v9 =	vld [tilespmem:$0x1F370]  }
0x53e: {  	v2 =	vld.idx.msk [tilespmem:v13+s20+$0x0], $0xffff;
	v30 =	vor.u32 s29, v20  }
0x53f: {  	[tilespmem:v39+s21+$0x0] =	vst.idx.msk $0xffff, v12;
	v39 =	vld [tilespmem:$0x1F120];
	v32 =	vor.u32 s25, v20  }
0x540: {  	[tilespmem:v18+s21+$0x0] =	vst.idx.msk $0xffff, v11;
	v12 =	vor.u32 s24, v27;
	v11 =	vor.u32 s26, v27;
	v27 =	vld [tilespmem:$0x1F390]  }
0x541: {  	v13 =	vld.idx.msk [tilespmem:v21+s20+$0x0], $0xffff  }
0x542: {  	[tilespmem:v23+s21+$0x0] =	vst.idx.msk $0xffff, v19;
	v21 =	vld.idx.msk [tilespmem:v22+s20+$0x0], $0xffff  }
0x543: {  	[tilespmem:v28+s21+$0x0] =	vst.idx.msk $0xffff, v25;
	v23 =	vld.idx.msk [tilespmem:v30+s20+$0x0], $0xffff  }
0x544: {  	v4 =	vor.u32 v9, v51;
	v9 =	vor.u32 v9, v45;
	v30 =	vld.idx.msk [tilespmem:v32+s20+$0x0], $0xffff;
	v32 =	vor.u32 v39, v55  }
0x545: {  	v22 =	vor.u32 v27, v15;
	v25 =	vor.u32 v27, v42;
	v27 =	vor.u32 v39, v16;
	v39 =	vmovc v40;
	v40 =	vld [tilespmem:$0x1F820]  }
0x546: {  	v34 =	vld [tilespmem:$0x1FF60]  }
0x547: {  	v18 =	vld [tilespmem:$0x1FF30];
	_ =	sdelay $0x1  }
0x548: {  	v20 =	vmov v43;
	v43 =	vld [tilespmem:$0x1FCB0];
	[tilespmem:v4+s21+$0x0] =	vst.idx.msk $0xffff, v2  }
0x549: {  	[tilespmem:v9+s21+$0x0] =	vst.idx.msk $0xffff, v8;
	v4 =	vor.u32 s24, v40;
	v8 =	vor.u32 s26, v40;
	v40 =	vld [tilespmem:$0x1F560]  }
0x54a: {  	v2 =	vld.idx.msk [tilespmem:v12+s20+$0x0], $0xffff  }
0x54b: {  	v17 =	vor.u32 s22, v34;
	v28 =	vor.u32 s26, v18;
	v12 =	vor.u32 s24, v18;
	v18 =	vmovc v14;
	v14 =	vld [tilespmem:$0x1F380];
	_ =	sdelay $0x1  }
0x54c: {  	v19 =	vor.u32 s23, v34;
	_ =	sdelay $0x1  }
0x54d: {  	v34 =	vor.u32 s29, v43;
	v43 =	vor.u32 s25, v43;
	v11 =	vld.idx.msk [tilespmem:v11+s20+$0x0], $0xffff;
	[tilespmem:v46+s21+$0x0] =	vst.idx.msk $0xffff, v21  }
0x54e: {  	v17 =	vld.idx.msk [tilespmem:v17+s20+$0x0], $0xffff;
	[tilespmem:v32+s21+$0x0] =	vst.idx.msk $0xffff, v30;
	v9 =	vor.u32 v14, v51;
	v14 =	vor.u32 v14, v45  }
0x54f: {  	v30 =	vld [tilespmem:$0x1F750];
	[tilespmem:v40+s21+$0x0] =	vst.idx.msk $0xffff, v13  }
0x550: {  	v13 =	vld.idx.msk [tilespmem:v19+s20+$0x0], $0xffff  }
0x551: {  	[tilespmem:v27+s21+$0x0] =	vst.idx.msk $0xffff, v23;
	v27 =	vld [tilespmem:$0x1F3A0]  }
0x552: {  	v23 =	vld.idx.msk [tilespmem:v43+s20+$0x0], $0xffff  }
0x553: {  	[tilespmem:v14+s21+$0x0] =	vst.idx.msk $0xffff, v11;
	v14 =	vld [tilespmem:$0x1F3D0];
	_ =	sdelay $0x1  }
0x554: {  	v19 =	vld.idx.msk [tilespmem:v34+s20+$0x0], $0xffff  }
0x555: {  	[tilespmem:v9+s21+$0x0] =	vst.idx.msk $0xffff, v2;
	v9 =	vld [tilespmem:$0x1F830];
	v21 =	vor.u32 v27, v16  }
0x556: {  	v34 =	vor.u32 s29, v30;
	v2 =	vmov v41;
	v8 =	vld.idx.msk [tilespmem:v8+s20+$0x0], $0xffff  }
0x557: {  	[tilespmem:$0x1F560] =	vst v2;
	v2 =	vld.idx.msk [tilespmem:v4+s20+$0x0], $0xffff;
	v11 =	vor.u32 v14, v51  }
0x558: {  	[tilespmem:v22+s21+$0x0] =	vst.idx.msk $0xffff, v17;
	v22 =	vld [tilespmem:$0x1F3E0]  }
0x559: {  	v17 =	vcombine.low v56, v24;
	v24 =	vld [tilespmem:$0x1F760];
	v27 =	vor.u32 v27, v55;
	[tilespmem:v25+s21+$0x0] =	vst.idx.msk $0xffff, v13  }
0x55a: {  	v40 =	vor.u32 s25, v30;
	v14 =	vor.u32 v14, v45;
	v0 =	vld.idx.msk [tilespmem:v0+s20+$0x0], $0xffff;
	[tilespmem:v21+s21+$0x0] =	vst.idx.msk $0xffff, v19  }
0x55b: {  	v4 =	vor.u32 s24, v9;
	v9 =	vor.u32 s26, v9;
	v13 =	vld.idx.msk [tilespmem:v34+s20+$0x0], $0xffff  }
0x55c: {  	[tilespmem:v11+s21+$0x0] =	vst.idx.msk $0xffff, v2;
	v2 =	vld [tilespmem:$0x1F3F0]  }
0x55d: {  	v11 =	vld [tilespmem:$0x1F410]  }
0x55e: {  	v10 =	vld.idx.msk [tilespmem:v10+s20+$0x0], $0xffff;
	[tilespmem:v27+s21+$0x0] =	vst.idx.msk $0xffff, v23  }
0x55f: {  	v21 =	vld.idx.msk [tilespmem:v40+s20+$0x0], $0xffff;
	[tilespmem:v14+s21+$0x0] =	vst.idx.msk $0xffff, v8  }
0x560: {  	v8 =	vld.idx.msk [tilespmem:v9+s20+$0x0], $0xffff  }
0x561: {  	v43 =	vor.u32 s25, v24;
	v23 =	vor.u32 s29, v24;
	v24 =	vmov v2;
	v2 =	vld.idx.msk [tilespmem:v4+s20+$0x0], $0xffff  }
0x562: {  	v4 =	vor.u32 v11, v51;
	v9 =	vor.u32 v11, v45;
	v11 =	vld [tilespmem:$0x1F580];
	_ =	sdelay $0x4  }
0x563: {  	v19 =	vor.u32 v22, v16;
	_ =	sdelay $0x2  }
0x564: {  	[tilespmem:v11+s21+$0x0] =	vst.idx.msk $0xffff, v0;
	v11 =	vld [tilespmem:$0x1F5A0]  }
0x565: {  	v7 =	vld.idx.msk [tilespmem:v7+s20+$0x0], $0xffff  }
0x566: {  	[tilespmem:v19+s21+$0x0] =	vst.idx.msk $0xffff, v13;
	v13 =	vld [tilespmem:$0x1F920]  }
0x567: {  	v29 =	vld [tilespmem:$0x1F670]  }
0x568: {  	v47 =	vld [tilespmem:$0x1F680]  }
0x569: {  	v46 =	vld [tilespmem:$0x1F5E0]  }
0x56a: {  	v56 =	vld [tilespmem:$0x1F600]  }
0x56b: {  	v22 =	vor.u32 v22, v55;
	v14 =	vor.u32 s23, v13;
	v19 =	vor.u32 s22, v13;
	v13 =	vld [tilespmem:$0x1F420]  }
0x56c: {  	v41 =	vld [tilespmem:$0x1F770]  }
0x56d: {  	[tilespmem:v11+s21+$0x0] =	vst.idx.msk $0xffff, v10;
	v11 =	vld.idx.msk [tilespmem:v23+s20+$0x0], $0xffff  }
0x56e: {  	[tilespmem:v4+s21+$0x0] =	vst.idx.msk $0xffff, v2;
	v6 =	vld.idx.msk [tilespmem:v6+s20+$0x0], $0xffff  }
0x56f: {  	v10 =	vor.u32 v17, v42;
	v2 =	vmov v1;
	v1 =	vld.idx.msk [tilespmem:v12+s20+$0x0], $0xffff  }
0x570: {  	[tilespmem:v22+s21+$0x0] =	vst.idx.msk $0xffff, v21;
	v21 =	vor.u32 v13, v16;
	v23 =	vor.u32 v13, v55;
	v13 =	vld [tilespmem:$0x1FF70]  }
0x571: {  	v0 =	vor.u32 v17, v15;
	v22 =	vld.idx.msk [tilespmem:v43+s20+$0x0], $0xffff  }
0x572: {  	[tilespmem:v9+s21+$0x0] =	vst.idx.msk $0xffff, v8;
	v8 =	vld [tilespmem:$0x1F450]  }
0x573: {  	v9 =	vld [tilespmem:$0x1FEF0]  }
0x574: {  	v4 =	vld.idx.msk [tilespmem:v28+s20+$0x0], $0xffff;
	[tilespmem:v10+s21+$0x0] =	vst.idx.msk $0xffff, v7  }
0x575: {  	v10 =	vld.idx.msk [tilespmem:v14+s20+$0x0], $0xffff;
	v34 =	vor.u32 s29, v13  }
0x576: {  	[tilespmem:v0+s21+$0x0] =	vst.idx.msk $0xffff, v6;
	v14 =	vld [tilespmem:$0x1F930];
	v43 =	vor.u32 s25, v13  }
0x577: {  	[tilespmem:$0x1F580] =	vst v2;
	v2 =	vor.u32 v8, v51;
	v6 =	vld.idx.msk [tilespmem:v19+s20+$0x0], $0xffff  }
0x578: {  	v7 =	vor.u32 s24, v9;
	v19 =	vld [tilespmem:$0x1F400];
	[tilespmem:v21+s21+$0x0] =	vst.idx.msk $0xffff, v11  }
0x579: {  	v0 =	vor.u32 v44, v42;
	v11 =	vmov v37;
	[tilespmem:v23+s21+$0x0] =	vst.idx.msk $0xffff, v22;
	v22 =	vld [tilespmem:$0x1F460]  }
0x57a: {  	[tilespmem:$0x1F5A0] =	vst v11;
	v11 =	vld.idx.msk [tilespmem:v34+s20+$0x0], $0xffff  }
0x57b: {  	v21 =	vld.idx.msk [tilespmem:v43+s20+$0x0], $0xffff  }
0x57c: {  	v8 =	vor.u32 v8, v45;
	[tilespmem:v2+s21+$0x0] =	vst.idx.msk $0xffff, v1;
	v43 =	vld [tilespmem:$0x1F470]  }
0x57d: {  	v9 =	vor.u32 s26, v9;
	v1 =	vld.idx.msk [tilespmem:v7+s20+$0x0], $0xffff  }
0x57e: {  	v12 =	vor.u32 s23, v14;
	[tilespmem:v0+s21+$0x0] =	vst.idx.msk $0xffff, v10;
	v10 =	vld [tilespmem:$0x1F5C0]  }
0x57f: {  	v26 =	vor.u32 v29, v45;
	v40 =	vld [tilespmem:$0x1F480];
	v17 =	vor.u32 v56, v16  }
0x580: {  	v44 =	vmovc v29;
	v29 =	vld [tilespmem:$0x1F620];
	v13 =	vor.u32 v56, v55;
	v56 =	vmov v19;
	v19 =	vor.u32 v22, v16  }
0x581: {  	v28 =	vor.u32 s29, v41;
	[tilespmem:v8+s21+$0x0] =	vst.idx.msk $0xffff, v4;
	v7 =	vld [tilespmem:$0x1FF00]  }
0x582: {  	v14 =	vor.u32 s22, v14;
	v9 =	vld.idx.msk [tilespmem:v9+s20+$0x0], $0xffff  }
0x583: {  	v0 =	vld.idx.msk [tilespmem:v12+s20+$0x0], $0xffff;
	v8 =	vor.u32 v43, v51  }
0x584: {  	v22 =	vor.u32 v22, v55;
	v12 =	vld [tilespmem:$0x1F490]  }
0x585: {  	[tilespmem:v19+s21+$0x0] =	vst.idx.msk $0xffff, v11;
	v11 =	vld [tilespmem:$0x1F950]  }
0x586: {  	v34 =	vor.u32 s25, v41;
	[tilespmem:v10+s21+$0x0] =	vst.idx.msk $0xffff, v6;
	v10 =	vld.idx.msk [tilespmem:v28+s20+$0x0], $0xffff  }
0x587: {  	v32 =	vor.u32 v46, v16;
	v30 =	vor.u32 v46, v55;
	v2 =	vor.u32 s24, v7;
	v6 =	vld.idx.msk [tilespmem:v14+s20+$0x0], $0xffff  }
0x588: {  	v46 =	vmov v36;
	v23 =	vor.u32 v40, v42;
	v36 =	vor.u32 v43, v45;
	[tilespmem:v8+s21+$0x0] =	vst.idx.msk $0xffff, v1;
	v8 =	vld [tilespmem:$0x1F850]  }
0x589: {  	v28 =	vor.u32 v12, v55;
	[tilespmem:v22+s21+$0x0] =	vst.idx.msk $0xffff, v21;
	v21 =	vor.u32 v12, v16;
	v12 =	vld [tilespmem:$0x1F780]  }
0x58a: {  	v4 =	vor.u32 s26, v7;
	v7 =	vor.u32 v40, v15;
	v40 =	vld [tilespmem:$0x1F4C0]  }
0x58b: {  	v14 =	vor.u32 s23, v11;
	v1 =	vmov v26;
	v22 =	vld.idx.msk [tilespmem:v34+s20+$0x0], $0xffff  }
0x58c: {  	v19 =	vor.u32 s22, v11;
	[tilespmem:$0x1F5C0] =	vst v1;
	v1 =	vld.idx.msk [tilespmem:v2+s20+$0x0], $0xffff  }
0x58d: {  	[tilespmem:v36+s21+$0x0] =	vst.idx.msk $0xffff, v9;
	v26 =	vor.u32 s24, v8;
	v9 =	vor.u32 s26, v8;
	v8 =	vld [tilespmem:$0x1F970]  }
0x58e: {  	[tilespmem:v23+s21+$0x0] =	vst.idx.msk $0xffff, v0;
	v0 =	vld [tilespmem:$0x1F690];
	v34 =	vor.u32 s29, v12  }
0x58f: {  	v2 =	vor.u32 v40, v51;
	v4 =	vld.idx.msk [tilespmem:v4+s20+$0x0], $0xffff;
	v37 =	vor.u32 s25, v12  }
0x590: {  	v40 =	vor.u32 v40, v45;
	v14 =	vld.idx.msk [tilespmem:v14+s20+$0x0], $0xffff;
	[tilespmem:v7+s21+$0x0] =	vst.idx.msk $0xffff, v6  }
0x591: {  	v6 =	vld.idx.msk [tilespmem:v19+s20+$0x0], $0xffff  }
0x592: {  	[tilespmem:v21+s21+$0x0] =	vst.idx.msk $0xffff, v10;
	v19 =	vor.u32 s23, v8;
	v21 =	vor.u32 s22, v8;
	v8 =	vld [tilespmem:$0x1F130]  }
0x593: {  	v0 =	vor.u32 v0, v15;
	[tilespmem:v28+s21+$0x0] =	vst.idx.msk $0xffff, v22;
	v7 =	vld.idx.msk [tilespmem:v34+s20+$0x0], $0xffff  }
0x594: {  	v23 =	vld.idx.msk [tilespmem:v37+s20+$0x0], $0xffff;
	[tilespmem:v2+s21+$0x0] =	vst.idx.msk $0xffff, v1  }
0x595: {  	v38 =	vor.u32 v47, v51;
	v1 =	vmov v47;
	[tilespmem:v40+s21+$0x0] =	vst.idx.msk $0xffff, v4;
	v47 =	vld [tilespmem:$0x1F520]  }
0x596: {  	[tilespmem:$0x1F690] =	vst v1;
	v1 =	vld.idx.msk [tilespmem:v26+s20+$0x0], $0xffff  }
0x597: {  	v9 =	vld.idx.msk [tilespmem:v9+s20+$0x0], $0xffff;
	v22 =	vor.u32 v8, v16  }
0x598: {  	[tilespmem:v0+s21+$0x0] =	vst.idx.msk $0xffff, v6;
	v0 =	vld [tilespmem:$0x1F990];
	v28 =	vor.u32 v8, v55  }
0x599: {  	v26 =	vld [tilespmem:$0x1F860]  }
0x59a: {  	[tilespmem:v3+s21+$0x0] =	vst.idx.msk $0xffff, v14;
	v8 =	vld [tilespmem:$0x1F790]  }
0x59b: {  	v14 =	vld.idx.msk [tilespmem:v19+s20+$0x0], $0xffff  }
0x59c: {  	v19 =	vld.idx.msk [tilespmem:v21+s20+$0x0], $0xffff;
	[tilespmem:v22+s21+$0x0] =	vst.idx.msk $0xffff, v7  }
0x59d: {  	[tilespmem:v28+s21+$0x0] =	vst.idx.msk $0xffff, v23;
	v22 =	vor.u32 s23, v0;
	v23 =	vor.u32 s22, v0;
	v0 =	vld [tilespmem:$0x1F5B0]  }
0x59e: {  	v3 =	vld [tilespmem:$0x1F640]  }
0x59f: {  	v5 =	vld [tilespmem:$0x1F5D0];
	v11 =	vor.u32 v29, v16;
	v41 =	vor.u32 s29, v8  }
0x5a0: {  	v27 =	vld [tilespmem:$0x1F5F0];
	v2 =	vor.u32 s24, v26;
	v4 =	vor.u32 s26, v26;
	v26 =	vor.u32 v47, v51  }
0x5a1: {  	v12 =	vor.u32 v29, v55;
	v29 =	vld [tilespmem:$0x1F630];
	v36 =	vor.u32 v47, v45;
	v43 =	vor.u32 s25, v8  }
0x5a2: {  	v28 =	vor.u32 v0, v16;
	v37 =	vor.u32 v0, v55;
	v0 =	vld [tilespmem:$0x1FF90]  }
0x5a3: {  	v6 =	vor.u32 v3, v16;
	v7 =	vor.u32 v3, v55;
	v3 =	vld [tilespmem:$0x1F110]  }
0x5a4: {  	v21 =	vld.idx.msk [tilespmem:v41+s20+$0x0], $0xffff  }
0x5a5: {  	[tilespmem:v26+s21+$0x0] =	vst.idx.msk $0xffff, v1;
	v1 =	vld [tilespmem:$0x1F610]  }
0x5a6: {  	s23 =	smov.u32 s24;
	s24 =	smov.u32 s29;
	v34 =	vld.idx.msk [tilespmem:v43+s20+$0x0], $0xffff;
	[tilespmem:v36+s21+$0x0] =	vst.idx.msk $0xffff, v9  }
0x5a7: {  	v40 =	vor.u32 s24, v0;
	v41 =	vor.u32 s25, v0;
	v0 =	vld.idx.msk [tilespmem:v4+s20+$0x0], $0xffff  }
0x5a8: {  	v4 =	vld [tilespmem:$0x1F870]  }
0x5a9: {  	v2 =	vld.idx.msk [tilespmem:v2+s20+$0x0], $0xffff;
	[tilespmem:v31+s21+$0x0] =	vst.idx.msk $0xffff, v14  }
0x5aa: {  	v9 =	vld [tilespmem:$0x1F660];
	v47 =	vor.u32 v1, v51;
	v26 =	vor.u32 v1, v45;
	v1 =	vcombine.low v35, v33  }
0x5ab: {  	v31 =	vld.idx.msk [tilespmem:v22+s20+$0x0], $0xffff  }
0x5ac: {  	s28 =	sadd.s32 $0x2, s28;
	s22 =	smov.u32 s26;
	[tilespmem:v28+s21+$0x0] =	vst.idx.msk $0xffff, v21;
	v28 =	vor.u32 v1, v42;
	v15 =	vor.u32 v1, v15;
	v1 =	vld [tilespmem:$0x1F650]  }
0x5ad: {  	p2 =	slt.u32 s28, $0x6;
	v63 =	vor.u32 v5, v45;
	v36 =	vor.u32 s23, v4;
	v35 =	vor.u32 s22, v4;
	v4 =	vld [tilespmem:$0x1FF50]  }
.Ltmp6:
0x5ae: {  	v5 =	vor.u32 v5, v51;
	v25 =	vor.u32 v27, v16;
	v27 =	vor.u32 v27, v55;
	(pc) =	sbr.rel @p2 .LBB2_4-.Ltmp6, $4  }
0x5af: {  	v10 =	vor.u32 v29, v16;
	v8 =	vor.u32 v29, v55;
	[tilespmem:v3+s21+$0x0] =	vst.idx.msk $0xffff, v19  }
0x5b0: {  	v29 =	vmov v38;
	v14 =	vor.u32 v9, v45;
	v33 =	vld.idx.msk [tilespmem:v23+s20+$0x0], $0xffff;
	[tilespmem:v37+s21+$0x0] =	vst.idx.msk $0xffff, v34  }
0x5b1: {  	v42 =	vmovc v51;
	v51 =	vmov v16;
	v40 =	vld.idx.msk [tilespmem:v40+s20+$0x0], $0xffff;
	v43 =	vor.u32 v1, v16;
	v37 =	vor.u32 v1, v55  }
0x5b2: {  	s26 =	smov.u32 s25;
	v41 =	vld.idx.msk [tilespmem:v41+s20+$0x0], $0xffff;
	[tilespmem:v47+s21+$0x0] =	vst.idx.msk $0xffff, v2;
	v1 =	vor.u32 v9, v42;
	v3 =	vor.u32 s24, v4;
	v38 =	vor.u32 s25, v4  }
0x5b3: {  	_ =	sdelay $0x3  }
0x5b4: {  	[tilespmem:v43+s21+$0x0] =	vst.idx.msk $0xffff, v40  }
0x5b5: {  	[tilespmem:v37+s21+$0x0] =	vst.idx.msk $0xffff, v41  }
0x5b6: {  	v4 =	vld [tilespmem:$0x1F140];
	_ =	sdelay $0x3  }
0x5b7: {  	v2 =	vld.idx.msk [tilespmem:v3+s20+$0x0], $0xffff  }
0x5b8: {  	v19 =	vld [tilespmem:$0x1F7A0];
	v3 =	vor.u32 v4, v51  }
0x5b9: {  	v9 =	vld.idx.msk [tilespmem:v38+s20+$0x0], $0xffff;
	v4 =	vor.u32 v4, v55;
	_ =	sdelay $0x3  }
0x5ba: {  	v16 =	vor.u32 s24, v19;
	[tilespmem:v3+s21+$0x0] =	vst.idx.msk $0xffff, v2  }
0x5bb: {  	v19 =	vor.u32 s26, v19;
	[tilespmem:v4+s21+$0x0] =	vst.idx.msk $0xffff, v9  }
0x5bc: {  	v9 =	vld [tilespmem:$0x1F170];
	_ =	sdelay $0x2  }
0x5bd: {  	v2 =	vld.idx.msk [tilespmem:v16+s20+$0x0], $0xffff  }
0x5be: {  	v4 =	vld.idx.msk [tilespmem:v19+s20+$0x0], $0xffff  }
0x5bf: {  	v19 =	vld [tilespmem:$0x1F7B0];
	v3 =	vor.u32 v9, v51  }
0x5c0: {  	v9 =	vor.u32 v9, v55;
	_ =	sdelay $0x3  }
0x5c1: {  	v16 =	vor.u32 s24, v19;
	[tilespmem:v3+s21+$0x0] =	vst.idx.msk $0xffff, v2  }
0x5c2: {  	v19 =	vor.u32 s26, v19;
	[tilespmem:v9+s21+$0x0] =	vst.idx.msk $0xffff, v4  }
0x5c3: {  	v9 =	vld [tilespmem:$0x1F1B0];
	_ =	sdelay $0x2  }
0x5c4: {  	v2 =	vld.idx.msk [tilespmem:v16+s20+$0x0], $0xffff  }
0x5c5: {  	v4 =	vld.idx.msk [tilespmem:v19+s20+$0x0], $0xffff  }
0x5c6: {  	v19 =	vld [tilespmem:$0x1FE70];
	v3 =	vor.u32 v9, v51  }
0x5c7: {  	v9 =	vor.u32 v9, v55;
	_ =	sdelay $0x3  }
0x5c8: {  	v16 =	vor.u32 s24, v19;
	[tilespmem:v3+s21+$0x0] =	vst.idx.msk $0xffff, v2  }
0x5c9: {  	v19 =	vor.u32 s26, v19;
	[tilespmem:v9+s21+$0x0] =	vst.idx.msk $0xffff, v4  }
0x5ca: {  	v9 =	vld [tilespmem:$0x1F1E0];
	_ =	sdelay $0x2  }
0x5cb: {  	v2 =	vld.idx.msk [tilespmem:v16+s20+$0x0], $0xffff  }
0x5cc: {  	v4 =	vld.idx.msk [tilespmem:v19+s20+$0x0], $0xffff  }
0x5cd: {  	v19 =	vld [tilespmem:$0x1FE80];
	v3 =	vor.u32 v9, v51  }
0x5ce: {  	v9 =	vor.u32 v9, v55;
	_ =	sdelay $0x3  }
0x5cf: {  	v16 =	vor.u32 s24, v19;
	[tilespmem:v3+s21+$0x0] =	vst.idx.msk $0xffff, v2  }
0x5d0: {  	v19 =	vor.u32 s26, v19;
	[tilespmem:v9+s21+$0x0] =	vst.idx.msk $0xffff, v4  }
0x5d1: {  	v9 =	vld [tilespmem:$0x1F210];
	_ =	sdelay $0x2  }
0x5d2: {  	v2 =	vld.idx.msk [tilespmem:v16+s20+$0x0], $0xffff  }
0x5d3: {  	v4 =	vld.idx.msk [tilespmem:v19+s20+$0x0], $0xffff  }
0x5d4: {  	v19 =	vld [tilespmem:$0x1F7C0];
	v3 =	vor.u32 v9, v51  }
0x5d5: {  	v9 =	vor.u32 v9, v55;
	_ =	sdelay $0x3  }
0x5d6: {  	v16 =	vor.u32 s24, v19;
	[tilespmem:v3+s21+$0x0] =	vst.idx.msk $0xffff, v2  }
0x5d7: {  	v19 =	vor.u32 s26, v19;
	[tilespmem:v9+s21+$0x0] =	vst.idx.msk $0xffff, v4  }
0x5d8: {  	v9 =	vld [tilespmem:$0x1F220];
	_ =	sdelay $0x2  }
0x5d9: {  	v2 =	vld.idx.msk [tilespmem:v16+s20+$0x0], $0xffff  }
0x5da: {  	v4 =	vld.idx.msk [tilespmem:v19+s20+$0x0], $0xffff  }
0x5db: {  	v19 =	vld [tilespmem:$0x1F7D0];
	v3 =	vor.u32 v9, v51  }
0x5dc: {  	v9 =	vor.u32 v9, v55;
	_ =	sdelay $0x3  }
0x5dd: {  	v16 =	vor.u32 s24, v19;
	[tilespmem:v3+s21+$0x0] =	vst.idx.msk $0xffff, v2  }
0x5de: {  	v19 =	vor.u32 s26, v19;
	[tilespmem:v9+s21+$0x0] =	vst.idx.msk $0xffff, v4  }
0x5df: {  	v9 =	vld [tilespmem:$0x1F260];
	_ =	sdelay $0x2  }
0x5e0: {  	v2 =	vld.idx.msk [tilespmem:v16+s20+$0x0], $0xffff  }
0x5e1: {  	v4 =	vld.idx.msk [tilespmem:v19+s20+$0x0], $0xffff  }
0x5e2: {  	v19 =	vld [tilespmem:$0x1F7E0];
	v3 =	vor.u32 v9, v51  }
0x5e3: {  	v9 =	vor.u32 v9, v55;
	_ =	sdelay $0x3  }
0x5e4: {  	v16 =	vor.u32 s24, v19;
	[tilespmem:v3+s21+$0x0] =	vst.idx.msk $0xffff, v2  }
0x5e5: {  	v19 =	vor.u32 s26, v19;
	[tilespmem:v9+s21+$0x0] =	vst.idx.msk $0xffff, v4  }
0x5e6: {  	v9 =	vld [tilespmem:$0x1F290];
	_ =	sdelay $0x2  }
0x5e7: {  	v2 =	vld.idx.msk [tilespmem:v16+s20+$0x0], $0xffff  }
0x5e8: {  	v4 =	vld.idx.msk [tilespmem:v19+s20+$0x0], $0xffff  }
0x5e9: {  	v19 =	vld [tilespmem:$0x1FE60];
	v3 =	vor.u32 v9, v51  }
0x5ea: {  	v9 =	vor.u32 v9, v55;
	_ =	sdelay $0x3  }
0x5eb: {  	v16 =	vor.u32 s24, v19;
	v19 =	vor.u32 s26, v19;
	[tilespmem:v3+s21+$0x0] =	vst.idx.msk $0xffff, v2  }
0x5ec: {  	[tilespmem:v9+s21+$0x0] =	vst.idx.msk $0xffff, v4  }
0x5ed: {  	v9 =	vld [tilespmem:$0x1F2C0];
	_ =	sdelay $0x2  }
0x5ee: {  	v4 =	vld.idx.msk [tilespmem:v19+s20+$0x0], $0xffff  }
0x5ef: {  	v19 =	vld [tilespmem:$0x1FE50]  }
0x5f0: {  	v2 =	vld.idx.msk [tilespmem:v16+s20+$0x0], $0xffff;
	v3 =	vor.u32 v9, v51  }
0x5f1: {  	v9 =	vor.u32 v9, v55;
	_ =	sdelay $0x2  }
0x5f2: {  	v16 =	vor.u32 s24, v19  }
0x5f3: {  	v19 =	vor.u32 s26, v19;
	[tilespmem:v3+s21+$0x0] =	vst.idx.msk $0xffff, v2  }
0x5f4: {  	[tilespmem:v9+s21+$0x0] =	vst.idx.msk $0xffff, v4  }
0x5f5: {  	v3 =	vld [tilespmem:$0x1F2D0];
	_ =	sdelay $0x1  }
0x5f6: {  	v2 =	vld.idx.msk [tilespmem:v16+s20+$0x0], $0xffff  }
0x5f7: {  	v9 =	vld.idx.msk [tilespmem:v19+s20+$0x0], $0xffff  }
0x5f8: {  	v16 =	vld [tilespmem:$0x1FA30]  }
0x5f9: {  	v4 =	vor.u32 v3, v51;
	v19 =	vor.u32 v3, v55;
	v3 =	vld [tilespmem:$0x1FA00];
	_ =	sdelay $0x2  }
0x5fa: {  	v40 =	vld [tilespmem:$0x1FF40]  }
0x5fb: {  	v23 =	vld [tilespmem:$0x1FA20]  }
0x5fc: {  	v38 =	vsel vm0, v3, v16;
	v16 =	vld [tilespmem:$0x1FA10];
	_ =	sdelay $0x2  }
0x5fd: {  	v21 =	vor.u32 s24, v40  }
0x5fe: {  	v22 =	vor.u32 s26, v40  }
0x5ff: {  	v3 =	vsel vm0, v23, v16  }
0x600: {  	v23 =	vcombine.low v38, v3  }
0x601: {  	[tilespmem:v4+s21+$0x0] =	vst.idx.msk $0xffff, v2  }
0x602: {  	[tilespmem:v19+s21+$0x0] =	vst.idx.msk $0xffff, v9;
	v2 =	vld.idx.msk [tilespmem:v21+s20+$0x0], $0xffff;
	v4 =	vor.u32 v23, v51  }
0x603: {  	v9 =	vld.idx.msk [tilespmem:v22+s20+$0x0], $0xffff;
	v19 =	vor.u32 v23, v55  }
0x604: {  	v16 =	vld [tilespmem:$0x1F7F0];
	_ =	sdelay $0x2  }
0x605: {  	[tilespmem:v4+s21+$0x0] =	vst.idx.msk $0xffff, v2  }
0x606: {  	[tilespmem:v19+s21+$0x0] =	vst.idx.msk $0xffff, v9  }
0x607: {  	v21 =	vor.u32 s24, v16;
	v22 =	vor.u32 s26, v16;
	v16 =	vld [tilespmem:$0x1F6E0];
	_ =	sdelay $0x4  }
0x608: {  	v2 =	vld.idx.msk [tilespmem:v21+s20+$0x0], $0xffff;
	v4 =	vor.u32 v16, v51  }
0x609: {  	v9 =	vld.idx.msk [tilespmem:v22+s20+$0x0], $0xffff;
	v19 =	vor.u32 v16, v55  }
0x60a: {  	v16 =	vld [tilespmem:$0x1F800];
	_ =	sdelay $0x2  }
0x60b: {  	[tilespmem:v4+s21+$0x0] =	vst.idx.msk $0xffff, v2  }
0x60c: {  	[tilespmem:v19+s21+$0x0] =	vst.idx.msk $0xffff, v9  }
0x60d: {  	v21 =	vor.u32 s24, v16;
	v22 =	vor.u32 s26, v16;
	v16 =	vld [tilespmem:$0x1F370];
	_ =	sdelay $0x4  }
0x60e: {  	v2 =	vld.idx.msk [tilespmem:v21+s20+$0x0], $0xffff;
	v4 =	vor.u32 v16, v51  }
0x60f: {  	v9 =	vld.idx.msk [tilespmem:v22+s20+$0x0], $0xffff;
	v19 =	vor.u32 v16, v55  }
0x610: {  	v16 =	vld [tilespmem:$0x1F810];
	_ =	sdelay $0x2  }
0x611: {  	[tilespmem:v4+s21+$0x0] =	vst.idx.msk $0xffff, v2  }
0x612: {  	[tilespmem:v19+s21+$0x0] =	vst.idx.msk $0xffff, v9  }
0x613: {  	v21 =	vor.u32 s24, v16;
	v22 =	vor.u32 s26, v16;
	v16 =	vld [tilespmem:$0x1F380];
	_ =	sdelay $0x4  }
0x614: {  	v2 =	vld.idx.msk [tilespmem:v21+s20+$0x0], $0xffff;
	v4 =	vor.u32 v16, v51  }
0x615: {  	v9 =	vld.idx.msk [tilespmem:v22+s20+$0x0], $0xffff;
	v19 =	vor.u32 v16, v55  }
0x616: {  	v16 =	vld [tilespmem:$0x1F820];
	_ =	sdelay $0x2  }
0x617: {  	[tilespmem:v4+s21+$0x0] =	vst.idx.msk $0xffff, v2  }
0x618: {  	[tilespmem:v19+s21+$0x0] =	vst.idx.msk $0xffff, v9  }
0x619: {  	v21 =	vor.u32 s24, v16;
	v22 =	vor.u32 s26, v16;
	v16 =	vld [tilespmem:$0x1F3D0];
	_ =	sdelay $0x4  }
0x61a: {  	v2 =	vld.idx.msk [tilespmem:v21+s20+$0x0], $0xffff;
	v4 =	vor.u32 v16, v51  }
0x61b: {  	v9 =	vld.idx.msk [tilespmem:v22+s20+$0x0], $0xffff;
	v19 =	vor.u32 v16, v55  }
0x61c: {  	v16 =	vld [tilespmem:$0x1F830];
	_ =	sdelay $0x2  }
0x61d: {  	[tilespmem:v4+s21+$0x0] =	vst.idx.msk $0xffff, v2  }
0x61e: {  	[tilespmem:v19+s21+$0x0] =	vst.idx.msk $0xffff, v9  }
0x61f: {  	v21 =	vor.u32 s24, v16;
	v22 =	vor.u32 s26, v16;
	v16 =	vld [tilespmem:$0x1F410];
	_ =	sdelay $0x3  }
0x620: {  	v47 =	vld [tilespmem:$0x1FF30]  }
0x621: {  	v2 =	vld.idx.msk [tilespmem:v21+s20+$0x0], $0xffff;
	v4 =	vor.u32 v16, v51  }
0x622: {  	v9 =	vld.idx.msk [tilespmem:v22+s20+$0x0], $0xffff;
	v19 =	vor.u32 v16, v55;
	_ =	sdelay $0x3  }
0x623: {  	[tilespmem:v4+s21+$0x0] =	vst.idx.msk $0xffff, v2  }
0x624: {  	v21 =	vor.u32 s24, v47;
	[tilespmem:v19+s21+$0x0] =	vst.idx.msk $0xffff, v9  }
0x625: {  	v22 =	vor.u32 s26, v47;
	v16 =	vld [tilespmem:$0x1F450];
	_ =	sdelay $0x3  }
0x626: {  	v2 =	vld.idx.msk [tilespmem:v21+s20+$0x0], $0xffff  }
0x627: {  	v9 =	vld.idx.msk [tilespmem:v22+s20+$0x0], $0xffff;
	v4 =	vor.u32 v16, v51  }
0x628: {  	v43 =	vld [tilespmem:$0x1FEF0];
	v19 =	vor.u32 v16, v55;
	_ =	sdelay $0x3  }
0x629: {  	[tilespmem:v4+s21+$0x0] =	vst.idx.msk $0xffff, v2  }
0x62a: {  	v21 =	vor.u32 s24, v43;
	[tilespmem:v19+s21+$0x0] =	vst.idx.msk $0xffff, v9  }
0x62b: {  	v22 =	vor.u32 s26, v43;
	v16 =	vld [tilespmem:$0x1F470];
	_ =	sdelay $0x3  }
0x62c: {  	v2 =	vld.idx.msk [tilespmem:v21+s20+$0x0], $0xffff  }
0x62d: {  	v9 =	vld.idx.msk [tilespmem:v22+s20+$0x0], $0xffff;
	v4 =	vor.u32 v16, v51  }
0x62e: {  	v41 =	vld [tilespmem:$0x1FF00];
	v19 =	vor.u32 v16, v55;
	_ =	sdelay $0x3  }
0x62f: {  	[tilespmem:v4+s21+$0x0] =	vst.idx.msk $0xffff, v2  }
0x630: {  	v21 =	vor.u32 s24, v41;
	[tilespmem:v19+s21+$0x0] =	vst.idx.msk $0xffff, v9  }
0x631: {  	v22 =	vor.u32 s26, v41;
	v16 =	vld [tilespmem:$0x1F4C0];
	_ =	sdelay $0x3  }
0x632: {  	v2 =	vld.idx.msk [tilespmem:v21+s20+$0x0], $0xffff  }
0x633: {  	v9 =	vld.idx.msk [tilespmem:v22+s20+$0x0], $0xffff;
	v4 =	vor.u32 v16, v51  }
0x634: {  	v19 =	vor.u32 v16, v55;
	v16 =	vld [tilespmem:$0x1F850];
	_ =	sdelay $0x3  }
0x635: {  	[tilespmem:v4+s21+$0x0] =	vst.idx.msk $0xffff, v2  }
0x636: {  	v21 =	vor.u32 s24, v16;
	[tilespmem:v19+s21+$0x0] =	vst.idx.msk $0xffff, v9  }
0x637: {  	v22 =	vor.u32 s26, v16;
	v16 =	vld [tilespmem:$0x1F520];
	_ =	sdelay $0x3  }
0x638: {  	v2 =	vld.idx.msk [tilespmem:v21+s20+$0x0], $0xffff  }
0x639: {  	v9 =	vld.idx.msk [tilespmem:v22+s20+$0x0], $0xffff;
	v4 =	vor.u32 v16, v51  }
0x63a: {  	v19 =	vor.u32 v16, v55;
	v16 =	vld [tilespmem:$0x1F860];
	_ =	sdelay $0x3  }
0x63b: {  	[tilespmem:v4+s21+$0x0] =	vst.idx.msk $0xffff, v2  }
0x63c: {  	v21 =	vor.u32 s24, v16;
	[tilespmem:v19+s21+$0x0] =	vst.idx.msk $0xffff, v9  }
0x63d: {  	v22 =	vor.u32 s26, v16;
	v16 =	vld [tilespmem:$0x1F610];
	_ =	sdelay $0x3  }
0x63e: {  	v2 =	vld.idx.msk [tilespmem:v21+s20+$0x0], $0xffff  }
0x63f: {  	v9 =	vld.idx.msk [tilespmem:v22+s20+$0x0], $0xffff;
	v4 =	vor.u32 v16, v51  }
0x640: {  	v19 =	vor.u32 v16, v55;
	v16 =	vld [tilespmem:$0x1F870];
	_ =	sdelay $0x2  }
0x641: {  	[tilespmem:v26+s21+$0x0] =	vst.idx.msk $0xffff, v0;
	v0 =	vld.idx.msk [tilespmem:v36+s20+$0x0], $0xffff  }
0x642: {  	[tilespmem:v4+s21+$0x0] =	vst.idx.msk $0xffff, v2;
	v2 =	vld.idx.msk [tilespmem:v35+s20+$0x0], $0xffff  }
0x643: {  	v21 =	vor.u32 s24, v16;
	v37 =	vld [tilespmem:$0x1FF80];
	[tilespmem:v19+s21+$0x0] =	vst.idx.msk $0xffff, v9  }
0x644: {  	v22 =	vor.u32 s26, v16;
	v16 =	vld [tilespmem:$0x1F660];
	_ =	sdelay $0x2  }
0x645: {  	[tilespmem:v1+s21+$0x0] =	vst.idx.msk $0xffff, v0  }
0x646: {  	v9 =	vld.idx.msk [tilespmem:v21+s20+$0x0], $0xffff;
	[tilespmem:v14+s21+$0x0] =	vst.idx.msk $0xffff, v2  }
0x647: {  	v4 =	vor.u32 s23, v37;
	v21 =	vor.u32 v16, v51;
	v23 =	vor.u32 v16, v55;
	v16 =	vld [tilespmem:$0x1F150]  }
0x648: {  	v19 =	vor.u32 s22, v37;
	_ =	sdelay $0x1  }
0x649: {  	v26 =	vor.u32 s24, v37  }
0x64a: {  	v22 =	vld.idx.msk [tilespmem:v22+s20+$0x0], $0xffff  }
0x64b: {  	v0 =	vld.idx.msk [tilespmem:v4+s20+$0x0], $0xffff;
	v1 =	vor.u32 v16, v42  }
0x64c: {  	v2 =	vld.idx.msk [tilespmem:v19+s20+$0x0], $0xffff;
	[tilespmem:v21+s21+$0x0] =	vst.idx.msk $0xffff, v9  }
0x64d: {  	v9 =	vor.u32 v16, v45;
	v36 =	vld [tilespmem:$0x1F880]  }
0x64e: {  	v21 =	vor.u32 v16, v51;
	v41 =	vld.idx.msk [tilespmem:v26+s20+$0x0], $0xffff  }
0x64f: {  	[tilespmem:v23+s21+$0x0] =	vst.idx.msk $0xffff, v22  }
0x650: {  	v34 =	vor.u32 s26, v37;
	[tilespmem:v1+s21+$0x0] =	vst.idx.msk $0xffff, v0  }
0x651: {  	v1 =	vld [tilespmem:$0x1F710]  }
0x652: {  	v0 =	vld [tilespmem:$0x1F720];
	[tilespmem:v9+s21+$0x0] =	vst.idx.msk $0xffff, v2  }
0x653: {  	v4 =	vor.u32 s23, v36;
	v9 =	vld [tilespmem:$0x1F180];
	[tilespmem:v21+s21+$0x0] =	vst.idx.msk $0xffff, v41  }
0x654: {  	v23 =	vor.u32 v16, v55;
	v19 =	vor.u32 s22, v36;
	v16 =	vld [tilespmem:$0x1F890]  }
0x655: {  	v22 =	vld.idx.msk [tilespmem:v34+s20+$0x0], $0xffff;
	v26 =	vor.u32 s24, v36;
	_ =	sdelay $0x1  }
0x656: {  	v43 =	vor.u32 s26, v36;
	v0 =	vcombine.low v1, v0  }
0x657: {  	v1 =	vld.idx.msk [tilespmem:v4+s20+$0x0], $0xffff;
	v2 =	vor.u32 v9, v42  }
0x658: {  	v4 =	vld.idx.msk [tilespmem:v19+s20+$0x0], $0xffff;
	v9 =	vor.u32 v9, v45;
	v0 =	vand.u32 $0xF, v0;
	v47 =	vor.u32 s23, v16  }
0x659: {  	[tilespmem:v23+s21+$0x0] =	vst.idx.msk $0xffff, v22;
	v19 =	vld.idx.msk [tilespmem:v26+s20+$0x0], $0xffff;
	v21 =	vor.u32 s22, v16;
	v22 =	vor.u32 v0, v51;
	_ =	sdelay $0x1  }
0x65a: {  	v23 =	vld.idx.msk [tilespmem:v43+s20+$0x0], $0xffff;
	v26 =	vor.u32 s24, v16;
	v0 =	vor.u32 v0, v55  }
0x65b: {  	[tilespmem:v2+s21+$0x0] =	vst.idx.msk $0xffff, v1  }
0x65c: {  	[tilespmem:v9+s21+$0x0] =	vst.idx.msk $0xffff, v4;
	v1 =	vld.idx.msk [tilespmem:v47+s20+$0x0], $0xffff  }
0x65d: {  	v2 =	vld.idx.msk [tilespmem:v21+s20+$0x0], $0xffff;
	[tilespmem:v22+s21+$0x0] =	vst.idx.msk $0xffff, v19  }
0x65e: {  	v36 =	vor.u32 s26, v16;
	v16 =	vld [tilespmem:$0x1FFA0]  }
0x65f: {  	[tilespmem:v0+s21+$0x0] =	vst.idx.msk $0xffff, v23;
	v0 =	vld.idx.msk [tilespmem:v26+s20+$0x0], $0xffff;
	_ =	sdelay $0x2  }
0x660: {  	[tilespmem:v62+s21+$0x0] =	vst.idx.msk $0xffff, v1  }
0x661: {  	[tilespmem:v59+s21+$0x0] =	vst.idx.msk $0xffff, v2  }
0x662: {  	v4 =	vor.u32 s23, v16;
	[tilespmem:v32+s21+$0x0] =	vst.idx.msk $0xffff, v0  }
0x663: {  	v9 =	vor.u32 s22, v16;
	v22 =	vld [tilespmem:$0x1F8A0]  }
0x664: {  	v19 =	vor.u32 s24, v16;
	_ =	sdelay $0x1  }
0x665: {  	v41 =	vld.idx.msk [tilespmem:v36+s20+$0x0], $0xffff  }
0x666: {  	v21 =	vor.u32 s26, v16;
	v1 =	vld.idx.msk [tilespmem:v4+s20+$0x0], $0xffff  }
0x667: {  	v0 =	vld.idx.msk [tilespmem:v9+s20+$0x0], $0xffff;
	v2 =	vor.u32 s23, v22  }
0x668: {  	v4 =	vld.idx.msk [tilespmem:v19+s20+$0x0], $0xffff;
	v9 =	vor.u32 s22, v22;
	_ =	sdelay $0x1  }
0x669: {  	[tilespmem:v30+s21+$0x0] =	vst.idx.msk $0xffff, v41  }
0x66a: {  	v14 =	vld.idx.msk [tilespmem:v21+s20+$0x0], $0xffff;
	[tilespmem:v60+s21+$0x0] =	vst.idx.msk $0xffff, v1  }
0x66b: {  	[tilespmem:v58+s21+$0x0] =	vst.idx.msk $0xffff, v0;
	v0 =	vld.idx.msk [tilespmem:v2+s20+$0x0], $0xffff  }
0x66c: {  	v19 =	vor.u32 s24, v22;
	[tilespmem:v25+s21+$0x0] =	vst.idx.msk $0xffff, v4;
	v1 =	vld.idx.msk [tilespmem:v9+s20+$0x0], $0xffff  }
0x66d: {  	v21 =	vor.u32 s26, v22;
	v22 =	vld [tilespmem:$0x1F8B0];
	_ =	sdelay $0x1  }
0x66e: {  	[tilespmem:v27+s21+$0x0] =	vst.idx.msk $0xffff, v14  }
0x66f: {  	[tilespmem:v57+s21+$0x0] =	vst.idx.msk $0xffff, v0  }
0x670: {  	v9 =	vld.idx.msk [tilespmem:v19+s20+$0x0], $0xffff;
	[tilespmem:v61+s21+$0x0] =	vst.idx.msk $0xffff, v1  }
0x671: {  	v2 =	vor.u32 s23, v22;
	v23 =	vld [tilespmem:$0x1F230]  }
0x672: {  	v4 =	vor.u32 s22, v22;
	v25 =	vld [tilespmem:$0x1FFB0]  }
0x673: {  	v19 =	vor.u32 s24, v22  }
0x674: {  	v14 =	vld.idx.msk [tilespmem:v21+s20+$0x0], $0xffff  }
0x675: {  	v21 =	vor.u32 s26, v22  }
0x676: {  	v0 =	vld.idx.msk [tilespmem:v2+s20+$0x0], $0xffff;
	v1 =	vor.u32 v23, v42  }
0x677: {  	[tilespmem:v17+s21+$0x0] =	vst.idx.msk $0xffff, v9;
	v2 =	vld.idx.msk [tilespmem:v4+s20+$0x0], $0xffff;
	v4 =	vor.u32 v23, v45;
	v22 =	vor.u32 s23, v25  }
0x678: {  	v17 =	vld.idx.msk [tilespmem:v19+s20+$0x0], $0xffff;
	v9 =	vor.u32 s22, v25;
	v43 =	vor.u32 v23, v51  }
0x679: {  	[tilespmem:v13+s21+$0x0] =	vst.idx.msk $0xffff, v14  }
0x67a: {  	v14 =	vld.idx.msk [tilespmem:v21+s20+$0x0], $0xffff;
	v21 =	vor.u32 s24, v25  }
0x67b: {  	[tilespmem:v1+s21+$0x0] =	vst.idx.msk $0xffff, v0  }
0x67c: {  	v19 =	vor.u32 v23, v55;
	[tilespmem:v4+s21+$0x0] =	vst.idx.msk $0xffff, v2;
	v0 =	vld.idx.msk [tilespmem:v22+s20+$0x0], $0xffff  }
0x67d: {  	[tilespmem:v43+s21+$0x0] =	vst.idx.msk $0xffff, v17;
	v1 =	vld.idx.msk [tilespmem:v9+s20+$0x0], $0xffff  }
0x67e: {  	v61 =	vld [tilespmem:$0x1FFC0]  }
0x67f: {  	v9 =	vld.idx.msk [tilespmem:v21+s20+$0x0], $0xffff;
	_ =	sdelay $0x1  }
0x680: {  	[tilespmem:v19+s21+$0x0] =	vst.idx.msk $0xffff, v14  }
0x681: {  	v23 =	vor.u32 s26, v25;
	[tilespmem:v50+s21+$0x0] =	vst.idx.msk $0xffff, v0  }
0x682: {  	v2 =	vor.u32 s23, v61;
	[tilespmem:v48+s21+$0x0] =	vst.idx.msk $0xffff, v1  }
0x683: {  	v4 =	vor.u32 s22, v61;
	[tilespmem:v11+s21+$0x0] =	vst.idx.msk $0xffff, v9  }
0x684: {  	v57 =	vor.u32 s24, v61;
	v21 =	vld [tilespmem:$0x1FEB0];
	_ =	sdelay $0x1  }
0x685: {  	v47 =	vld.idx.msk [tilespmem:v23+s20+$0x0], $0xffff  }
0x686: {  	v0 =	vld.idx.msk [tilespmem:v2+s20+$0x0], $0xffff  }
0x687: {  	v17 =	vor.u32 s26, v61;
	v1 =	vld.idx.msk [tilespmem:v4+s20+$0x0], $0xffff  }
0x688: {  	v9 =	vld.idx.msk [tilespmem:v57+s20+$0x0], $0xffff;
	v2 =	vor.u32 s23, v21;
	_ =	sdelay $0x1  }
0x689: {  	[tilespmem:v12+s21+$0x0] =	vst.idx.msk $0xffff, v47  }
0x68a: {  	[tilespmem:v54+s21+$0x0] =	vst.idx.msk $0xffff, v0  }
0x68b: {  	v11 =	vld.idx.msk [tilespmem:v17+s20+$0x0], $0xffff;
	v4 =	vor.u32 s22, v21;
	[tilespmem:v53+s21+$0x0] =	vst.idx.msk $0xffff, v1  }
0x68c: {  	[tilespmem:v10+s21+$0x0] =	vst.idx.msk $0xffff, v9;
	v0 =	vld.idx.msk [tilespmem:v2+s20+$0x0], $0xffff  }
0x68d: {  	v60 =	vld [tilespmem:$0x1F8C0]  }
0x68e: {  	v58 =	vor.u32 s24, v21  }
0x68f: {  	v59 =	vor.u32 s26, v21  }
0x690: {  	v1 =	vld.idx.msk [tilespmem:v4+s20+$0x0], $0xffff;
	[tilespmem:v8+s21+$0x0] =	vst.idx.msk $0xffff, v11  }
0x691: {  	[tilespmem:v52+s21+$0x0] =	vst.idx.msk $0xffff, v0  }
0x692: {  	v2 =	vor.u32 s23, v60;
	v61 =	vld [tilespmem:$0x1F2E0]  }
0x693: {  	v9 =	vld.idx.msk [tilespmem:v58+s20+$0x0], $0xffff;
	v4 =	vor.u32 s22, v60  }
0x694: {  	v8 =	vld.idx.msk [tilespmem:v59+s20+$0x0], $0xffff;
	v10 =	vor.u32 s24, v60  }
0x695: {  	v11 =	vor.u32 s26, v60;
	[tilespmem:v49+s21+$0x0] =	vst.idx.msk $0xffff, v1  }
0x696: {  	v23 =	vld [tilespmem:$0x1FFD0]  }
0x697: {  	v2 =	vld.idx.msk [tilespmem:v2+s20+$0x0], $0xffff;
	v0 =	vor.u32 v61, v42  }
0x698: {  	[tilespmem:v6+s21+$0x0] =	vst.idx.msk $0xffff, v9;
	v1 =	vld.idx.msk [tilespmem:v4+s20+$0x0], $0xffff;
	v4 =	vor.u32 v61, v45  }
0x699: {  	[tilespmem:v7+s21+$0x0] =	vst.idx.msk $0xffff, v8;
	v10 =	vld.idx.msk [tilespmem:v10+s20+$0x0], $0xffff;
	v9 =	vor.u32 v61, v51  }
0x69a: {  	v7 =	vld.idx.msk [tilespmem:v11+s20+$0x0], $0xffff;
	v8 =	vor.u32 v61, v55;
	_ =	sdelay $0x1  }
0x69b: {  	[tilespmem:v0+s21+$0x0] =	vst.idx.msk $0xffff, v2  }
0x69c: {  	v6 =	vor.u32 s22, v23;
	[tilespmem:v4+s21+$0x0] =	vst.idx.msk $0xffff, v1  }
0x69d: {  	v62 =	vor.u32 s23, v23;
	v48 =	vld [tilespmem:$0x1FFE0];
	[tilespmem:v9+s21+$0x0] =	vst.idx.msk $0xffff, v10  }
0x69e: {  	v11 =	vor.u32 s24, v23;
	v10 =	vld [tilespmem:$0x1F540];
	[tilespmem:v8+s21+$0x0] =	vst.idx.msk $0xffff, v7  }
0x69f: {  	v34 =	vld [tilespmem:$0x1F530];
	_ =	sdelay $0x1  }
0x6a0: {  	v1 =	vld.idx.msk [tilespmem:v6+s20+$0x0], $0xffff  }
0x6a1: {  	v32 =	vor.u32 s26, v23;
	v0 =	vld.idx.msk [tilespmem:v62+s20+$0x0], $0xffff  }
0x6a2: {  	v9 =	vld.idx.msk [tilespmem:v11+s20+$0x0], $0xffff;
	v4 =	vor.u32 v10, v51;
	_ =	sdelay $0x2  }
0x6a3: {  	[tilespmem:v20+s21+$0x0] =	vst.idx.msk $0xffff, v1  }
0x6a4: {  	v8 =	vld.idx.msk [tilespmem:v32+s20+$0x0], $0xffff;
	v6 =	vor.u32 s22, v48;
	[tilespmem:v34+s21+$0x0] =	vst.idx.msk $0xffff, v0  }
0x6a5: {  	v2 =	vor.u32 s23, v48;
	v35 =	vld [tilespmem:$0x1F8D0];
	[tilespmem:v4+s21+$0x0] =	vst.idx.msk $0xffff, v9  }
0x6a6: {  	v7 =	vor.u32 v10, v55;
	v10 =	vor.u32 s24, v48;
	v12 =	vld [tilespmem:$0x1F550]  }
0x6a7: {  	v11 =	vor.u32 s26, v48;
	_ =	sdelay $0x1  }
0x6a8: {  	v1 =	vld.idx.msk [tilespmem:v6+s20+$0x0], $0xffff  }
0x6a9: {  	v0 =	vld.idx.msk [tilespmem:v2+s20+$0x0], $0xffff  }
0x6aa: {  	v9 =	vld.idx.msk [tilespmem:v10+s20+$0x0], $0xffff;
	[tilespmem:v7+s21+$0x0] =	vst.idx.msk $0xffff, v8;
	v4 =	vor.u32 v12, v51  }
0x6ab: {  	v8 =	vld.idx.msk [tilespmem:v11+s20+$0x0], $0xffff;
	v7 =	vor.u32 v12, v55;
	_ =	sdelay $0x1  }
0x6ac: {  	[tilespmem:v18+s21+$0x0] =	vst.idx.msk $0xffff, v1  }
0x6ad: {  	[tilespmem:v39+s21+$0x0] =	vst.idx.msk $0xffff, v0  }
0x6ae: {  	v2 =	vor.u32 s23, v35;
	v18 =	vld [tilespmem:$0x1FF60];
	[tilespmem:v4+s21+$0x0] =	vst.idx.msk $0xffff, v9  }
0x6af: {  	v36 =	vld [tilespmem:$0x1F570];
	[tilespmem:v7+s21+$0x0] =	vst.idx.msk $0xffff, v8  }
0x6b0: {  	v39 =	vld [tilespmem:$0x1F560];
	_ =	sdelay $0x2  }
0x6b1: {  	v6 =	vor.u32 s22, v35;
	v0 =	vld.idx.msk [tilespmem:v2+s20+$0x0], $0xffff;
	_ =	sdelay $0x1  }
0x6b2: {  	v10 =	vor.u32 s24, v35;
	_ =	sdelay $0x1  }
0x6b3: {  	v11 =	vor.u32 s26, v35  }
0x6b4: {  	v2 =	vld.idx.msk [tilespmem:v6+s20+$0x0], $0xffff;
	v1 =	vor.u32 s23, v18;
	[tilespmem:v39+s21+$0x0] =	vst.idx.msk $0xffff, v0  }
0x6b5: {  	v41 =	vld [tilespmem:$0x1F390]  }
0x6b6: {  	v6 =	vor.u32 s22, v18;
	v9 =	vld.idx.msk [tilespmem:v10+s20+$0x0], $0xffff;
	v4 =	vor.u32 v36, v51  }
0x6b7: {  	v8 =	vor.u32 s24, v18  }
0x6b8: {  	v10 =	vld.idx.msk [tilespmem:v11+s20+$0x0], $0xffff;
	v7 =	vor.u32 v36, v55  }
0x6b9: {  	v11 =	vor.u32 s26, v18;
	v1 =	vld.idx.msk [tilespmem:v1+s20+$0x0], $0xffff;
	[tilespmem:v46+s21+$0x0] =	vst.idx.msk $0xffff, v2  }
0x6ba: {  	v43 =	vld [tilespmem:$0x1F8E0];
	v0 =	vor.u32 v41, v42  }
0x6bb: {  	v6 =	vld.idx.msk [tilespmem:v6+s20+$0x0], $0xffff;
	[tilespmem:v4+s21+$0x0] =	vst.idx.msk $0xffff, v9;
	v46 =	vor.u32 v41, v45  }
0x6bc: {  	v8 =	vld.idx.msk [tilespmem:v8+s20+$0x0], $0xffff;
	v9 =	vor.u32 v41, v51  }
0x6bd: {  	[tilespmem:v7+s21+$0x0] =	vst.idx.msk $0xffff, v10  }
0x6be: {  	v11 =	vld.idx.msk [tilespmem:v11+s20+$0x0], $0xffff;
	v10 =	vor.u32 v41, v55  }
0x6bf: {  	[tilespmem:v0+s21+$0x0] =	vst.idx.msk $0xffff, v1  }
0x6c0: {  	[tilespmem:v46+s21+$0x0] =	vst.idx.msk $0xffff, v6  }
0x6c1: {  	[tilespmem:v9+s21+$0x0] =	vst.idx.msk $0xffff, v8  }
0x6c2: {  	v2 =	vor.u32 s23, v43;
	v12 =	vld [tilespmem:$0x1F900]  }
0x6c3: {  	v8 =	vld [tilespmem:$0x1F590];
	[tilespmem:v10+s21+$0x0] =	vst.idx.msk $0xffff, v11  }
0x6c4: {  	v48 =	vld [tilespmem:$0x1F580];
	_ =	sdelay $0x2  }
0x6c5: {  	v0 =	vld.idx.msk [tilespmem:v2+s20+$0x0], $0xffff;
	_ =	sdelay $0x3  }
0x6c6: {  	v4 =	vor.u32 s22, v43  }
0x6c7: {  	[tilespmem:v48+s21+$0x0] =	vst.idx.msk $0xffff, v0  }
0x6c8: {  	v0 =	vld [tilespmem:$0x1F5A0]  }
0x6c9: {  	v7 =	vor.u32 s24, v43  }
0x6ca: {  	v47 =	vor.u32 s26, v43  }
0x6cb: {  	v2 =	vld.idx.msk [tilespmem:v4+s20+$0x0], $0xffff;
	v1 =	vor.u32 s23, v12;
	_ =	sdelay $0x1  }
0x6cc: {  	v6 =	vor.u32 s22, v12  }
0x6cd: {  	v7 =	vld.idx.msk [tilespmem:v7+s20+$0x0], $0xffff  }
0x6ce: {  	v10 =	vld.idx.msk [tilespmem:v47+s20+$0x0], $0xffff  }
0x6cf: {  	v11 =	vcombine.low v56, v24;
	v4 =	vor.u32 v8, v51;
	[tilespmem:v0+s21+$0x0] =	vst.idx.msk $0xffff, v2;
	v0 =	vld.idx.msk [tilespmem:v1+s20+$0x0], $0xffff  }
0x6d0: {  	v8 =	vor.u32 v8, v55;
	v2 =	vld [tilespmem:$0x1F3F0]  }
0x6d1: {  	v1 =	vor.u32 v11, v42;
	v6 =	vld.idx.msk [tilespmem:v6+s20+$0x0], $0xffff  }
0x6d2: {  	v11 =	vor.u32 v11, v45;
	v49 =	vld [tilespmem:$0x1F920]  }
0x6d3: {  	v13 =	vld [tilespmem:$0x1F400]  }
0x6d4: {  	[tilespmem:v4+s21+$0x0] =	vst.idx.msk $0xffff, v7  }
0x6d5: {  	v9 =	vor.u32 s24, v12;
	[tilespmem:v8+s21+$0x0] =	vst.idx.msk $0xffff, v10  }
0x6d6: {  	v12 =	vor.u32 s26, v12;
	[tilespmem:v1+s21+$0x0] =	vst.idx.msk $0xffff, v0  }
0x6d7: {  	v50 =	vor.u32 s23, v49;
	[tilespmem:v11+s21+$0x0] =	vst.idx.msk $0xffff, v6  }
0x6d8: {  	v2 =	vcombine.low v13, v2;
	v53 =	vld [tilespmem:$0x1F930];
	_ =	sdelay $0x1  }
0x6d9: {  	v7 =	vld.idx.msk [tilespmem:v9+s20+$0x0], $0xffff;
	v8 =	vor.u32 v2, v51  }
0x6da: {  	v9 =	vld.idx.msk [tilespmem:v12+s20+$0x0], $0xffff;
	v2 =	vor.u32 v2, v55  }
0x6db: {  	v1 =	vor.u32 v44, v42;
	v0 =	vld.idx.msk [tilespmem:v50+s20+$0x0], $0xffff  }
0x6dc: {  	v6 =	vor.u32 s23, v53;
	_ =	sdelay $0x1  }
0x6dd: {  	[tilespmem:v8+s21+$0x0] =	vst.idx.msk $0xffff, v7  }
0x6de: {  	v4 =	vor.u32 s22, v49;
	[tilespmem:v2+s21+$0x0] =	vst.idx.msk $0xffff, v9  }
0x6df: {  	v9 =	vld [tilespmem:$0x1F670];
	[tilespmem:v1+s21+$0x0] =	vst.idx.msk $0xffff, v0  }
0x6e0: {  	v1 =	vld.idx.msk [tilespmem:v6+s20+$0x0], $0xffff  }
0x6e1: {  	v6 =	vld [tilespmem:$0x1F5C0]  }
0x6e2: {  	v10 =	vor.u32 s24, v49  }
0x6e3: {  	v52 =	vor.u32 s26, v49;
	v4 =	vld.idx.msk [tilespmem:v4+s20+$0x0], $0xffff  }
0x6e4: {  	v56 =	vld [tilespmem:$0x1F480]  }
0x6e5: {  	v7 =	vor.u32 s22, v53;
	_ =	sdelay $0x1  }
0x6e6: {  	v8 =	vld.idx.msk [tilespmem:v10+s20+$0x0], $0xffff;
	v2 =	vor.u32 v9, v51  }
0x6e7: {  	v11 =	vor.u32 s24, v53;
	v10 =	vld.idx.msk [tilespmem:v52+s20+$0x0], $0xffff;
	v9 =	vor.u32 v9, v55  }
0x6e8: {  	v0 =	vor.u32 v56, v42;
	[tilespmem:v6+s21+$0x0] =	vst.idx.msk $0xffff, v4  }
0x6e9: {  	v4 =	vor.u32 v56, v45;
	v6 =	vld.idx.msk [tilespmem:v7+s20+$0x0], $0xffff  }
0x6ea: {  	v57 =	vld [tilespmem:$0x1F950]  }
0x6eb: {  	[tilespmem:v2+s21+$0x0] =	vst.idx.msk $0xffff, v8  }
0x6ec: {  	v8 =	vor.u32 v56, v51;
	[tilespmem:v9+s21+$0x0] =	vst.idx.msk $0xffff, v10;
	v11 =	vld.idx.msk [tilespmem:v11+s20+$0x0], $0xffff  }
0x6ed: {  	[tilespmem:v0+s21+$0x0] =	vst.idx.msk $0xffff, v1  }
0x6ee: {  	v54 =	vor.u32 s26, v53;
	[tilespmem:v4+s21+$0x0] =	vst.idx.msk $0xffff, v6  }
0x6ef: {  	v7 =	vor.u32 s23, v57;
	v1 =	vld [tilespmem:$0x1F690]  }
0x6f0: {  	v2 =	vor.u32 s22, v57;
	v60 =	vld [tilespmem:$0x1F970]  }
0x6f1: {  	[tilespmem:v8+s21+$0x0] =	vst.idx.msk $0xffff, v11  }
0x6f2: {  	v58 =	vor.u32 s24, v57;
	v11 =	vld [tilespmem:$0x1F680]  }
0x6f3: {  	v9 =	vor.u32 v56, v55;
	v10 =	vld.idx.msk [tilespmem:v54+s20+$0x0], $0xffff  }
0x6f4: {  	v59 =	vor.u32 s26, v57;
	v0 =	vld.idx.msk [tilespmem:v7+s20+$0x0], $0xffff  }
0x6f5: {  	v2 =	vld.idx.msk [tilespmem:v2+s20+$0x0], $0xffff;
	v1 =	vor.u32 v1, v45;
	v4 =	vor.u32 s23, v60  }
0x6f6: {  	v7 =	vor.u32 s22, v60  }
0x6f7: {  	v8 =	vld.idx.msk [tilespmem:v58+s20+$0x0], $0xffff;
	v6 =	vor.u32 v11, v51  }
0x6f8: {  	[tilespmem:v9+s21+$0x0] =	vst.idx.msk $0xffff, v10  }
0x6f9: {  	v10 =	vld.idx.msk [tilespmem:v59+s20+$0x0], $0xffff;
	v9 =	vor.u32 v11, v55;
	[tilespmem:v29+s21+$0x0] =	vst.idx.msk $0xffff, v0  }
0x6fa: {  	[tilespmem:v1+s21+$0x0] =	vst.idx.msk $0xffff, v2;
	v0 =	vld.idx.msk [tilespmem:v4+s20+$0x0], $0xffff  }
0x6fb: {  	v1 =	vld.idx.msk [tilespmem:v7+s20+$0x0], $0xffff  }
0x6fc: {  	v62 =	vld [tilespmem:$0x1F990];
	[tilespmem:v6+s21+$0x0] =	vst.idx.msk $0xffff, v8  }
0x6fd: {  	v11 =	vor.u32 s24, v60;
	v8 =	vld [tilespmem:$0x1F5D0]  }
0x6fe: {  	v61 =	vor.u32 s26, v60;
	[tilespmem:v9+s21+$0x0] =	vst.idx.msk $0xffff, v10  }
0x6ff: {  	[tilespmem:v5+s21+$0x0] =	vst.idx.msk $0xffff, v0  }
0x700: {  	[tilespmem:v63+s21+$0x0] =	vst.idx.msk $0xffff, v1  }
0x701: {  	v0 =	vcombine.low v3, v38;
	v2 =	vor.u32 s23, v62;
	v3 =	vld [tilespmem:$0x1F510]  }
0x702: {  	v7 =	vld.idx.msk [tilespmem:v11+s20+$0x0], $0xffff;
	v6 =	vor.u32 s22, v62;
	v4 =	vor.u32 v8, v51  }
0x703: {  	v9 =	vld.idx.msk [tilespmem:v61+s20+$0x0], $0xffff;
	v10 =	vor.u32 s24, v62;
	v8 =	vor.u32 v8, v55  }
0x704: {  	v11 =	vor.u32 s26, v62;
	_ =	sdelay $0x1  }
0x705: {  	v1 =	vld.idx.msk [tilespmem:v2+s20+$0x0], $0xffff;
	v2 =	vor.u32 v3, v42  }
0x706: {  	[tilespmem:v4+s21+$0x0] =	vst.idx.msk $0xffff, v7;
	v3 =	vor.u32 v3, v45;
	v4 =	vld.idx.msk [tilespmem:v6+s20+$0x0], $0xffff  }
0x707: {  	[tilespmem:v8+s21+$0x0] =	vst.idx.msk $0xffff, v9;
	v6 =	vor.u32 v0, v51;
	v5 =	vld.idx.msk [tilespmem:v10+s20+$0x0], $0xffff  }
0x708: {  	[tilespmem:v28+s21+$0x0] =	vst.idx.msk $0xffff, v31;
	v0 =	vor.u32 v0, v55;
	v7 =	vld.idx.msk [tilespmem:v11+s20+$0x0], $0xffff  }
0x709: {  	[tilespmem:v15+s21+$0x0] =	vst.idx.msk $0xffff, v33  }
0x70a: {  	[tilespmem:v2+s21+$0x0] =	vst.idx.msk $0xffff, v1  }
0x70b: {  	[tilespmem:v3+s21+$0x0] =	vst.idx.msk $0xffff, v4  }
0x70c: {  	[tilespmem:v6+s21+$0x0] =	vst.idx.msk $0xffff, v5  }
0x70d: {  	[tilespmem:v0+s21+$0x0] =	vst.idx.msk $0xffff, v7  }
0x70e: {  	v52 =	vld [tilespmem:$0x1F840]  }
0x70f: {  	v33 =	vld [tilespmem:$0x1FCA0]  }
0x710: {  	v19 =	vld [tilespmem:$0x1FC90]  }
0x711: {  	v24 =	vld [tilespmem:$0x1F8F0]  }
0x712: {  	v54 =	vld [tilespmem:$0x1F910]  }
0x713: {  	v31 =	vld [tilespmem:$0x1F940]  }
0x714: {  	v51 =	vld [tilespmem:$0x1F960]  }
0x715: {  	v53 =	vld [tilespmem:$0x1F980]  }
0x716: {  	v8 =	vld [tilespmem:$0x1FFF0]  }
0x717: {  	v45 =	vld [tilespmem:$0x1FCB0]  }
0x718: {  	v11 =	vld [tilespmem:$0x1FF70]  }
0x719: {  	v28 =	vld [tilespmem:$0x1FF90]  }
0x71a: {  	v30 =	vld [tilespmem:$0x1FF50]  }
0x71b: {  	v6 =	vld [tilespmem:$0x1FE70]  }
0x71c: {  	v7 =	vld [tilespmem:$0x1FE80]  }
0x71d: {  	v4 =	vld [tilespmem:$0x1FE60]  }
0x71e: {  	v5 =	vld [tilespmem:$0x1FE50]  }
0x71f: {  	v41 =	vld [tilespmem:$0x1FCC0]  }
0x720: {  	v27 =	vld [tilespmem:$0x1FCD0]  }
0x721: {  	v46 =	vld [tilespmem:$0x1FCE0]  }
0x722: {  	v36 =	vmov v40;
	v40 =	vld [tilespmem:$0x1FCF0]  }
0x723: {  	v48 =	vld [tilespmem:$0x1FD00]  }
0x724: {  	v35 =	vld [tilespmem:$0x1FD10]  }
0x725: {  	v21 =	vld [tilespmem:$0x1FD20]  }
0x726: {  	v9 =	vld [tilespmem:$0x1FD30]  }
0x727: {  	v38 =	vld [tilespmem:$0x1FD40]  }
0x728: {  	v47 =	vld [tilespmem:$0x1FD50]  }
0x729: {  	v43 =	vld [tilespmem:$0x1FD60]  }
0x72a: {  	v26 =	vld [tilespmem:$0x1FD70]  }
0x72b: {  	v42 =	vld [tilespmem:$0x1FD80]  }
0x72c: {  	v18 =	vld [tilespmem:$0x1FD90]  }
0x72d: {  	v55 =	vld [tilespmem:$0x1FDA0]  }
0x72e: {  	v2 =	vld [tilespmem:$0x1FE40]  }
0x72f: {  	v58 =	vld [tilespmem:$0x1FDD0]  }
0x730: {  	v57 =	vld [tilespmem:$0x1FEC0]  }
0x731: {  	v59 =	vld [tilespmem:$0x1FED0]  }
0x732: {  	v60 =	vld [tilespmem:$0x1FEE0]  }
.Ltmp7:
0x733: {  	v32 =	vld [tilespmem:$0x1FEA0];
	(pc) =	sbr.rel .LBB2_6-.Ltmp7, $4  }
0x734: {  	v62 =	vld [tilespmem:$0x1FF10]  }
0x735: {  	s19 =	sshll.u32 s19, $0xB;
	v23 =	vld [tilespmem:$0x1FF20]  }
0x736: {  	s18 =	sadd.s32 $0x3, s18;
	s19 =	sadd.s32 s3, s19;
	v34 =	vld [tilespmem:$0x1FE90]  }
0x737: {  	v50 =	vmov v37;
	v56 =	vlaneseq.u32;
	[hbm4b:s19+s5] =	stream.linear.scatter [tilespmem:s21], [sflag:s18], $0x4000, $0x38;
	v44 =	vld [tilespmem:$0x1FE30]  }
.LBB2_8:
0x738: {  	s17 =	simm.s32 $0x0  }
0x739: {  	v1 =	vor.u32 s17, v2  }
0x73a: {  	[tilespmem:s13], [sflag:$0x5] =	stream.linear.gather [hbm4b:s1+s17], $0x2000, $0x38;
	[tilespmem:$0xE000] =	vst v63  }
0x73b: {  	v0 =	vmov s17;
	_ =	swait.ge [sflag:s14], $0x2000  }
0x73c: {  	v0 =	vshll.u32 v0, $0x7;
	[sflag:s14] =	ssyncset.done $0x0  }
0x73d: {  	v0 =	vor.u32 v57, v0;
	[sflag:s14] =	ssyncadd.s32 $0xFFFFE000  }
0x73e: {  	v2 =	vor.u32 v56, v0;
	v1 =	vld.idx.msk [tilespmem:v1+s13+$0x0], $0xffff  }
0x73f: {  	v3 =	vor.u32 s17, v59;
	_ =	sdelay $0x3  }
0x740: {  	[tilespmem:v2+s15+$0x0] =	vst.idx.msk $0xffff, v1  }
0x741: {  	v2 =	vor.u32 v60, v0;
	v1 =	vld.idx.msk [tilespmem:v3+s13+$0x0], $0xffff;
	_ =	sdelay $0x4  }
0x742: {  	[tilespmem:v2+s15+$0x0] =	vst.idx.msk $0xffff, v1  }
0x743: {  	v3 =	vor.u32 s17, v32;
	v2 =	vld [tilespmem:$0x1FA50];
	_ =	sdelay $0x4  }
0x744: {  	v1 =	vld.idx.msk [tilespmem:v3+s13+$0x0], $0xffff;
	v2 =	vor.u32 v2, v0;
	_ =	sdelay $0x4  }
0x745: {  	[tilespmem:v2+s15+$0x0] =	vst.idx.msk $0xffff, v1  }
0x746: {  	v3 =	vor.u32 s17, v62;
	v2 =	vld [tilespmem:$0x1FA60];
	_ =	sdelay $0x4  }
0x747: {  	v1 =	vld.idx.msk [tilespmem:v3+s13+$0x0], $0xffff;
	v2 =	vor.u32 v2, v0  }
0x748: {  	v3 =	vor.u32 s17, v52;
	_ =	sdelay $0x3  }
0x749: {  	[tilespmem:v2+s15+$0x0] =	vst.idx.msk $0xffff, v1  }
0x74a: {  	v2 =	vor.u32 v33, v0;
	v1 =	vld.idx.msk [tilespmem:v3+s13+$0x0], $0xffff  }
0x74b: {  	v3 =	vor.u32 s17, v19;
	_ =	sdelay $0x3  }
0x74c: {  	[tilespmem:v2+s15+$0x0] =	vst.idx.msk $0xffff, v1  }
0x74d: {  	v2 =	vor.u32 v23, v0;
	v1 =	vld.idx.msk [tilespmem:v3+s13+$0x0], $0xffff;
	_ =	sdelay $0x4  }
0x74e: {  	[tilespmem:v2+s15+$0x0] =	vst.idx.msk $0xffff, v1  }
0x74f: {  	v3 =	vor.u32 s17, v24;
	v2 =	vld [tilespmem:$0x1FB10];
	_ =	sdelay $0x4  }
0x750: {  	v1 =	vld.idx.msk [tilespmem:v3+s13+$0x0], $0xffff;
	v2 =	vor.u32 v2, v0  }
0x751: {  	v3 =	vor.u32 s17, v54;
	_ =	sdelay $0x3  }
0x752: {  	[tilespmem:v2+s15+$0x0] =	vst.idx.msk $0xffff, v1  }
0x753: {  	v2 =	vor.u32 v34, v0;
	v1 =	vld.idx.msk [tilespmem:v3+s13+$0x0], $0xffff  }
0x754: {  	v3 =	vor.u32 s17, v31;
	_ =	sdelay $0x3  }
0x755: {  	[tilespmem:v2+s15+$0x0] =	vst.idx.msk $0xffff, v1  }
0x756: {  	v2 =	vor.u32 v51, v0;
	v1 =	vld.idx.msk [tilespmem:v3+s13+$0x0], $0xffff;
	_ =	sdelay $0x4  }
0x757: {  	[tilespmem:v2+s15+$0x0] =	vst.idx.msk $0xffff, v1  }
0x758: {  	v3 =	vor.u32 s17, v53;
	v2 =	vld [tilespmem:$0x1FBD0];
	_ =	sdelay $0x4  }
0x759: {  	v1 =	vld.idx.msk [tilespmem:v3+s13+$0x0], $0xffff;
	v2 =	vor.u32 v2, v0  }
0x75a: {  	v3 =	vor.u32 s17, v8;
	_ =	sdelay $0x3  }
0x75b: {  	[tilespmem:v2+s15+$0x0] =	vst.idx.msk $0xffff, v1  }
0x75c: {  	v1 =	vld.idx.msk [tilespmem:v3+s13+$0x0], $0xffff  }
0x75d: {  	v2 =	vld [tilespmem:$0x1FC30]  }
0x75e: {  	v3 =	vld [tilespmem:$0x1F6F0];
	_ =	sdelay $0x2  }
0x75f: {  	v10 =	vld [tilespmem:$0x1FC80]  }
0x760: {  	v2 =	vor.u32 v2, v0  }
0x761: {  	v3 =	vor.u32 s17, v3;
	_ =	sdelay $0x2  }
0x762: {  	v8 =	vcombine.low v10, v44  }
0x763: {  	[tilespmem:v2+s15+$0x0] =	vst.idx.msk $0xffff, v1  }
0x764: {  	v2 =	vor.u32 v8, v0;
	v1 =	vld.idx.msk [tilespmem:v3+s13+$0x0], $0xffff  }
0x765: {  	v15 =	vmov v31;
	v31 =	vld [tilespmem:$0x1F700]  }
0x766: {  	v20 =	vld [tilespmem:$0x1F720]  }
0x767: {  	v10 =	vld [tilespmem:$0x1F710]  }
0x768: {  	[tilespmem:$0x1EE50] =	vst v8  }
0x769: {  	[tilespmem:v2+s15+$0x0] =	vst.idx.msk $0xffff, v1  }
0x76a: {  	v3 =	vor.u32 s17, v31;
	v8 =	vld [tilespmem:$0x1F730]  }
0x76b: {  	v51 =	vmov v59;
	v59 =	vld [tilespmem:$0x1F740]  }
0x76c: {  	v16 =	vmov v4;
	v4 =	vcombine.low v20, v10;
	v19 =	vld [tilespmem:$0x1F9A0]  }
0x76d: {  	v50 =	vld [tilespmem:$0x1F9B0]  }
0x76e: {  	v2 =	vand.u32 $0xF, v4  }
0x76f: {  	v1 =	vld.idx.msk [tilespmem:v3+s13+$0x0], $0xffff;
	[tilespmem:$0x1EE60] =	vst v2;
	v2 =	vor.u32 v2, v0  }
0x770: {  	v3 =	vor.u32 s17, v45  }
0x771: {  	v4 =	vsel vm0, v59, v8  }
0x772: {  	v8 =	vsel vm0, v50, v19;
	[tilespmem:$0x1EE70] =	vst v4  }
0x773: {  	[tilespmem:$0x1EE80] =	vst v8  }
0x774: {  	v37 =	vld [tilespmem:$0x1FA40];
	v4 =	vcombine.low v8, v4;
	[tilespmem:v2+s15+$0x0] =	vst.idx.msk $0xffff, v1  }
0x775: {  	v1 =	vld.idx.msk [tilespmem:v3+s13+$0x0], $0xffff  }
0x776: {  	v2 =	vor.u32 v4, v0;
	[tilespmem:$0x1EE90] =	vst v4;
	v4 =	vld [tilespmem:$0x1F9C0]  }
0x777: {  	v56 =	vld [tilespmem:$0x1F9D0]  }
0x778: {  	v32 =	vmov v57;
	v57 =	vld [tilespmem:$0x1F9E0]  }
0x779: {  	v49 =	vmov v42;
	v42 =	vld [tilespmem:$0x1F9F0];
	_ =	sdelay $0x1  }
0x77a: {  	v3 =	vld [tilespmem:$0x1F750];
	_ =	sdelay $0x1  }
0x77b: {  	v4 =	vsel vm0, v56, v4  }
0x77c: {  	v8 =	vsel vm0, v42, v57;
	[tilespmem:$0x1EEA0] =	vst v4  }
0x77d: {  	[tilespmem:$0x1EEB0] =	vst v8  }
0x77e: {  	v3 =	vor.u32 s17, v3;
	[tilespmem:v2+s15+$0x0] =	vst.idx.msk $0xffff, v1  }
0x77f: {  	v12 =	vld [tilespmem:$0x1F760]  }
0x780: {  	v22 =	vmov v53;
	v53 =	vmov v27;
	v27 =	vld [tilespmem:$0x1FA10]  }
0x781: {  	v39 =	vmov v18;
	v18 =	vmov v35;
	v35 =	vmov v60;
	v60 =	vld [tilespmem:$0x1FA20]  }
0x782: {  	v4 =	vcombine.low v8, v4;
	v8 =	vld [tilespmem:$0x1FA30]  }
0x783: {  	v1 =	vld.idx.msk [tilespmem:v3+s13+$0x0], $0xffff  }
0x784: {  	v2 =	vor.u32 v4, v0;
	[tilespmem:$0x1EEC0] =	vst v4;
	v4 =	vld [tilespmem:$0x1FA00];
	_ =	sdelay $0x2  }
0x785: {  	v3 =	vor.u32 s17, v12  }
0x786: {  	v14 =	vsel vm0, v8, v60  }
0x787: {  	[tilespmem:$0x1EEE0] =	vst v14;
	v4 =	vsel vm0, v27, v4  }
0x788: {  	[tilespmem:$0x1EED0] =	vst v4;
	v4 =	vcombine.low v14, v4  }
0x789: {  	[tilespmem:v2+s15+$0x0] =	vst.idx.msk $0xffff, v1  }
0x78a: {  	v1 =	vld.idx.msk [tilespmem:v3+s13+$0x0], $0xffff;
	v2 =	vor.u32 v4, v0;
	_ =	sdelay $0x3  }
0x78b: {  	[tilespmem:$0x1EEF0] =	vst v4;
	v3 =	vor.u32 s17, v11  }
0x78c: {  	[tilespmem:v2+s15+$0x0] =	vst.idx.msk $0xffff, v1  }
0x78d: {  	v4 =	vcombine.low v53, v41;
	v62 =	vld [tilespmem:$0x1F770];
	_ =	sdelay $0x1  }
0x78e: {  	v2 =	vand.u32 $0xF, v4  }
0x78f: {  	v1 =	vld.idx.msk [tilespmem:v3+s13+$0x0], $0xffff;
	[tilespmem:$0x1EF00] =	vst v2;
	v2 =	vor.u32 v2, v0;
	_ =	sdelay $0x1  }
0x790: {  	v4 =	vsel vm0, v40, v46;
	v3 =	vor.u32 s17, v62  }
0x791: {  	v10 =	vsel vm0, v18, v48;
	[tilespmem:$0x1EF10] =	vst v4  }
0x792: {  	[tilespmem:$0x1EF20] =	vst v10  }
0x793: {  	v4 =	vcombine.low v10, v4;
	[tilespmem:v2+s15+$0x0] =	vst.idx.msk $0xffff, v1  }
0x794: {  	v33 =	vld [tilespmem:$0x1F780]  }
0x795: {  	v2 =	vor.u32 v4, v0;
	v1 =	vld.idx.msk [tilespmem:v3+s13+$0x0], $0xffff;
	_ =	sdelay $0x1  }
0x796: {  	v10 =	vsel vm0, v47, v38;
	[tilespmem:$0x1EF30] =	vst v4  }
0x797: {  	v4 =	vsel vm0, v9, v21;
	[tilespmem:$0x1EF50] =	vst v10  }
0x798: {  	[tilespmem:$0x1EF40] =	vst v4  }
0x799: {  	v3 =	vor.u32 s17, v33;
	[tilespmem:v2+s15+$0x0] =	vst.idx.msk $0xffff, v1  }
0x79a: {  	v13 =	vld [tilespmem:$0x1F790];
	_ =	sdelay $0x1  }
0x79b: {  	v4 =	vcombine.low v10, v4;
	_ =	sdelay $0x1  }
0x79c: {  	v2 =	vor.u32 v4, v0;
	v1 =	vld.idx.msk [tilespmem:v3+s13+$0x0], $0xffff  }
0x79d: {  	v3 =	vor.u32 s17, v13  }
0x79e: {  	v45 =	vmov v26;
	v26 =	vmov v43;
	v10 =	vsel vm0, v49, v37;
	[tilespmem:$0x1EF60] =	vst v4  }
0x79f: {  	v4 =	vsel vm0, v45, v26;
	[tilespmem:$0x1EF80] =	vst v10  }
0x7a0: {  	[tilespmem:$0x1EF70] =	vst v4;
	v4 =	vcombine.low v10, v4  }
0x7a1: {  	[tilespmem:v2+s15+$0x0] =	vst.idx.msk $0xffff, v1  }
0x7a2: {  	v2 =	vor.u32 v4, v0;
	v1 =	vld.idx.msk [tilespmem:v3+s13+$0x0], $0xffff;
	_ =	sdelay $0x3  }
0x7a3: {  	[tilespmem:$0x1EF90] =	vst v4;
	v4 =	vcombine.low v55, v39  }
0x7a4: {  	[tilespmem:v2+s15+$0x0] =	vst.idx.msk $0xffff, v1  }
0x7a5: {  	v2 =	vand.u32 $0xF, v4;
	v4 =	vld [tilespmem:$0x1FA80]  }
0x7a6: {  	v25 =	vmov v5;
	v5 =	vld [tilespmem:$0x1FA90];
	_ =	sdelay $0x2  }
0x7a7: {  	v3 =	vor.u32 s17, v28;
	_ =	sdelay $0x1  }
0x7a8: {  	v10 =	vsel vm0, v5, v4;
	v4 =	vld [tilespmem:$0x1FA70]  }
0x7a9: {  	v5 =	vld [tilespmem:$0x1FAA0];
	_ =	sdelay $0x1  }
0x7aa: {  	v1 =	vld.idx.msk [tilespmem:v3+s13+$0x0], $0xffff;
	[tilespmem:$0x1EFA0] =	vst v2;
	v2 =	vor.u32 v2, v0  }
0x7ab: {  	v3 =	vor.u32 s17, v30;
	_ =	sdelay $0x1  }
0x7ac: {  	[tilespmem:$0x1EFB0] =	vst v10;
	v5 =	vsel vm0, v4, v5  }
0x7ad: {  	[tilespmem:$0x1EFC0] =	vst v5  }
0x7ae: {  	v63 =	vld [tilespmem:$0x1F7F0];
	v4 =	vcombine.low v5, v10;
	[tilespmem:v2+s15+$0x0] =	vst.idx.msk $0xffff, v1  }
0x7af: {  	v1 =	vld.idx.msk [tilespmem:v3+s13+$0x0], $0xffff  }
0x7b0: {  	[tilespmem:$0x1EFD0] =	vst v4;
	v2 =	vor.u32 v4, v0;
	v4 =	vld [tilespmem:$0x1FAC0]  }
0x7b1: {  	v5 =	vld [tilespmem:$0x1FAD0];
	_ =	sdelay $0x3  }
0x7b2: {  	v39 =	vld [tilespmem:$0x1F7A0]  }
0x7b3: {  	v10 =	vsel vm0, v5, v4;
	v4 =	vld [tilespmem:$0x1FAB0]  }
0x7b4: {  	v5 =	vld [tilespmem:$0x1FAE0];
	_ =	sdelay $0x2  }
0x7b5: {  	v3 =	vor.u32 s17, v39;
	_ =	sdelay $0x1  }
0x7b6: {  	[tilespmem:$0x1EFE0] =	vst v10;
	v4 =	vsel vm0, v4, v5  }
0x7b7: {  	[tilespmem:$0x1EFF0] =	vst v4  }
0x7b8: {  	v4 =	vcombine.low v4, v10;
	[tilespmem:v2+s15+$0x0] =	vst.idx.msk $0xffff, v1  }
0x7b9: {  	v1 =	vld.idx.msk [tilespmem:v3+s13+$0x0], $0xffff  }
0x7ba: {  	[tilespmem:$0x1F000] =	vst v4;
	v2 =	vor.u32 v4, v0;
	v4 =	vld [tilespmem:$0x1FB30]  }
0x7bb: {  	v5 =	vld [tilespmem:$0x1FB40];
	_ =	sdelay $0x3  }
0x7bc: {  	v46 =	vld [tilespmem:$0x1F7B0]  }
0x7bd: {  	v10 =	vsel vm0, v5, v4;
	v4 =	vld [tilespmem:$0x1FB20]  }
0x7be: {  	v5 =	vld [tilespmem:$0x1FB50];
	_ =	sdelay $0x2  }
0x7bf: {  	v3 =	vor.u32 s17, v46;
	_ =	sdelay $0x1  }
0x7c0: {  	[tilespmem:$0x1F010] =	vst v10;
	v4 =	vsel vm0, v4, v5  }
0x7c1: {  	[tilespmem:$0x1F020] =	vst v4  }
0x7c2: {  	v4 =	vcombine.low v4, v10;
	[tilespmem:v2+s15+$0x0] =	vst.idx.msk $0xffff, v1  }
0x7c3: {  	v1 =	vld.idx.msk [tilespmem:v3+s13+$0x0], $0xffff  }
0x7c4: {  	[tilespmem:$0x1F030] =	vst v4;
	v2 =	vor.u32 v4, v0;
	v4 =	vld [tilespmem:$0x1FDC0]  }
0x7c5: {  	v5 =	vld [tilespmem:$0x1FDB0];
	_ =	sdelay $0x4  }
0x7c6: {  	v4 =	vcombine.low v4, v5;
	[tilespmem:v2+s15+$0x0] =	vst.idx.msk $0xffff, v1  }
0x7c7: {  	v5 =	vld [tilespmem:$0x1FB90]  }
0x7c8: {  	v2 =	vand.u32 $0xF, v4;
	v4 =	vld [tilespmem:$0x1FB80];
	_ =	sdelay $0x2  }
0x7c9: {  	v3 =	vor.u32 s17, v6;
	_ =	sdelay $0x1  }
0x7ca: {  	v6 =	vsel vm0, v5, v4;
	v4 =	vld [tilespmem:$0x1FB70]  }
0x7cb: {  	v5 =	vld [tilespmem:$0x1FBA0];
	_ =	sdelay $0x1  }
0x7cc: {  	v1 =	vld.idx.msk [tilespmem:v3+s13+$0x0], $0xffff;
	[tilespmem:$0x1F040] =	vst v2;
	v2 =	vor.u32 v2, v0;
	_ =	sdelay $0x2  }
0x7cd: {  	[tilespmem:$0x1F050] =	vst v6;
	v4 =	vsel vm0, v4, v5  }
0x7ce: {  	[tilespmem:$0x1F060] =	vst v4;
	v4 =	vcombine.low v4, v6  }
0x7cf: {  	[tilespmem:v2+s15+$0x0] =	vst.idx.msk $0xffff, v1  }
0x7d0: {  	v17 =	vmov v4;
	v2 =	vor.u32 v4, v0;
	v4 =	vld [tilespmem:$0x1FBF0]  }
0x7d1: {  	v5 =	vld [tilespmem:$0x1FC00];
	_ =	sdelay $0x1  }
0x7d2: {  	v3 =	vor.u32 s17, v7;
	_ =	sdelay $0x2  }
0x7d3: {  	v6 =	vsel vm0, v5, v4;
	v4 =	vld [tilespmem:$0x1FBE0]  }
0x7d4: {  	v5 =	vld [tilespmem:$0x1FC10]  }
0x7d5: {  	v1 =	vld.idx.msk [tilespmem:v3+s13+$0x0], $0xffff  }
0x7d6: {  	v3 =	vld [tilespmem:$0x1F7C0];
	_ =	sdelay $0x2  }
0x7d7: {  	[tilespmem:$0x1F070] =	vst v6;
	v4 =	vsel vm0, v4, v5  }
0x7d8: {  	[tilespmem:$0x1F080] =	vst v4;
	v4 =	vcombine.low v4, v6  }
0x7d9: {  	v29 =	vmov v3;
	v3 =	vor.u32 s17, v3;
	[tilespmem:v2+s15+$0x0] =	vst.idx.msk $0xffff, v1  }
0x7da: {  	v20 =	vmov v4;
	v2 =	vor.u32 v4, v0;
	v4 =	vld [tilespmem:$0x1FC50]  }
0x7db: {  	v5 =	vld [tilespmem:$0x1FC60];
	_ =	sdelay $0x2  }
0x7dc: {  	v1 =	vld.idx.msk [tilespmem:v3+s13+$0x0], $0xffff  }
0x7dd: {  	v3 =	vld [tilespmem:$0x1F7D0]  }
0x7de: {  	v6 =	vsel vm0, v5, v4;
	v4 =	vld [tilespmem:$0x1FC40]  }
0x7df: {  	v5 =	vld [tilespmem:$0x1FC70];
	_ =	sdelay $0x2  }
0x7e0: {  	v38 =	vmov v3;
	v3 =	vor.u32 s17, v3;
	_ =	sdelay $0x1  }
0x7e1: {  	[tilespmem:$0x1F090] =	vst v6;
	v4 =	vsel vm0, v4, v5  }
0x7e2: {  	[tilespmem:$0x1F0A0] =	vst v4  }
0x7e3: {  	v44 =	vld [tilespmem:$0x1F960];
	[tilespmem:v2+s15+$0x0] =	vst.idx.msk $0xffff, v1  }
0x7e4: {  	v1 =	vld.idx.msk [tilespmem:v3+s13+$0x0], $0xffff  }
0x7e5: {  	v4 =	vcombine.low v4, v6;
	v3 =	vld [tilespmem:$0x1F7E0];
	_ =	sdelay $0x1  }
0x7e6: {  	v14 =	vmov v4;
	v2 =	vor.u32 v4, v0;
	v4 =	vld [tilespmem:$0x1FDE0];
	_ =	sdelay $0x2  }
0x7e7: {  	v26 =	vmov v3;
	v3 =	vor.u32 s17, v3;
	_ =	sdelay $0x1  }
0x7e8: {  	v4 =	vcombine.low v4, v58;
	[tilespmem:v2+s15+$0x0] =	vst.idx.msk $0xffff, v1  }
0x7e9: {  	v5 =	vld [tilespmem:$0x1F730]  }
0x7ea: {  	v2 =	vand.u32 $0xF, v4  }
0x7eb: {  	v30 =	vmov v36;
	v36 =	vmov v2;
	v2 =	vor.u32 v2, v0;
	v1 =	vld.idx.msk [tilespmem:v3+s13+$0x0], $0xffff;
	_ =	sdelay $0x1  }
0x7ec: {  	v4 =	vsel vm0, v19, v59  }
0x7ed: {  	v3 =	vor.u32 s17, v16;
	[tilespmem:$0x1F0B0] =	vst v4;
	v5 =	vsel vm0, v5, v50  }
0x7ee: {  	[tilespmem:$0x1F0C0] =	vst v5  }
0x7ef: {  	v47 =	vld [tilespmem:$0x1FFF0];
	[tilespmem:v2+s15+$0x0] =	vst.idx.msk $0xffff, v1  }
0x7f0: {  	v4 =	vcombine.low v5, v4;
	v5 =	vld [tilespmem:$0x1F9C0];
	_ =	sdelay $0x1  }
0x7f1: {  	v2 =	vor.u32 v4, v0;
	v1 =	vld.idx.msk [tilespmem:v3+s13+$0x0], $0xffff;
	_ =	sdelay $0x1  }
0x7f2: {  	v37 =	vmov v4;
	v4 =	vsel vm0, v57, v56  }
0x7f3: {  	v3 =	vor.u32 s17, v25;
	[tilespmem:$0x1F0D0] =	vst v4;
	v5 =	vsel vm0, v5, v42  }
0x7f4: {  	[tilespmem:$0x1F0E0] =	vst v5  }
0x7f5: {  	v43 =	vld [tilespmem:$0x1F6F0];
	[tilespmem:v2+s15+$0x0] =	vst.idx.msk $0xffff, v1  }
0x7f6: {  	v4 =	vcombine.low v5, v4;
	v5 =	vld [tilespmem:$0x1FA00];
	_ =	sdelay $0x1  }
0x7f7: {  	v1 =	vld.idx.msk [tilespmem:v3+s13+$0x0], $0xffff;
	v2 =	vor.u32 v4, v0  }
0x7f8: {  	v3 =	vor.u32 s17, v30  }
0x7f9: {  	v16 =	vmov v4;
	v4 =	vsel vm0, v60, v27  }
0x7fa: {  	[tilespmem:$0x1F0F0] =	vst v4;
	v5 =	vsel vm0, v5, v8  }
0x7fb: {  	[tilespmem:$0x1F100] =	vst v5  }
0x7fc: {  	[tilespmem:v2+s15+$0x0] =	vst.idx.msk $0xffff, v1  }
0x7fd: {  	v2 =	vld.idx.msk [tilespmem:v3+s13+$0x0], $0xffff  }
0x7fe: {  	v1 =	vld [tilespmem:$0x1FE40]  }
0x7ff: {  	v19 =	vld [tilespmem:$0x1FCA0]  }
0x800: {  	v9 =	vmov v31;
	v31 =	vld [tilespmem:$0x1FC90]  }
0x801: {  	v45 =	vld [tilespmem:$0x1FCB0]  }
0x802: {  	v42 =	vld [tilespmem:$0x1F750]  }
0x803: {  	v40 =	vmov v24;
	v24 =	vld [tilespmem:$0x1FAF0]  }
0x804: {  	v25 =	vld [tilespmem:$0x1FB00]  }
0x805: {  	v27 =	vld [tilespmem:$0x1FB60]  }
0x806: {  	v23 =	vmov v34;
	v18 =	vmov v54;
	v4 =	vcombine.low v5, v4;
	v28 =	vld [tilespmem:$0x1FBB0]  }
0x807: {  	s18 =	simm.s32 $0x10;
	v48 =	vmovc v22;
	v41 =	vmovc v52;
	v49 =	vmov v62;
	v22 =	vmov v39;
	v39 =	vmov v12;
	v21 =	vld [tilespmem:$0x1FBC0]  }
0x808: {  	s19 =	simm.s32 $0x20;
	v6 =	vor.u32 s17, v63;
	v50 =	vmovc v9;
	v13 =	vmovc v4;
	v7 =	vor.u32 v4, v0;
	v30 =	vld [tilespmem:$0x1FC20];
	v8 =	vor.u32 s18, v1  }
.LBB2_9:
0x809: {  	_ =	sdelay $0x3  }
0x80a: {  	[tilespmem:v7+s15+$0x0] =	vst.idx.msk $0xffff, v2;
	v2 =	vld [tilespmem:$0x1F6E0];
	_ =	sdelay $0x2  }
0x80b: {  	v1 =	vmov s18  }
0x80c: {  	v9 =	vld [tilespmem:$0x1FD00];
	v1 =	vshll.u32 v1, $0x7  }
0x80d: {  	v4 =	vor.u32 v2, v0;
	v2 =	vor.u32 v32, v1;
	v1 =	vld [tilespmem:$0x1F800]  }
0x80e: {  	v5 =	vld.idx.msk [tilespmem:v8+s13+$0x0], $0xffff  }
0x80f: {  	v8 =	vld [tilespmem:$0x1FCF0];
	_ =	sdelay $0x1  }
0x810: {  	v3 =	vld.idx.msk [tilespmem:v6+s13+$0x0], $0xffff  }
0x811: {  	v6 =	vlaneseq.u32;
	v1 =	vor.u32 s17, v1  }
0x812: {  	v10 =	vld [tilespmem:$0x1FD10];
	v6 =	vor.u32 v6, v2  }
0x813: {  	v8 =	vsel vm0, v9, v8;
	v9 =	vld [tilespmem:$0x1FCE0];
	_ =	sdelay $0x1  }
0x814: {  	[tilespmem:v4+s15+$0x0] =	vst.idx.msk $0xffff, v3  }
0x815: {  	v1 =	vld.idx.msk [tilespmem:v1+s13+$0x0], $0xffff  }
0x816: {  	[tilespmem:v6+s15+$0x0] =	vst.idx.msk $0xffff, v5;
	v5 =	vld [tilespmem:$0x1F810]  }
0x817: {  	v52 =	vsel vm0, v9, v10;
	v9 =	vld [tilespmem:$0x1FD40]  }
0x818: {  	v52 =	vcombine.low v52, v8;
	v8 =	vld [tilespmem:$0x1FD30]  }
0x819: {  	v7 =	vor.u32 s18, v51  }
0x81a: {  	v3 =	vor.u32 v52, v0  }
0x81b: {  	v5 =	vor.u32 s17, v5  }
0x81c: {  	v10 =	vld [tilespmem:$0x1FD20]  }
0x81d: {  	v8 =	vsel vm0, v9, v8;
	v9 =	vld [tilespmem:$0x1FD50]  }
0x81e: {  	v4 =	vld.idx.msk [tilespmem:v7+s13+$0x0], $0xffff  }
0x81f: {  	v7 =	vld [tilespmem:$0x1FEA0];
	[tilespmem:v3+s15+$0x0] =	vst.idx.msk $0xffff, v1  }
0x820: {  	v6 =	vor.u32 v35, v2;
	v1 =	vld.idx.msk [tilespmem:v5+s13+$0x0], $0xffff  }
0x821: {  	v5 =	vld [tilespmem:$0x1F820]  }
0x822: {  	v53 =	vsel vm0, v10, v9;
	v9 =	vld [tilespmem:$0x1FD70]  }
0x823: {  	v53 =	vcombine.low v53, v8;
	v8 =	vld [tilespmem:$0x1FA40]  }
0x824: {  	v7 =	vor.u32 s18, v7  }
0x825: {  	[tilespmem:v6+s15+$0x0] =	vst.idx.msk $0xffff, v4;
	v3 =	vor.u32 v53, v0;
	v6 =	vld [tilespmem:$0x1FA50]  }
0x826: {  	v5 =	vor.u32 s17, v5  }
0x827: {  	v10 =	vld [tilespmem:$0x1FD80]  }
0x828: {  	v8 =	vsel vm0, v8, v9;
	v9 =	vld [tilespmem:$0x1FD60]  }
0x829: {  	v4 =	vld.idx.msk [tilespmem:v7+s13+$0x0], $0xffff  }
0x82a: {  	v7 =	vld [tilespmem:$0x1FF10];
	v6 =	vor.u32 v6, v2;
	[tilespmem:v3+s15+$0x0] =	vst.idx.msk $0xffff, v1  }
0x82b: {  	v1 =	vld.idx.msk [tilespmem:v5+s13+$0x0], $0xffff  }
0x82c: {  	v5 =	vld [tilespmem:$0x1F830]  }
0x82d: {  	v54 =	vsel vm0, v9, v10;
	v9 =	vld [tilespmem:$0x1F6B0]  }
0x82e: {  	v54 =	vcombine.low v54, v8;
	v8 =	vld [tilespmem:$0x1F6A0]  }
0x82f: {  	v7 =	vor.u32 s18, v7;
	[tilespmem:v6+s15+$0x0] =	vst.idx.msk $0xffff, v4;
	v6 =	vld [tilespmem:$0x1FA60]  }
0x830: {  	v3 =	vor.u32 v54, v0  }
0x831: {  	v5 =	vor.u32 s17, v5;
	_ =	sdelay $0x1  }
0x832: {  	v8 =	vcombine.low v8, v9  }
0x833: {  	v4 =	vld.idx.msk [tilespmem:v7+s13+$0x0], $0xffff;
	v6 =	vor.u32 v6, v2  }
0x834: {  	v7 =	vor.u32 s18, v41;
	[tilespmem:v3+s15+$0x0] =	vst.idx.msk $0xffff, v1;
	v55 =	vand.u32 $0xF, v8  }
0x835: {  	v3 =	vor.u32 v55, v0;
	v1 =	vld.idx.msk [tilespmem:v5+s13+$0x0], $0xffff  }
0x836: {  	v5 =	vld [tilespmem:$0x1FF30];
	_ =	sdelay $0x1  }
0x837: {  	[tilespmem:v6+s15+$0x0] =	vst.idx.msk $0xffff, v4  }
0x838: {  	v4 =	vld.idx.msk [tilespmem:v7+s13+$0x0], $0xffff  }
0x839: {  	[tilespmem:v3+s15+$0x0] =	vst.idx.msk $0xffff, v1;
	v1 =	vld [tilespmem:$0x1FE00]  }
0x83a: {  	v5 =	vor.u32 s17, v5;
	v3 =	vld [tilespmem:$0x1FDF0];
	_ =	sdelay $0x4  }
0x83b: {  	v6 =	vor.u32 v19, v2;
	v56 =	vcombine.low v3, v1;
	v1 =	vld.idx.msk [tilespmem:v5+s13+$0x0], $0xffff  }
0x83c: {  	v5 =	vld [tilespmem:$0x1FEF0];
	_ =	sdelay $0x3  }
0x83d: {  	v7 =	vor.u32 s18, v31;
	[tilespmem:v6+s15+$0x0] =	vst.idx.msk $0xffff, v4;
	v6 =	vld [tilespmem:$0x1FF20];
	v3 =	vor.u32 v56, v0  }
0x83e: {  	v5 =	vor.u32 s17, v5;
	_ =	sdelay $0x3  }
0x83f: {  	v57 =	vcombine.low v24, v25;
	v4 =	vld.idx.msk [tilespmem:v7+s13+$0x0], $0xffff;
	v6 =	vor.u32 v6, v2;
	[tilespmem:v3+s15+$0x0] =	vst.idx.msk $0xffff, v1  }
0x840: {  	v7 =	vor.u32 s18, v40;
	v1 =	vld.idx.msk [tilespmem:v5+s13+$0x0], $0xffff  }
0x841: {  	v3 =	vor.u32 v57, v0;
	v5 =	vld [tilespmem:$0x1FF00];
	_ =	sdelay $0x2  }
0x842: {  	[tilespmem:v6+s15+$0x0] =	vst.idx.msk $0xffff, v4  }
0x843: {  	v4 =	vld.idx.msk [tilespmem:v7+s13+$0x0], $0xffff  }
0x844: {  	v5 =	vor.u32 s17, v5;
	[tilespmem:v3+s15+$0x0] =	vst.idx.msk $0xffff, v1;
	v1 =	vld [tilespmem:$0x1FE10];
	_ =	sdelay $0x3  }
0x845: {  	v6 =	vld [tilespmem:$0x1FB10]  }
0x846: {  	v58 =	vcombine.low v1, v27;
	v1 =	vld.idx.msk [tilespmem:v5+s13+$0x0], $0xffff  }
0x847: {  	v5 =	vld [tilespmem:$0x1F850];
	_ =	sdelay $0x2  }
0x848: {  	v6 =	vor.u32 v6, v2  }
0x849: {  	v7 =	vor.u32 s18, v18;
	v3 =	vor.u32 v58, v0  }
0x84a: {  	v5 =	vor.u32 s17, v5  }
0x84b: {  	v9 =	vld [tilespmem:$0x1F6C0]  }
0x84c: {  	v8 =	vld [tilespmem:$0x1F6D0]  }
0x84d: {  	[tilespmem:v6+s15+$0x0] =	vst.idx.msk $0xffff, v4  }
0x84e: {  	v4 =	vld.idx.msk [tilespmem:v7+s13+$0x0], $0xffff;
	[tilespmem:v3+s15+$0x0] =	vst.idx.msk $0xffff, v1  }
0x84f: {  	v1 =	vld.idx.msk [tilespmem:v5+s13+$0x0], $0xffff  }
0x850: {  	v5 =	vld [tilespmem:$0x1F860]  }
0x851: {  	v8 =	vcombine.low v9, v8  }
0x852: {  	v6 =	vor.u32 v23, v2  }
0x853: {  	v59 =	vand.u32 $0xF, v8;
	v7 =	vor.u32 s18, v15  }
0x854: {  	v3 =	vor.u32 v59, v0  }
0x855: {  	v5 =	vor.u32 s17, v5;
	_ =	sdelay $0x1  }
0x856: {  	[tilespmem:v6+s15+$0x0] =	vst.idx.msk $0xffff, v4  }
0x857: {  	v60 =	vcombine.low v28, v21;
	v6 =	vor.u32 v44, v2;
	v4 =	vld.idx.msk [tilespmem:v7+s13+$0x0], $0xffff  }
0x858: {  	v7 =	vor.u32 s18, v48;
	[tilespmem:v3+s15+$0x0] =	vst.idx.msk $0xffff, v1  }
0x859: {  	v3 =	vor.u32 v60, v0;
	v1 =	vld.idx.msk [tilespmem:v5+s13+$0x0], $0xffff;
	_ =	sdelay $0x1  }
0x85a: {  	v5 =	vld [tilespmem:$0x1F870]  }
0x85b: {  	[tilespmem:v6+s15+$0x0] =	vst.idx.msk $0xffff, v4;
	v6 =	vld [tilespmem:$0x1FBD0]  }
0x85c: {  	v4 =	vld.idx.msk [tilespmem:v7+s13+$0x0], $0xffff  }
0x85d: {  	[tilespmem:v3+s15+$0x0] =	vst.idx.msk $0xffff, v1;
	v1 =	vld [tilespmem:$0x1FE20];
	_ =	sdelay $0x1  }
0x85e: {  	v5 =	vor.u32 s17, v5;
	_ =	sdelay $0x2  }
0x85f: {  	v6 =	vor.u32 v6, v2;
	v61 =	vcombine.low v1, v30  }
0x860: {  	v7 =	vor.u32 s18, v47  }
0x861: {  	v1 =	vld.idx.msk [tilespmem:v5+s13+$0x0], $0xffff;
	v3 =	vor.u32 v61, v0  }
0x862: {  	v5 =	vld [tilespmem:$0x1FF80];
	_ =	sdelay $0x1  }
0x863: {  	[tilespmem:v6+s15+$0x0] =	vst.idx.msk $0xffff, v4;
	v6 =	vld [tilespmem:$0x1FC30]  }
0x864: {  	v4 =	vld.idx.msk [tilespmem:v7+s13+$0x0], $0xffff  }
0x865: {  	[tilespmem:v3+s15+$0x0] =	vst.idx.msk $0xffff, v1;
	v1 =	vld [tilespmem:$0x1FE30]  }
0x866: {  	v5 =	vor.u32 s17, v5;
	v3 =	vld [tilespmem:$0x1FC80];
	_ =	sdelay $0x3  }
0x867: {  	v6 =	vor.u32 v6, v2  }
0x868: {  	v62 =	vcombine.low v1, v3;
	v1 =	vld.idx.msk [tilespmem:v5+s13+$0x0], $0xffff  }
0x869: {  	v5 =	vld [tilespmem:$0x1F880]  }
0x86a: {  	v9 =	vld [tilespmem:$0x1F720]  }
0x86b: {  	v8 =	vld [tilespmem:$0x1F710]  }
0x86c: {  	v7 =	vor.u32 s18, v43;
	[tilespmem:v6+s15+$0x0] =	vst.idx.msk $0xffff, v4;
	v6 =	vld [tilespmem:$0x1EE50]  }
0x86d: {  	v3 =	vor.u32 v62, v0  }
0x86e: {  	v5 =	vor.u32 s17, v5;
	_ =	sdelay $0x1  }
0x86f: {  	v8 =	vcombine.low v8, v9  }
0x870: {  	v4 =	vld.idx.msk [tilespmem:v7+s13+$0x0], $0xffff;
	v6 =	vor.u32 v6, v2  }
0x871: {  	v63 =	vand.u32 $0xF, v8;
	v7 =	vor.u32 s18, v50;
	[tilespmem:v3+s15+$0x0] =	vst.idx.msk $0xffff, v1  }
0x872: {  	v3 =	vor.u32 v63, v0;
	v1 =	vld.idx.msk [tilespmem:v5+s13+$0x0], $0xffff;
	_ =	sdelay $0x1  }
0x873: {  	v5 =	vld [tilespmem:$0x1F890]  }
0x874: {  	[tilespmem:v6+s15+$0x0] =	vst.idx.msk $0xffff, v4;
	v6 =	vld [tilespmem:$0x1EE60]  }
0x875: {  	v4 =	vld.idx.msk [tilespmem:v7+s13+$0x0], $0xffff  }
0x876: {  	[tilespmem:v3+s15+$0x0] =	vst.idx.msk $0xffff, v1;
	v1 =	vld [tilespmem:$0x1EE70]  }
0x877: {  	v3 =	vld [tilespmem:$0x1EE80];
	_ =	sdelay $0x1  }
0x878: {  	v5 =	vor.u32 s17, v5;
	_ =	sdelay $0x2  }
0x879: {  	v6 =	vor.u32 v6, v2;
	v1 =	vcombine.low v1, v3  }
0x87a: {  	v7 =	vor.u32 s18, v45  }
0x87b: {  	v3 =	vld.idx.msk [tilespmem:v5+s13+$0x0], $0xffff;
	v1 =	vor.u32 v1, v0;
	_ =	sdelay $0x1  }
0x87c: {  	v5 =	vld [tilespmem:$0x1FFA0]  }
0x87d: {  	[tilespmem:v6+s15+$0x0] =	vst.idx.msk $0xffff, v4;
	v6 =	vld [tilespmem:$0x1EE90]  }
0x87e: {  	v4 =	vld.idx.msk [tilespmem:v7+s13+$0x0], $0xffff  }
0x87f: {  	[tilespmem:v1+s15+$0x0] =	vst.idx.msk $0xffff, v3;
	v1 =	vld [tilespmem:$0x1EEA0]  }
0x880: {  	v3 =	vld [tilespmem:$0x1EEB0];
	_ =	sdelay $0x1  }
0x881: {  	v5 =	vor.u32 s17, v5;
	_ =	sdelay $0x2  }
0x882: {  	v6 =	vor.u32 v6, v2;
	v1 =	vcombine.low v1, v3  }
0x883: {  	v7 =	vor.u32 s18, v42  }
0x884: {  	v3 =	vld.idx.msk [tilespmem:v5+s13+$0x0], $0xffff;
	v1 =	vor.u32 v1, v0  }
0x885: {  	v5 =	vld [tilespmem:$0x1F8A0];
	_ =	sdelay $0x1  }
0x886: {  	[tilespmem:v6+s15+$0x0] =	vst.idx.msk $0xffff, v4;
	v6 =	vld [tilespmem:$0x1EEC0]  }
0x887: {  	v4 =	vld.idx.msk [tilespmem:v7+s13+$0x0], $0xffff  }
0x888: {  	[tilespmem:v1+s15+$0x0] =	vst.idx.msk $0xffff, v3;
	v1 =	vld [tilespmem:$0x1EED0]  }
0x889: {  	v5 =	vor.u32 s17, v5;
	v3 =	vld [tilespmem:$0x1EEE0];
	_ =	sdelay $0x1  }
0x88a: {  	v6 =	vor.u32 v6, v2;
	_ =	sdelay $0x2  }
0x88b: {  	v1 =	vcombine.low v1, v3;
	v3 =	vld.idx.msk [tilespmem:v5+s13+$0x0], $0xffff  }
0x88c: {  	v5 =	vld [tilespmem:$0x1F8B0]  }
0x88d: {  	v7 =	vor.u32 s18, v39;
	[tilespmem:v6+s15+$0x0] =	vst.idx.msk $0xffff, v4;
	v6 =	vld [tilespmem:$0x1EEF0]  }
0x88e: {  	v9 =	vld [tilespmem:$0x1FCD0]  }
0x88f: {  	v8 =	vld [tilespmem:$0x1FCC0];
	_ =	sdelay $0x1  }
0x890: {  	v1 =	vor.u32 v1, v0  }
0x891: {  	v4 =	vld.idx.msk [tilespmem:v7+s13+$0x0], $0xffff;
	v5 =	vor.u32 s17, v5;
	v6 =	vor.u32 v6, v2;
	_ =	sdelay $0x1  }
0x892: {  	v8 =	vcombine.low v8, v9  }
0x893: {  	v7 =	vor.u32 s18, v11  }
0x894: {  	[tilespmem:v1+s15+$0x0] =	vst.idx.msk $0xffff, v3;
	v1 =	vand.u32 $0xF, v8  }
0x895: {  	v3 =	vld.idx.msk [tilespmem:v5+s13+$0x0], $0xffff;
	[tilespmem:v6+s15+$0x0] =	vst.idx.msk $0xffff, v4;
	v4 =	vor.u32 v1, v0;
	_ =	sdelay $0x1  }
0x896: {  	v6 =	vld [tilespmem:$0x1FFB0]  }
0x897: {  	v5 =	vld.idx.msk [tilespmem:v7+s13+$0x0], $0xffff  }
0x898: {  	v7 =	vld [tilespmem:$0x1EF00]  }
0x899: {  	[tilespmem:v4+s15+$0x0] =	vst.idx.msk $0xffff, v3;
	v3 =	vld [tilespmem:$0x1EF10]  }
0x89a: {  	v4 =	vld [tilespmem:$0x1EF20];
	_ =	sdelay $0x1  }
0x89b: {  	v6 =	vor.u32 s17, v6;
	_ =	sdelay $0x2  }
0x89c: {  	v7 =	vor.u32 v7, v2;
	v3 =	vcombine.low v3, v4  }
0x89d: {  	v8 =	vor.u32 s18, v49  }
0x89e: {  	v4 =	vld.idx.msk [tilespmem:v6+s13+$0x0], $0xffff;
	v3 =	vor.u32 v3, v0;
	_ =	sdelay $0x1  }
0x89f: {  	v6 =	vld [tilespmem:$0x1FFC0]  }
0x8a0: {  	[tilespmem:v7+s15+$0x0] =	vst.idx.msk $0xffff, v5;
	v7 =	vld [tilespmem:$0x1EF30]  }
0x8a1: {  	v5 =	vld.idx.msk [tilespmem:v8+s13+$0x0], $0xffff  }
0x8a2: {  	[tilespmem:v3+s15+$0x0] =	vst.idx.msk $0xffff, v4;
	v3 =	vld [tilespmem:$0x1EF40]  }
0x8a3: {  	v4 =	vld [tilespmem:$0x1EF50];
	_ =	sdelay $0x1  }
0x8a4: {  	v6 =	vor.u32 s17, v6;
	_ =	sdelay $0x1  }
0x8a5: {  	v7 =	vor.u32 v7, v2  }
0x8a6: {  	v8 =	vor.u32 s18, v33;
	v3 =	vcombine.low v3, v4;
	_ =	sdelay $0x1  }
0x8a7: {  	v4 =	vld.idx.msk [tilespmem:v6+s13+$0x0], $0xffff;
	v3 =	vor.u32 v3, v0  }
0x8a8: {  	v6 =	vld [tilespmem:$0x1FEB0]  }
0x8a9: {  	[tilespmem:v7+s15+$0x0] =	vst.idx.msk $0xffff, v5;
	v7 =	vld [tilespmem:$0x1EF60]  }
0x8aa: {  	v5 =	vld.idx.msk [tilespmem:v8+s13+$0x0], $0xffff  }
0x8ab: {  	v8 =	vld [tilespmem:$0x1F790]  }
0x8ac: {  	[tilespmem:v3+s15+$0x0] =	vst.idx.msk $0xffff, v4;
	v3 =	vld [tilespmem:$0x1EF70]  }
0x8ad: {  	v6 =	vor.u32 s17, v6;
	v4 =	vld [tilespmem:$0x1EF80];
	_ =	sdelay $0x1  }
0x8ae: {  	v7 =	vor.u32 v7, v2;
	_ =	sdelay $0x1  }
0x8af: {  	v10 =	vld [tilespmem:$0x1FDA0];
	v8 =	vor.u32 s18, v8  }
0x8b0: {  	v3 =	vcombine.low v3, v4;
	v4 =	vld.idx.msk [tilespmem:v6+s13+$0x0], $0xffff  }
0x8b1: {  	v6 =	vld [tilespmem:$0x1F8C0]  }
0x8b2: {  	[tilespmem:v7+s15+$0x0] =	vst.idx.msk $0xffff, v5;
	v7 =	vld [tilespmem:$0x1EF90]  }
0x8b3: {  	v9 =	vld [tilespmem:$0x1FD90]  }
0x8b4: {  	v5 =	vld.idx.msk [tilespmem:v8+s13+$0x0], $0xffff  }
0x8b5: {  	v8 =	vld [tilespmem:$0x1FF90]  }
0x8b6: {  	v3 =	vor.u32 v3, v0  }
0x8b7: {  	v6 =	vor.u32 s17, v6;
	v7 =	vor.u32 v7, v2;
	_ =	sdelay $0x1  }
0x8b8: {  	v9 =	vcombine.low v9, v10  }
0x8b9: {  	v8 =	vor.u32 s18, v8  }
0x8ba: {  	[tilespmem:v3+s15+$0x0] =	vst.idx.msk $0xffff, v4;
	v3 =	vand.u32 $0xF, v9  }
0x8bb: {  	v4 =	vld.idx.msk [tilespmem:v6+s13+$0x0], $0xffff;
	[tilespmem:v7+s15+$0x0] =	vst.idx.msk $0xffff, v5;
	v5 =	vor.u32 v3, v0;
	_ =	sdelay $0x1  }
0x8bc: {  	v7 =	vld [tilespmem:$0x1FFD0]  }
0x8bd: {  	v6 =	vld.idx.msk [tilespmem:v8+s13+$0x0], $0xffff  }
0x8be: {  	v8 =	vld [tilespmem:$0x1EFA0]  }
0x8bf: {  	[tilespmem:v5+s15+$0x0] =	vst.idx.msk $0xffff, v4;
	v4 =	vld [tilespmem:$0x1EFB0]  }
0x8c0: {  	v5 =	vld [tilespmem:$0x1EFC0]  }
0x8c1: {  	v9 =	vld [tilespmem:$0x1FF50]  }
0x8c2: {  	v7 =	vor.u32 s17, v7;
	_ =	sdelay $0x2  }
0x8c3: {  	v8 =	vor.u32 v8, v2;
	v4 =	vcombine.low v4, v5  }
0x8c4: {  	v9 =	vor.u32 s18, v9  }
0x8c5: {  	v5 =	vld.idx.msk [tilespmem:v7+s13+$0x0], $0xffff;
	v4 =	vor.u32 v4, v0;
	_ =	sdelay $0x1  }
0x8c6: {  	v7 =	vld [tilespmem:$0x1FFE0]  }
0x8c7: {  	[tilespmem:v8+s15+$0x0] =	vst.idx.msk $0xffff, v6;
	v8 =	vld [tilespmem:$0x1EFD0]  }
0x8c8: {  	v6 =	vld.idx.msk [tilespmem:v9+s13+$0x0], $0xffff  }
0x8c9: {  	[tilespmem:v4+s15+$0x0] =	vst.idx.msk $0xffff, v5;
	v4 =	vld [tilespmem:$0x1EFE0]  }
0x8ca: {  	v5 =	vld [tilespmem:$0x1EFF0];
	_ =	sdelay $0x1  }
0x8cb: {  	v7 =	vor.u32 s17, v7;
	_ =	sdelay $0x2  }
0x8cc: {  	v8 =	vor.u32 v8, v2;
	v4 =	vcombine.low v4, v5  }
0x8cd: {  	v9 =	vor.u32 s18, v22  }
0x8ce: {  	v5 =	vld.idx.msk [tilespmem:v7+s13+$0x0], $0xffff;
	v4 =	vor.u32 v4, v0  }
0x8cf: {  	v7 =	vld [tilespmem:$0x1F8D0];
	_ =	sdelay $0x1  }
0x8d0: {  	[tilespmem:v8+s15+$0x0] =	vst.idx.msk $0xffff, v6;
	v8 =	vld [tilespmem:$0x1F000]  }
0x8d1: {  	v6 =	vld.idx.msk [tilespmem:v9+s13+$0x0], $0xffff  }
0x8d2: {  	[tilespmem:v4+s15+$0x0] =	vst.idx.msk $0xffff, v5;
	v4 =	vld [tilespmem:$0x1F010]  }
0x8d3: {  	v7 =	vor.u32 s17, v7;
	v5 =	vld [tilespmem:$0x1F020];
	_ =	sdelay $0x1  }
0x8d4: {  	v8 =	vor.u32 v8, v2;
	_ =	sdelay $0x1  }
0x8d5: {  	v12 =	vld [tilespmem:$0x1FDB0];
	v9 =	vor.u32 s18, v46  }
0x8d6: {  	v4 =	vcombine.low v4, v5;
	v5 =	vld.idx.msk [tilespmem:v7+s13+$0x0], $0xffff  }
0x8d7: {  	v7 =	vld [tilespmem:$0x1FF60]  }
0x8d8: {  	[tilespmem:v8+s15+$0x0] =	vst.idx.msk $0xffff, v6;
	v8 =	vld [tilespmem:$0x1F030]  }
0x8d9: {  	v10 =	vld [tilespmem:$0x1FDC0]  }
0x8da: {  	v6 =	vld.idx.msk [tilespmem:v9+s13+$0x0], $0xffff  }
0x8db: {  	v9 =	vld [tilespmem:$0x1FE70]  }
0x8dc: {  	v4 =	vor.u32 v4, v0  }
0x8dd: {  	v7 =	vor.u32 s17, v7;
	v8 =	vor.u32 v8, v2;
	_ =	sdelay $0x1  }
0x8de: {  	v10 =	vcombine.low v12, v10  }
0x8df: {  	v9 =	vor.u32 s18, v9  }
0x8e0: {  	[tilespmem:v4+s15+$0x0] =	vst.idx.msk $0xffff, v5;
	v4 =	vand.u32 $0xF, v10  }
0x8e1: {  	v5 =	vld.idx.msk [tilespmem:v7+s13+$0x0], $0xffff;
	[tilespmem:v8+s15+$0x0] =	vst.idx.msk $0xffff, v6;
	v6 =	vor.u32 v4, v0;
	_ =	sdelay $0x1  }
0x8e2: {  	v8 =	vld [tilespmem:$0x1F8E0]  }
0x8e3: {  	v7 =	vld.idx.msk [tilespmem:v9+s13+$0x0], $0xffff  }
0x8e4: {  	v9 =	vld [tilespmem:$0x1F040]  }
0x8e5: {  	[tilespmem:v6+s15+$0x0] =	vst.idx.msk $0xffff, v5;
	v5 =	vld [tilespmem:$0x1F050]  }
0x8e6: {  	v6 =	vld [tilespmem:$0x1F060]  }
0x8e7: {  	v10 =	vld [tilespmem:$0x1FE80]  }
0x8e8: {  	v8 =	vor.u32 s17, v8;
	_ =	sdelay $0x2  }
0x8e9: {  	v9 =	vor.u32 v9, v2;
	v5 =	vcombine.low v5, v6  }
0x8ea: {  	v10 =	vor.u32 s18, v10  }
0x8eb: {  	v6 =	vld.idx.msk [tilespmem:v8+s13+$0x0], $0xffff;
	v5 =	vor.u32 v5, v0;
	_ =	sdelay $0x2  }
0x8ec: {  	v8 =	vld [tilespmem:$0x1F900];
	[tilespmem:v9+s15+$0x0] =	vst.idx.msk $0xffff, v7  }
0x8ed: {  	v7 =	vld.idx.msk [tilespmem:v10+s13+$0x0], $0xffff  }
0x8ee: {  	[tilespmem:v5+s15+$0x0] =	vst.idx.msk $0xffff, v6;
	v5 =	vld [tilespmem:$0x1F070]  }
0x8ef: {  	v6 =	vld [tilespmem:$0x1F080];
	_ =	sdelay $0x1  }
0x8f0: {  	v8 =	vor.u32 s17, v8;
	_ =	sdelay $0x2  }
0x8f1: {  	v9 =	vor.u32 v17, v2;
	v5 =	vcombine.low v5, v6  }
0x8f2: {  	v10 =	vor.u32 s18, v29  }
0x8f3: {  	v6 =	vld.idx.msk [tilespmem:v8+s13+$0x0], $0xffff;
	v5 =	vor.u32 v5, v0  }
0x8f4: {  	v8 =	vld [tilespmem:$0x1F920];
	_ =	sdelay $0x1  }
0x8f5: {  	[tilespmem:v9+s15+$0x0] =	vst.idx.msk $0xffff, v7  }
0x8f6: {  	v7 =	vld.idx.msk [tilespmem:v10+s13+$0x0], $0xffff  }
0x8f7: {  	[tilespmem:v5+s15+$0x0] =	vst.idx.msk $0xffff, v6;
	v5 =	vld [tilespmem:$0x1F090]  }
0x8f8: {  	v8 =	vor.u32 s17, v8;
	v6 =	vld [tilespmem:$0x1F0A0];
	_ =	sdelay $0x4  }
0x8f9: {  	v9 =	vor.u32 v20, v2;
	v5 =	vcombine.low v5, v6;
	v6 =	vld.idx.msk [tilespmem:v8+s13+$0x0], $0xffff  }
0x8fa: {  	v10 =	vor.u32 s18, v38;
	v8 =	vld [tilespmem:$0x1F930]  }
0x8fb: {  	v34 =	vld [tilespmem:$0x1FDD0]  }
0x8fc: {  	v12 =	vmov v11;
	v11 =	vld [tilespmem:$0x1FDE0];
	_ =	sdelay $0x1  }
0x8fd: {  	[tilespmem:v9+s15+$0x0] =	vst.idx.msk $0xffff, v7;
	v5 =	vor.u32 v5, v0  }
0x8fe: {  	v9 =	vor.u32 v14, v2;
	v7 =	vld.idx.msk [tilespmem:v10+s13+$0x0], $0xffff;
	v8 =	vor.u32 s17, v8;
	_ =	sdelay $0x1  }
0x8ff: {  	v11 =	vcombine.low v34, v11;
	_ =	sdelay $0x1  }
0x900: {  	v10 =	vor.u32 s18, v26;
	[tilespmem:v5+s15+$0x0] =	vst.idx.msk $0xffff, v6;
	v5 =	vand.u32 $0xF, v11  }
0x901: {  	v6 =	vld.idx.msk [tilespmem:v8+s13+$0x0], $0xffff;
	[tilespmem:v9+s15+$0x0] =	vst.idx.msk $0xffff, v7;
	v7 =	vor.u32 v5, v0;
	_ =	sdelay $0x2  }
0x902: {  	v9 =	vld [tilespmem:$0x1F950]  }
0x903: {  	v8 =	vld.idx.msk [tilespmem:v10+s13+$0x0], $0xffff  }
0x904: {  	[tilespmem:v7+s15+$0x0] =	vst.idx.msk $0xffff, v6;
	v6 =	vld [tilespmem:$0x1F0B0]  }
0x905: {  	v7 =	vld [tilespmem:$0x1F0C0]  }
0x906: {  	v11 =	vld [tilespmem:$0x1FE60]  }
0x907: {  	v9 =	vor.u32 s17, v9;
	_ =	sdelay $0x2  }
0x908: {  	v10 =	vor.u32 v36, v2;
	v6 =	vcombine.low v6, v7  }
0x909: {  	v11 =	vor.u32 s18, v11  }
0x90a: {  	v7 =	vld.idx.msk [tilespmem:v9+s13+$0x0], $0xffff;
	v6 =	vor.u32 v6, v0;
	_ =	sdelay $0x2  }
0x90b: {  	[tilespmem:v10+s15+$0x0] =	vst.idx.msk $0xffff, v8;
	v9 =	vld [tilespmem:$0x1F970]  }
0x90c: {  	v8 =	vld.idx.msk [tilespmem:v11+s13+$0x0], $0xffff  }
0x90d: {  	[tilespmem:v6+s15+$0x0] =	vst.idx.msk $0xffff, v7;
	v6 =	vld [tilespmem:$0x1F0D0]  }
0x90e: {  	v7 =	vld [tilespmem:$0x1F0E0]  }
0x90f: {  	v11 =	vld [tilespmem:$0x1FE50]  }
0x910: {  	v9 =	vor.u32 s17, v9;
	_ =	sdelay $0x2  }
0x911: {  	v10 =	vor.u32 v37, v2;
	v6 =	vcombine.low v6, v7  }
0x912: {  	v11 =	vor.u32 s18, v11  }
0x913: {  	v7 =	vld.idx.msk [tilespmem:v9+s13+$0x0], $0xffff;
	v6 =	vor.u32 v6, v0  }
0x914: {  	v9 =	vld [tilespmem:$0x1F990];
	_ =	sdelay $0x1  }
0x915: {  	[tilespmem:v10+s15+$0x0] =	vst.idx.msk $0xffff, v8  }
0x916: {  	v8 =	vld.idx.msk [tilespmem:v11+s13+$0x0], $0xffff  }
0x917: {  	[tilespmem:v6+s15+$0x0] =	vst.idx.msk $0xffff, v7;
	v6 =	vld [tilespmem:$0x1F0F0]  }
0x918: {  	v9 =	vor.u32 s17, v9;
	v7 =	vld [tilespmem:$0x1F100]  }
0x919: {  	v10 =	vor.u32 v16, v2;
	v11 =	vld [tilespmem:$0x1FF40];
	_ =	sdelay $0x3  }
0x91a: {  	s17 =	smov.u32 s18;
	v9 =	vld.idx.msk [tilespmem:v9+s13+$0x0], $0xffff;
	v6 =	vcombine.low v6, v7  }
0x91b: {  	v11 =	vor.u32 s17, v11;
	[tilespmem:v10+s15+$0x0] =	vst.idx.msk $0xffff, v8;
	v8 =	vld [tilespmem:$0x1FE40]  }
0x91c: {  	p2 =	sne.s32 s19, $0x30;
	v10 =	vor.u32 v6, v0;
	v6 =	vld [tilespmem:$0x1F7F0]  }
.Ltmp8:
0x91d: {  	_ = 	snop;
	(pc) =	sbr.rel @p2 .LBB2_9-.Ltmp8, $3  }
0x91e: {  	_ =	sdelay $0x1  }
0x91f: {  	s18 =	smov.u32 s19;
	v0 =	vmov v2;
	v2 =	vld.idx.msk [tilespmem:v11+s13+$0x0], $0xffff  }
0x920: {  	s19 =	sadd.s32 $0x10, s19;
	v11 =	vmovc v12;
	v7 =	vor.u32 v13, v0;
	v8 =	vor.u32 s18, v8;
	v6 =	vor.u32 s17, v6;
	[tilespmem:v10+s15+$0x0] =	vst.idx.msk $0xffff, v9  }
0x921: {  	_ = 	snop  }
0x922: {  	v9 =	vmov s18  }
0x923: {  	v9 =	vshll.u32 v9, $0x7  }
0x924: {  	v28 =	vor.u32 v32, v9;
	v9 =	vlaneseq.u32  }
0x925: {  	v8 =	vld.idx.msk [tilespmem:v8+s13+$0x0], $0xffff;
	v9 =	vor.u32 v9, v28  }
0x926: {  	v10 =	vor.u32 s18, v51;
	_ =	sdelay $0x3  }
0x927: {  	[tilespmem:v9+s15+$0x0] =	vst.idx.msk $0xffff, v8  }
0x928: {  	v9 =	vor.u32 v35, v28;
	v8 =	vld.idx.msk [tilespmem:v10+s13+$0x0], $0xffff  }
0x929: {  	v10 =	vld [tilespmem:$0x1FEA0];
	_ =	sdelay $0x3  }
0x92a: {  	[tilespmem:v9+s15+$0x0] =	vst.idx.msk $0xffff, v8  }
0x92b: {  	v10 =	vor.u32 s18, v10;
	v9 =	vld [tilespmem:$0x1FA50];
	_ =	sdelay $0x4  }
0x92c: {  	v8 =	vld.idx.msk [tilespmem:v10+s13+$0x0], $0xffff;
	v9 =	vor.u32 v9, v28  }
0x92d: {  	v10 =	vld [tilespmem:$0x1FF10];
	_ =	sdelay $0x3  }
0x92e: {  	[tilespmem:v9+s15+$0x0] =	vst.idx.msk $0xffff, v8  }
0x92f: {  	v10 =	vor.u32 s18, v10;
	v9 =	vld [tilespmem:$0x1FA60];
	_ =	sdelay $0x4  }
0x930: {  	v8 =	vld.idx.msk [tilespmem:v10+s13+$0x0], $0xffff;
	v9 =	vor.u32 v9, v28  }
0x931: {  	v10 =	vor.u32 s18, v41;
	_ =	sdelay $0x3  }
0x932: {  	[tilespmem:v9+s15+$0x0] =	vst.idx.msk $0xffff, v8  }
0x933: {  	v9 =	vor.u32 v19, v28;
	v8 =	vld.idx.msk [tilespmem:v10+s13+$0x0], $0xffff;
	_ =	sdelay $0x4  }
0x934: {  	[tilespmem:v9+s15+$0x0] =	vst.idx.msk $0xffff, v8  }
0x935: {  	v10 =	vor.u32 s18, v31;
	v34 =	vld [tilespmem:$0x1FF20];
	_ =	sdelay $0x4  }
0x936: {  	v8 =	vld.idx.msk [tilespmem:v10+s13+$0x0], $0xffff;
	v9 =	vor.u32 v34, v28;
	_ =	sdelay $0x4  }
0x937: {  	[tilespmem:v9+s15+$0x0] =	vst.idx.msk $0xffff, v8  }
0x938: {  	v10 =	vor.u32 s18, v40;
	v9 =	vld [tilespmem:$0x1FB10];
	_ =	sdelay $0x4  }
0x939: {  	v8 =	vld.idx.msk [tilespmem:v10+s13+$0x0], $0xffff;
	v9 =	vor.u32 v9, v28  }
0x93a: {  	v10 =	vor.u32 s18, v18;
	_ =	sdelay $0x3  }
0x93b: {  	[tilespmem:v9+s15+$0x0] =	vst.idx.msk $0xffff, v8  }
0x93c: {  	v9 =	vor.u32 v23, v28;
	v8 =	vld.idx.msk [tilespmem:v10+s13+$0x0], $0xffff  }
0x93d: {  	v10 =	vor.u32 s18, v15;
	_ =	sdelay $0x3  }
0x93e: {  	[tilespmem:v9+s15+$0x0] =	vst.idx.msk $0xffff, v8  }
0x93f: {  	v9 =	vor.u32 v44, v28;
	v8 =	vld.idx.msk [tilespmem:v10+s13+$0x0], $0xffff;
	_ =	sdelay $0x4  }
0x940: {  	[tilespmem:v9+s15+$0x0] =	vst.idx.msk $0xffff, v8  }
0x941: {  	v10 =	vor.u32 s18, v48;
	v9 =	vld [tilespmem:$0x1FBD0];
	_ =	sdelay $0x4  }
0x942: {  	v8 =	vld.idx.msk [tilespmem:v10+s13+$0x0], $0xffff;
	v9 =	vor.u32 v9, v28;
	_ =	sdelay $0x4  }
0x943: {  	[tilespmem:v9+s15+$0x0] =	vst.idx.msk $0xffff, v8  }
0x944: {  	v10 =	vor.u32 s18, v47;
	v9 =	vld [tilespmem:$0x1FC30];
	_ =	sdelay $0x4  }
0x945: {  	v8 =	vld.idx.msk [tilespmem:v10+s13+$0x0], $0xffff;
	v9 =	vor.u32 v9, v28;
	_ =	sdelay $0x4  }
0x946: {  	[tilespmem:v9+s15+$0x0] =	vst.idx.msk $0xffff, v8  }
0x947: {  	v10 =	vor.u32 s18, v43;
	v9 =	vld [tilespmem:$0x1EE50];
	_ =	sdelay $0x4  }
0x948: {  	v8 =	vld.idx.msk [tilespmem:v10+s13+$0x0], $0xffff;
	v9 =	vor.u32 v9, v28;
	_ =	sdelay $0x4  }
0x949: {  	[tilespmem:v9+s15+$0x0] =	vst.idx.msk $0xffff, v8  }
0x94a: {  	v10 =	vor.u32 s18, v50;
	v9 =	vld [tilespmem:$0x1EE60];
	_ =	sdelay $0x4  }
0x94b: {  	v8 =	vld.idx.msk [tilespmem:v10+s13+$0x0], $0xffff;
	v9 =	vor.u32 v9, v28;
	_ =	sdelay $0x4  }
0x94c: {  	[tilespmem:v9+s15+$0x0] =	vst.idx.msk $0xffff, v8  }
0x94d: {  	v10 =	vor.u32 s18, v45;
	v9 =	vld [tilespmem:$0x1EE90];
	_ =	sdelay $0x4  }
0x94e: {  	v8 =	vld.idx.msk [tilespmem:v10+s13+$0x0], $0xffff;
	v9 =	vor.u32 v9, v28;
	_ =	sdelay $0x4  }
0x94f: {  	[tilespmem:v9+s15+$0x0] =	vst.idx.msk $0xffff, v8  }
0x950: {  	v10 =	vor.u32 s18, v42;
	v9 =	vld [tilespmem:$0x1EEC0];
	_ =	sdelay $0x4  }
0x951: {  	v8 =	vld.idx.msk [tilespmem:v10+s13+$0x0], $0xffff;
	v9 =	vor.u32 v9, v28;
	_ =	sdelay $0x4  }
0x952: {  	[tilespmem:v9+s15+$0x0] =	vst.idx.msk $0xffff, v8  }
0x953: {  	v10 =	vor.u32 s18, v39;
	v9 =	vld [tilespmem:$0x1EEF0];
	_ =	sdelay $0x4  }
0x954: {  	v8 =	vld.idx.msk [tilespmem:v10+s13+$0x0], $0xffff;
	v9 =	vor.u32 v9, v28;
	_ =	sdelay $0x4  }
0x955: {  	[tilespmem:v9+s15+$0x0] =	vst.idx.msk $0xffff, v8  }
0x956: {  	v10 =	vor.u32 s18, v11;
	v9 =	vld [tilespmem:$0x1EF00];
	_ =	sdelay $0x4  }
0x957: {  	v8 =	vld.idx.msk [tilespmem:v10+s13+$0x0], $0xffff;
	v9 =	vor.u32 v9, v28;
	_ =	sdelay $0x4  }
0x958: {  	[tilespmem:v9+s15+$0x0] =	vst.idx.msk $0xffff, v8  }
0x959: {  	v10 =	vor.u32 s18, v49;
	v9 =	vld [tilespmem:$0x1EF30];
	_ =	sdelay $0x4  }
0x95a: {  	v8 =	vld.idx.msk [tilespmem:v10+s13+$0x0], $0xffff;
	v9 =	vor.u32 v9, v28;
	_ =	sdelay $0x4  }
0x95b: {  	[tilespmem:v9+s15+$0x0] =	vst.idx.msk $0xffff, v8  }
0x95c: {  	v10 =	vor.u32 s18, v33;
	v9 =	vld [tilespmem:$0x1EF60];
	_ =	sdelay $0x4  }
0x95d: {  	v8 =	vld.idx.msk [tilespmem:v10+s13+$0x0], $0xffff;
	v9 =	vor.u32 v9, v28  }
0x95e: {  	v10 =	vld [tilespmem:$0x1F790];
	_ =	sdelay $0x3  }
0x95f: {  	[tilespmem:v9+s15+$0x0] =	vst.idx.msk $0xffff, v8  }
0x960: {  	v10 =	vor.u32 s18, v10;
	v9 =	vld [tilespmem:$0x1EF90];
	_ =	sdelay $0x4  }
0x961: {  	v8 =	vld.idx.msk [tilespmem:v10+s13+$0x0], $0xffff;
	v9 =	vor.u32 v9, v28  }
0x962: {  	v32 =	vld [tilespmem:$0x1FF90];
	_ =	sdelay $0x3  }
0x963: {  	[tilespmem:v9+s15+$0x0] =	vst.idx.msk $0xffff, v8  }
0x964: {  	v10 =	vor.u32 s18, v32;
	v9 =	vld [tilespmem:$0x1EFA0];
	_ =	sdelay $0x4  }
0x965: {  	v8 =	vld.idx.msk [tilespmem:v10+s13+$0x0], $0xffff;
	v9 =	vor.u32 v9, v28  }
0x966: {  	v30 =	vld [tilespmem:$0x1FF50];
	_ =	sdelay $0x3  }
0x967: {  	[tilespmem:v9+s15+$0x0] =	vst.idx.msk $0xffff, v8  }
0x968: {  	v10 =	vor.u32 s18, v30;
	v9 =	vld [tilespmem:$0x1EFD0];
	_ =	sdelay $0x4  }
0x969: {  	v8 =	vld.idx.msk [tilespmem:v10+s13+$0x0], $0xffff;
	v9 =	vor.u32 v9, v28;
	_ =	sdelay $0x4  }
0x96a: {  	[tilespmem:v9+s15+$0x0] =	vst.idx.msk $0xffff, v8  }
0x96b: {  	v10 =	vor.u32 s18, v22;
	v9 =	vld [tilespmem:$0x1F000];
	_ =	sdelay $0x4  }
0x96c: {  	v8 =	vld.idx.msk [tilespmem:v10+s13+$0x0], $0xffff;
	v9 =	vor.u32 v9, v28;
	_ =	sdelay $0x4  }
0x96d: {  	[tilespmem:v9+s15+$0x0] =	vst.idx.msk $0xffff, v8  }
0x96e: {  	v10 =	vor.u32 s18, v46;
	v9 =	vld [tilespmem:$0x1F030];
	_ =	sdelay $0x4  }
0x96f: {  	v8 =	vld.idx.msk [tilespmem:v10+s13+$0x0], $0xffff;
	v9 =	vor.u32 v9, v28  }
0x970: {  	v21 =	vld [tilespmem:$0x1FE70];
	_ =	sdelay $0x3  }
0x971: {  	[tilespmem:v9+s15+$0x0] =	vst.idx.msk $0xffff, v8  }
0x972: {  	v10 =	vor.u32 s18, v21;
	v9 =	vld [tilespmem:$0x1F040]  }
0x973: {  	v39 =	vld [tilespmem:$0x1FE80];
	_ =	sdelay $0x3  }
0x974: {  	v8 =	vld.idx.msk [tilespmem:v10+s13+$0x0], $0xffff;
	v9 =	vor.u32 v9, v28  }
0x975: {  	v10 =	vor.u32 s18, v39;
	_ =	sdelay $0x3  }
0x976: {  	[tilespmem:v9+s15+$0x0] =	vst.idx.msk $0xffff, v8  }
0x977: {  	v9 =	vor.u32 v17, v28;
	v8 =	vld.idx.msk [tilespmem:v10+s13+$0x0], $0xffff  }
0x978: {  	v10 =	vor.u32 s18, v29;
	_ =	sdelay $0x3  }
0x979: {  	[tilespmem:v9+s15+$0x0] =	vst.idx.msk $0xffff, v8  }
0x97a: {  	v9 =	vor.u32 v20, v28;
	v8 =	vld.idx.msk [tilespmem:v10+s13+$0x0], $0xffff  }
0x97b: {  	v10 =	vor.u32 s18, v38;
	_ =	sdelay $0x3  }
0x97c: {  	[tilespmem:v9+s15+$0x0] =	vst.idx.msk $0xffff, v8  }
0x97d: {  	v9 =	vor.u32 v14, v28;
	v8 =	vld.idx.msk [tilespmem:v10+s13+$0x0], $0xffff;
	_ =	sdelay $0x3  }
0x97e: {  	v10 =	vor.u32 s18, v26  }
0x97f: {  	[tilespmem:v9+s15+$0x0] =	vst.idx.msk $0xffff, v8  }
0x980: {  	v23 =	vld [tilespmem:$0x1FE60];
	_ =	sdelay $0x2  }
0x981: {  	v9 =	vor.u32 v36, v28;
	v8 =	vld.idx.msk [tilespmem:v10+s13+$0x0], $0xffff;
	_ =	sdelay $0x1  }
0x982: {  	v10 =	vor.u32 s18, v23;
	_ =	sdelay $0x2  }
0x983: {  	[tilespmem:v9+s15+$0x0] =	vst.idx.msk $0xffff, v8  }
0x984: {  	v25 =	vld [tilespmem:$0x1FE50]  }
0x985: {  	v9 =	vor.u32 v37, v28;
	v8 =	vld.idx.msk [tilespmem:v10+s13+$0x0], $0xffff;
	_ =	sdelay $0x4  }
0x986: {  	v10 =	vor.u32 s18, v25;
	[tilespmem:v9+s15+$0x0] =	vst.idx.msk $0xffff, v8  }
0x987: {  	v36 =	vld [tilespmem:$0x1FF40];
	_ =	sdelay $0x3  }
0x988: {  	v9 =	vor.u32 v16, v28;
	v8 =	vld.idx.msk [tilespmem:v10+s13+$0x0], $0xffff  }
0x989: {  	v10 =	vor.u32 s18, v36;
	_ =	sdelay $0x3  }
0x98a: {  	[tilespmem:v9+s15+$0x0] =	vst.idx.msk $0xffff, v8  }
0x98b: {  	v9 =	vor.u32 v13, v28;
	v8 =	vld.idx.msk [tilespmem:v10+s13+$0x0], $0xffff  }
0x98c: {  	v10 =	vld [tilespmem:$0x1F7F0];
	_ =	sdelay $0x2  }
0x98d: {  	[tilespmem:v7+s15+$0x0] =	vst.idx.msk $0xffff, v2  }
0x98e: {  	v11 =	vld [tilespmem:$0x1F6E0];
	[tilespmem:v9+s15+$0x0] =	vst.idx.msk $0xffff, v8  }
0x98f: {  	v10 =	vor.u32 s18, v10;
	v50 =	vld [tilespmem:$0x1F800];
	_ =	sdelay $0x3  }
0x990: {  	v2 =	vld.idx.msk [tilespmem:v6+s13+$0x0], $0xffff;
	v6 =	vor.u32 v11, v0  }
0x991: {  	v9 =	vor.u32 v11, v28;
	v8 =	vld.idx.msk [tilespmem:v10+s13+$0x0], $0xffff;
	v7 =	vor.u32 s17, v50;
	_ =	sdelay $0x1  }
0x992: {  	v10 =	vor.u32 s18, v50;
	_ =	sdelay $0x1  }
0x993: {  	[tilespmem:v6+s15+$0x0] =	vst.idx.msk $0xffff, v2  }
0x994: {  	[tilespmem:v9+s15+$0x0] =	vst.idx.msk $0xffff, v8;
	v2 =	vld.idx.msk [tilespmem:v7+s13+$0x0], $0xffff  }
0x995: {  	v6 =	vor.u32 v52, v0;
	v11 =	vld [tilespmem:$0x1F810]  }
0x996: {  	v9 =	vor.u32 v52, v28;
	v8 =	vld.idx.msk [tilespmem:v10+s13+$0x0], $0xffff;
	_ =	sdelay $0x3  }
0x997: {  	[tilespmem:v6+s15+$0x0] =	vst.idx.msk $0xffff, v2  }
0x998: {  	v7 =	vor.u32 s17, v11;
	[tilespmem:v9+s15+$0x0] =	vst.idx.msk $0xffff, v8  }
0x999: {  	v10 =	vor.u32 s18, v11;
	v11 =	vld [tilespmem:$0x1F820];
	_ =	sdelay $0x3  }
0x99a: {  	v6 =	vor.u32 v53, v0;
	v2 =	vld.idx.msk [tilespmem:v7+s13+$0x0], $0xffff  }
0x99b: {  	v9 =	vor.u32 v53, v28;
	v8 =	vld.idx.msk [tilespmem:v10+s13+$0x0], $0xffff;
	v7 =	vor.u32 s17, v11;
	_ =	sdelay $0x1  }
0x99c: {  	v10 =	vor.u32 s18, v11;
	_ =	sdelay $0x1  }
0x99d: {  	[tilespmem:v6+s15+$0x0] =	vst.idx.msk $0xffff, v2  }
0x99e: {  	[tilespmem:v9+s15+$0x0] =	vst.idx.msk $0xffff, v8;
	v2 =	vld.idx.msk [tilespmem:v7+s13+$0x0], $0xffff  }
0x99f: {  	v6 =	vor.u32 v54, v0;
	v11 =	vld [tilespmem:$0x1F830]  }
0x9a0: {  	v9 =	vor.u32 v54, v28;
	v8 =	vld.idx.msk [tilespmem:v10+s13+$0x0], $0xffff;
	_ =	sdelay $0x3  }
0x9a1: {  	[tilespmem:v6+s15+$0x0] =	vst.idx.msk $0xffff, v2  }
0x9a2: {  	v7 =	vor.u32 s17, v11;
	[tilespmem:v9+s15+$0x0] =	vst.idx.msk $0xffff, v8  }
0x9a3: {  	v10 =	vor.u32 s18, v11;
	v13 =	vld [tilespmem:$0x1FF30];
	_ =	sdelay $0x3  }
0x9a4: {  	v6 =	vor.u32 v55, v0;
	v2 =	vld.idx.msk [tilespmem:v7+s13+$0x0], $0xffff  }
0x9a5: {  	v9 =	vor.u32 v55, v28;
	v8 =	vld.idx.msk [tilespmem:v10+s13+$0x0], $0xffff;
	v7 =	vor.u32 s17, v13;
	_ =	sdelay $0x1  }
0x9a6: {  	v10 =	vor.u32 s18, v13;
	_ =	sdelay $0x1  }
0x9a7: {  	[tilespmem:v6+s15+$0x0] =	vst.idx.msk $0xffff, v2  }
0x9a8: {  	[tilespmem:v9+s15+$0x0] =	vst.idx.msk $0xffff, v8;
	v2 =	vld.idx.msk [tilespmem:v7+s13+$0x0], $0xffff  }
0x9a9: {  	v6 =	vor.u32 v56, v0;
	v14 =	vld [tilespmem:$0x1FEF0]  }
0x9aa: {  	v9 =	vor.u32 v56, v28;
	v8 =	vld.idx.msk [tilespmem:v10+s13+$0x0], $0xffff;
	_ =	sdelay $0x3  }
0x9ab: {  	[tilespmem:v6+s15+$0x0] =	vst.idx.msk $0xffff, v2  }
0x9ac: {  	v7 =	vor.u32 s17, v14;
	[tilespmem:v9+s15+$0x0] =	vst.idx.msk $0xffff, v8  }
0x9ad: {  	v10 =	vor.u32 s18, v14;
	v33 =	vld [tilespmem:$0x1FF00];
	_ =	sdelay $0x3  }
0x9ae: {  	v6 =	vor.u32 v57, v0;
	v2 =	vld.idx.msk [tilespmem:v7+s13+$0x0], $0xffff  }
0x9af: {  	v9 =	vor.u32 v57, v28;
	v8 =	vld.idx.msk [tilespmem:v10+s13+$0x0], $0xffff;
	v7 =	vor.u32 s17, v33;
	_ =	sdelay $0x1  }
0x9b0: {  	v10 =	vor.u32 s18, v33;
	_ =	sdelay $0x1  }
0x9b1: {  	[tilespmem:v6+s15+$0x0] =	vst.idx.msk $0xffff, v2  }
0x9b2: {  	[tilespmem:v9+s15+$0x0] =	vst.idx.msk $0xffff, v8;
	v2 =	vld.idx.msk [tilespmem:v7+s13+$0x0], $0xffff  }
0x9b3: {  	v6 =	vor.u32 v58, v0;
	v11 =	vld [tilespmem:$0x1F850]  }
0x9b4: {  	v9 =	vor.u32 v58, v28;
	v8 =	vld.idx.msk [tilespmem:v10+s13+$0x0], $0xffff;
	_ =	sdelay $0x3  }
0x9b5: {  	[tilespmem:v6+s15+$0x0] =	vst.idx.msk $0xffff, v2  }
0x9b6: {  	v7 =	vor.u32 s17, v11;
	[tilespmem:v9+s15+$0x0] =	vst.idx.msk $0xffff, v8  }
0x9b7: {  	v10 =	vor.u32 s18, v11;
	v11 =	vld [tilespmem:$0x1F860];
	_ =	sdelay $0x3  }
0x9b8: {  	v6 =	vor.u32 v59, v0;
	v2 =	vld.idx.msk [tilespmem:v7+s13+$0x0], $0xffff  }
0x9b9: {  	v9 =	vor.u32 v59, v28;
	v8 =	vld.idx.msk [tilespmem:v10+s13+$0x0], $0xffff;
	v7 =	vor.u32 s17, v11;
	_ =	sdelay $0x1  }
0x9ba: {  	v10 =	vor.u32 s18, v11;
	_ =	sdelay $0x1  }
0x9bb: {  	[tilespmem:v6+s15+$0x0] =	vst.idx.msk $0xffff, v2  }
0x9bc: {  	[tilespmem:v9+s15+$0x0] =	vst.idx.msk $0xffff, v8;
	v2 =	vld.idx.msk [tilespmem:v7+s13+$0x0], $0xffff  }
0x9bd: {  	v6 =	vor.u32 v60, v0;
	v11 =	vld [tilespmem:$0x1F870]  }
0x9be: {  	v9 =	vor.u32 v60, v28;
	v8 =	vld.idx.msk [tilespmem:v10+s13+$0x0], $0xffff;
	_ =	sdelay $0x3  }
0x9bf: {  	[tilespmem:v6+s15+$0x0] =	vst.idx.msk $0xffff, v2  }
0x9c0: {  	v7 =	vor.u32 s17, v11;
	[tilespmem:v9+s15+$0x0] =	vst.idx.msk $0xffff, v8  }
0x9c1: {  	v10 =	vor.u32 s18, v11;
	v50 =	vld [tilespmem:$0x1FF80];
	_ =	sdelay $0x3  }
0x9c2: {  	v6 =	vor.u32 v61, v0;
	v2 =	vld.idx.msk [tilespmem:v7+s13+$0x0], $0xffff  }
0x9c3: {  	v9 =	vor.u32 v61, v28;
	v8 =	vld.idx.msk [tilespmem:v10+s13+$0x0], $0xffff;
	v7 =	vor.u32 s17, v50;
	_ =	sdelay $0x1  }
0x9c4: {  	v10 =	vor.u32 s18, v50;
	_ =	sdelay $0x1  }
0x9c5: {  	[tilespmem:v6+s15+$0x0] =	vst.idx.msk $0xffff, v2  }
0x9c6: {  	[tilespmem:v9+s15+$0x0] =	vst.idx.msk $0xffff, v8;
	v2 =	vld.idx.msk [tilespmem:v7+s13+$0x0], $0xffff  }
0x9c7: {  	v6 =	vor.u32 v62, v0;
	v11 =	vld [tilespmem:$0x1F880]  }
0x9c8: {  	v9 =	vor.u32 v62, v28;
	v8 =	vld.idx.msk [tilespmem:v10+s13+$0x0], $0xffff;
	_ =	sdelay $0x3  }
0x9c9: {  	v7 =	vor.u32 s17, v11;
	[tilespmem:v6+s15+$0x0] =	vst.idx.msk $0xffff, v2  }
0x9ca: {  	v10 =	vor.u32 s18, v11;
	[tilespmem:v9+s15+$0x0] =	vst.idx.msk $0xffff, v8  }
0x9cb: {  	v11 =	vld [tilespmem:$0x1F890];
	_ =	sdelay $0x1  }
0x9cc: {  	v35 =	vld [tilespmem:$0x1EE80]  }
0x9cd: {  	v2 =	vld.idx.msk [tilespmem:v7+s13+$0x0], $0xffff  }
0x9ce: {  	v6 =	vor.u32 v63, v0;
	v8 =	vld.idx.msk [tilespmem:v10+s13+$0x0], $0xffff  }
0x9cf: {  	v9 =	vor.u32 v63, v28;
	v7 =	vor.u32 s17, v11;
	v10 =	vor.u32 s18, v11;
	v11 =	vld [tilespmem:$0x1EE70];
	_ =	sdelay $0x3  }
0x9d0: {  	[tilespmem:v6+s15+$0x0] =	vst.idx.msk $0xffff, v2  }
0x9d1: {  	[tilespmem:v9+s15+$0x0] =	vst.idx.msk $0xffff, v8;
	v11 =	vcombine.low v11, v35;
	v2 =	vld.idx.msk [tilespmem:v7+s13+$0x0], $0xffff  }
0x9d2: {  	v20 =	vld [tilespmem:$0x1FFA0]  }
0x9d3: {  	v8 =	vld.idx.msk [tilespmem:v10+s13+$0x0], $0xffff;
	v6 =	vor.u32 v11, v0  }
0x9d4: {  	v37 =	vld [tilespmem:$0x1EEB0];
	v9 =	vor.u32 v11, v28  }
0x9d5: {  	v11 =	vld [tilespmem:$0x1EEA0];
	_ =	sdelay $0x2  }
0x9d6: {  	v7 =	vor.u32 s17, v20;
	[tilespmem:v6+s15+$0x0] =	vst.idx.msk $0xffff, v2  }
0x9d7: {  	v10 =	vor.u32 s18, v20;
	[tilespmem:v9+s15+$0x0] =	vst.idx.msk $0xffff, v8  }
0x9d8: {  	v11 =	vcombine.low v11, v37;
	v38 =	vld [tilespmem:$0x1F8A0]  }
0x9d9: {  	v24 =	vmov v40;
	v40 =	vld [tilespmem:$0x1EEE0]  }
0x9da: {  	v6 =	vor.u32 v11, v0;
	v9 =	vor.u32 v11, v28;
	v11 =	vld [tilespmem:$0x1EED0]  }
0x9db: {  	v2 =	vld.idx.msk [tilespmem:v7+s13+$0x0], $0xffff  }
0x9dc: {  	v8 =	vld.idx.msk [tilespmem:v10+s13+$0x0], $0xffff;
	_ =	sdelay $0x1  }
0x9dd: {  	v7 =	vor.u32 s17, v38  }
0x9de: {  	v10 =	vor.u32 s18, v38  }
0x9df: {  	[tilespmem:v6+s15+$0x0] =	vst.idx.msk $0xffff, v2  }
0x9e0: {  	v11 =	vcombine.low v11, v40;
	[tilespmem:v9+s15+$0x0] =	vst.idx.msk $0xffff, v8  }
0x9e1: {  	v27 =	vmov v41;
	v41 =	vld [tilespmem:$0x1F8B0]  }
0x9e2: {  	v6 =	vor.u32 v11, v0;
	v2 =	vld.idx.msk [tilespmem:v7+s13+$0x0], $0xffff  }
0x9e3: {  	v9 =	vor.u32 v11, v28;
	v8 =	vld.idx.msk [tilespmem:v10+s13+$0x0], $0xffff;
	_ =	sdelay $0x2  }
0x9e4: {  	v7 =	vor.u32 s17, v41  }
0x9e5: {  	v10 =	vor.u32 s18, v41;
	[tilespmem:v6+s15+$0x0] =	vst.idx.msk $0xffff, v2  }
0x9e6: {  	[tilespmem:v9+s15+$0x0] =	vst.idx.msk $0xffff, v8  }
0x9e7: {  	v18 =	vld [tilespmem:$0x1FFB0]  }
0x9e8: {  	v42 =	vld [tilespmem:$0x1EF20]  }
0x9e9: {  	v6 =	vor.u32 v1, v0;
	v2 =	vld.idx.msk [tilespmem:v7+s13+$0x0], $0xffff  }
0x9ea: {  	v1 =	vor.u32 v1, v28;
	v8 =	vld.idx.msk [tilespmem:v10+s13+$0x0], $0xffff  }
0x9eb: {  	v10 =	vld [tilespmem:$0x1EF10];
	_ =	sdelay $0x2  }
0x9ec: {  	v7 =	vor.u32 s17, v18;
	[tilespmem:v6+s15+$0x0] =	vst.idx.msk $0xffff, v2  }
0x9ed: {  	v9 =	vor.u32 s18, v18;
	[tilespmem:v1+s15+$0x0] =	vst.idx.msk $0xffff, v8  }
0x9ee: {  	v10 =	vcombine.low v10, v42;
	v43 =	vld [tilespmem:$0x1FFC0]  }
0x9ef: {  	v46 =	vld [tilespmem:$0x1EF50]  }
0x9f0: {  	v6 =	vor.u32 v10, v0;
	v8 =	vor.u32 v10, v28;
	v10 =	vld [tilespmem:$0x1EF40]  }
0x9f1: {  	v2 =	vld.idx.msk [tilespmem:v7+s13+$0x0], $0xffff  }
0x9f2: {  	v7 =	vld.idx.msk [tilespmem:v9+s13+$0x0], $0xffff;
	_ =	sdelay $0x3  }
0x9f3: {  	v1 =	vor.u32 s17, v43;
	[tilespmem:v6+s15+$0x0] =	vst.idx.msk $0xffff, v2  }
0x9f4: {  	v9 =	vor.u32 s18, v43;
	v10 =	vcombine.low v10, v46;
	[tilespmem:v8+s15+$0x0] =	vst.idx.msk $0xffff, v7  }
0x9f5: {  	v51 =	vmov v44;
	v44 =	vmov v48;
	v48 =	vld [tilespmem:$0x1FEB0]  }
0x9f6: {  	v2 =	vor.u32 v10, v0;
	v8 =	vor.u32 v10, v28;
	v10 =	vld [tilespmem:$0x1EF70]  }
0x9f7: {  	v49 =	vld [tilespmem:$0x1EF80]  }
0x9f8: {  	v1 =	vld.idx.msk [tilespmem:v1+s13+$0x0], $0xffff  }
0x9f9: {  	v7 =	vld.idx.msk [tilespmem:v9+s13+$0x0], $0xffff;
	_ =	sdelay $0x1  }
0x9fa: {  	v6 =	vor.u32 s17, v48  }
0x9fb: {  	v9 =	vor.u32 s18, v48  }
0x9fc: {  	[tilespmem:v2+s15+$0x0] =	vst.idx.msk $0xffff, v1  }
0x9fd: {  	v10 =	vcombine.low v10, v49;
	[tilespmem:v8+s15+$0x0] =	vst.idx.msk $0xffff, v7  }
0x9fe: {  	v52 =	vld [tilespmem:$0x1F8C0]  }
0x9ff: {  	v2 =	vor.u32 v10, v0;
	v1 =	vld.idx.msk [tilespmem:v6+s13+$0x0], $0xffff  }
0xa00: {  	v8 =	vor.u32 v10, v28;
	v7 =	vld.idx.msk [tilespmem:v9+s13+$0x0], $0xffff;
	_ =	sdelay $0x2  }
0xa01: {  	v6 =	vor.u32 s17, v52  }
0xa02: {  	v9 =	vor.u32 s18, v52;
	[tilespmem:v2+s15+$0x0] =	vst.idx.msk $0xffff, v1  }
0xa03: {  	[tilespmem:v8+s15+$0x0] =	vst.idx.msk $0xffff, v7  }
0xa04: {  	v53 =	vld [tilespmem:$0x1FFD0]  }
0xa05: {  	v10 =	vld [tilespmem:$0x1EFC0]  }
0xa06: {  	v2 =	vor.u32 v3, v0;
	v1 =	vld.idx.msk [tilespmem:v6+s13+$0x0], $0xffff  }
0xa07: {  	v3 =	vor.u32 v3, v28;
	v7 =	vld.idx.msk [tilespmem:v9+s13+$0x0], $0xffff  }
0xa08: {  	v9 =	vld [tilespmem:$0x1EFB0];
	_ =	sdelay $0x2  }
0xa09: {  	v6 =	vor.u32 s17, v53;
	[tilespmem:v2+s15+$0x0] =	vst.idx.msk $0xffff, v1  }
0xa0a: {  	v8 =	vor.u32 s18, v53;
	[tilespmem:v3+s15+$0x0] =	vst.idx.msk $0xffff, v7  }
0xa0b: {  	v9 =	vcombine.low v9, v10;
	v58 =	vld [tilespmem:$0x1FFE0]  }
0xa0c: {  	v10 =	vld [tilespmem:$0x1EFF0]  }
0xa0d: {  	v2 =	vor.u32 v9, v0;
	v7 =	vor.u32 v9, v28;
	v9 =	vld [tilespmem:$0x1EFE0]  }
0xa0e: {  	v1 =	vld.idx.msk [tilespmem:v6+s13+$0x0], $0xffff  }
0xa0f: {  	v6 =	vld.idx.msk [tilespmem:v8+s13+$0x0], $0xffff;
	_ =	sdelay $0x1  }
0xa10: {  	v3 =	vor.u32 s17, v58  }
0xa11: {  	v8 =	vor.u32 s18, v58  }
0xa12: {  	[tilespmem:v2+s15+$0x0] =	vst.idx.msk $0xffff, v1  }
0xa13: {  	v9 =	vcombine.low v9, v10;
	[tilespmem:v7+s15+$0x0] =	vst.idx.msk $0xffff, v6  }
0xa14: {  	v10 =	vld [tilespmem:$0x1F8D0]  }
0xa15: {  	v2 =	vor.u32 v9, v0;
	v1 =	vld.idx.msk [tilespmem:v3+s13+$0x0], $0xffff  }
0xa16: {  	v7 =	vor.u32 v9, v28;
	v6 =	vld.idx.msk [tilespmem:v8+s13+$0x0], $0xffff;
	_ =	sdelay $0x1  }
0xa17: {  	v9 =	vld [tilespmem:$0x1F010]  }
0xa18: {  	v3 =	vor.u32 s17, v10;
	v8 =	vor.u32 s18, v10;
	v10 =	vld [tilespmem:$0x1F020]  }
0xa19: {  	[tilespmem:v2+s15+$0x0] =	vst.idx.msk $0xffff, v1  }
0xa1a: {  	[tilespmem:v7+s15+$0x0] =	vst.idx.msk $0xffff, v6  }
0xa1b: {  	v59 =	vld [tilespmem:$0x1FF60];
	_ =	sdelay $0x1  }
0xa1c: {  	v9 =	vcombine.low v9, v10;
	_ =	sdelay $0x1  }
0xa1d: {  	v1 =	vld.idx.msk [tilespmem:v3+s13+$0x0], $0xffff;
	v2 =	vor.u32 v9, v0  }
0xa1e: {  	v6 =	vld.idx.msk [tilespmem:v8+s13+$0x0], $0xffff;
	v7 =	vor.u32 v9, v28;
	v3 =	vor.u32 s17, v59;
	_ =	sdelay $0x1  }
0xa1f: {  	v8 =	vor.u32 s18, v59;
	_ =	sdelay $0x1  }
0xa20: {  	[tilespmem:v2+s15+$0x0] =	vst.idx.msk $0xffff, v1  }
0xa21: {  	[tilespmem:v7+s15+$0x0] =	vst.idx.msk $0xffff, v6;
	v1 =	vld.idx.msk [tilespmem:v3+s13+$0x0], $0xffff  }
0xa22: {  	v7 =	vld [tilespmem:$0x1F8E0]  }
0xa23: {  	v2 =	vor.u32 v4, v0;
	v6 =	vld.idx.msk [tilespmem:v8+s13+$0x0], $0xffff  }
0xa24: {  	v4 =	vor.u32 v4, v28;
	v8 =	vld [tilespmem:$0x1F050]  }
0xa25: {  	v9 =	vld [tilespmem:$0x1F060];
	_ =	sdelay $0x2  }
0xa26: {  	v3 =	vor.u32 s17, v7;
	[tilespmem:v2+s15+$0x0] =	vst.idx.msk $0xffff, v1  }
0xa27: {  	v7 =	vor.u32 s18, v7;
	[tilespmem:v4+s15+$0x0] =	vst.idx.msk $0xffff, v6  }
0xa28: {  	v8 =	vcombine.low v8, v9;
	v9 =	vld [tilespmem:$0x1F900];
	_ =	sdelay $0x1  }
0xa29: {  	v2 =	vor.u32 v8, v0;
	v6 =	vor.u32 v8, v28;
	v8 =	vld [tilespmem:$0x1F070]  }
0xa2a: {  	v1 =	vld.idx.msk [tilespmem:v3+s13+$0x0], $0xffff  }
0xa2b: {  	v4 =	vld.idx.msk [tilespmem:v7+s13+$0x0], $0xffff  }
0xa2c: {  	v3 =	vor.u32 s17, v9;
	v7 =	vor.u32 s18, v9;
	v9 =	vld [tilespmem:$0x1F080];
	_ =	sdelay $0x2  }
0xa2d: {  	[tilespmem:v2+s15+$0x0] =	vst.idx.msk $0xffff, v1  }
0xa2e: {  	[tilespmem:v6+s15+$0x0] =	vst.idx.msk $0xffff, v4  }
0xa2f: {  	v8 =	vcombine.low v8, v9;
	v9 =	vld [tilespmem:$0x1F920];
	_ =	sdelay $0x1  }
0xa30: {  	v1 =	vld.idx.msk [tilespmem:v3+s13+$0x0], $0xffff  }
0xa31: {  	v4 =	vld.idx.msk [tilespmem:v7+s13+$0x0], $0xffff  }
0xa32: {  	v2 =	vor.u32 v8, v0;
	v6 =	vor.u32 v8, v28;
	v8 =	vld [tilespmem:$0x1F090]  }
0xa33: {  	v3 =	vor.u32 s17, v9;
	v7 =	vor.u32 s18, v9;
	v9 =	vld [tilespmem:$0x1F0A0];
	_ =	sdelay $0x3  }
0xa34: {  	[tilespmem:v2+s15+$0x0] =	vst.idx.msk $0xffff, v1  }
0xa35: {  	[tilespmem:v6+s15+$0x0] =	vst.idx.msk $0xffff, v4;
	v8 =	vcombine.low v8, v9  }
0xa36: {  	v9 =	vld [tilespmem:$0x1F930]  }
0xa37: {  	v1 =	vld.idx.msk [tilespmem:v3+s13+$0x0], $0xffff;
	v2 =	vor.u32 v8, v0  }
0xa38: {  	v4 =	vld.idx.msk [tilespmem:v7+s13+$0x0], $0xffff;
	v6 =	vor.u32 v8, v28;
	_ =	sdelay $0x2  }
0xa39: {  	v3 =	vor.u32 s17, v9  }
0xa3a: {  	v7 =	vor.u32 s18, v9;
	[tilespmem:v2+s15+$0x0] =	vst.idx.msk $0xffff, v1  }
0xa3b: {  	[tilespmem:v6+s15+$0x0] =	vst.idx.msk $0xffff, v4  }
0xa3c: {  	v6 =	vld [tilespmem:$0x1F950]  }
0xa3d: {  	v8 =	vld [tilespmem:$0x1F0C0]  }
0xa3e: {  	v2 =	vor.u32 v5, v0;
	v1 =	vld.idx.msk [tilespmem:v3+s13+$0x0], $0xffff  }
0xa3f: {  	v5 =	vor.u32 v5, v28;
	v4 =	vld.idx.msk [tilespmem:v7+s13+$0x0], $0xffff  }
0xa40: {  	v7 =	vld [tilespmem:$0x1F0B0];
	_ =	sdelay $0x2  }
0xa41: {  	v3 =	vor.u32 s17, v6;
	[tilespmem:v2+s15+$0x0] =	vst.idx.msk $0xffff, v1  }
0xa42: {  	v6 =	vor.u32 s18, v6;
	[tilespmem:v5+s15+$0x0] =	vst.idx.msk $0xffff, v4  }
0xa43: {  	v7 =	vcombine.low v7, v8;
	v8 =	vld [tilespmem:$0x1F970];
	_ =	sdelay $0x1  }
0xa44: {  	v2 =	vor.u32 v7, v0;
	v5 =	vor.u32 v7, v28;
	v7 =	vld [tilespmem:$0x1F0D0]  }
0xa45: {  	v1 =	vld.idx.msk [tilespmem:v3+s13+$0x0], $0xffff  }
0xa46: {  	v4 =	vld.idx.msk [tilespmem:v6+s13+$0x0], $0xffff  }
0xa47: {  	v3 =	vor.u32 s17, v8;
	v6 =	vor.u32 s18, v8;
	v8 =	vld [tilespmem:$0x1F0E0];
	_ =	sdelay $0x2  }
0xa48: {  	[tilespmem:v2+s15+$0x0] =	vst.idx.msk $0xffff, v1  }
0xa49: {  	[tilespmem:v5+s15+$0x0] =	vst.idx.msk $0xffff, v4  }
0xa4a: {  	v7 =	vcombine.low v7, v8;
	v8 =	vld [tilespmem:$0x1F990];
	_ =	sdelay $0x1  }
0xa4b: {  	v1 =	vld.idx.msk [tilespmem:v3+s13+$0x0], $0xffff  }
0xa4c: {  	v4 =	vld.idx.msk [tilespmem:v6+s13+$0x0], $0xffff  }
0xa4d: {  	v2 =	vor.u32 v7, v0;
	v5 =	vor.u32 v7, v28;
	v7 =	vld [tilespmem:$0x1F0F0]  }
0xa4e: {  	v3 =	vor.u32 s17, v8;
	v6 =	vor.u32 s18, v8;
	v8 =	vld [tilespmem:$0x1F100];
	_ =	sdelay $0x4  }
0xa4f: {  	v7 =	vcombine.low v7, v8  }
0xa50: {  	[tilespmem:v2+s15+$0x0] =	vst.idx.msk $0xffff, v1  }
0xa51: {  	[tilespmem:v5+s15+$0x0] =	vst.idx.msk $0xffff, v4;
	v1 =	vld.idx.msk [tilespmem:v3+s13+$0x0], $0xffff;
	v0 =	vor.u32 v7, v0  }
0xa52: {  	v3 =	vld.idx.msk [tilespmem:v6+s13+$0x0], $0xffff;
	v2 =	vor.u32 v7, v28;
	_ =	sdelay $0x3  }
0xa53: {  	[tilespmem:v0+s15+$0x0] =	vst.idx.msk $0xffff, v1  }
0xa54: {  	[tilespmem:v2+s15+$0x0] =	vst.idx.msk $0xffff, v3  }
0xa55: {  	[hbm4b:s8+s5] =	stream.linear.scatter [tilespmem:s15], [sflag:$0x5], $0x2000, $0x38;
	[tilespmem:$0xE000] =	vst v63  }
0xa56: {  	_ =	swait.ge [sflag:s14], $0x2000  }
0xa57: {  	v54 =	vld [tilespmem:$0x1F910]  }
0xa58: {  	v41 =	vld [tilespmem:$0x1FCC0]  }
0xa59: {  	v52 =	vmov v27;
	v27 =	vld [tilespmem:$0x1FCD0]  }
0xa5a: {  	v46 =	vld [tilespmem:$0x1FCE0]  }
0xa5b: {  	v40 =	vld [tilespmem:$0x1FCF0]  }
0xa5c: {  	v48 =	vld [tilespmem:$0x1FD00]  }
0xa5d: {  	v35 =	vld [tilespmem:$0x1FD10]  }
0xa5e: {  	v6 =	vmov v21;
	v21 =	vld [tilespmem:$0x1FD20]  }
0xa5f: {  	v9 =	vld [tilespmem:$0x1FD30]  }
0xa60: {  	v38 =	vld [tilespmem:$0x1FD40]  }
0xa61: {  	v8 =	vmov v47;
	v47 =	vld [tilespmem:$0x1FD50]  }
0xa62: {  	v43 =	vld [tilespmem:$0x1FD60]  }
0xa63: {  	v26 =	vld [tilespmem:$0x1FD70]  }
0xa64: {  	v42 =	vld [tilespmem:$0x1FD80]  }
0xa65: {  	v18 =	vld [tilespmem:$0x1FD90]  }
0xa66: {  	v55 =	vld [tilespmem:$0x1FDA0]  }
0xa67: {  	v2 =	vld [tilespmem:$0x1FE40]  }
0xa68: {  	v58 =	vld [tilespmem:$0x1FDD0]  }
0xa69: {  	v57 =	vld [tilespmem:$0x1FEC0]  }
0xa6a: {  	v59 =	vld [tilespmem:$0x1FED0]  }
.Ltmp9:
0xa6b: {  	v60 =	vld [tilespmem:$0x1FEE0];
	(pc) =	sbr.rel .LBB2_11-.Ltmp9, $4  }
0xa6c: {  	v28 =	vmov v32;
	v32 =	vld [tilespmem:$0x1FEA0]  }
0xa6d: {  	v62 =	vld [tilespmem:$0x1FF10]  }
0xa6e: {  	v56 =	vlaneseq.u32;
	v33 =	vmovc v19;
	v19 =	vmovc v31;
	v4 =	vmov v23;
	v23 =	vmov v34;
	[sflag:s14] =	ssyncset.done $0x0;
	v34 =	vld [tilespmem:$0x1FE90]  }
0xa6f: {  	v31 =	vmovc v15;
	v11 =	vmovc v12;
	v53 =	vmov v44;
	v5 =	vmov v25;
	v7 =	vmov v39;
	v44 =	vld [tilespmem:$0x1FE30];
	[sflag:s14] =	ssyncadd.s32 $0xFFFFE000  }
.LBB2_12:
0xa70: {  	_ =	sfence.sel $0x180000  }
0xa71: {  	[bflag:$0x0] =	sbarrier.arrive $0xFFFF  }
0xa72: {  	p0 =	sne.s32 s4, $0x0;
	_ =	strace $0x90000047  }
0xa73: {  	s0 =	sadd.s32 @!p0 $0x100000, s2;
	[bflag:$0x2] =	sbarrier.arrive $0xFFFF  }
0xa74: {  	[sflag:s0] =	ssyncadd.tile.s32 @!p0 $0x1;
	_ =	shalt  }
.Lfunc_end2:
_tile_overlayer_lowered:
.L_overlay_start_2:
0xa75: {  	(tag) =	ssettag $0x2  }
0xa76: {  	s0 =	rddreg [dreg:$0x0];
	s2 =	stileid.u32  }
0xa77: {  	s1 =	rddreg [dreg:$0x1];
	p0 =	sne.s32 s2, $0x0  }
0xa78: {  	s3 =	rddreg [dreg:$0x2];
	[bflag:$0x3] =	sbarrier.arrive $0xFFFF;
	s2 =	simm.s32 @!p0 $0x1C05  }
0xa79: {  	[timem:s3], [sflag:s2] =	dma.local @!p0 [hbm:s0], s1  }
0xa7a: {  	s0 =	simm.s32 @!p0 $0x5  }
0xa7b: {  	_ =	swait.ge @!p0 [sflag:s0], s1  }
0xa7c: {  	s1 =	ssub.s32 @!p0 $0x0, s1;
	[sflag:s0] =	ssyncset.done @!p0 $0x0  }
0xa7d: {  	[sflag:s0] =	ssyncadd.s32 @!p0 s1  }
0xa7e: {  	[bflag:$0x3] =	sbarrier.arrive $0xFFFF  }
0xa7f: {  	_ =	shalt  }

</sc_bundles>
